<compile_context>
chip_gen: v7x
topology: tpu7x:2x2x1
jax: 0.10.2.dev20260603
libtpu: 0.0.44.dev20260713+nightly
codegen_flags: <defaults>
</compile_context>

<pallas_src>
import dataclasses
import functools

import jax
import jax.numpy as jnp
from jax import lax
from jax.experimental import pallas as pl
from jax.experimental.pallas import tpu as pltpu
from jax.experimental.pallas import tpu_sc as plsc

_N = 10000
_E = 320000
_D = 128
_H = 64
_G = 200
_C = 6

_CHUNK = 128
_NCORE = 2
_NSUB = 16
_GP = 256
_FLAT = _GP * _H
_PROWS = 400

_mesh = plsc.VectorSubcoreMesh(core_axis_name="c", subcore_axis_name="s")
_SC_PARAMS = pltpu.CompilerParams(use_tc_tiling_on_sc=False)
_SC_PARAMS_NOLAYOUT = (
    dataclasses.replace(_SC_PARAMS, needs_layout_passes=False)
    if "needs_layout_passes" in pltpu.CompilerParams.__dataclass_fields__
    else _SC_PARAMS)


_NK = 80
_EPAD = _NK * _CHUNK * _NCORE * _NSUB
_NACC = 10080


@functools.partial(
    pl.kernel,
    out_type=jax.ShapeDtypeStruct((_NCORE, _N, _H), jnp.float32),
    mesh=_mesh,
    scratch_types=[
        pltpu.VMEM((2 * _NK, _CHUNK), jnp.int32),
    ] + [pltpu.VMEM((_CHUNK, _H), jnp.float32)] * 3 + [
        pltpu.VMEM_SHARED((_N, _H), jnp.float32),
        pltpu.VMEM_SHARED((_NACC, _H), jnp.float32),
    ] + [pltpu.SemaphoreType.DMA] * 6,
    compiler_params=_SC_PARAMS,
)
def _agg_kernel(y_hbm, ei_hbm, out_hbm, idx_v, *rest):
    bufs = rest[:3]
    ytab_sp, acc_sp = rest[3:5]
    gsem = rest[5:8]
    ssem = rest[8:11]
    c = lax.axis_index("c")
    s = lax.axis_index("s")
    t = s * _NCORE + c
    zero16 = jnp.zeros((16,), jnp.float32)

    @pl.loop(0, _CHUNK)
    def _(r):
        for j in range(_H // 16):
            bufs[0][r, pl.ds(16 * j, 16)] = zero16

    pltpu.sync_copy(ei_hbm.at[0, t], idx_v.at[pl.ds(0, _NK)])
    pltpu.sync_copy(ei_hbm.at[1, t], idx_v.at[pl.ds(_NK, _NK)])

    @pl.when(s < _NSUB - 1)
    def _():
        for i in range(5):
            pltpu.sync_copy(bufs[0],
                            acc_sp.at[pl.ds(640 * s + 128 * i, 128)])
        pltpu.sync_copy(y_hbm.at[pl.ds(640 * s, 640)],
                        ytab_sp.at[pl.ds(640 * s, 640)])

    @pl.when(s == _NSUB - 1)
    def _():
        for i in range(3):
            pltpu.sync_copy(bufs[0],
                            acc_sp.at[pl.ds(9600 + 128 * i, 128)])
        pltpu.sync_copy(bufs[0].at[pl.ds(0, 96)],
                        acc_sp.at[pl.ds(9984, 96)])
        pltpu.sync_copy(y_hbm.at[pl.ds(9600, 400)],
                        ytab_sp.at[pl.ds(9600, 400)])

    plsc.subcore_barrier()

    for m in range(2):
        pltpu.async_copy(ytab_sp.at[idx_v.at[m]], bufs[m], gsem[m])

    def _tri(q, carry):
        for slot in range(3):
            k = 3 * q + slot
            m = slot
            m2 = (slot + 2) % 3
            pltpu.make_async_copy(
                ytab_sp.at[idx_v.at[k]], bufs[m], gsem[m]).wait()
            pltpu.async_copy(bufs[m], acc_sp.at[idx_v.at[_NK + k]], ssem[m],
                             add=True)

            @pl.when(k >= 1)
            def _():
                pltpu.make_async_copy(
                    bufs[m2], acc_sp.at[idx_v.at[_NK]], ssem[m2]).wait()

            @pl.when(k + 2 < _NK)
            def _():
                pltpu.async_copy(
                    ytab_sp.at[idx_v.at[k + 2]], bufs[m2], gsem[m2])

        return carry

    lax.fori_loop(0, _NK // 3, _tri, 0)
    for k in (78, 79):
        m = k % 3
        m2 = (k + 2) % 3
        pltpu.make_async_copy(
            ytab_sp.at[idx_v.at[k]], bufs[m], gsem[m]).wait()
        pltpu.async_copy(bufs[m], acc_sp.at[idx_v.at[_NK + k]], ssem[m],
                         add=True)
        pltpu.make_async_copy(
            bufs[m2], acc_sp.at[idx_v.at[_NK]], ssem[m2]).wait()
    pltpu.make_async_copy(bufs[1], acc_sp.at[idx_v.at[_NK]],
                          ssem[1]).wait()
    plsc.subcore_barrier()

    @pl.when(s < _NSUB - 1)
    def _():
        pltpu.sync_copy(acc_sp.at[pl.ds(640 * s, 640)],
                        out_hbm.at[c, pl.ds(640 * s, 640)])

    @pl.when(s == _NSUB - 1)
    def _():
        pltpu.sync_copy(acc_sp.at[pl.ds(9600, 400)],
                        out_hbm.at[c, pl.ds(9600, 400)])


@functools.partial(
    pl.kernel,
    out_type=(
        jax.ShapeDtypeStruct((_NCORE * _NSUB, _FLAT), jnp.float32),
        jax.ShapeDtypeStruct((_NCORE * _NSUB, _FLAT), jnp.float32),
        jax.ShapeDtypeStruct((_NCORE * _NSUB, _FLAT), jnp.float32),
    ),
    mesh=_mesh,
    scratch_types=[
        pltpu.VMEM((_PROWS, _H), jnp.float32),
        pltpu.VMEM((_PROWS,), jnp.int32),
        pltpu.VMEM((_FLAT,), jnp.float32),
        pltpu.VMEM((_FLAT,), jnp.float32),
        pltpu.VMEM((_FLAT,), jnp.float32),
    ],
    compiler_params=_SC_PARAMS_NOLAYOUT,
)
def _pool_kernel(h_hbm, b_hbm, osum, omax, ocnt,
                 rows_v, bid_v, sum_v, max_v, cnt_v):
    c = lax.axis_index("c")
    s = lax.axis_index("s")
    wid = s * _NCORE + c
    zero16 = jnp.zeros((16,), jnp.float32)
    ninf16 = jnp.full((16,), -3.0e38, jnp.float32)

    @pl.loop(0, _FLAT // 16)
    def _(i):
        sum_v[pl.ds(16 * i, 16)] = zero16
        max_v[pl.ds(16 * i, 16)] = ninf16
        cnt_v[pl.ds(16 * i, 16)] = zero16

    @pl.when(wid < _N // _PROWS)
    def _():
        base = _PROWS * wid
        pltpu.sync_copy(h_hbm.at[pl.ds(base, _PROWS)], rows_v)
        pltpu.sync_copy(b_hbm.at[pl.ds(base, _PROWS)], bid_v)
        lane = lax.iota(jnp.int32, 16)
        ones16 = jnp.ones((16,), jnp.float32)

        def _rbody(r, carry):
            b = plsc.load_gather(bid_v, [jnp.full((16,), r, jnp.int32)])
            b64 = b * _H
            for j in range(_H // 16):
                idx = b64 + (16 * j) + lane
                chunk = rows_v[r, pl.ds(16 * j, 16)]
                plsc.addupdate_scatter(sum_v, [idx], chunk)
                plsc.addupdate_scatter(cnt_v, [idx], ones16)
                old = plsc.load_gather(max_v, [idx])
                plsc.store_scatter(max_v, [idx], jnp.maximum(old, chunk))
            return carry

        lax.fori_loop(0, _PROWS, _rbody, 0)

    pltpu.sync_copy(sum_v, osum.at[wid])
    pltpu.sync_copy(max_v, omax.at[wid])
    pltpu.sync_copy(cnt_v, ocnt.at[wid])


_PREC = lax.Precision.DEFAULT


def _proj_body(x_ref, w_ref, o_ref):
    o_ref[...] = jnp.dot(x_ref[...], w_ref[...],
                         preferred_element_type=jnp.float32, precision=_PREC)


def _mlp_body(has_proj, y_ref, p0_ref, p1_ref, eps_ref, ba_ref, wb_ref,
              bb_ref, g_ref, be_ref, rm_ref, rv_ref, *rest):
    if has_proj:
        wn_ref, o_ref = rest
    else:
        (o_ref,) = rest
    z = ((1.0 + eps_ref[0, 0]) * y_ref[...] + p0_ref[...] + p1_ref[...]
         + ba_ref[...])
    a = jnp.maximum(z, 0.0)
    u = jnp.dot(a, wb_ref[...], preferred_element_type=jnp.float32,
                precision=_PREC) + bb_ref[...]
    v = jnp.maximum(u, 0.0)
    hh = ((v - rm_ref[...]) / jnp.sqrt(rv_ref[...] + 1e-5) * g_ref[...]
          + be_ref[...])
    if has_proj:
        o_ref[...] = jnp.dot(hh, wn_ref[...],
                             preferred_element_type=jnp.float32,
                             precision=_PREC)
    else:
        o_ref[...] = hh


def _final_body(s_ref, m_ref, c_ref, wf_ref, bf_ref, o_ref):
    ssum = s_ref[0]
    mmax = m_ref[0]
    csum = c_ref[0]
    for i in range(1, _NCORE * _NSUB):
        ssum = ssum + s_ref[i]
        mmax = jnp.maximum(mmax, m_ref[i])
        csum = csum + c_ref[i]
    ssum = ssum[:_G]
    mmax = mmax[:_G]
    csum = csum[:_G]
    mean = ssum / jnp.maximum(csum, 1.0)
    mx = jnp.where(csum > 0.0, mmax, 0.0)
    pooled = jnp.concatenate([mean, mx], axis=1)
    logits = jnp.dot(pooled, wf_ref[...], preferred_element_type=jnp.float32,
                     precision=_PREC) + bf_ref[...]
    lmax = jnp.max(logits, axis=1, keepdims=True)
    shifted = logits - lmax
    lse = jnp.log(jnp.sum(jnp.exp(shifted), axis=1, keepdims=True))
    o_ref[...] = shifted - lse


def _proj(x, w):
    return pl.pallas_call(
        _proj_body,
        out_shape=jax.ShapeDtypeStruct((_N, _H), jnp.float32),
    )(x, w)


def _mlp(y, p0, p1, eps, ba, wb, bb, g, be, rm, rv, wn):
    args = [y, p0, p1, eps.reshape(1, 1), ba.reshape(1, _H), wb,
            bb.reshape(1, _H), g.reshape(1, _H), be.reshape(1, _H),
            rm.reshape(1, _H), rv.reshape(1, _H)]
    if wn is not None:
        args.append(wn)
    return pl.pallas_call(
        functools.partial(_mlp_body, wn is not None),
        out_shape=jax.ShapeDtypeStruct((_N, _H), jnp.float32),
    )(*args)


def _final(su, mx, ct, wf, bf):
    return pl.pallas_call(
        _final_body,
        out_shape=jax.ShapeDtypeStruct((_G, _C), jnp.float32),
    )(su, mx, ct, wf, bf.reshape(1, _C))


def kernel(x, edge_index, batch,
           W1a, b1a, W1b, b1b,
           W2a, b2a, W2b, b2b,
           W3a, b3a, W3b, b3b,
           eps1, eps2, eps3, eps4,
           g1, be1, g2, be2, g3, be3, g4, be4,
           rm1, rv1, rm2, rv2, rm3, rv3, rm4, rv4,
           Wf, bf):
    pad = jnp.concatenate(
        [jnp.zeros((1, _EPAD - _E), jnp.int32),
         jnp.full((1, _EPAD - _E), _N, jnp.int32)], axis=0)
    ei2 = jnp.concatenate([edge_index, pad], axis=1).reshape(
        2, _NCORE * _NSUB, _NK, _CHUNK)

    y1 = _proj(x, W1a)
    p = _agg_kernel(y1, ei2)
    y2 = _mlp(y1, p[0], p[1], eps1, b1a, W1b, b1b, g1, be1, rm1, rv1, W2a)
    p = _agg_kernel(y2, ei2)
    y3 = _mlp(y2, p[0], p[1], eps2, b2a, W2b, b2b, g2, be2, rm2, rv2, W3a)
    p = _agg_kernel(y3, ei2)
    y4 = _mlp(y3, p[0], p[1], eps3, b3a, W3b, b3b, g3, be3, rm3, rv3, W3a)
    p = _agg_kernel(y4, ei2)
    h4 = _mlp(y4, p[0], p[1], eps4, b3a, W3b, b3b, g4, be4, rm4, rv4, None)

    su, mx, ct = _pool_kernel(h4, batch)
    su = su.reshape(_NCORE * _NSUB, _GP, _H)
    mx = mx.reshape(_NCORE * _NSUB, _GP, _H)
    ct = ct.reshape(_NCORE * _NSUB, _GP, _H)
    return _final(su, mx, ct, Wf, bf)

# --- scband reference (transcript-rebuilt; emitter-appended) ---
"""Pipeline reference for scband-gin-net-64991445123381 (READ-ONLY COPY).

The authoritative reference and input builder live on the scoring server;
editing this copy changes nothing except your own understanding.
"""

import jax, jax.numpy as jnp
import numpy as np

N = 10000
E = 320000
D = 128
H = 64
G = 200
C = 6

def setup_inputs(seed: int = 0) -> dict:
    key = jax.random.key(seed)
    ks = jax.random.split(key, 40)
    inp = {}
    inp['x'] = jax.random.normal(ks[0], (N, D), dtype=jnp.float32)
    inp['edge_index'] = jax.random.randint(ks[1], (2, E), 0, N, dtype=jnp.int32)
    inp['batch'] = jnp.sort(jax.random.randint(ks[2], (N,), 0, G, dtype=jnp.int32))
    # GIN layer 1 MLP: Linear(D,H), ReLU, Linear(H,H)
    inp['W1a'] = jax.random.normal(ks[3], (D, H), dtype=jnp.float32) * 0.05
    inp['b1a'] = jax.random.normal(ks[4], (H,), dtype=jnp.float32) * 0.05
    inp['W1b'] = jax.random.normal(ks[5], (H, H), dtype=jnp.float32) * 0.05
    inp['b1b'] = jax.random.normal(ks[6], (H,), dtype=jnp.float32) * 0.05
    # GIN layer 2 MLP
    inp['W2a'] = jax.random.normal(ks[7], (H, H), dtype=jnp.float32) * 0.05
    inp['b2a'] = jax.random.normal(ks[8], (H,), dtype=jnp.float32) * 0.05
    inp['W2b'] = jax.random.normal(ks[9], (H, H), dtype=jnp.float32) * 0.05
    inp['b2b'] = jax.random.normal(ks[10], (H,), dtype=jnp.float32) * 0.05
    # GIN layer 3 MLP (NOTE: shared by conv3 AND conv4, as in the original code which passes nn3 to both)
    inp['W3a'] = jax.random.normal(ks[11], (H, H), dtype=jnp.float32) * 0.05
    inp['b3a'] = jax.random.normal(ks[12], (H,), dtype=jnp.float32) * 0.05
    inp['W3b'] = jax.random.normal(ks[13], (H, H), dtype=jnp.float32) * 0.05
    inp['b3b'] = jax.random.normal(ks[14], (H,), dtype=jnp.float32) * 0.05
    # learnable eps per conv (train_eps=True, init 0)
    inp['eps1'] = jnp.zeros((), dtype=jnp.float32)
    inp['eps2'] = jnp.zeros((), dtype=jnp.float32)
    inp['eps3'] = jnp.zeros((), dtype=jnp.float32)
    inp['eps4'] = jnp.zeros((), dtype=jnp.float32)
    # BatchNorm affine params + running stats (eval mode)
    for i, (kg, kb, km, kv) in enumerate([(15, 16, 17, 18), (19, 20, 21, 22), (23, 24, 25, 26), (27, 28, 29, 30)], start=1):
        inp[f'g{i}'] = 1.0 + jax.random.normal(ks[kg], (H,), dtype=jnp.float32) * 0.05
        inp[f'be{i}'] = jax.random.normal(ks[kb], (H,), dtype=jnp.float32) * 0.05
        inp[f'rm{i}'] = jax.random.normal(ks[km], (H,), dtype=jnp.float32) * 0.1
        inp[f'rv{i}'] = jax.random.uniform(ks[kv], (H,), dtype=jnp.float32, minval=0.5, maxval=1.5)
    inp['Wf'] = jax.random.normal(ks[31], (2 * H, C), dtype=jnp.float32) * 0.05
    inp['bf'] = jax.random.normal(ks[32], (C,), dtype=jnp.float32) * 0.05
    return inp


def _gin_layer(x, edge_index, eps, Wa, ba, Wb, bb):
    src = edge_index[0]
    dst = edge_index[1]
    agg = jnp.zeros(x.shape, x.dtype).at[dst].add(x[src])
    h = (1.0 + eps) * x + agg
    h = jnp.maximum(jnp.dot(h, Wa) + ba, 0.0)
    return jnp.dot(h, Wb) + bb


def _bn_eval(x, g, b, rm, rv):
    return (x - rm) / jnp.sqrt(rv + 1e-5) * g + b


def reference(x, edge_index, batch,
              W1a, b1a, W1b, b1b,
              W2a, b2a, W2b, b2b,
              W3a, b3a, W3b, b3b,
              eps1, eps2, eps3, eps4,
              g1, be1, g2, be2, g3, be3, g4, be4,
              rm1, rv1, rm2, rv2, rm3, rv3, rm4, rv4,
              Wf, bf):
    # eval mode: dropout is identity, BN uses running stats
    h = jnp.maximum(_gin_layer(x, edge_index, eps1, W1a, b1a, W1b, b1b), 0.0)
    h = _bn_eval(h, g1, be1, rm1, rv1)
    h = jnp.maximum(_gin_layer(h, edge_index, eps2, W2a, b2a, W2b, b2b), 0.0)
    h = _bn_eval(h, g2, be2, rm2, rv2)
    h = jnp.maximum(_gin_layer(h, edge_index, eps3, W3a, b3a, W3b, b3b), 0.0)
    h = _bn_eval(h, g3, be3, rm3, rv3)
    # conv4 shares the nn3 MLP weights but has its own eps (faithful to original bug/feature)
    h = jnp.maximum(_gin_layer(h, edge_index, eps4, W3a, b3a, W3b, b3b), 0.0)
    h = _bn_eval(h, g4, be4, rm4, rv4)
    # global mean + max pool per graph
    counts = jnp.zeros((G,), dtype=jnp.float32).at[batch].add(1.0)
    ssum = jnp.zeros((G, H), dtype=jnp.float32).at[batch].add(h)
    mean_pool = ssum / jnp.maximum(counts, 1.0)[:, None]
    max_pool = jax.ops.segment_max(h, batch, num_segments=G)
    max_pool = jnp.where(counts[:, None] > 0, max_pool, 0.0)
    pooled = jnp.concatenate([mean_pool, max_pool], axis=1)
    logits = jnp.dot(pooled, Wf) + bf
    return jax.nn.log_softmax(logits, axis=1)

if __name__ == "__main__":
    import jax
    _d = setup_inputs()
    print(jax.jit(kernel)(*tuple(_d.values())))

</pallas_src>

<mosaic_0001>
#map = affine_map<(d0, d1) -> (0, 0)>
#map1 = affine_map<(d0, d1) -> (0, 0, 0, 0)>
#map2 = affine_map<(d0, d1) -> (0, 0, 0)>
module attributes {stable_mosaic.version = 14 : i64} {
  func.func @_agg_kernel(%arg0: i32, %arg1: i32, %arg2: memref<10000x64xf32, #tpu.memory_space<hbm>>, %arg3: memref<2x32x80x128xi32, #tpu.memory_space<hbm>>, %arg4: memref<2x10000x64xf32, #tpu.memory_space<hbm>>, %arg5: memref<160x128xi32, #tpu.memory_space<vmem>>, %arg6: memref<128x64xf32, #tpu.memory_space<vmem>>, %arg7: memref<128x64xf32, #tpu.memory_space<vmem>>, %arg8: memref<128x64xf32, #tpu.memory_space<vmem>>, %arg9: memref<10000x64xf32, #tpu.memory_space<vmem_shared>>, %arg10: memref<10080x64xf32, #tpu.memory_space<vmem_shared>>, %arg11: memref<!tpu.dma_semaphore, #tpu.memory_space<semaphore_mem>>, %arg12: memref<!tpu.dma_semaphore, #tpu.memory_space<semaphore_mem>>, %arg13: memref<!tpu.dma_semaphore, #tpu.memory_space<semaphore_mem>>, %arg14: memref<!tpu.dma_semaphore, #tpu.memory_space<semaphore_mem>>, %arg15: memref<!tpu.dma_semaphore, #tpu.memory_space<semaphore_mem>>, %arg16: memref<!tpu.dma_semaphore, #tpu.memory_space<semaphore_mem>>) attributes {dimension_semantics = [#tpu.dimension_semantics<core_parallel>, #tpu.dimension_semantics<subcore_parallel>], iteration_bounds = array<i64: 2, 16>, scalar_prefetch = 0 : i64, scratch_operands = 12 : i64, tpu.core_type = #tpu.core_type<sc_vector_subcore>, window_params = [{transform_indices = #map}, {transform_indices = #map1}, {transform_indices = #map2}]} {
    %mul3A = arith.constant 2 : i32
    %mul3A_0 = arith.muli %arg1, %mul3A : i32
    %add3A = arith.addi %mul3A_0, %arg0 : i32
    %broadcast_in_dim3A = arith.constant 0.000000e+00 : f32
    %broadcast_in_dim3A_1 = vector.broadcast %broadcast_in_dim3A : f32 to vector<16xf32>
    %scan3A = arith.constant 0 : i32
    %scan3A_2 = arith.constant 128 : i32
    %scan3A_3 = arith.addi %scan3A, %scan3A_2 : i32
    %scan3A_4 = arith.constant 1 : i32
    scf.for %scan3A_91 = %scan3A to %scan3A_3 step %scan3A_4  : i32 {
      %mul3A_92 = arith.constant 1 : i32
      %mul3A_93 = arith.muli %scan3A_91, %mul3A_92 : i32
      %add3A_94 = arith.constant 0 : i32
      %add3A_95 = arith.addi %add3A_94, %mul3A_93 : i32
      %swap3A = arith.index_cast %add3A_95 : i32 to index
      %swap3A_96 = arith.constant 0 : index
      %swap3A_97 = tpu.vector_load %arg6[%swap3A, %swap3A_96] {strides = array<i32>} : memref<128x64xf32, #tpu.memory_space<vmem>>, vector<1x16xf32>,
      %swap3A_98 = vector.shape_cast %swap3A_97 : vector<1x16xf32> to vector<16xf32>
      %swap3A_99 = vector.shape_cast %broadcast_in_dim3A_1 : vector<16xf32> to vector<1x16xf32>
      tpu.vector_store %arg6[%swap3A, %swap3A_96], %swap3A_99 {strides = array<i32>} : memref<128x64xf32, #tpu.memory_space<vmem>>, vector<1x16xf32>,
      %swap3A_100 = arith.index_cast %add3A_95 : i32 to index
      %swap3A_101 = arith.constant 16 : index
      %swap3A_102 = tpu.vector_load %arg6[%swap3A_100, %swap3A_101] {strides = array<i32>} : memref<128x64xf32, #tpu.memory_space<vmem>>, vector<1x16xf32>,
      %swap3A_103 = vector.shape_cast %swap3A_102 : vector<1x16xf32> to vector<16xf32>
      %swap3A_104 = vector.shape_cast %broadcast_in_dim3A_1 : vector<16xf32> to vector<1x16xf32>
      tpu.vector_store %arg6[%swap3A_100, %swap3A_101], %swap3A_104 {strides = array<i32>} : memref<128x64xf32, #tpu.memory_space<vmem>>, vector<1x16xf32>,
      %swap3A_105 = arith.index_cast %add3A_95 : i32 to index
      %swap3A_106 = arith.constant 32 : index
      %swap3A_107 = tpu.vector_load %arg6[%swap3A_105, %swap3A_106] {strides = array<i32>} : memref<128x64xf32, #tpu.memory_space<vmem>>, vector<1x16xf32>,
      %swap3A_108 = vector.shape_cast %swap3A_107 : vector<1x16xf32> to vector<16xf32>
      %swap3A_109 = vector.shape_cast %broadcast_in_dim3A_1 : vector<16xf32> to vector<1x16xf32>
      tpu.vector_store %arg6[%swap3A_105, %swap3A_106], %swap3A_109 {strides = array<i32>} : memref<128x64xf32, #tpu.memory_space<vmem>>, vector<1x16xf32>,
      %swap3A_110 = arith.index_cast %add3A_95 : i32 to index
      %swap3A_111 = arith.constant 48 : index
      %swap3A_112 = tpu.vector_load %arg6[%swap3A_110, %swap3A_111] {strides = array<i32>} : memref<128x64xf32, #tpu.memory_space<vmem>>, vector<1x16xf32>,
      %swap3A_113 = vector.shape_cast %swap3A_112 : vector<1x16xf32> to vector<16xf32>
      %swap3A_114 = vector.shape_cast %broadcast_in_dim3A_1 : vector<16xf32> to vector<1x16xf32>
      tpu.vector_store %arg6[%swap3A_110, %swap3A_111], %swap3A_114 {strides = array<i32>} : memref<128x64xf32, #tpu.memory_space<vmem>>, vector<1x16xf32>,
    }
    %scan3A_5 = arith.constant 128 : i32
    %run_scoped3A = arith.constant 0 : i32
    "tpu.region"() ({
      %run_scoped3A_91 = tpu.sem_alloc : memref<!tpu.dma_semaphore, #tpu.memory_space<semaphore_mem>>
      %dma_start3A_92 = arith.constant 0 : i32
      %dma_start3A_93 = arith.constant 0 : i32
      %dma_start3A_94 = tpu.memref_slice %arg5[%dma_start3A_92, %dma_start3A_93] : memref<160x128xi32, #tpu.memory_space<vmem>> -> memref<80x128xi32, #tpu.memory_space<vmem>>
      %dma_start3A_95 = arith.constant 0 : i32
      %dma_start3A_96 = arith.constant 0 : i32
      %dma_start3A_97 = tpu.memref_slice %arg3[%run_scoped3A, %add3A, %dma_start3A_95, %dma_start3A_96] : memref<2x32x80x128xi32, #tpu.memory_space<hbm>> -> memref<1x1x80x128xi32, #tpu.memory_space<hbm>>
      %dma_start3A_98 = tpu.memref_squeeze %dma_start3A_97 : memref<1x1x80x128xi32, #tpu.memory_space<hbm>> -> memref<80x128xi32, #tpu.memory_space<hbm>>
      %dma_start3A_99 = arith.constant 0 : i32
      %dma_start3A_100 = arith.constant 0 : i32
      %dma_start3A_101 = tpu.memref_slice %arg5[%dma_start3A_99, %dma_start3A_100] : memref<160x128xi32, #tpu.memory_space<vmem>> -> memref<80x128xi32, #tpu.memory_space<vmem>>
      %dma_start3A_102 = arith.constant 0 : i32
      %dma_start3A_103 = arith.constant 0 : i32
      %dma_start3A_104 = tpu.memref_slice %arg3[%run_scoped3A, %add3A, %dma_start3A_102, %dma_start3A_103] : memref<2x32x80x128xi32, #tpu.memory_space<hbm>> -> memref<1x1x80x128xi32, #tpu.memory_space<hbm>>
      %dma_start3A_105 = tpu.memref_squeeze %dma_start3A_104 : memref<1x1x80x128xi32, #tpu.memory_space<hbm>> -> memref<80x128xi32, #tpu.memory_space<hbm>>
      tpu.enqueue_dma source(%dma_start3A_105 : memref<80x128xi32, #tpu.memory_space<hbm>>) target(%dma_start3A_101 : memref<80x128xi32, #tpu.memory_space<vmem>>) target_semaphore(%run_scoped3A_91 : memref<!tpu.dma_semaphore, #tpu.memory_space<semaphore_mem>>)
      %dma_wait3A_106 = arith.constant 0 : i32
      %dma_wait3A_107 = arith.constant 0 : i32
      %dma_wait3A_108 = tpu.memref_slice %arg5[%dma_wait3A_106, %dma_wait3A_107] : memref<160x128xi32, #tpu.memory_space<vmem>> -> memref<80x128xi32, #tpu.memory_space<vmem>>
      %dma_wait3A_109 = arith.constant 0 : i32
      %dma_wait3A_110 = arith.constant 0 : i32
      %dma_wait3A_111 = tpu.memref_slice %arg3[%run_scoped3A, %add3A, %dma_wait3A_109, %dma_wait3A_110] : memref<2x32x80x128xi32, #tpu.memory_space<hbm>> -> memref<1x1x80x128xi32, #tpu.memory_space<hbm>>
      %dma_wait3A_112 = tpu.memref_squeeze %dma_wait3A_111 : memref<1x1x80x128xi32, #tpu.memory_space<hbm>> -> memref<80x128xi32, #tpu.memory_space<hbm>>
      %dma_wait3A_113 = arith.constant 0 : i32
      %dma_wait3A_114 = arith.constant 0 : i32
      %dma_wait3A_115 = tpu.memref_slice %arg5[%dma_wait3A_113, %dma_wait3A_114] : memref<160x128xi32, #tpu.memory_space<vmem>> -> memref<80x128xi32, #tpu.memory_space<vmem>>
      %dma_wait3A_116 = arith.constant 0 : i32
      %dma_wait3A_117 = arith.constant 0 : i32
      %dma_wait3A_118 = tpu.memref_slice %arg3[%run_scoped3A, %add3A, %dma_wait3A_116, %dma_wait3A_117] : memref<2x32x80x128xi32, #tpu.memory_space<hbm>> -> memref<1x1x80x128xi32, #tpu.memory_space<hbm>>
      %dma_wait3A_119 = tpu.memref_squeeze %dma_wait3A_118 : memref<1x1x80x128xi32, #tpu.memory_space<hbm>> -> memref<80x128xi32, #tpu.memory_space<hbm>>
      tpu.wait_dma2 semaphore(%run_scoped3A_91 : memref<!tpu.dma_semaphore, #tpu.memory_space<semaphore_mem>>) src(%dma_wait3A_119 : memref<80x128xi32, #tpu.memory_space<hbm>>) dst(%dma_wait3A_115 : memref<80x128xi32, #tpu.memory_space<vmem>>)
      tpu.yield
    }) : () -> ()
    %run_scoped3A_6 = arith.constant 1 : i32
    "tpu.region"() ({
      %run_scoped3A_91 = tpu.sem_alloc : memref<!tpu.dma_semaphore, #tpu.memory_space<semaphore_mem>>
      %dma_start3A_92 = arith.constant 80 : i32
      %dma_start3A_93 = arith.constant 0 : i32
      %dma_start3A_94 = tpu.memref_slice %arg5[%dma_start3A_92, %dma_start3A_93] : memref<160x128xi32, #tpu.memory_space<vmem>> -> memref<80x128xi32, #tpu.memory_space<vmem>>
      %dma_start3A_95 = arith.constant 0 : i32
      %dma_start3A_96 = arith.constant 0 : i32
      %dma_start3A_97 = tpu.memref_slice %arg3[%run_scoped3A_6, %add3A, %dma_start3A_95, %dma_start3A_96] : memref<2x32x80x128xi32, #tpu.memory_space<hbm>> -> memref<1x1x80x128xi32, #tpu.memory_space<hbm>>
      %dma_start3A_98 = tpu.memref_squeeze %dma_start3A_97 : memref<1x1x80x128xi32, #tpu.memory_space<hbm>> -> memref<80x128xi32, #tpu.memory_space<hbm>>
      %dma_start3A_99 = arith.constant 80 : i32
      %dma_start3A_100 = arith.constant 0 : i32
      %dma_start3A_101 = tpu.memref_slice %arg5[%dma_start3A_99, %dma_start3A_100] : memref<160x128xi32, #tpu.memory_space<vmem>> -> memref<80x128xi32, #tpu.memory_space<vmem>>
      %dma_start3A_102 = arith.constant 0 : i32
      %dma_start3A_103 = arith.constant 0 : i32
      %dma_start3A_104 = tpu.memref_slice %arg3[%run_scoped3A_6, %add3A, %dma_start3A_102, %dma_start3A_103] : memref<2x32x80x128xi32, #tpu.memory_space<hbm>> -> memref<1x1x80x128xi32, #tpu.memory_space<hbm>>
      %dma_start3A_105 = tpu.memref_squeeze %dma_start3A_104 : memref<1x1x80x128xi32, #tpu.memory_space<hbm>> -> memref<80x128xi32, #tpu.memory_space<hbm>>
      tpu.enqueue_dma source(%dma_start3A_105 : memref<80x128xi32, #tpu.memory_space<hbm>>) target(%dma_start3A_101 : memref<80x128xi32, #tpu.memory_space<vmem>>) target_semaphore(%run_scoped3A_91 : memref<!tpu.dma_semaphore, #tpu.memory_space<semaphore_mem>>)
      %dma_wait3A_106 = arith.constant 80 : i32
      %dma_wait3A_107 = arith.constant 0 : i32
      %dma_wait3A_108 = tpu.memref_slice %arg5[%dma_wait3A_106, %dma_wait3A_107] : memref<160x128xi32, #tpu.memory_space<vmem>> -> memref<80x128xi32, #tpu.memory_space<vmem>>
      %dma_wait3A_109 = arith.constant 0 : i32
      %dma_wait3A_110 = arith.constant 0 : i32
      %dma_wait3A_111 = tpu.memref_slice %arg3[%run_scoped3A_6, %add3A, %dma_wait3A_109, %dma_wait3A_110] : memref<2x32x80x128xi32, #tpu.memory_space<hbm>> -> memref<1x1x80x128xi32, #tpu.memory_space<hbm>>
      %dma_wait3A_112 = tpu.memref_squeeze %dma_wait3A_111 : memref<1x1x80x128xi32, #tpu.memory_space<hbm>> -> memref<80x128xi32, #tpu.memory_space<hbm>>
      %dma_wait3A_113 = arith.constant 80 : i32
      %dma_wait3A_114 = arith.constant 0 : i32
      %dma_wait3A_115 = tpu.memref_slice %arg5[%dma_wait3A_113, %dma_wait3A_114] : memref<160x128xi32, #tpu.memory_space<vmem>> -> memref<80x128xi32, #tpu.memory_space<vmem>>
      %dma_wait3A_116 = arith.constant 0 : i32
      %dma_wait3A_117 = arith.constant 0 : i32
      %dma_wait3A_118 = tpu.memref_slice %arg3[%run_scoped3A_6, %add3A, %dma_wait3A_116, %dma_wait3A_117] : memref<2x32x80x128xi32, #tpu.memory_space<hbm>> -> memref<1x1x80x128xi32, #tpu.memory_space<hbm>>
      %dma_wait3A_119 = tpu.memref_squeeze %dma_wait3A_118 : memref<1x1x80x128xi32, #tpu.memory_space<hbm>> -> memref<80x128xi32, #tpu.memory_space<hbm>>
      tpu.wait_dma2 semaphore(%run_scoped3A_91 : memref<!tpu.dma_semaphore, #tpu.memory_space<semaphore_mem>>) src(%dma_wait3A_119 : memref<80x128xi32, #tpu.memory_space<hbm>>) dst(%dma_wait3A_115 : memref<80x128xi32, #tpu.memory_space<vmem>>)
      tpu.yield
    }) : () -> ()
    %lt3A = arith.constant 15 : i32
    %lt3A_7 = arith.cmpi slt, %arg1, %lt3A : i32
    %convert_element_type3A = arith.extui %lt3A_7 : i1 to i32
    %cond3A = arith.constant 0 : i32
    %cond3A_8 = arith.cmpi ne, %convert_element_type3A, %cond3A : i32
    scf.if %cond3A_8 {
      %mul3A_91 = arith.constant 640 : i32
      %mul3A_92 = arith.muli %mul3A_91, %arg1 : i32
      %add3A_93 = arith.constant 0 : i32
      %add3A_94 = arith.addi %mul3A_92, %add3A_93 : i32
      "tpu.region"() ({
        %run_scoped3A_115 = tpu.sem_alloc : memref<!tpu.dma_semaphore, #tpu.memory_space<semaphore_mem>>
        %dma_start3A_116 = arith.constant 0 : i32
        %dma_start3A_117 = tpu.memref_slice %arg10[%add3A_94, %dma_start3A_116] : memref<10080x64xf32, #tpu.memory_space<vmem_shared>> -> memref<128x64xf32, #tpu.memory_space<vmem_shared>>
        %dma_start3A_118 = arith.constant 0 : i32
        %dma_start3A_119 = tpu.memref_slice %arg10[%add3A_94, %dma_start3A_118] : memref<10080x64xf32, #tpu.memory_space<vmem_shared>> -> memref<128x64xf32, #tpu.memory_space<vmem_shared>>
        tpu.enqueue_dma source(%arg6 : memref<128x64xf32, #tpu.memory_space<vmem>>) target(%dma_start3A_119 : memref<128x64xf32, #tpu.memory_space<vmem_shared>>) target_semaphore(%run_scoped3A_115 : memref<!tpu.dma_semaphore, #tpu.memory_space<semaphore_mem>>)
        %dma_wait3A_120 = arith.constant 0 : i32
        %dma_wait3A_121 = tpu.memref_slice %arg10[%add3A_94, %dma_wait3A_120] : memref<10080x64xf32, #tpu.memory_space<vmem_shared>> -> memref<128x64xf32, #tpu.memory_space<vmem_shared>>
        %dma_wait3A_122 = arith.constant 0 : i32
        %dma_wait3A_123 = tpu.memref_slice %arg10[%add3A_94, %dma_wait3A_122] : memref<10080x64xf32, #tpu.memory_space<vmem_shared>> -> memref<128x64xf32, #tpu.memory_space<vmem_shared>>
        tpu.wait_dma2 semaphore(%run_scoped3A_115 : memref<!tpu.dma_semaphore, #tpu.memory_space<semaphore_mem>>) src(%arg6 : memref<128x64xf32, #tpu.memory_space<vmem>>) dst(%dma_wait3A_123 : memref<128x64xf32, #tpu.memory_space<vmem_shared>>)
        tpu.yield
      }) : () -> ()
      %mul3A_95 = arith.constant 640 : i32
      %mul3A_96 = arith.muli %mul3A_95, %arg1 : i32
      %add3A_97 = arith.constant 128 : i32
      %add3A_98 = arith.addi %mul3A_96, %add3A_97 : i32
      "tpu.region"() ({
        %run_scoped3A_115 = tpu.sem_alloc : memref<!tpu.dma_semaphore, #tpu.memory_space<semaphore_mem>>
        %dma_start3A_116 = arith.constant 0 : i32
        %dma_start3A_117 = tpu.memref_slice %arg10[%add3A_98, %dma_start3A_116] : memref<10080x64xf32, #tpu.memory_space<vmem_shared>> -> memref<128x64xf32, #tpu.memory_space<vmem_shared>>
        %dma_start3A_118 = arith.constant 0 : i32
        %dma_start3A_119 = tpu.memref_slice %arg10[%add3A_98, %dma_start3A_118] : memref<10080x64xf32, #tpu.memory_space<vmem_shared>> -> memref<128x64xf32, #tpu.memory_space<vmem_shared>>
        tpu.enqueue_dma source(%arg6 : memref<128x64xf32, #tpu.memory_space<vmem>>) target(%dma_start3A_119 : memref<128x64xf32, #tpu.memory_space<vmem_shared>>) target_semaphore(%run_scoped3A_115 : memref<!tpu.dma_semaphore, #tpu.memory_space<semaphore_mem>>)
        %dma_wait3A_120 = arith.constant 0 : i32
        %dma_wait3A_121 = tpu.memref_slice %arg10[%add3A_98, %dma_wait3A_120] : memref<10080x64xf32, #tpu.memory_space<vmem_shared>> -> memref<128x64xf32, #tpu.memory_space<vmem_shared>>
        %dma_wait3A_122 = arith.constant 0 : i32
        %dma_wait3A_123 = tpu.memref_slice %arg10[%add3A_98, %dma_wait3A_122] : memref<10080x64xf32, #tpu.memory_space<vmem_shared>> -> memref<128x64xf32, #tpu.memory_space<vmem_shared>>
        tpu.wait_dma2 semaphore(%run_scoped3A_115 : memref<!tpu.dma_semaphore, #tpu.memory_space<semaphore_mem>>) src(%arg6 : memref<128x64xf32, #tpu.memory_space<vmem>>) dst(%dma_wait3A_123 : memref<128x64xf32, #tpu.memory_space<vmem_shared>>)
        tpu.yield
      }) : () -> ()
      %mul3A_99 = arith.constant 640 : i32
      %mul3A_100 = arith.muli %mul3A_99, %arg1 : i32
      %add3A_101 = arith.constant 256 : i32
      %add3A_102 = arith.addi %mul3A_100, %add3A_101 : i32
      "tpu.region"() ({
        %run_scoped3A_115 = tpu.sem_alloc : memref<!tpu.dma_semaphore, #tpu.memory_space<semaphore_mem>>
        %dma_start3A_116 = arith.constant 0 : i32
        %dma_start3A_117 = tpu.memref_slice %arg10[%add3A_102, %dma_start3A_116] : memref<10080x64xf32, #tpu.memory_space<vmem_shared>> -> memref<128x64xf32, #tpu.memory_space<vmem_shared>>
        %dma_start3A_118 = arith.constant 0 : i32
        %dma_start3A_119 = tpu.memref_slice %arg10[%add3A_102, %dma_start3A_118] : memref<10080x64xf32, #tpu.memory_space<vmem_shared>> -> memref<128x64xf32, #tpu.memory_space<vmem_shared>>
        tpu.enqueue_dma source(%arg6 : memref<128x64xf32, #tpu.memory_space<vmem>>) target(%dma_start3A_119 : memref<128x64xf32, #tpu.memory_space<vmem_shared>>) target_semaphore(%run_scoped3A_115 : memref<!tpu.dma_semaphore, #tpu.memory_space<semaphore_mem>>)
        %dma_wait3A_120 = arith.constant 0 : i32
        %dma_wait3A_121 = tpu.memref_slice %arg10[%add3A_102, %dma_wait3A_120] : memref<10080x64xf32, #tpu.memory_space<vmem_shared>> -> memref<128x64xf32, #tpu.memory_space<vmem_shared>>
        %dma_wait3A_122 = arith.constant 0 : i32
        %dma_wait3A_123 = tpu.memref_slice %arg10[%add3A_102, %dma_wait3A_122] : memref<10080x64xf32, #tpu.memory_space<vmem_shared>> -> memref<128x64xf32, #tpu.memory_space<vmem_shared>>
        tpu.wait_dma2 semaphore(%run_scoped3A_115 : memref<!tpu.dma_semaphore, #tpu.memory_space<semaphore_mem>>) src(%arg6 : memref<128x64xf32, #tpu.memory_space<vmem>>) dst(%dma_wait3A_123 : memref<128x64xf32, #tpu.memory_space<vmem_shared>>)
        tpu.yield
      }) : () -> ()
      %mul3A_103 = arith.constant 640 : i32
      %mul3A_104 = arith.muli %mul3A_103, %arg1 : i32
      %add3A_105 = arith.constant 384 : i32
      %add3A_106 = arith.addi %mul3A_104, %add3A_105 : i32
      "tpu.region"() ({
        %run_scoped3A_115 = tpu.sem_alloc : memref<!tpu.dma_semaphore, #tpu.memory_space<semaphore_mem>>
        %dma_start3A_116 = arith.constant 0 : i32
        %dma_start3A_117 = tpu.memref_slice %arg10[%add3A_106, %dma_start3A_116] : memref<10080x64xf32, #tpu.memory_space<vmem_shared>> -> memref<128x64xf32, #tpu.memory_space<vmem_shared>>
        %dma_start3A_118 = arith.constant 0 : i32
        %dma_start3A_119 = tpu.memref_slice %arg10[%add3A_106, %dma_start3A_118] : memref<10080x64xf32, #tpu.memory_space<vmem_shared>> -> memref<128x64xf32, #tpu.memory_space<vmem_shared>>
        tpu.enqueue_dma source(%arg6 : memref<128x64xf32, #tpu.memory_space<vmem>>) target(%dma_start3A_119 : memref<128x64xf32, #tpu.memory_space<vmem_shared>>) target_semaphore(%run_scoped3A_115 : memref<!tpu.dma_semaphore, #tpu.memory_space<semaphore_mem>>)
        %dma_wait3A_120 = arith.constant 0 : i32
        %dma_wait3A_121 = tpu.memref_slice %arg10[%add3A_106, %dma_wait3A_120] : memref<10080x64xf32, #tpu.memory_space<vmem_shared>> -> memref<128x64xf32, #tpu.memory_space<vmem_shared>>
        %dma_wait3A_122 = arith.constant 0 : i32
        %dma_wait3A_123 = tpu.memref_slice %arg10[%add3A_106, %dma_wait3A_122] : memref<10080x64xf32, #tpu.memory_space<vmem_shared>> -> memref<128x64xf32, #tpu.memory_space<vmem_shared>>
        tpu.wait_dma2 semaphore(%run_scoped3A_115 : memref<!tpu.dma_semaphore, #tpu.memory_space<semaphore_mem>>) src(%arg6 : memref<128x64xf32, #tpu.memory_space<vmem>>) dst(%dma_wait3A_123 : memref<128x64xf32, #tpu.memory_space<vmem_shared>>)
        tpu.yield
      }) : () -> ()
      %mul3A_107 = arith.constant 640 : i32
      %mul3A_108 = arith.muli %mul3A_107, %arg1 : i32
      %add3A_109 = arith.constant 512 : i32
      %add3A_110 = arith.addi %mul3A_108, %add3A_109 : i32
      "tpu.region"() ({
        %run_scoped3A_115 = tpu.sem_alloc : memref<!tpu.dma_semaphore, #tpu.memory_space<semaphore_mem>>
        %dma_start3A_116 = arith.constant 0 : i32
        %dma_start3A_117 = tpu.memref_slice %arg10[%add3A_110, %dma_start3A_116] : memref<10080x64xf32, #tpu.memory_space<vmem_shared>> -> memref<128x64xf32, #tpu.memory_space<vmem_shared>>
        %dma_start3A_118 = arith.constant 0 : i32
        %dma_start3A_119 = tpu.memref_slice %arg10[%add3A_110, %dma_start3A_118] : memref<10080x64xf32, #tpu.memory_space<vmem_shared>> -> memref<128x64xf32, #tpu.memory_space<vmem_shared>>
        tpu.enqueue_dma source(%arg6 : memref<128x64xf32, #tpu.memory_space<vmem>>) target(%dma_start3A_119 : memref<128x64xf32, #tpu.memory_space<vmem_shared>>) target_semaphore(%run_scoped3A_115 : memref<!tpu.dma_semaphore, #tpu.memory_space<semaphore_mem>>)
        %dma_wait3A_120 = arith.constant 0 : i32
        %dma_wait3A_121 = tpu.memref_slice %arg10[%add3A_110, %dma_wait3A_120] : memref<10080x64xf32, #tpu.memory_space<vmem_shared>> -> memref<128x64xf32, #tpu.memory_space<vmem_shared>>
        %dma_wait3A_122 = arith.constant 0 : i32
        %dma_wait3A_123 = tpu.memref_slice %arg10[%add3A_110, %dma_wait3A_122] : memref<10080x64xf32, #tpu.memory_space<vmem_shared>> -> memref<128x64xf32, #tpu.memory_space<vmem_shared>>
        tpu.wait_dma2 semaphore(%run_scoped3A_115 : memref<!tpu.dma_semaphore, #tpu.memory_space<semaphore_mem>>) src(%arg6 : memref<128x64xf32, #tpu.memory_space<vmem>>) dst(%dma_wait3A_123 : memref<128x64xf32, #tpu.memory_space<vmem_shared>>)
        tpu.yield
      }) : () -> ()
      %mul3A_111 = arith.constant 640 : i32
      %mul3A_112 = arith.muli %mul3A_111, %arg1 : i32
      %mul3A_113 = arith.constant 640 : i32
      %mul3A_114 = arith.muli %mul3A_113, %arg1 : i32
      "tpu.region"() ({
        %run_scoped3A_115 = tpu.sem_alloc : memref<!tpu.dma_semaphore, #tpu.memory_space<semaphore_mem>>
        %dma_start3A_116 = arith.constant 0 : i32
        %dma_start3A_117 = tpu.memref_slice %arg9[%mul3A_114, %dma_start3A_116] : memref<10000x64xf32, #tpu.memory_space<vmem_shared>> -> memref<640x64xf32, #tpu.memory_space<vmem_shared>>
        %dma_start3A_118 = arith.constant 0 : i32
        %dma_start3A_119 = tpu.memref_slice %arg2[%mul3A_112, %dma_start3A_118] : memref<10000x64xf32, #tpu.memory_space<hbm>> -> memref<640x64xf32, #tpu.memory_space<hbm>>
        tpu.enqueue_dma source(%dma_start3A_119 : memref<640x64xf32, #tpu.memory_space<hbm>>) target(%dma_start3A_117 : memref<640x64xf32, #tpu.memory_space<vmem_shared>>) target_semaphore(%run_scoped3A_115 : memref<!tpu.dma_semaphore, #tpu.memory_space<semaphore_mem>>)
        %dma_wait3A_120 = arith.constant 0 : i32
        %dma_wait3A_121 = tpu.memref_slice %arg9[%mul3A_114, %dma_wait3A_120] : memref<10000x64xf32, #tpu.memory_space<vmem_shared>> -> memref<640x64xf32, #tpu.memory_space<vmem_shared>>
        %dma_wait3A_122 = arith.constant 0 : i32
        %dma_wait3A_123 = tpu.memref_slice %arg2[%mul3A_112, %dma_wait3A_122] : memref<10000x64xf32, #tpu.memory_space<hbm>> -> memref<640x64xf32, #tpu.memory_space<hbm>>
        tpu.wait_dma2 semaphore(%run_scoped3A_115 : memref<!tpu.dma_semaphore, #tpu.memory_space<semaphore_mem>>) src(%dma_wait3A_123 : memref<640x64xf32, #tpu.memory_space<hbm>>) dst(%dma_wait3A_121 : memref<640x64xf32, #tpu.memory_space<vmem_shared>>)
        tpu.yield
      }) : () -> ()
    } else {
    }
    %eq3A = arith.constant 15 : i32
    %eq3A_9 = arith.cmpi eq, %arg1, %eq3A : i32
    %convert_element_type3A_10 = arith.extui %eq3A_9 : i1 to i32
    %cond3A_11 = arith.constant 0 : i32
    %cond3A_12 = arith.cmpi ne, %convert_element_type3A_10, %cond3A_11 : i32
    scf.if %cond3A_12 {
      "tpu.region"() ({
        %run_scoped3A_91 = tpu.sem_alloc : memref<!tpu.dma_semaphore, #tpu.memory_space<semaphore_mem>>
        %dma_start3A_92 = arith.constant 9600 : i32
        %dma_start3A_93 = arith.constant 0 : i32
        %dma_start3A_94 = tpu.memref_slice %arg10[%dma_start3A_92, %dma_start3A_93] : memref<10080x64xf32, #tpu.memory_space<vmem_shared>> -> memref<128x64xf32, #tpu.memory_space<vmem_shared>>
        %dma_start3A_95 = arith.constant 9600 : i32
        %dma_start3A_96 = arith.constant 0 : i32
        %dma_start3A_97 = tpu.memref_slice %arg10[%dma_start3A_95, %dma_start3A_96] : memref<10080x64xf32, #tpu.memory_space<vmem_shared>> -> memref<128x64xf32, #tpu.memory_space<vmem_shared>>
        tpu.enqueue_dma source(%arg6 : memref<128x64xf32, #tpu.memory_space<vmem>>) target(%dma_start3A_97 : memref<128x64xf32, #tpu.memory_space<vmem_shared>>) target_semaphore(%run_scoped3A_91 : memref<!tpu.dma_semaphore, #tpu.memory_space<semaphore_mem>>)
        %dma_wait3A_98 = arith.constant 9600 : i32
        %dma_wait3A_99 = arith.constant 0 : i32
        %dma_wait3A_100 = tpu.memref_slice %arg10[%dma_wait3A_98, %dma_wait3A_99] : memref<10080x64xf32, #tpu.memory_space<vmem_shared>> -> memref<128x64xf32, #tpu.memory_space<vmem_shared>>
        %dma_wait3A_101 = arith.constant 9600 : i32
        %dma_wait3A_102 = arith.constant 0 : i32
        %dma_wait3A_103 = tpu.memref_slice %arg10[%dma_wait3A_101, %dma_wait3A_102] : memref<10080x64xf32, #tpu.memory_space<vmem_shared>> -> memref<128x64xf32, #tpu.memory_space<vmem_shared>>
        tpu.wait_dma2 semaphore(%run_scoped3A_91 : memref<!tpu.dma_semaphore, #tpu.memory_space<semaphore_mem>>) src(%arg6 : memref<128x64xf32, #tpu.memory_space<vmem>>) dst(%dma_wait3A_103 : memref<128x64xf32, #tpu.memory_space<vmem_shared>>)
        tpu.yield
      }) : () -> ()
      "tpu.region"() ({
        %run_scoped3A_91 = tpu.sem_alloc : memref<!tpu.dma_semaphore, #tpu.memory_space<semaphore_mem>>
        %dma_start3A_92 = arith.constant 9728 : i32
        %dma_start3A_93 = arith.constant 0 : i32
        %dma_start3A_94 = tpu.memref_slice %arg10[%dma_start3A_92, %dma_start3A_93] : memref<10080x64xf32, #tpu.memory_space<vmem_shared>> -> memref<128x64xf32, #tpu.memory_space<vmem_shared>>
        %dma_start3A_95 = arith.constant 9728 : i32
        %dma_start3A_96 = arith.constant 0 : i32
        %dma_start3A_97 = tpu.memref_slice %arg10[%dma_start3A_95, %dma_start3A_96] : memref<10080x64xf32, #tpu.memory_space<vmem_shared>> -> memref<128x64xf32, #tpu.memory_space<vmem_shared>>
        tpu.enqueue_dma source(%arg6 : memref<128x64xf32, #tpu.memory_space<vmem>>) target(%dma_start3A_97 : memref<128x64xf32, #tpu.memory_space<vmem_shared>>) target_semaphore(%run_scoped3A_91 : memref<!tpu.dma_semaphore, #tpu.memory_space<semaphore_mem>>)
        %dma_wait3A_98 = arith.constant 9728 : i32
        %dma_wait3A_99 = arith.constant 0 : i32
        %dma_wait3A_100 = tpu.memref_slice %arg10[%dma_wait3A_98, %dma_wait3A_99] : memref<10080x64xf32, #tpu.memory_space<vmem_shared>> -> memref<128x64xf32, #tpu.memory_space<vmem_shared>>
        %dma_wait3A_101 = arith.constant 9728 : i32
        %dma_wait3A_102 = arith.constant 0 : i32
        %dma_wait3A_103 = tpu.memref_slice %arg10[%dma_wait3A_101, %dma_wait3A_102] : memref<10080x64xf32, #tpu.memory_space<vmem_shared>> -> memref<128x64xf32, #tpu.memory_space<vmem_shared>>
        tpu.wait_dma2 semaphore(%run_scoped3A_91 : memref<!tpu.dma_semaphore, #tpu.memory_space<semaphore_mem>>) src(%arg6 : memref<128x64xf32, #tpu.memory_space<vmem>>) dst(%dma_wait3A_103 : memref<128x64xf32, #tpu.memory_space<vmem_shared>>)
        tpu.yield
      }) : () -> ()
      "tpu.region"() ({
        %run_scoped3A_91 = tpu.sem_alloc : memref<!tpu.dma_semaphore, #tpu.memory_space<semaphore_mem>>
        %dma_start3A_92 = arith.constant 9856 : i32
        %dma_start3A_93 = arith.constant 0 : i32
        %dma_start3A_94 = tpu.memref_slice %arg10[%dma_start3A_92, %dma_start3A_93] : memref<10080x64xf32, #tpu.memory_space<vmem_shared>> -> memref<128x64xf32, #tpu.memory_space<vmem_shared>>
        %dma_start3A_95 = arith.constant 9856 : i32
        %dma_start3A_96 = arith.constant 0 : i32
        %dma_start3A_97 = tpu.memref_slice %arg10[%dma_start3A_95, %dma_start3A_96] : memref<10080x64xf32, #tpu.memory_space<vmem_shared>> -> memref<128x64xf32, #tpu.memory_space<vmem_shared>>
        tpu.enqueue_dma source(%arg6 : memref<128x64xf32, #tpu.memory_space<vmem>>) target(%dma_start3A_97 : memref<128x64xf32, #tpu.memory_space<vmem_shared>>) target_semaphore(%run_scoped3A_91 : memref<!tpu.dma_semaphore, #tpu.memory_space<semaphore_mem>>)
        %dma_wait3A_98 = arith.constant 9856 : i32
        %dma_wait3A_99 = arith.constant 0 : i32
        %dma_wait3A_100 = tpu.memref_slice %arg10[%dma_wait3A_98, %dma_wait3A_99] : memref<10080x64xf32, #tpu.memory_space<vmem_shared>> -> memref<128x64xf32, #tpu.memory_space<vmem_shared>>
        %dma_wait3A_101 = arith.constant 9856 : i32
        %dma_wait3A_102 = arith.constant 0 : i32
        %dma_wait3A_103 = tpu.memref_slice %arg10[%dma_wait3A_101, %dma_wait3A_102] : memref<10080x64xf32, #tpu.memory_space<vmem_shared>> -> memref<128x64xf32, #tpu.memory_space<vmem_shared>>
        tpu.wait_dma2 semaphore(%run_scoped3A_91 : memref<!tpu.dma_semaphore, #tpu.memory_space<semaphore_mem>>) src(%arg6 : memref<128x64xf32, #tpu.memory_space<vmem>>) dst(%dma_wait3A_103 : memref<128x64xf32, #tpu.memory_space<vmem_shared>>)
        tpu.yield
      }) : () -> ()
      "tpu.region"() ({
        %run_scoped3A_91 = tpu.sem_alloc : memref<!tpu.dma_semaphore, #tpu.memory_space<semaphore_mem>>
        %dma_start3A_92 = arith.constant 0 : i32
        %dma_start3A_93 = arith.constant 0 : i32
        %dma_start3A_94 = tpu.memref_slice %arg6[%dma_start3A_92, %dma_start3A_93] : memref<128x64xf32, #tpu.memory_space<vmem>> -> memref<96x64xf32, #tpu.memory_space<vmem>>
        %dma_start3A_95 = arith.constant 9984 : i32
        %dma_start3A_96 = arith.constant 0 : i32
        %dma_start3A_97 = tpu.memref_slice %arg10[%dma_start3A_95, %dma_start3A_96] : memref<10080x64xf32, #tpu.memory_space<vmem_shared>> -> memref<96x64xf32, #tpu.memory_space<vmem_shared>>
        %dma_start3A_98 = arith.constant 9984 : i32
        %dma_start3A_99 = arith.constant 0 : i32
        %dma_start3A_100 = tpu.memref_slice %arg10[%dma_start3A_98, %dma_start3A_99] : memref<10080x64xf32, #tpu.memory_space<vmem_shared>> -> memref<96x64xf32, #tpu.memory_space<vmem_shared>>
        %dma_start3A_101 = arith.constant 0 : i32
        %dma_start3A_102 = arith.constant 0 : i32
        %dma_start3A_103 = tpu.memref_slice %arg6[%dma_start3A_101, %dma_start3A_102] : memref<128x64xf32, #tpu.memory_space<vmem>> -> memref<96x64xf32, #tpu.memory_space<vmem>>
        tpu.enqueue_dma source(%dma_start3A_103 : memref<96x64xf32, #tpu.memory_space<vmem>>) target(%dma_start3A_100 : memref<96x64xf32, #tpu.memory_space<vmem_shared>>) target_semaphore(%run_scoped3A_91 : memref<!tpu.dma_semaphore, #tpu.memory_space<semaphore_mem>>)
        %dma_wait3A_104 = arith.constant 0 : i32
        %dma_wait3A_105 = arith.constant 0 : i32
        %dma_wait3A_106 = tpu.memref_slice %arg6[%dma_wait3A_104, %dma_wait3A_105] : memref<128x64xf32, #tpu.memory_space<vmem>> -> memref<96x64xf32, #tpu.memory_space<vmem>>
        %dma_wait3A_107 = arith.constant 9984 : i32
        %dma_wait3A_108 = arith.constant 0 : i32
        %dma_wait3A_109 = tpu.memref_slice %arg10[%dma_wait3A_107, %dma_wait3A_108] : memref<10080x64xf32, #tpu.memory_space<vmem_shared>> -> memref<96x64xf32, #tpu.memory_space<vmem_shared>>
        %dma_wait3A_110 = arith.constant 9984 : i32
        %dma_wait3A_111 = arith.constant 0 : i32
        %dma_wait3A_112 = tpu.memref_slice %arg10[%dma_wait3A_110, %dma_wait3A_111] : memref<10080x64xf32, #tpu.memory_space<vmem_shared>> -> memref<96x64xf32, #tpu.memory_space<vmem_shared>>
        %dma_wait3A_113 = arith.constant 0 : i32
        %dma_wait3A_114 = arith.constant 0 : i32
        %dma_wait3A_115 = tpu.memref_slice %arg6[%dma_wait3A_113, %dma_wait3A_114] : memref<128x64xf32, #tpu.memory_space<vmem>> -> memref<96x64xf32, #tpu.memory_space<vmem>>
        tpu.wait_dma2 semaphore(%run_scoped3A_91 : memref<!tpu.dma_semaphore, #tpu.memory_space<semaphore_mem>>) src(%dma_wait3A_115 : memref<96x64xf32, #tpu.memory_space<vmem>>) dst(%dma_wait3A_112 : memref<96x64xf32, #tpu.memory_space<vmem_shared>>)
        tpu.yield
      }) : () -> ()
      "tpu.region"() ({
        %run_scoped3A_91 = tpu.sem_alloc : memref<!tpu.dma_semaphore, #tpu.memory_space<semaphore_mem>>
        %dma_start3A_92 = arith.constant 9600 : i32
        %dma_start3A_93 = arith.constant 0 : i32
        %dma_start3A_94 = tpu.memref_slice %arg9[%dma_start3A_92, %dma_start3A_93] : memref<10000x64xf32, #tpu.memory_space<vmem_shared>> -> memref<400x64xf32, #tpu.memory_space<vmem_shared>>
        %dma_start3A_95 = arith.constant 9600 : i32
        %dma_start3A_96 = arith.constant 0 : i32
        %dma_start3A_97 = tpu.memref_slice %arg2[%dma_start3A_95, %dma_start3A_96] : memref<10000x64xf32, #tpu.memory_space<hbm>> -> memref<400x64xf32, #tpu.memory_space<hbm>>
        tpu.enqueue_dma source(%dma_start3A_97 : memref<400x64xf32, #tpu.memory_space<hbm>>) target(%dma_start3A_94 : memref<400x64xf32, #tpu.memory_space<vmem_shared>>) target_semaphore(%run_scoped3A_91 : memref<!tpu.dma_semaphore, #tpu.memory_space<semaphore_mem>>)
        %dma_wait3A_98 = arith.constant 9600 : i32
        %dma_wait3A_99 = arith.constant 0 : i32
        %dma_wait3A_100 = tpu.memref_slice %arg9[%dma_wait3A_98, %dma_wait3A_99] : memref<10000x64xf32, #tpu.memory_space<vmem_shared>> -> memref<400x64xf32, #tpu.memory_space<vmem_shared>>
        %dma_wait3A_101 = arith.constant 9600 : i32
        %dma_wait3A_102 = arith.constant 0 : i32
        %dma_wait3A_103 = tpu.memref_slice %arg2[%dma_wait3A_101, %dma_wait3A_102] : memref<10000x64xf32, #tpu.memory_space<hbm>> -> memref<400x64xf32, #tpu.memory_space<hbm>>
        tpu.wait_dma2 semaphore(%run_scoped3A_91 : memref<!tpu.dma_semaphore, #tpu.memory_space<semaphore_mem>>) src(%dma_wait3A_103 : memref<400x64xf32, #tpu.memory_space<hbm>>) dst(%dma_wait3A_100 : memref<400x64xf32, #tpu.memory_space<vmem_shared>>)
        tpu.yield
      }) : () -> ()
    } else {
    }
    %barrier3A = arith.constant 0 : index
    tpu.barrier barrier_id(%barrier3A)
    %dma_start3A = arith.constant 0 : i32
    %dma_start3A_13 = arith.constant 0 : i32
    %dma_start3A_14 = tpu.memref_slice %arg5[%dma_start3A, %dma_start3A_13] : memref<160x128xi32, #tpu.memory_space<vmem>> -> memref<1x128xi32, #tpu.memory_space<vmem>>
    %dma_start3A_15 = tpu.memref_squeeze %dma_start3A_14 : memref<1x128xi32, #tpu.memory_space<vmem>> -> memref<128xi32, #tpu.memory_space<vmem>>
    %dma_start3A_16 = arith.constant 0 : i32
    %dma_start3A_17 = arith.constant 0 : i32
    %dma_start3A_18 = tpu.memref_slice %arg9[%dma_start3A_16, %dma_start3A_17] : memref<10000x64xf32, #tpu.memory_space<vmem_shared>> -> memref<10000x64xf32, #tpu.memory_space<vmem_shared>>
    tpu.enqueue_indirect_dma source(%dma_start3A_18 : memref<10000x64xf32, #tpu.memory_space<vmem_shared>>) target(%arg6 : memref<128x64xf32, #tpu.memory_space<vmem>>) offsets(%dma_start3A_15 : memref<128xi32, #tpu.memory_space<vmem>>) semaphore(%arg11 : memref<!tpu.dma_semaphore, #tpu.memory_space<semaphore_mem>>)
    %dma_start3A_19 = arith.constant 1 : i32
    %dma_start3A_20 = arith.constant 0 : i32
    %dma_start3A_21 = tpu.memref_slice %arg5[%dma_start3A_19, %dma_start3A_20] : memref<160x128xi32, #tpu.memory_space<vmem>> -> memref<1x128xi32, #tpu.memory_space<vmem>>
    %dma_start3A_22 = tpu.memref_squeeze %dma_start3A_21 : memref<1x128xi32, #tpu.memory_space<vmem>> -> memref<128xi32, #tpu.memory_space<vmem>>
    %dma_start3A_23 = arith.constant 0 : i32
    %dma_start3A_24 = arith.constant 0 : i32
    %dma_start3A_25 = tpu.memref_slice %arg9[%dma_start3A_23, %dma_start3A_24] : memref<10000x64xf32, #tpu.memory_space<vmem_shared>> -> memref<10000x64xf32, #tpu.memory_space<vmem_shared>>
    tpu.enqueue_indirect_dma source(%dma_start3A_25 : memref<10000x64xf32, #tpu.memory_space<vmem_shared>>) target(%arg7 : memref<128x64xf32, #tpu.memory_space<vmem>>) offsets(%dma_start3A_22 : memref<128xi32, #tpu.memory_space<vmem>>) semaphore(%arg12 : memref<!tpu.dma_semaphore, #tpu.memory_space<semaphore_mem>>)
    %scan3A_26 = arith.constant 0 : i32
    %scan3A_27 = arith.constant 0 : i32
    %scan3A_28 = arith.constant 26 : i32
    %scan3A_29 = arith.addi %scan3A_27, %scan3A_28 : i32
    %scan3A_30 = arith.constant 1 : i32
    scf.for %scan3A_91 = %scan3A_27 to %scan3A_29 step %scan3A_30  : i32 {
      %mul3A_92 = arith.constant 3 : i32
      %mul3A_93 = arith.muli %mul3A_92, %scan3A_91 : i32
      %add3A_94 = arith.constant 0 : i32
      %add3A_95 = arith.addi %mul3A_93, %add3A_94 : i32
      %dma_wait3A_96 = arith.constant 0 : i32
      %dma_wait3A_97 = tpu.memref_slice %arg5[%add3A_95, %dma_wait3A_96] : memref<160x128xi32, #tpu.memory_space<vmem>> -> memref<1x128xi32, #tpu.memory_space<vmem>>
      %dma_wait3A_98 = tpu.memref_squeeze %dma_wait3A_97 : memref<1x128xi32, #tpu.memory_space<vmem>> -> memref<128xi32, #tpu.memory_space<vmem>>
      %dma_wait3A_99 = arith.constant 0 : i32
      %dma_wait3A_100 = arith.constant 0 : i32
      %dma_wait3A_101 = tpu.memref_slice %arg9[%dma_wait3A_99, %dma_wait3A_100] : memref<10000x64xf32, #tpu.memory_space<vmem_shared>> -> memref<10000x64xf32, #tpu.memory_space<vmem_shared>>
      tpu.wait_indirect_dma semaphore(%arg11 : memref<!tpu.dma_semaphore, #tpu.memory_space<semaphore_mem>>) src(%dma_wait3A_101 : memref<10000x64xf32, #tpu.memory_space<vmem_shared>>) dst(%arg6 : memref<128x64xf32, #tpu.memory_space<vmem>>)
      %add3A_102 = arith.constant 80 : i32
      %add3A_103 = arith.addi %add3A_102, %add3A_95 : i32
      %dma_start3A_104 = arith.constant 0 : i32
      %dma_start3A_105 = tpu.memref_slice %arg5[%add3A_103, %dma_start3A_104] : memref<160x128xi32, #tpu.memory_space<vmem>> -> memref<1x128xi32, #tpu.memory_space<vmem>>
      %dma_start3A_106 = tpu.memref_squeeze %dma_start3A_105 : memref<1x128xi32, #tpu.memory_space<vmem>> -> memref<128xi32, #tpu.memory_space<vmem>>
      %dma_start3A_107 = arith.constant 0 : i32
      %dma_start3A_108 = arith.constant 0 : i32
      %dma_start3A_109 = tpu.memref_slice %arg10[%dma_start3A_107, %dma_start3A_108] : memref<10080x64xf32, #tpu.memory_space<vmem_shared>> -> memref<10080x64xf32, #tpu.memory_space<vmem_shared>>
      tpu.enqueue_indirect_dma source(%arg6 : memref<128x64xf32, #tpu.memory_space<vmem>>) target(%dma_start3A_109 : memref<10080x64xf32, #tpu.memory_space<vmem_shared>>) offsets(%dma_start3A_106 : memref<128xi32, #tpu.memory_space<vmem>>) semaphore(%arg14 : memref<!tpu.dma_semaphore, #tpu.memory_space<semaphore_mem>>) {add = true}
      %ge3A = arith.constant 1 : i32
      %ge3A_110 = arith.cmpi sge, %add3A_95, %ge3A : i32
      %convert_element_type3A_111 = arith.extui %ge3A_110 : i1 to i32
      %cond3A_112 = arith.constant 0 : i32
      %cond3A_113 = arith.cmpi ne, %convert_element_type3A_111, %cond3A_112 : i32
      scf.if %cond3A_113 {
        %dma_wait3A_181 = arith.constant 80 : i32
        %dma_wait3A_182 = arith.constant 0 : i32
        %dma_wait3A_183 = tpu.memref_slice %arg5[%dma_wait3A_181, %dma_wait3A_182] : memref<160x128xi32, #tpu.memory_space<vmem>> -> memref<1x128xi32, #tpu.memory_space<vmem>>
        %dma_wait3A_184 = tpu.memref_squeeze %dma_wait3A_183 : memref<1x128xi32, #tpu.memory_space<vmem>> -> memref<128xi32, #tpu.memory_space<vmem>>
        %dma_wait3A_185 = arith.constant 0 : i32
        %dma_wait3A_186 = arith.constant 0 : i32
        %dma_wait3A_187 = tpu.memref_slice %arg10[%dma_wait3A_185, %dma_wait3A_186] : memref<10080x64xf32, #tpu.memory_space<vmem_shared>> -> memref<10080x64xf32, #tpu.memory_space<vmem_shared>>
        tpu.wait_indirect_dma semaphore(%arg16 : memref<!tpu.dma_semaphore, #tpu.memory_space<semaphore_mem>>) src(%arg8 : memref<128x64xf32, #tpu.memory_space<vmem>>) dst(%dma_wait3A_187 : memref<10080x64xf32, #tpu.memory_space<vmem_shared>>)
      } else {
      }
      %add3A_114 = arith.constant 2 : i32
      %add3A_115 = arith.addi %add3A_95, %add3A_114 : i32
      %lt3A_116 = arith.constant 80 : i32
      %lt3A_117 = arith.cmpi slt, %add3A_115, %lt3A_116 : i32
      %convert_element_type3A_118 = arith.extui %lt3A_117 : i1 to i32
      %cond3A_119 = arith.constant 0 : i32
      %cond3A_120 = arith.cmpi ne, %convert_element_type3A_118, %cond3A_119 : i32
      scf.if %cond3A_120 {
        %add3A_181 = arith.constant 2 : i32
        %add3A_182 = arith.addi %add3A_95, %add3A_181 : i32
        %dma_start3A_183 = arith.constant 0 : i32
        %dma_start3A_184 = tpu.memref_slice %arg5[%add3A_182, %dma_start3A_183] : memref<160x128xi32, #tpu.memory_space<vmem>> -> memref<1x128xi32, #tpu.memory_space<vmem>>
        %dma_start3A_185 = tpu.memref_squeeze %dma_start3A_184 : memref<1x128xi32, #tpu.memory_space<vmem>> -> memref<128xi32, #tpu.memory_space<vmem>>
        %dma_start3A_186 = arith.constant 0 : i32
        %dma_start3A_187 = arith.constant 0 : i32
        %dma_start3A_188 = tpu.memref_slice %arg9[%dma_start3A_186, %dma_start3A_187] : memref<10000x64xf32, #tpu.memory_space<vmem_shared>> -> memref<10000x64xf32, #tpu.memory_space<vmem_shared>>
        tpu.enqueue_indirect_dma source(%dma_start3A_188 : memref<10000x64xf32, #tpu.memory_space<vmem_shared>>) target(%arg8 : memref<128x64xf32, #tpu.memory_space<vmem>>) offsets(%dma_start3A_185 : memref<128xi32, #tpu.memory_space<vmem>>) semaphore(%arg13 : memref<!tpu.dma_semaphore, #tpu.memory_space<semaphore_mem>>)
      } else {
      }
      %mul3A_121 = arith.constant 3 : i32
      %mul3A_122 = arith.muli %mul3A_121, %scan3A_91 : i32
      %add3A_123 = arith.constant 1 : i32
      %add3A_124 = arith.addi %mul3A_122, %add3A_123 : i32
      %dma_wait3A_125 = arith.constant 0 : i32
      %dma_wait3A_126 = tpu.memref_slice %arg5[%add3A_124, %dma_wait3A_125] : memref<160x128xi32, #tpu.memory_space<vmem>> -> memref<1x128xi32, #tpu.memory_space<vmem>>
      %dma_wait3A_127 = tpu.memref_squeeze %dma_wait3A_126 : memref<1x128xi32, #tpu.memory_space<vmem>> -> memref<128xi32, #tpu.memory_space<vmem>>
      %dma_wait3A_128 = arith.constant 0 : i32
      %dma_wait3A_129 = arith.constant 0 : i32
      %dma_wait3A_130 = tpu.memref_slice %arg9[%dma_wait3A_128, %dma_wait3A_129] : memref<10000x64xf32, #tpu.memory_space<vmem_shared>> -> memref<10000x64xf32, #tpu.memory_space<vmem_shared>>
      tpu.wait_indirect_dma semaphore(%arg12 : memref<!tpu.dma_semaphore, #tpu.memory_space<semaphore_mem>>) src(%dma_wait3A_130 : memref<10000x64xf32, #tpu.memory_space<vmem_shared>>) dst(%arg7 : memref<128x64xf32, #tpu.memory_space<vmem>>)
      %add3A_131 = arith.constant 80 : i32
      %add3A_132 = arith.addi %add3A_131, %add3A_124 : i32
      %dma_start3A_133 = arith.constant 0 : i32
      %dma_start3A_134 = tpu.memref_slice %arg5[%add3A_132, %dma_start3A_133] : memref<160x128xi32, #tpu.memory_space<vmem>> -> memref<1x128xi32, #tpu.memory_space<vmem>>
      %dma_start3A_135 = tpu.memref_squeeze %dma_start3A_134 : memref<1x128xi32, #tpu.memory_space<vmem>> -> memref<128xi32, #tpu.memory_space<vmem>>
      %dma_start3A_136 = arith.constant 0 : i32
      %dma_start3A_137 = arith.constant 0 : i32
      %dma_start3A_138 = tpu.memref_slice %arg10[%dma_start3A_136, %dma_start3A_137] : memref<10080x64xf32, #tpu.memory_space<vmem_shared>> -> memref<10080x64xf32, #tpu.memory_space<vmem_shared>>
      tpu.enqueue_indirect_dma source(%arg7 : memref<128x64xf32, #tpu.memory_space<vmem>>) target(%dma_start3A_138 : memref<10080x64xf32, #tpu.memory_space<vmem_shared>>) offsets(%dma_start3A_135 : memref<128xi32, #tpu.memory_space<vmem>>) semaphore(%arg15 : memref<!tpu.dma_semaphore, #tpu.memory_space<semaphore_mem>>) {add = true}
      %ge3A_139 = arith.constant 1 : i32
      %ge3A_140 = arith.cmpi sge, %add3A_124, %ge3A_139 : i32
      %convert_element_type3A_141 = arith.extui %ge3A_140 : i1 to i32
      %cond3A_142 = arith.constant 0 : i32
      %cond3A_143 = arith.cmpi ne, %convert_element_type3A_141, %cond3A_142 : i32
      scf.if %cond3A_143 {
        %dma_wait3A_181 = arith.constant 80 : i32
        %dma_wait3A_182 = arith.constant 0 : i32
        %dma_wait3A_183 = tpu.memref_slice %arg5[%dma_wait3A_181, %dma_wait3A_182] : memref<160x128xi32, #tpu.memory_space<vmem>> -> memref<1x128xi32, #tpu.memory_space<vmem>>
        %dma_wait3A_184 = tpu.memref_squeeze %dma_wait3A_183 : memref<1x128xi32, #tpu.memory_space<vmem>> -> memref<128xi32, #tpu.memory_space<vmem>>
        %dma_wait3A_185 = arith.constant 0 : i32
        %dma_wait3A_186 = arith.constant 0 : i32
        %dma_wait3A_187 = tpu.memref_slice %arg10[%dma_wait3A_185, %dma_wait3A_186] : memref<10080x64xf32, #tpu.memory_space<vmem_shared>> -> memref<10080x64xf32, #tpu.memory_space<vmem_shared>>
        tpu.wait_indirect_dma semaphore(%arg14 : memref<!tpu.dma_semaphore, #tpu.memory_space<semaphore_mem>>) src(%arg6 : memref<128x64xf32, #tpu.memory_space<vmem>>) dst(%dma_wait3A_187 : memref<10080x64xf32, #tpu.memory_space<vmem_shared>>)
      } else {
      }
      %add3A_144 = arith.constant 2 : i32
      %add3A_145 = arith.addi %add3A_124, %add3A_144 : i32
      %lt3A_146 = arith.constant 80 : i32
      %lt3A_147 = arith.cmpi slt, %add3A_145, %lt3A_146 : i32
      %convert_element_type3A_148 = arith.extui %lt3A_147 : i1 to i32
      %cond3A_149 = arith.constant 0 : i32
      %cond3A_150 = arith.cmpi ne, %convert_element_type3A_148, %cond3A_149 : i32
      scf.if %cond3A_150 {
        %add3A_181 = arith.constant 2 : i32
        %add3A_182 = arith.addi %add3A_124, %add3A_181 : i32
        %dma_start3A_183 = arith.constant 0 : i32
        %dma_start3A_184 = tpu.memref_slice %arg5[%add3A_182, %dma_start3A_183] : memref<160x128xi32, #tpu.memory_space<vmem>> -> memref<1x128xi32, #tpu.memory_space<vmem>>
        %dma_start3A_185 = tpu.memref_squeeze %dma_start3A_184 : memref<1x128xi32, #tpu.memory_space<vmem>> -> memref<128xi32, #tpu.memory_space<vmem>>
        %dma_start3A_186 = arith.constant 0 : i32
        %dma_start3A_187 = arith.constant 0 : i32
        %dma_start3A_188 = tpu.memref_slice %arg9[%dma_start3A_186, %dma_start3A_187] : memref<10000x64xf32, #tpu.memory_space<vmem_shared>> -> memref<10000x64xf32, #tpu.memory_space<vmem_shared>>
        tpu.enqueue_indirect_dma source(%dma_start3A_188 : memref<10000x64xf32, #tpu.memory_space<vmem_shared>>) target(%arg6 : memref<128x64xf32, #tpu.memory_space<vmem>>) offsets(%dma_start3A_185 : memref<128xi32, #tpu.memory_space<vmem>>) semaphore(%arg11 : memref<!tpu.dma_semaphore, #tpu.memory_space<semaphore_mem>>)
      } else {
      }
      %mul3A_151 = arith.constant 3 : i32
      %mul3A_152 = arith.muli %mul3A_151, %scan3A_91 : i32
      %add3A_153 = arith.constant 2 : i32
      %add3A_154 = arith.addi %mul3A_152, %add3A_153 : i32
      %dma_wait3A_155 = arith.constant 0 : i32
      %dma_wait3A_156 = tpu.memref_slice %arg5[%add3A_154, %dma_wait3A_155] : memref<160x128xi32, #tpu.memory_space<vmem>> -> memref<1x128xi32, #tpu.memory_space<vmem>>
      %dma_wait3A_157 = tpu.memref_squeeze %dma_wait3A_156 : memref<1x128xi32, #tpu.memory_space<vmem>> -> memref<128xi32, #tpu.memory_space<vmem>>
      %dma_wait3A_158 = arith.constant 0 : i32
      %dma_wait3A_159 = arith.constant 0 : i32
      %dma_wait3A_160 = tpu.memref_slice %arg9[%dma_wait3A_158, %dma_wait3A_159] : memref<10000x64xf32, #tpu.memory_space<vmem_shared>> -> memref<10000x64xf32, #tpu.memory_space<vmem_shared>>
      tpu.wait_indirect_dma semaphore(%arg13 : memref<!tpu.dma_semaphore, #tpu.memory_space<semaphore_mem>>) src(%dma_wait3A_160 : memref<10000x64xf32, #tpu.memory_space<vmem_shared>>) dst(%arg8 : memref<128x64xf32, #tpu.memory_space<vmem>>)
      %add3A_161 = arith.constant 80 : i32
      %add3A_162 = arith.addi %add3A_161, %add3A_154 : i32
      %dma_start3A_163 = arith.constant 0 : i32
      %dma_start3A_164 = tpu.memref_slice %arg5[%add3A_162, %dma_start3A_163] : memref<160x128xi32, #tpu.memory_space<vmem>> -> memref<1x128xi32, #tpu.memory_space<vmem>>
      %dma_start3A_165 = tpu.memref_squeeze %dma_start3A_164 : memref<1x128xi32, #tpu.memory_space<vmem>> -> memref<128xi32, #tpu.memory_space<vmem>>
      %dma_start3A_166 = arith.constant 0 : i32
      %dma_start3A_167 = arith.constant 0 : i32
      %dma_start3A_168 = tpu.memref_slice %arg10[%dma_start3A_166, %dma_start3A_167] : memref<10080x64xf32, #tpu.memory_space<vmem_shared>> -> memref<10080x64xf32, #tpu.memory_space<vmem_shared>>
      tpu.enqueue_indirect_dma source(%arg8 : memref<128x64xf32, #tpu.memory_space<vmem>>) target(%dma_start3A_168 : memref<10080x64xf32, #tpu.memory_space<vmem_shared>>) offsets(%dma_start3A_165 : memref<128xi32, #tpu.memory_space<vmem>>) semaphore(%arg16 : memref<!tpu.dma_semaphore, #tpu.memory_space<semaphore_mem>>) {add = true}
      %ge3A_169 = arith.constant 1 : i32
      %ge3A_170 = arith.cmpi sge, %add3A_154, %ge3A_169 : i32
      %convert_element_type3A_171 = arith.extui %ge3A_170 : i1 to i32
      %cond3A_172 = arith.constant 0 : i32
      %cond3A_173 = arith.cmpi ne, %convert_element_type3A_171, %cond3A_172 : i32
      scf.if %cond3A_173 {
        %dma_wait3A_181 = arith.constant 80 : i32
        %dma_wait3A_182 = arith.constant 0 : i32
        %dma_wait3A_183 = tpu.memref_slice %arg5[%dma_wait3A_181, %dma_wait3A_182] : memref<160x128xi32, #tpu.memory_space<vmem>> -> memref<1x128xi32, #tpu.memory_space<vmem>>
        %dma_wait3A_184 = tpu.memref_squeeze %dma_wait3A_183 : memref<1x128xi32, #tpu.memory_space<vmem>> -> memref<128xi32, #tpu.memory_space<vmem>>
        %dma_wait3A_185 = arith.constant 0 : i32
        %dma_wait3A_186 = arith.constant 0 : i32
        %dma_wait3A_187 = tpu.memref_slice %arg10[%dma_wait3A_185, %dma_wait3A_186] : memref<10080x64xf32, #tpu.memory_space<vmem_shared>> -> memref<10080x64xf32, #tpu.memory_space<vmem_shared>>
        tpu.wait_indirect_dma semaphore(%arg15 : memref<!tpu.dma_semaphore, #tpu.memory_space<semaphore_mem>>) src(%arg7 : memref<128x64xf32, #tpu.memory_space<vmem>>) dst(%dma_wait3A_187 : memref<10080x64xf32, #tpu.memory_space<vmem_shared>>)
      } else {
      }
      %add3A_174 = arith.constant 2 : i32
      %add3A_175 = arith.addi %add3A_154, %add3A_174 : i32
      %lt3A_176 = arith.constant 80 : i32
      %lt3A_177 = arith.cmpi slt, %add3A_175, %lt3A_176 : i32
      %convert_element_type3A_178 = arith.extui %lt3A_177 : i1 to i32
      %cond3A_179 = arith.constant 0 : i32
      %cond3A_180 = arith.cmpi ne, %convert_element_type3A_178, %cond3A_179 : i32
      scf.if %cond3A_180 {
        %add3A_181 = arith.constant 2 : i32
        %add3A_182 = arith.addi %add3A_154, %add3A_181 : i32
        %dma_start3A_183 = arith.constant 0 : i32
        %dma_start3A_184 = tpu.memref_slice %arg5[%add3A_182, %dma_start3A_183] : memref<160x128xi32, #tpu.memory_space<vmem>> -> memref<1x128xi32, #tpu.memory_space<vmem>>
        %dma_start3A_185 = tpu.memref_squeeze %dma_start3A_184 : memref<1x128xi32, #tpu.memory_space<vmem>> -> memref<128xi32, #tpu.memory_space<vmem>>
        %dma_start3A_186 = arith.constant 0 : i32
        %dma_start3A_187 = arith.constant 0 : i32
        %dma_start3A_188 = tpu.memref_slice %arg9[%dma_start3A_186, %dma_start3A_187] : memref<10000x64xf32, #tpu.memory_space<vmem_shared>> -> memref<10000x64xf32, #tpu.memory_space<vmem_shared>>
        tpu.enqueue_indirect_dma source(%dma_start3A_188 : memref<10000x64xf32, #tpu.memory_space<vmem_shared>>) target(%arg7 : memref<128x64xf32, #tpu.memory_space<vmem>>) offsets(%dma_start3A_185 : memref<128xi32, #tpu.memory_space<vmem>>) semaphore(%arg12 : memref<!tpu.dma_semaphore, #tpu.memory_space<semaphore_mem>>)
      } else {
      }
    }
    %scan3A_31 = arith.constant 26 : i32
    %dma_wait3A = arith.constant 78 : i32
    %dma_wait3A_32 = arith.constant 0 : i32
    %dma_wait3A_33 = tpu.memref_slice %arg5[%dma_wait3A, %dma_wait3A_32] : memref<160x128xi32, #tpu.memory_space<vmem>> -> memref<1x128xi32, #tpu.memory_space<vmem>>
    %dma_wait3A_34 = tpu.memref_squeeze %dma_wait3A_33 : memref<1x128xi32, #tpu.memory_space<vmem>> -> memref<128xi32, #tpu.memory_space<vmem>>
    %dma_wait3A_35 = arith.constant 0 : i32
    %dma_wait3A_36 = arith.constant 0 : i32
    %dma_wait3A_37 = tpu.memref_slice %arg9[%dma_wait3A_35, %dma_wait3A_36] : memref<10000x64xf32, #tpu.memory_space<vmem_shared>> -> memref<10000x64xf32, #tpu.memory_space<vmem_shared>>
    tpu.wait_indirect_dma semaphore(%arg11 : memref<!tpu.dma_semaphore, #tpu.memory_space<semaphore_mem>>) src(%dma_wait3A_37 : memref<10000x64xf32, #tpu.memory_space<vmem_shared>>) dst(%arg6 : memref<128x64xf32, #tpu.memory_space<vmem>>)
    %dma_start3A_38 = arith.constant 158 : i32
    %dma_start3A_39 = arith.constant 0 : i32
    %dma_start3A_40 = tpu.memref_slice %arg5[%dma_start3A_38, %dma_start3A_39] : memref<160x128xi32, #tpu.memory_space<vmem>> -> memref<1x128xi32, #tpu.memory_space<vmem>>
    %dma_start3A_41 = tpu.memref_squeeze %dma_start3A_40 : memref<1x128xi32, #tpu.memory_space<vmem>> -> memref<128xi32, #tpu.memory_space<vmem>>
    %dma_start3A_42 = arith.constant 0 : i32
    %dma_start3A_43 = arith.constant 0 : i32
    %dma_start3A_44 = tpu.memref_slice %arg10[%dma_start3A_42, %dma_start3A_43] : memref<10080x64xf32, #tpu.memory_space<vmem_shared>> -> memref<10080x64xf32, #tpu.memory_space<vmem_shared>>
    tpu.enqueue_indirect_dma source(%arg6 : memref<128x64xf32, #tpu.memory_space<vmem>>) target(%dma_start3A_44 : memref<10080x64xf32, #tpu.memory_space<vmem_shared>>) offsets(%dma_start3A_41 : memref<128xi32, #tpu.memory_space<vmem>>) semaphore(%arg14 : memref<!tpu.dma_semaphore, #tpu.memory_space<semaphore_mem>>) {add = true}
    %dma_wait3A_45 = arith.constant 80 : i32
    %dma_wait3A_46 = arith.constant 0 : i32
    %dma_wait3A_47 = tpu.memref_slice %arg5[%dma_wait3A_45, %dma_wait3A_46] : memref<160x128xi32, #tpu.memory_space<vmem>> -> memref<1x128xi32, #tpu.memory_space<vmem>>
    %dma_wait3A_48 = tpu.memref_squeeze %dma_wait3A_47 : memref<1x128xi32, #tpu.memory_space<vmem>> -> memref<128xi32, #tpu.memory_space<vmem>>
    %dma_wait3A_49 = arith.constant 0 : i32
    %dma_wait3A_50 = arith.constant 0 : i32
    %dma_wait3A_51 = tpu.memref_slice %arg10[%dma_wait3A_49, %dma_wait3A_50] : memref<10080x64xf32, #tpu.memory_space<vmem_shared>> -> memref<10080x64xf32, #tpu.memory_space<vmem_shared>>
    tpu.wait_indirect_dma semaphore(%arg16 : memref<!tpu.dma_semaphore, #tpu.memory_space<semaphore_mem>>) src(%arg8 : memref<128x64xf32, #tpu.memory_space<vmem>>) dst(%dma_wait3A_51 : memref<10080x64xf32, #tpu.memory_space<vmem_shared>>)
    %dma_wait3A_52 = arith.constant 79 : i32
    %dma_wait3A_53 = arith.constant 0 : i32
    %dma_wait3A_54 = tpu.memref_slice %arg5[%dma_wait3A_52, %dma_wait3A_53] : memref<160x128xi32, #tpu.memory_space<vmem>> -> memref<1x128xi32, #tpu.memory_space<vmem>>
    %dma_wait3A_55 = tpu.memref_squeeze %dma_wait3A_54 : memref<1x128xi32, #tpu.memory_space<vmem>> -> memref<128xi32, #tpu.memory_space<vmem>>
    %dma_wait3A_56 = arith.constant 0 : i32
    %dma_wait3A_57 = arith.constant 0 : i32
    %dma_wait3A_58 = tpu.memref_slice %arg9[%dma_wait3A_56, %dma_wait3A_57] : memref<10000x64xf32, #tpu.memory_space<vmem_shared>> -> memref<10000x64xf32, #tpu.memory_space<vmem_shared>>
    tpu.wait_indirect_dma semaphore(%arg12 : memref<!tpu.dma_semaphore, #tpu.memory_space<semaphore_mem>>) src(%dma_wait3A_58 : memref<10000x64xf32, #tpu.memory_space<vmem_shared>>) dst(%arg7 : memref<128x64xf32, #tpu.memory_space<vmem>>)
    %dma_start3A_59 = arith.constant 159 : i32
    %dma_start3A_60 = arith.constant 0 : i32
    %dma_start3A_61 = tpu.memref_slice %arg5[%dma_start3A_59, %dma_start3A_60] : memref<160x128xi32, #tpu.memory_space<vmem>> -> memref<1x128xi32, #tpu.memory_space<vmem>>
    %dma_start3A_62 = tpu.memref_squeeze %dma_start3A_61 : memref<1x128xi32, #tpu.memory_space<vmem>> -> memref<128xi32, #tpu.memory_space<vmem>>
    %dma_start3A_63 = arith.constant 0 : i32
    %dma_start3A_64 = arith.constant 0 : i32
    %dma_start3A_65 = tpu.memref_slice %arg10[%dma_start3A_63, %dma_start3A_64] : memref<10080x64xf32, #tpu.memory_space<vmem_shared>> -> memref<10080x64xf32, #tpu.memory_space<vmem_shared>>
    tpu.enqueue_indirect_dma source(%arg7 : memref<128x64xf32, #tpu.memory_space<vmem>>) target(%dma_start3A_65 : memref<10080x64xf32, #tpu.memory_space<vmem_shared>>) offsets(%dma_start3A_62 : memref<128xi32, #tpu.memory_space<vmem>>) semaphore(%arg15 : memref<!tpu.dma_semaphore, #tpu.memory_space<semaphore_mem>>) {add = true}
    %dma_wait3A_66 = arith.constant 80 : i32
    %dma_wait3A_67 = arith.constant 0 : i32
    %dma_wait3A_68 = tpu.memref_slice %arg5[%dma_wait3A_66, %dma_wait3A_67] : memref<160x128xi32, #tpu.memory_space<vmem>> -> memref<1x128xi32, #tpu.memory_space<vmem>>
    %dma_wait3A_69 = tpu.memref_squeeze %dma_wait3A_68 : memref<1x128xi32, #tpu.memory_space<vmem>> -> memref<128xi32, #tpu.memory_space<vmem>>
    %dma_wait3A_70 = arith.constant 0 : i32
    %dma_wait3A_71 = arith.constant 0 : i32
    %dma_wait3A_72 = tpu.memref_slice %arg10[%dma_wait3A_70, %dma_wait3A_71] : memref<10080x64xf32, #tpu.memory_space<vmem_shared>> -> memref<10080x64xf32, #tpu.memory_space<vmem_shared>>
    tpu.wait_indirect_dma semaphore(%arg14 : memref<!tpu.dma_semaphore, #tpu.memory_space<semaphore_mem>>) src(%arg6 : memref<128x64xf32, #tpu.memory_space<vmem>>) dst(%dma_wait3A_72 : memref<10080x64xf32, #tpu.memory_space<vmem_shared>>)
    %dma_wait3A_73 = arith.constant 80 : i32
    %dma_wait3A_74 = arith.constant 0 : i32
    %dma_wait3A_75 = tpu.memref_slice %arg5[%dma_wait3A_73, %dma_wait3A_74] : memref<160x128xi32, #tpu.memory_space<vmem>> -> memref<1x128xi32, #tpu.memory_space<vmem>>
    %dma_wait3A_76 = tpu.memref_squeeze %dma_wait3A_75 : memref<1x128xi32, #tpu.memory_space<vmem>> -> memref<128xi32, #tpu.memory_space<vmem>>
    %dma_wait3A_77 = arith.constant 0 : i32
    %dma_wait3A_78 = arith.constant 0 : i32
    %dma_wait3A_79 = tpu.memref_slice %arg10[%dma_wait3A_77, %dma_wait3A_78] : memref<10080x64xf32, #tpu.memory_space<vmem_shared>> -> memref<10080x64xf32, #tpu.memory_space<vmem_shared>>
    tpu.wait_indirect_dma semaphore(%arg15 : memref<!tpu.dma_semaphore, #tpu.memory_space<semaphore_mem>>) src(%arg7 : memref<128x64xf32, #tpu.memory_space<vmem>>) dst(%dma_wait3A_79 : memref<10080x64xf32, #tpu.memory_space<vmem_shared>>)
    %barrier3A_80 = arith.constant 0 : index
    tpu.barrier barrier_id(%barrier3A_80)
    %lt3A_81 = arith.constant 15 : i32
    %lt3A_82 = arith.cmpi slt, %arg1, %lt3A_81 : i32
    %convert_element_type3A_83 = arith.extui %lt3A_82 : i1 to i32
    %cond3A_84 = arith.constant 0 : i32
    %cond3A_85 = arith.cmpi ne, %convert_element_type3A_83, %cond3A_84 : i32
    scf.if %cond3A_85 {
      %mul3A_91 = arith.constant 640 : i32
      %mul3A_92 = arith.muli %mul3A_91, %arg1 : i32
      %mul3A_93 = arith.constant 640 : i32
      %mul3A_94 = arith.muli %mul3A_93, %arg1 : i32
      "tpu.region"() ({
        %run_scoped3A_95 = tpu.sem_alloc : memref<!tpu.dma_semaphore, #tpu.memory_space<semaphore_mem>>
        %dma_start3A_96 = arith.constant 0 : i32
        %dma_start3A_97 = tpu.memref_slice %arg4[%arg0, %mul3A_94, %dma_start3A_96] : memref<2x10000x64xf32, #tpu.memory_space<hbm>> -> memref<1x640x64xf32, #tpu.memory_space<hbm>>
        %dma_start3A_98 = tpu.memref_squeeze %dma_start3A_97 : memref<1x640x64xf32, #tpu.memory_space<hbm>> -> memref<640x64xf32, #tpu.memory_space<hbm>>
        %dma_start3A_99 = arith.constant 0 : i32
        %dma_start3A_100 = tpu.memref_slice %arg10[%mul3A_92, %dma_start3A_99] : memref<10080x64xf32, #tpu.memory_space<vmem_shared>> -> memref<640x64xf32, #tpu.memory_space<vmem_shared>>
        tpu.enqueue_dma source(%dma_start3A_100 : memref<640x64xf32, #tpu.memory_space<vmem_shared>>) target(%dma_start3A_98 : memref<640x64xf32, #tpu.memory_space<hbm>>) target_semaphore(%run_scoped3A_95 : memref<!tpu.dma_semaphore, #tpu.memory_space<semaphore_mem>>)
        %dma_wait3A_101 = arith.constant 0 : i32
        %dma_wait3A_102 = tpu.memref_slice %arg4[%arg0, %mul3A_94, %dma_wait3A_101] : memref<2x10000x64xf32, #tpu.memory_space<hbm>> -> memref<1x640x64xf32, #tpu.memory_space<hbm>>
        %dma_wait3A_103 = tpu.memref_squeeze %dma_wait3A_102 : memref<1x640x64xf32, #tpu.memory_space<hbm>> -> memref<640x64xf32, #tpu.memory_space<hbm>>
        %dma_wait3A_104 = arith.constant 0 : i32
        %dma_wait3A_105 = tpu.memref_slice %arg10[%mul3A_92, %dma_wait3A_104] : memref<10080x64xf32, #tpu.memory_space<vmem_shared>> -> memref<640x64xf32, #tpu.memory_space<vmem_shared>>
        tpu.wait_dma2 semaphore(%run_scoped3A_95 : memref<!tpu.dma_semaphore, #tpu.memory_space<semaphore_mem>>) src(%dma_wait3A_105 : memref<640x64xf32, #tpu.memory_space<vmem_shared>>) dst(%dma_wait3A_103 : memref<640x64xf32, #tpu.memory_space<hbm>>)
        tpu.yield
      }) : () -> ()
    } else {
    }
    %eq3A_86 = arith.constant 15 : i32
    %eq3A_87 = arith.cmpi eq, %arg1, %eq3A_86 : i32
    %convert_element_type3A_88 = arith.extui %eq3A_87 : i1 to i32
    %cond3A_89 = arith.constant 0 : i32
    %cond3A_90 = arith.cmpi ne, %convert_element_type3A_88, %cond3A_89 : i32
    scf.if %cond3A_90 {
      "tpu.region"() ({
        %run_scoped3A_91 = tpu.sem_alloc : memref<!tpu.dma_semaphore, #tpu.memory_space<semaphore_mem>>
        %dma_start3A_92 = arith.constant 9600 : i32
        %dma_start3A_93 = arith.constant 0 : i32
        %dma_start3A_94 = tpu.memref_slice %arg4[%arg0, %dma_start3A_92, %dma_start3A_93] : memref<2x10000x64xf32, #tpu.memory_space<hbm>> -> memref<1x400x64xf32, #tpu.memory_space<hbm>>
        %dma_start3A_95 = tpu.memref_squeeze %dma_start3A_94 : memref<1x400x64xf32, #tpu.memory_space<hbm>> -> memref<400x64xf32, #tpu.memory_space<hbm>>
        %dma_start3A_96 = arith.constant 9600 : i32
        %dma_start3A_97 = arith.constant 0 : i32
        %dma_start3A_98 = tpu.memref_slice %arg10[%dma_start3A_96, %dma_start3A_97] : memref<10080x64xf32, #tpu.memory_space<vmem_shared>> -> memref<400x64xf32, #tpu.memory_space<vmem_shared>>
        tpu.enqueue_dma source(%dma_start3A_98 : memref<400x64xf32, #tpu.memory_space<vmem_shared>>) target(%dma_start3A_95 : memref<400x64xf32, #tpu.memory_space<hbm>>) target_semaphore(%run_scoped3A_91 : memref<!tpu.dma_semaphore, #tpu.memory_space<semaphore_mem>>)
        %dma_wait3A_99 = arith.constant 9600 : i32
        %dma_wait3A_100 = arith.constant 0 : i32
        %dma_wait3A_101 = tpu.memref_slice %arg4[%arg0, %dma_wait3A_99, %dma_wait3A_100] : memref<2x10000x64xf32, #tpu.memory_space<hbm>> -> memref<1x400x64xf32, #tpu.memory_space<hbm>>
        %dma_wait3A_102 = tpu.memref_squeeze %dma_wait3A_101 : memref<1x400x64xf32, #tpu.memory_space<hbm>> -> memref<400x64xf32, #tpu.memory_space<hbm>>
        %dma_wait3A_103 = arith.constant 9600 : i32
        %dma_wait3A_104 = arith.constant 0 : i32
        %dma_wait3A_105 = tpu.memref_slice %arg10[%dma_wait3A_103, %dma_wait3A_104] : memref<10080x64xf32, #tpu.memory_space<vmem_shared>> -> memref<400x64xf32, #tpu.memory_space<vmem_shared>>
        tpu.wait_dma2 semaphore(%run_scoped3A_91 : memref<!tpu.dma_semaphore, #tpu.memory_space<semaphore_mem>>) src(%dma_wait3A_105 : memref<400x64xf32, #tpu.memory_space<vmem_shared>>) dst(%dma_wait3A_102 : memref<400x64xf32, #tpu.memory_space<hbm>>)
        tpu.yield
      }) : () -> ()
    } else {
    }
    return
  }
}

#map = affine_map<(d0, d1) -> (0, 0)>
#map1 = affine_map<(d0, d1) -> (0, 0, 0, 0)>
#map2 = affine_map<(d0, d1) -> (0, 0, 0)>
module attributes {stable_mosaic.version = 14 : i64} {
  func.func @_agg_kernel(%arg0: i32, %arg1: i32, %arg2: memref<10000x64xf32, #tpu.memory_space<hbm>>, %arg3: memref<2x32x80x128xi32, #tpu.memory_space<hbm>>, %arg4: memref<2x10000x64xf32, #tpu.memory_space<hbm>>, %arg5: memref<160x128xi32, #tpu.memory_space<vmem>>, %arg6: memref<128x64xf32, #tpu.memory_space<vmem>>, %arg7: memref<128x64xf32, #tpu.memory_space<vmem>>, %arg8: memref<128x64xf32, #tpu.memory_space<vmem>>, %arg9: memref<10000x64xf32, #tpu.memory_space<vmem_shared>>, %arg10: memref<10080x64xf32, #tpu.memory_space<vmem_shared>>, %arg11: memref<!tpu.dma_semaphore, #tpu.memory_space<semaphore_mem>>, %arg12: memref<!tpu.dma_semaphore, #tpu.memory_space<semaphore_mem>>, %arg13: memref<!tpu.dma_semaphore, #tpu.memory_space<semaphore_mem>>, %arg14: memref<!tpu.dma_semaphore, #tpu.memory_space<semaphore_mem>>, %arg15: memref<!tpu.dma_semaphore, #tpu.memory_space<semaphore_mem>>, %arg16: memref<!tpu.dma_semaphore, #tpu.memory_space<semaphore_mem>>) attributes {dimension_semantics = [#tpu.dimension_semantics<core_parallel>, #tpu.dimension_semantics<subcore_parallel>], iteration_bounds = array<i64: 2, 16>, scalar_prefetch = 0 : i64, scratch_operands = 12 : i64, tpu.core_type = #tpu.core_type<sc_vector_subcore>, window_params = [{transform_indices = #map}, {transform_indices = #map1}, {transform_indices = #map2}]} {
    %mul3A = arith.constant 2 : i32
    %mul3A_0 = arith.muli %arg1, %mul3A : i32
    %add3A = arith.addi %mul3A_0, %arg0 : i32
    %broadcast_in_dim3A = arith.constant 0.000000e+00 : f32
    %broadcast_in_dim3A_1 = vector.broadcast %broadcast_in_dim3A : f32 to vector<16xf32>
    %scan3A = arith.constant 0 : i32
    %scan3A_2 = arith.constant 128 : i32
    %scan3A_3 = arith.addi %scan3A, %scan3A_2 : i32
    %scan3A_4 = arith.constant 1 : i32
    scf.for %scan3A_91 = %scan3A to %scan3A_3 step %scan3A_4  : i32 {
      %mul3A_92 = arith.constant 1 : i32
      %mul3A_93 = arith.muli %scan3A_91, %mul3A_92 : i32
      %add3A_94 = arith.constant 0 : i32
      %add3A_95 = arith.addi %add3A_94, %mul3A_93 : i32
      %swap3A = arith.index_cast %add3A_95 : i32 to index
      %swap3A_96 = arith.constant 0 : index
      %swap3A_97 = tpu.vector_load %arg6[%swap3A, %swap3A_96] {strides = array<i32>} : memref<128x64xf32, #tpu.memory_space<vmem>>, vector<1x16xf32>,
      %swap3A_98 = vector.shape_cast %swap3A_97 : vector<1x16xf32> to vector<16xf32>
      %swap3A_99 = vector.shape_cast %broadcast_in_dim3A_1 : vector<16xf32> to vector<1x16xf32>
      tpu.vector_store %arg6[%swap3A, %swap3A_96], %swap3A_99 {strides = array<i32>} : memref<128x64xf32, #tpu.memory_space<vmem>>, vector<1x16xf32>,
      %swap3A_100 = arith.index_cast %add3A_95 : i32 to index
      %swap3A_101 = arith.constant 16 : index
      %swap3A_102 = tpu.vector_load %arg6[%swap3A_100, %swap3A_101] {strides = array<i32>} : memref<128x64xf32, #tpu.memory_space<vmem>>, vector<1x16xf32>,
      %swap3A_103 = vector.shape_cast %swap3A_102 : vector<1x16xf32> to vector<16xf32>
      %swap3A_104 = vector.shape_cast %broadcast_in_dim3A_1 : vector<16xf32> to vector<1x16xf32>
      tpu.vector_store %arg6[%swap3A_100, %swap3A_101], %swap3A_104 {strides = array<i32>} : memref<128x64xf32, #tpu.memory_space<vmem>>, vector<1x16xf32>,
      %swap3A_105 = arith.index_cast %add3A_95 : i32 to index
      %swap3A_106 = arith.constant 32 : index
      %swap3A_107 = tpu.vector_load %arg6[%swap3A_105, %swap3A_106] {strides = array<i32>} : memref<128x64xf32, #tpu.memory_space<vmem>>, vector<1x16xf32>,
      %swap3A_108 = vector.shape_cast %swap3A_107 : vector<1x16xf32> to vector<16xf32>
      %swap3A_109 = vector.shape_cast %broadcast_in_dim3A_1 : vector<16xf32> to vector<1x16xf32>
      tpu.vector_store %arg6[%swap3A_105, %swap3A_106], %swap3A_109 {strides = array<i32>} : memref<128x64xf32, #tpu.memory_space<vmem>>, vector<1x16xf32>,
      %swap3A_110 = arith.index_cast %add3A_95 : i32 to index
      %swap3A_111 = arith.constant 48 : index
      %swap3A_112 = tpu.vector_load %arg6[%swap3A_110, %swap3A_111] {strides = array<i32>} : memref<128x64xf32, #tpu.memory_space<vmem>>, vector<1x16xf32>,
      %swap3A_113 = vector.shape_cast %swap3A_112 : vector<1x16xf32> to vector<16xf32>
      %swap3A_114 = vector.shape_cast %broadcast_in_dim3A_1 : vector<16xf32> to vector<1x16xf32>
      tpu.vector_store %arg6[%swap3A_110, %swap3A_111], %swap3A_114 {strides = array<i32>} : memref<128x64xf32, #tpu.memory_space<vmem>>, vector<1x16xf32>,
    }
    %scan3A_5 = arith.constant 128 : i32
    %run_scoped3A = arith.constant 0 : i32
    "tpu.region"() ({
      %run_scoped3A_91 = tpu.sem_alloc : memref<!tpu.dma_semaphore, #tpu.memory_space<semaphore_mem>>
      %dma_start3A_92 = arith.constant 0 : i32
      %dma_start3A_93 = arith.constant 0 : i32
      %dma_start3A_94 = tpu.memref_slice %arg5[%dma_start3A_92, %dma_start3A_93] : memref<160x128xi32, #tpu.memory_space<vmem>> -> memref<80x128xi32, #tpu.memory_space<vmem>>
      %dma_start3A_95 = arith.constant 0 : i32
      %dma_start3A_96 = arith.constant 0 : i32
      %dma_start3A_97 = tpu.memref_slice %arg3[%run_scoped3A, %add3A, %dma_start3A_95, %dma_start3A_96] : memref<2x32x80x128xi32, #tpu.memory_space<hbm>> -> memref<1x1x80x128xi32, #tpu.memory_space<hbm>>
      %dma_start3A_98 = tpu.memref_squeeze %dma_start3A_97 : memref<1x1x80x128xi32, #tpu.memory_space<hbm>> -> memref<80x128xi32, #tpu.memory_space<hbm>>
      %dma_start3A_99 = arith.constant 0 : i32
      %dma_start3A_100 = arith.constant 0 : i32
      %dma_start3A_101 = tpu.memref_slice %arg5[%dma_start3A_99, %dma_start3A_100] : memref<160x128xi32, #tpu.memory_space<vmem>> -> memref<80x128xi32, #tpu.memory_space<vmem>>
      %dma_start3A_102 = arith.constant 0 : i32
      %dma_start3A_103 = arith.constant 0 : i32
      %dma_start3A_104 = tpu.memref_slice %arg3[%run_scoped3A, %add3A, %dma_start3A_102, %dma_start3A_103] : memref<2x32x80x128xi32, #tpu.memory_space<hbm>> -> memref<1x1x80x128xi32, #tpu.memory_space<hbm>>
      %dma_start3A_105 = tpu.memref_squeeze %dma_start3A_104 : memref<1x1x80x128xi32, #tpu.memory_space<hbm>> -> memref<80x128xi32, #tpu.memory_space<hbm>>
      tpu.enqueue_dma source(%dma_start3A_105 : memref<80x128xi32, #tpu.memory_space<hbm>>) target(%dma_start3A_101 : memref<80x128xi32, #tpu.memory_space<vmem>>) target_semaphore(%run_scoped3A_91 : memref<!tpu.dma_semaphore, #tpu.memory_space<semaphore_mem>>)
      %dma_wait3A_106 = arith.constant 0 : i32
      %dma_wait3A_107 = arith.constant 0 : i32
      %dma_wait3A_108 = tpu.memref_slice %arg5[%dma_wait3A_106, %dma_wait3A_107] : memref<160x128xi32, #tpu.memory_space<vmem>> -> memref<80x128xi32, #tpu.memory_space<vmem>>
      %dma_wait3A_109 = arith.constant 0 : i32
      %dma_wait3A_110 = arith.constant 0 : i32
      %dma_wait3A_111 = tpu.memref_slice %arg3[%run_scoped3A, %add3A, %dma_wait3A_109, %dma_wait3A_110] : memref<2x32x80x128xi32, #tpu.memory_space<hbm>> -> memref<1x1x80x128xi32, #tpu.memory_space<hbm>>
      %dma_wait3A_112 = tpu.memref_squeeze %dma_wait3A_111 : memref<1x1x80x128xi32, #tpu.memory_space<hbm>> -> memref<80x128xi32, #tpu.memory_space<hbm>>
      %dma_wait3A_113 = arith.constant 0 : i32
      %dma_wait3A_114 = arith.constant 0 : i32
      %dma_wait3A_115 = tpu.memref_slice %arg5[%dma_wait3A_113, %dma_wait3A_114] : memref<160x128xi32, #tpu.memory_space<vmem>> -> memref<80x128xi32, #tpu.memory_space<vmem>>
      %dma_wait3A_116 = arith.constant 0 : i32
      %dma_wait3A_117 = arith.constant 0 : i32
      %dma_wait3A_118 = tpu.memref_slice %arg3[%run_scoped3A, %add3A, %dma_wait3A_116, %dma_wait3A_117] : memref<2x32x80x128xi32, #tpu.memory_space<hbm>> -> memref<1x1x80x128xi32, #tpu.memory_space<hbm>>
      %dma_wait3A_119 = tpu.memref_squeeze %dma_wait3A_118 : memref<1x1x80x128xi32, #tpu.memory_space<hbm>> -> memref<80x128xi32, #tpu.memory_space<hbm>>
      tpu.wait_dma2 semaphore(%run_scoped3A_91 : memref<!tpu.dma_semaphore, #tpu.memory_space<semaphore_mem>>) src(%dma_wait3A_119 : memref<80x128xi32, #tpu.memory_space<hbm>>) dst(%dma_wait3A_115 : memref<80x128xi32, #tpu.memory_space<vmem>>)
      tpu.yield
    }) : () -> ()
    %run_scoped3A_6 = arith.constant 1 : i32
    "tpu.region"() ({
      %run_scoped3A_91 = tpu.sem_alloc : memref<!tpu.dma_semaphore, #tpu.memory_space<semaphore_mem>>
      %dma_start3A_92 = arith.constant 80 : i32
      %dma_start3A_93 = arith.constant 0 : i32
      %dma_start3A_94 = tpu.memref_slice %arg5[%dma_start3A_92, %dma_start3A_93] : memref<160x128xi32, #tpu.memory_space<vmem>> -> memref<80x128xi32, #tpu.memory_space<vmem>>
      %dma_start3A_95 = arith.constant 0 : i32
      %dma_start3A_96 = arith.constant 0 : i32
      %dma_start3A_97 = tpu.memref_slice %arg3[%run_scoped3A_6, %add3A, %dma_start3A_95, %dma_start3A_96] : memref<2x32x80x128xi32, #tpu.memory_space<hbm>> -> memref<1x1x80x128xi32, #tpu.memory_space<hbm>>
      %dma_start3A_98 = tpu.memref_squeeze %dma_start3A_97 : memref<1x1x80x128xi32, #tpu.memory_space<hbm>> -> memref<80x128xi32, #tpu.memory_space<hbm>>
      %dma_start3A_99 = arith.constant 80 : i32
      %dma_start3A_100 = arith.constant 0 : i32
      %dma_start3A_101 = tpu.memref_slice %arg5[%dma_start3A_99, %dma_start3A_100] : memref<160x128xi32, #tpu.memory_space<vmem>> -> memref<80x128xi32, #tpu.memory_space<vmem>>
      %dma_start3A_102 = arith.constant 0 : i32
      %dma_start3A_103 = arith.constant 0 : i32
      %dma_start3A_104 = tpu.memref_slice %arg3[%run_scoped3A_6, %add3A, %dma_start3A_102, %dma_start3A_103] : memref<2x32x80x128xi32, #tpu.memory_space<hbm>> -> memref<1x1x80x128xi32, #tpu.memory_space<hbm>>
      %dma_start3A_105 = tpu.memref_squeeze %dma_start3A_104 : memref<1x1x80x128xi32, #tpu.memory_space<hbm>> -> memref<80x128xi32, #tpu.memory_space<hbm>>
      tpu.enqueue_dma source(%dma_start3A_105 : memref<80x128xi32, #tpu.memory_space<hbm>>) target(%dma_start3A_101 : memref<80x128xi32, #tpu.memory_space<vmem>>) target_semaphore(%run_scoped3A_91 : memref<!tpu.dma_semaphore, #tpu.memory_space<semaphore_mem>>)
      %dma_wait3A_106 = arith.constant 80 : i32
      %dma_wait3A_107 = arith.constant 0 : i32
      %dma_wait3A_108 = tpu.memref_slice %arg5[%dma_wait3A_106, %dma_wait3A_107] : memref<160x128xi32, #tpu.memory_space<vmem>> -> memref<80x128xi32, #tpu.memory_space<vmem>>
      %dma_wait3A_109 = arith.constant 0 : i32
      %dma_wait3A_110 = arith.constant 0 : i32
      %dma_wait3A_111 = tpu.memref_slice %arg3[%run_scoped3A_6, %add3A, %dma_wait3A_109, %dma_wait3A_110] : memref<2x32x80x128xi32, #tpu.memory_space<hbm>> -> memref<1x1x80x128xi32, #tpu.memory_space<hbm>>
      %dma_wait3A_112 = tpu.memref_squeeze %dma_wait3A_111 : memref<1x1x80x128xi32, #tpu.memory_space<hbm>> -> memref<80x128xi32, #tpu.memory_space<hbm>>
      %dma_wait3A_113 = arith.constant 80 : i32
      %dma_wait3A_114 = arith.constant 0 : i32
      %dma_wait3A_115 = tpu.memref_slice %arg5[%dma_wait3A_113, %dma_wait3A_114] : memref<160x128xi32, #tpu.memory_space<vmem>> -> memref<80x128xi32, #tpu.memory_space<vmem>>
      %dma_wait3A_116 = arith.constant 0 : i32
      %dma_wait3A_117 = arith.constant 0 : i32
      %dma_wait3A_118 = tpu.memref_slice %arg3[%run_scoped3A_6, %add3A, %dma_wait3A_116, %dma_wait3A_117] : memref<2x32x80x128xi32, #tpu.memory_space<hbm>> -> memref<1x1x80x128xi32, #tpu.memory_space<hbm>>
      %dma_wait3A_119 = tpu.memref_squeeze %dma_wait3A_118 : memref<1x1x80x128xi32, #tpu.memory_space<hbm>> -> memref<80x128xi32, #tpu.memory_space<hbm>>
      tpu.wait_dma2 semaphore(%run_scoped3A_91 : memref<!tpu.dma_semaphore, #tpu.memory_space<semaphore_mem>>) src(%dma_wait3A_119 : memref<80x128xi32, #tpu.memory_space<hbm>>) dst(%dma_wait3A_115 : memref<80x128xi32, #tpu.memory_space<vmem>>)
      tpu.yield
    }) : () -> ()
    %lt3A = arith.constant 15 : i32
    %lt3A_7 = arith.cmpi slt, %arg1, %lt3A : i32
    %convert_element_type3A = arith.extui %lt3A_7 : i1 to i32
    %cond3A = arith.constant 0 : i32
    %cond3A_8 = arith.cmpi ne, %convert_element_type3A, %cond3A : i32
    scf.if %cond3A_8 {
      %mul3A_91 = arith.constant 640 : i32
      %mul3A_92 = arith.muli %mul3A_91, %arg1 : i32
      %add3A_93 = arith.constant 0 : i32
      %add3A_94 = arith.addi %mul3A_92, %add3A_93 : i32
      "tpu.region"() ({
        %run_scoped3A_115 = tpu.sem_alloc : memref<!tpu.dma_semaphore, #tpu.memory_space<semaphore_mem>>
        %dma_start3A_116 = arith.constant 0 : i32
        %dma_start3A_117 = tpu.memref_slice %arg10[%add3A_94, %dma_start3A_116] : memref<10080x64xf32, #tpu.memory_space<vmem_shared>> -> memref<128x64xf32, #tpu.memory_space<vmem_shared>>
        %dma_start3A_118 = arith.constant 0 : i32
        %dma_start3A_119 = tpu.memref_slice %arg10[%add3A_94, %dma_start3A_118] : memref<10080x64xf32, #tpu.memory_space<vmem_shared>> -> memref<128x64xf32, #tpu.memory_space<vmem_shared>>
        tpu.enqueue_dma source(%arg6 : memref<128x64xf32, #tpu.memory_space<vmem>>) target(%dma_start3A_119 : memref<128x64xf32, #tpu.memory_space<vmem_shared>>) target_semaphore(%run_scoped3A_115 : memref<!tpu.dma_semaphore, #tpu.memory_space<semaphore_mem>>)
        %dma_wait3A_120 = arith.constant 0 : i32
        %dma_wait3A_121 = tpu.memref_slice %arg10[%add3A_94, %dma_wait3A_120] : memref<10080x64xf32, #tpu.memory_space<vmem_shared>> -> memref<128x64xf32, #tpu.memory_space<vmem_shared>>
        %dma_wait3A_122 = arith.constant 0 : i32
        %dma_wait3A_123 = tpu.memref_slice %arg10[%add3A_94, %dma_wait3A_122] : memref<10080x64xf32, #tpu.memory_space<vmem_shared>> -> memref<128x64xf32, #tpu.memory_space<vmem_shared>>
        tpu.wait_dma2 semaphore(%run_scoped3A_115 : memref<!tpu.dma_semaphore, #tpu.memory_space<semaphore_mem>>) src(%arg6 : memref<128x64xf32, #tpu.memory_space<vmem>>) dst(%dma_wait3A_123 : memref<128x64xf32, #tpu.memory_space<vmem_shared>>)
        tpu.yield
      }) : () -> ()
      %mul3A_95 = arith.constant 640 : i32
      %mul3A_96 = arith.muli %mul3A_95, %arg1 : i32
      %add3A_97 = arith.constant 128 : i32
      %add3A_98 = arith.addi %mul3A_96, %add3A_97 : i32
      "tpu.region"() ({
        %run_scoped3A_115 = tpu.sem_alloc : memref<!tpu.dma_semaphore, #tpu.memory_space<semaphore_mem>>
        %dma_start3A_116 = arith.constant 0 : i32
        %dma_start3A_117 = tpu.memref_slice %arg10[%add3A_98, %dma_start3A_116] : memref<10080x64xf32, #tpu.memory_space<vmem_shared>> -> memref<128x64xf32, #tpu.memory_space<vmem_shared>>
        %dma_start3A_118 = arith.constant 0 : i32
        %dma_start3A_119 = tpu.memref_slice %arg10[%add3A_98, %dma_start3A_118] : memref<10080x64xf32, #tpu.memory_space<vmem_shared>> -> memref<128x64xf32, #tpu.memory_space<vmem_shared>>
        tpu.enqueue_dma source(%arg6 : memref<128x64xf32, #tpu.memory_space<vmem>>) target(%dma_start3A_119 : memref<128x64xf32, #tpu.memory_space<vmem_shared>>) target_semaphore(%run_scoped3A_115 : memref<!tpu.dma_semaphore, #tpu.memory_space<semaphore_mem>>)
        %dma_wait3A_120 = arith.constant 0 : i32
        %dma_wait3A_121 = tpu.memref_slice %arg10[%add3A_98, %dma_wait3A_120] : memref<10080x64xf32, #tpu.memory_space<vmem_shared>> -> memref<128x64xf32, #tpu.memory_space<vmem_shared>>
        %dma_wait3A_122 = arith.constant 0 : i32
        %dma_wait3A_123 = tpu.memref_slice %arg10[%add3A_98, %dma_wait3A_122] : memref<10080x64xf32, #tpu.memory_space<vmem_shared>> -> memref<128x64xf32, #tpu.memory_space<vmem_shared>>
        tpu.wait_dma2 semaphore(%run_scoped3A_115 : memref<!tpu.dma_semaphore, #tpu.memory_space<semaphore_mem>>) src(%arg6 : memref<128x64xf32, #tpu.memory_space<vmem>>) dst(%dma_wait3A_123 : memref<128x64xf32, #tpu.memory_space<vmem_shared>>)
        tpu.yield
      }) : () -> ()
      %mul3A_99 = arith.constant 640 : i32
      %mul3A_100 = arith.muli %mul3A_99, %arg1 : i32
      %add3A_101 = arith.constant 256 : i32
      %add3A_102 = arith.addi %mul3A_100, %add3A_101 : i32
      "tpu.region"() ({
        %run_scoped3A_115 = tpu.sem_alloc : memref<!tpu.dma_semaphore, #tpu.memory_space<semaphore_mem>>
        %dma_start3A_116 = arith.constant 0 : i32
        %dma_start3A_117 = tpu.memref_slice %arg10[%add3A_102, %dma_start3A_116] : memref<10080x64xf32, #tpu.memory_space<vmem_shared>> -> memref<128x64xf32, #tpu.memory_space<vmem_shared>>
        %dma_start3A_118 = arith.constant 0 : i32
        %dma_start3A_119 = tpu.memref_slice %arg10[%add3A_102, %dma_start3A_118] : memref<10080x64xf32, #tpu.memory_space<vmem_shared>> -> memref<128x64xf32, #tpu.memory_space<vmem_shared>>
        tpu.enqueue_dma source(%arg6 : memref<128x64xf32, #tpu.memory_space<vmem>>) target(%dma_start3A_119 : memref<128x64xf32, #tpu.memory_space<vmem_shared>>) target_semaphore(%run_scoped3A_115 : memref<!tpu.dma_semaphore, #tpu.memory_space<semaphore_mem>>)
        %dma_wait3A_120 = arith.constant 0 : i32
        %dma_wait3A_121 = tpu.memref_slice %arg10[%add3A_102, %dma_wait3A_120] : memref<10080x64xf32, #tpu.memory_space<vmem_shared>> -> memref<128x64xf32, #tpu.memory_space<vmem_shared>>
        %dma_wait3A_122 = arith.constant 0 : i32
        %dma_wait3A_123 = tpu.memref_slice %arg10[%add3A_102, %dma_wait3A_122] : memref<10080x64xf32, #tpu.memory_space<vmem_shared>> -> memref<128x64xf32, #tpu.memory_space<vmem_shared>>
        tpu.wait_dma2 semaphore(%run_scoped3A_115 : memref<!tpu.dma_semaphore, #tpu.memory_space<semaphore_mem>>) src(%arg6 : memref<128x64xf32, #tpu.memory_space<vmem>>) dst(%dma_wait3A_123 : memref<128x64xf32, #tpu.memory_space<vmem_shared>>)
        tpu.yield
      }) : () -> ()
      %mul3A_103 = arith.constant 640 : i32
      %mul3A_104 = arith.muli %mul3A_103, %arg1 : i32
      %add3A_105 = arith.constant 384 : i32
      %add3A_106 = arith.addi %mul3A_104, %add3A_105 : i32
      "tpu.region"() ({
        %run_scoped3A_115 = tpu.sem_alloc : memref<!tpu.dma_semaphore, #tpu.memory_space<semaphore_mem>>
        %dma_start3A_116 = arith.constant 0 : i32
        %dma_start3A_117 = tpu.memref_slice %arg10[%add3A_106, %dma_start3A_116] : memref<10080x64xf32, #tpu.memory_space<vmem_shared>> -> memref<128x64xf32, #tpu.memory_space<vmem_shared>>
        %dma_start3A_118 = arith.constant 0 : i32
        %dma_start3A_119 = tpu.memref_slice %arg10[%add3A_106, %dma_start3A_118] : memref<10080x64xf32, #tpu.memory_space<vmem_shared>> -> memref<128x64xf32, #tpu.memory_space<vmem_shared>>
        tpu.enqueue_dma source(%arg6 : memref<128x64xf32, #tpu.memory_space<vmem>>) target(%dma_start3A_119 : memref<128x64xf32, #tpu.memory_space<vmem_shared>>) target_semaphore(%run_scoped3A_115 : memref<!tpu.dma_semaphore, #tpu.memory_space<semaphore_mem>>)
        %dma_wait3A_120 = arith.constant 0 : i32
        %dma_wait3A_121 = tpu.memref_slice %arg10[%add3A_106, %dma_wait3A_120] : memref<10080x64xf32, #tpu.memory_space<vmem_shared>> -> memref<128x64xf32, #tpu.memory_space<vmem_shared>>
        %dma_wait3A_122 = arith.constant 0 : i32
        %dma_wait3A_123 = tpu.memref_slice %arg10[%add3A_106, %dma_wait3A_122] : memref<10080x64xf32, #tpu.memory_space<vmem_shared>> -> memref<128x64xf32, #tpu.memory_space<vmem_shared>>
        tpu.wait_dma2 semaphore(%run_scoped3A_115 : memref<!tpu.dma_semaphore, #tpu.memory_space<semaphore_mem>>) src(%arg6 : memref<128x64xf32, #tpu.memory_space<vmem>>) dst(%dma_wait3A_123 : memref<128x64xf32, #tpu.memory_space<vmem_shared>>)
        tpu.yield
      }) : () -> ()
      %mul3A_107 = arith.constant 640 : i32
      %mul3A_108 = arith.muli %mul3A_107, %arg1 : i32
      %add3A_109 = arith.constant 512 : i32
      %add3A_110 = arith.addi %mul3A_108, %add3A_109 : i32
      "tpu.region"() ({
        %run_scoped3A_115 = tpu.sem_alloc : memref<!tpu.dma_semaphore, #tpu.memory_space<semaphore_mem>>
        %dma_start3A_116 = arith.constant 0 : i32
        %dma_start3A_117 = tpu.memref_slice %arg10[%add3A_110, %dma_start3A_116] : memref<10080x64xf32, #tpu.memory_space<vmem_shared>> -> memref<128x64xf32, #tpu.memory_space<vmem_shared>>
        %dma_start3A_118 = arith.constant 0 : i32
        %dma_start3A_119 = tpu.memref_slice %arg10[%add3A_110, %dma_start3A_118] : memref<10080x64xf32, #tpu.memory_space<vmem_shared>> -> memref<128x64xf32, #tpu.memory_space<vmem_shared>>
        tpu.enqueue_dma source(%arg6 : memref<128x64xf32, #tpu.memory_space<vmem>>) target(%dma_start3A_119 : memref<128x64xf32, #tpu.memory_space<vmem_shared>>) target_semaphore(%run_scoped3A_115 : memref<!tpu.dma_semaphore, #tpu.memory_space<semaphore_mem>>)
        %dma_wait3A_120 = arith.constant 0 : i32
        %dma_wait3A_121 = tpu.memref_slice %arg10[%add3A_110, %dma_wait3A_120] : memref<10080x64xf32, #tpu.memory_space<vmem_shared>> -> memref<128x64xf32, #tpu.memory_space<vmem_shared>>
        %dma_wait3A_122 = arith.constant 0 : i32
        %dma_wait3A_123 = tpu.memref_slice %arg10[%add3A_110, %dma_wait3A_122] : memref<10080x64xf32, #tpu.memory_space<vmem_shared>> -> memref<128x64xf32, #tpu.memory_space<vmem_shared>>
        tpu.wait_dma2 semaphore(%run_scoped3A_115 : memref<!tpu.dma_semaphore, #tpu.memory_space<semaphore_mem>>) src(%arg6 : memref<128x64xf32, #tpu.memory_space<vmem>>) dst(%dma_wait3A_123 : memref<128x64xf32, #tpu.memory_space<vmem_shared>>)
        tpu.yield
      }) : () -> ()
      %mul3A_111 = arith.constant 640 : i32
      %mul3A_112 = arith.muli %mul3A_111, %arg1 : i32
      %mul3A_113 = arith.constant 640 : i32
      %mul3A_114 = arith.muli %mul3A_113, %arg1 : i32
      "tpu.region"() ({
        %run_scoped3A_115 = tpu.sem_alloc : memref<!tpu.dma_semaphore, #tpu.memory_space<semaphore_mem>>
        %dma_start3A_116 = arith.constant 0 : i32
        %dma_start3A_117 = tpu.memref_slice %arg9[%mul3A_114, %dma_start3A_116] : memref<10000x64xf32, #tpu.memory_space<vmem_shared>> -> memref<640x64xf32, #tpu.memory_space<vmem_shared>>
        %dma_start3A_118 = arith.constant 0 : i32
        %dma_start3A_119 = tpu.memref_slice %arg2[%mul3A_112, %dma_start3A_118] : memref<10000x64xf32, #tpu.memory_space<hbm>> -> memref<640x64xf32, #tpu.memory_space<hbm>>
        tpu.enqueue_dma source(%dma_start3A_119 : memref<640x64xf32, #tpu.memory_space<hbm>>) target(%dma_start3A_117 : memref<640x64xf32, #tpu.memory_space<vmem_shared>>) target_semaphore(%run_scoped3A_115 : memref<!tpu.dma_semaphore, #tpu.memory_space<semaphore_mem>>)
        %dma_wait3A_120 = arith.constant 0 : i32
        %dma_wait3A_121 = tpu.memref_slice %arg9[%mul3A_114, %dma_wait3A_120] : memref<10000x64xf32, #tpu.memory_space<vmem_shared>> -> memref<640x64xf32, #tpu.memory_space<vmem_shared>>
        %dma_wait3A_122 = arith.constant 0 : i32
        %dma_wait3A_123 = tpu.memref_slice %arg2[%mul3A_112, %dma_wait3A_122] : memref<10000x64xf32, #tpu.memory_space<hbm>> -> memref<640x64xf32, #tpu.memory_space<hbm>>
        tpu.wait_dma2 semaphore(%run_scoped3A_115 : memref<!tpu.dma_semaphore, #tpu.memory_space<semaphore_mem>>) src(%dma_wait3A_123 : memref<640x64xf32, #tpu.memory_space<hbm>>) dst(%dma_wait3A_121 : memref<640x64xf32, #tpu.memory_space<vmem_shared>>)
        tpu.yield
      }) : () -> ()
    } else {
    }
    %eq3A = arith.constant 15 : i32
    %eq3A_9 = arith.cmpi eq, %arg1, %eq3A : i32
    %convert_element_type3A_10 = arith.extui %eq3A_9 : i1 to i32
    %cond3A_11 = arith.constant 0 : i32
    %cond3A_12 = arith.cmpi ne, %convert_element_type3A_10, %cond3A_11 : i32
    scf.if %cond3A_12 {
      "tpu.region"() ({
        %run_scoped3A_91 = tpu.sem_alloc : memref<!tpu.dma_semaphore, #tpu.memory_space<semaphore_mem>>
        %dma_start3A_92 = arith.constant 9600 : i32
        %dma_start3A_93 = arith.constant 0 : i32
        %dma_start3A_94 = tpu.memref_slice %arg10[%dma_start3A_92, %dma_start3A_93] : memref<10080x64xf32, #tpu.memory_space<vmem_shared>> -> memref<128x64xf32, #tpu.memory_space<vmem_shared>>
        %dma_start3A_95 = arith.constant 9600 : i32
        %dma_start3A_96 = arith.constant 0 : i32
        %dma_start3A_97 = tpu.memref_slice %arg10[%dma_start3A_95, %dma_start3A_96] : memref<10080x64xf32, #tpu.memory_space<vmem_shared>> -> memref<128x64xf32, #tpu.memory_space<vmem_shared>>
        tpu.enqueue_dma source(%arg6 : memref<128x64xf32, #tpu.memory_space<vmem>>) target(%dma_start3A_97 : memref<128x64xf32, #tpu.memory_space<vmem_shared>>) target_semaphore(%run_scoped3A_91 : memref<!tpu.dma_semaphore, #tpu.memory_space<semaphore_mem>>)
        %dma_wait3A_98 = arith.constant 9600 : i32
        %dma_wait3A_99 = arith.constant 0 : i32
        %dma_wait3A_100 = tpu.memref_slice %arg10[%dma_wait3A_98, %dma_wait3A_99] : memref<10080x64xf32, #tpu.memory_space<vmem_shared>> -> memref<128x64xf32, #tpu.memory_space<vmem_shared>>
        %dma_wait3A_101 = arith.constant 9600 : i32
        %dma_wait3A_102 = arith.constant 0 : i32
        %dma_wait3A_103 = tpu.memref_slice %arg10[%dma_wait3A_101, %dma_wait3A_102] : memref<10080x64xf32, #tpu.memory_space<vmem_shared>> -> memref<128x64xf32, #tpu.memory_space<vmem_shared>>
        tpu.wait_dma2 semaphore(%run_scoped3A_91 : memref<!tpu.dma_semaphore, #tpu.memory_space<semaphore_mem>>) src(%arg6 : memref<128x64xf32, #tpu.memory_space<vmem>>) dst(%dma_wait3A_103 : memref<128x64xf32, #tpu.memory_space<vmem_shared>>)
        tpu.yield
      }) : () -> ()
      "tpu.region"() ({
        %run_scoped3A_91 = tpu.sem_alloc : memref<!tpu.dma_semaphore, #tpu.memory_space<semaphore_mem>>
        %dma_start3A_92 = arith.constant 9728 : i32
        %dma_start3A_93 = arith.constant 0 : i32
        %dma_start3A_94 = tpu.memref_slice %arg10[%dma_start3A_92, %dma_start3A_93] : memref<10080x64xf32, #tpu.memory_space<vmem_shared>> -> memref<128x64xf32, #tpu.memory_space<vmem_shared>>
        %dma_start3A_95 = arith.constant 9728 : i32
        %dma_start3A_96 = arith.constant 0 : i32
        %dma_start3A_97 = tpu.memref_slice %arg10[%dma_start3A_95, %dma_start3A_96] : memref<10080x64xf32, #tpu.memory_space<vmem_shared>> -> memref<128x64xf32, #tpu.memory_space<vmem_shared>>
        tpu.enqueue_dma source(%arg6 : memref<128x64xf32, #tpu.memory_space<vmem>>) target(%dma_start3A_97 : memref<128x64xf32, #tpu.memory_space<vmem_shared>>) target_semaphore(%run_scoped3A_91 : memref<!tpu.dma_semaphore, #tpu.memory_space<semaphore_mem>>)
        %dma_wait3A_98 = arith.constant 9728 : i32
        %dma_wait3A_99 = arith.constant 0 : i32
        %dma_wait3A_100 = tpu.memref_slice %arg10[%dma_wait3A_98, %dma_wait3A_99] : memref<10080x64xf32, #tpu.memory_space<vmem_shared>> -> memref<128x64xf32, #tpu.memory_space<vmem_shared>>
        %dma_wait3A_101 = arith.constant 9728 : i32
        %dma_wait3A_102 = arith.constant 0 : i32
        %dma_wait3A_103 = tpu.memref_slice %arg10[%dma_wait3A_101, %dma_wait3A_102] : memref<10080x64xf32, #tpu.memory_space<vmem_shared>> -> memref<128x64xf32, #tpu.memory_space<vmem_shared>>
        tpu.wait_dma2 semaphore(%run_scoped3A_91 : memref<!tpu.dma_semaphore, #tpu.memory_space<semaphore_mem>>) src(%arg6 : memref<128x64xf32, #tpu.memory_space<vmem>>) dst(%dma_wait3A_103 : memref<128x64xf32, #tpu.memory_space<vmem_shared>>)
        tpu.yield
      }) : () -> ()
      "tpu.region"() ({
        %run_scoped3A_91 = tpu.sem_alloc : memref<!tpu.dma_semaphore, #tpu.memory_space<semaphore_mem>>
        %dma_start3A_92 = arith.constant 9856 : i32
        %dma_start3A_93 = arith.constant 0 : i32
        %dma_start3A_94 = tpu.memref_slice %arg10[%dma_start3A_92, %dma_start3A_93] : memref<10080x64xf32, #tpu.memory_space<vmem_shared>> -> memref<128x64xf32, #tpu.memory_space<vmem_shared>>
        %dma_start3A_95 = arith.constant 9856 : i32
        %dma_start3A_96 = arith.constant 0 : i32
        %dma_start3A_97 = tpu.memref_slice %arg10[%dma_start3A_95, %dma_start3A_96] : memref<10080x64xf32, #tpu.memory_space<vmem_shared>> -> memref<128x64xf32, #tpu.memory_space<vmem_shared>>
        tpu.enqueue_dma source(%arg6 : memref<128x64xf32, #tpu.memory_space<vmem>>) target(%dma_start3A_97 : memref<128x64xf32, #tpu.memory_space<vmem_shared>>) target_semaphore(%run_scoped3A_91 : memref<!tpu.dma_semaphore, #tpu.memory_space<semaphore_mem>>)
        %dma_wait3A_98 = arith.constant 9856 : i32
        %dma_wait3A_99 = arith.constant 0 : i32
        %dma_wait3A_100 = tpu.memref_slice %arg10[%dma_wait3A_98, %dma_wait3A_99] : memref<10080x64xf32, #tpu.memory_space<vmem_shared>> -> memref<128x64xf32, #tpu.memory_space<vmem_shared>>
        %dma_wait3A_101 = arith.constant 9856 : i32
        %dma_wait3A_102 = arith.constant 0 : i32
        %dma_wait3A_103 = tpu.memref_slice %arg10[%dma_wait3A_101, %dma_wait3A_102] : memref<10080x64xf32, #tpu.memory_space<vmem_shared>> -> memref<128x64xf32, #tpu.memory_space<vmem_shared>>
        tpu.wait_dma2 semaphore(%run_scoped3A_91 : memref<!tpu.dma_semaphore, #tpu.memory_space<semaphore_mem>>) src(%arg6 : memref<128x64xf32, #tpu.memory_space<vmem>>) dst(%dma_wait3A_103 : memref<128x64xf32, #tpu.memory_space<vmem_shared>>)
        tpu.yield
      }) : () -> ()
      "tpu.region"() ({
        %run_scoped3A_91 = tpu.sem_alloc : memref<!tpu.dma_semaphore, #tpu.memory_space<semaphore_mem>>
        %dma_start3A_92 = arith.constant 0 : i32
        %dma_start3A_93 = arith.constant 0 : i32
        %dma_start3A_94 = tpu.memref_slice %arg6[%dma_start3A_92, %dma_start3A_93] : memref<128x64xf32, #tpu.memory_space<vmem>> -> memref<96x64xf32, #tpu.memory_space<vmem>>
        %dma_start3A_95 = arith.constant 9984 : i32
        %dma_start3A_96 = arith.constant 0 : i32
        %dma_start3A_97 = tpu.memref_slice %arg10[%dma_start3A_95, %dma_start3A_96] : memref<10080x64xf32, #tpu.memory_space<vmem_shared>> -> memref<96x64xf32, #tpu.memory_space<vmem_shared>>
        %dma_start3A_98 = arith.constant 9984 : i32
        %dma_start3A_99 = arith.constant 0 : i32
        %dma_start3A_100 = tpu.memref_slice %arg10[%dma_start3A_98, %dma_start3A_99] : memref<10080x64xf32, #tpu.memory_space<vmem_shared>> -> memref<96x64xf32, #tpu.memory_space<vmem_shared>>
        %dma_start3A_101 = arith.constant 0 : i32
        %dma_start3A_102 = arith.constant 0 : i32
        %dma_start3A_103 = tpu.memref_slice %arg6[%dma_start3A_101, %dma_start3A_102] : memref<128x64xf32, #tpu.memory_space<vmem>> -> memref<96x64xf32, #tpu.memory_space<vmem>>
        tpu.enqueue_dma source(%dma_start3A_103 : memref<96x64xf32, #tpu.memory_space<vmem>>) target(%dma_start3A_100 : memref<96x64xf32, #tpu.memory_space<vmem_shared>>) target_semaphore(%run_scoped3A_91 : memref<!tpu.dma_semaphore, #tpu.memory_space<semaphore_mem>>)
        %dma_wait3A_104 = arith.constant 0 : i32
        %dma_wait3A_105 = arith.constant 0 : i32
        %dma_wait3A_106 = tpu.memref_slice %arg6[%dma_wait3A_104, %dma_wait3A_105] : memref<128x64xf32, #tpu.memory_space<vmem>> -> memref<96x64xf32, #tpu.memory_space<vmem>>
        %dma_wait3A_107 = arith.constant 9984 : i32
        %dma_wait3A_108 = arith.constant 0 : i32
        %dma_wait3A_109 = tpu.memref_slice %arg10[%dma_wait3A_107, %dma_wait3A_108] : memref<10080x64xf32, #tpu.memory_space<vmem_shared>> -> memref<96x64xf32, #tpu.memory_space<vmem_shared>>
        %dma_wait3A_110 = arith.constant 9984 : i32
        %dma_wait3A_111 = arith.constant 0 : i32
        %dma_wait3A_112 = tpu.memref_slice %arg10[%dma_wait3A_110, %dma_wait3A_111] : memref<10080x64xf32, #tpu.memory_space<vmem_shared>> -> memref<96x64xf32, #tpu.memory_space<vmem_shared>>
        %dma_wait3A_113 = arith.constant 0 : i32
        %dma_wait3A_114 = arith.constant 0 : i32
        %dma_wait3A_115 = tpu.memref_slice %arg6[%dma_wait3A_113, %dma_wait3A_114] : memref<128x64xf32, #tpu.memory_space<vmem>> -> memref<96x64xf32, #tpu.memory_space<vmem>>
        tpu.wait_dma2 semaphore(%run_scoped3A_91 : memref<!tpu.dma_semaphore, #tpu.memory_space<semaphore_mem>>) src(%dma_wait3A_115 : memref<96x64xf32, #tpu.memory_space<vmem>>) dst(%dma_wait3A_112 : memref<96x64xf32, #tpu.memory_space<vmem_shared>>)
        tpu.yield
      }) : () -> ()
      "tpu.region"() ({
        %run_scoped3A_91 = tpu.sem_alloc : memref<!tpu.dma_semaphore, #tpu.memory_space<semaphore_mem>>
        %dma_start3A_92 = arith.constant 9600 : i32
        %dma_start3A_93 = arith.constant 0 : i32
        %dma_start3A_94 = tpu.memref_slice %arg9[%dma_start3A_92, %dma_start3A_93] : memref<10000x64xf32, #tpu.memory_space<vmem_shared>> -> memref<400x64xf32, #tpu.memory_space<vmem_shared>>
        %dma_start3A_95 = arith.constant 9600 : i32
        %dma_start3A_96 = arith.constant 0 : i32
        %dma_start3A_97 = tpu.memref_slice %arg2[%dma_start3A_95, %dma_start3A_96] : memref<10000x64xf32, #tpu.memory_space<hbm>> -> memref<400x64xf32, #tpu.memory_space<hbm>>
        tpu.enqueue_dma source(%dma_start3A_97 : memref<400x64xf32, #tpu.memory_space<hbm>>) target(%dma_start3A_94 : memref<400x64xf32, #tpu.memory_space<vmem_shared>>) target_semaphore(%run_scoped3A_91 : memref<!tpu.dma_semaphore, #tpu.memory_space<semaphore_mem>>)
        %dma_wait3A_98 = arith.constant 9600 : i32
        %dma_wait3A_99 = arith.constant 0 : i32
        %dma_wait3A_100 = tpu.memref_slice %arg9[%dma_wait3A_98, %dma_wait3A_99] : memref<10000x64xf32, #tpu.memory_space<vmem_shared>> -> memref<400x64xf32, #tpu.memory_space<vmem_shared>>
        %dma_wait3A_101 = arith.constant 9600 : i32
        %dma_wait3A_102 = arith.constant 0 : i32
        %dma_wait3A_103 = tpu.memref_slice %arg2[%dma_wait3A_101, %dma_wait3A_102] : memref<10000x64xf32, #tpu.memory_space<hbm>> -> memref<400x64xf32, #tpu.memory_space<hbm>>
        tpu.wait_dma2 semaphore(%run_scoped3A_91 : memref<!tpu.dma_semaphore, #tpu.memory_space<semaphore_mem>>) src(%dma_wait3A_103 : memref<400x64xf32, #tpu.memory_space<hbm>>) dst(%dma_wait3A_100 : memref<400x64xf32, #tpu.memory_space<vmem_shared>>)
        tpu.yield
      }) : () -> ()
    } else {
    }
    %barrier3A = arith.constant 0 : index
    tpu.barrier barrier_id(%barrier3A)
    %dma_start3A = arith.constant 0 : i32
    %dma_start3A_13 = arith.constant 0 : i32
    %dma_start3A_14 = tpu.memref_slice %arg5[%dma_start3A, %dma_start3A_13] : memref<160x128xi32, #tpu.memory_space<vmem>> -> memref<1x128xi32, #tpu.memory_space<vmem>>
    %dma_start3A_15 = tpu.memref_squeeze %dma_start3A_14 : memref<1x128xi32, #tpu.memory_space<vmem>> -> memref<128xi32, #tpu.memory_space<vmem>>
    %dma_start3A_16 = arith.constant 0 : i32
    %dma_start3A_17 = arith.constant 0 : i32
    %dma_start3A_18 = tpu.memref_slice %arg9[%dma_start3A_16, %dma_start3A_17] : memref<10000x64xf32, #tpu.memory_space<vmem_shared>> -> memref<10000x64xf32, #tpu.memory_space<vmem_shared>>
    tpu.enqueue_indirect_dma source(%dma_start3A_18 : memref<10000x64xf32, #tpu.memory_space<vmem_shared>>) target(%arg6 : memref<128x64xf32, #tpu.memory_space<vmem>>) offsets(%dma_start3A_15 : memref<128xi32, #tpu.memory_space<vmem>>) semaphore(%arg11 : memref<!tpu.dma_semaphore, #tpu.memory_space<semaphore_mem>>)
    %dma_start3A_19 = arith.constant 1 : i32
    %dma_start3A_20 = arith.constant 0 : i32
    %dma_start3A_21 = tpu.memref_slice %arg5[%dma_start3A_19, %dma_start3A_20] : memref<160x128xi32, #tpu.memory_space<vmem>> -> memref<1x128xi32, #tpu.memory_space<vmem>>
    %dma_start3A_22 = tpu.memref_squeeze %dma_start3A_21 : memref<1x128xi32, #tpu.memory_space<vmem>> -> memref<128xi32, #tpu.memory_space<vmem>>
    %dma_start3A_23 = arith.constant 0 : i32
    %dma_start3A_24 = arith.constant 0 : i32
    %dma_start3A_25 = tpu.memref_slice %arg9[%dma_start3A_23, %dma_start3A_24] : memref<10000x64xf32, #tpu.memory_space<vmem_shared>> -> memref<10000x64xf32, #tpu.memory_space<vmem_shared>>
    tpu.enqueue_indirect_dma source(%dma_start3A_25 : memref<10000x64xf32, #tpu.memory_space<vmem_shared>>) target(%arg7 : memref<128x64xf32, #tpu.memory_space<vmem>>) offsets(%dma_start3A_22 : memref<128xi32, #tpu.memory_space<vmem>>) semaphore(%arg12 : memref<!tpu.dma_semaphore, #tpu.memory_space<semaphore_mem>>)
    %scan3A_26 = arith.constant 0 : i32
    %scan3A_27 = arith.constant 0 : i32
    %scan3A_28 = arith.constant 26 : i32
    %scan3A_29 = arith.addi %scan3A_27, %scan3A_28 : i32
    %scan3A_30 = arith.constant 1 : i32
    scf.for %scan3A_91 = %scan3A_27 to %scan3A_29 step %scan3A_30  : i32 {
      %mul3A_92 = arith.constant 3 : i32
      %mul3A_93 = arith.muli %mul3A_92, %scan3A_91 : i32
      %add3A_94 = arith.constant 0 : i32
      %add3A_95 = arith.addi %mul3A_93, %add3A_94 : i32
      %dma_wait3A_96 = arith.constant 0 : i32
      %dma_wait3A_97 = tpu.memref_slice %arg5[%add3A_95, %dma_wait3A_96] : memref<160x128xi32, #tpu.memory_space<vmem>> -> memref<1x128xi32, #tpu.memory_space<vmem>>
      %dma_wait3A_98 = tpu.memref_squeeze %dma_wait3A_97 : memref<1x128xi32, #tpu.memory_space<vmem>> -> memref<128xi32, #tpu.memory_space<vmem>>
      %dma_wait3A_99 = arith.constant 0 : i32
      %dma_wait3A_100 = arith.constant 0 : i32
      %dma_wait3A_101 = tpu.memref_slice %arg9[%dma_wait3A_99, %dma_wait3A_100] : memref<10000x64xf32, #tpu.memory_space<vmem_shared>> -> memref<10000x64xf32, #tpu.memory_space<vmem_shared>>
      tpu.wait_indirect_dma semaphore(%arg11 : memref<!tpu.dma_semaphore, #tpu.memory_space<semaphore_mem>>) src(%dma_wait3A_101 : memref<10000x64xf32, #tpu.memory_space<vmem_shared>>) dst(%arg6 : memref<128x64xf32, #tpu.memory_space<vmem>>)
      %add3A_102 = arith.constant 80 : i32
      %add3A_103 = arith.addi %add3A_102, %add3A_95 : i32
      %dma_start3A_104 = arith.constant 0 : i32
      %dma_start3A_105 = tpu.memref_slice %arg5[%add3A_103, %dma_start3A_104] : memref<160x128xi32, #tpu.memory_space<vmem>> -> memref<1x128xi32, #tpu.memory_space<vmem>>
      %dma_start3A_106 = tpu.memref_squeeze %dma_start3A_105 : memref<1x128xi32, #tpu.memory_space<vmem>> -> memref<128xi32, #tpu.memory_space<vmem>>
      %dma_start3A_107 = arith.constant 0 : i32
      %dma_start3A_108 = arith.constant 0 : i32
      %dma_start3A_109 = tpu.memref_slice %arg10[%dma_start3A_107, %dma_start3A_108] : memref<10080x64xf32, #tpu.memory_space<vmem_shared>> -> memref<10080x64xf32, #tpu.memory_space<vmem_shared>>
      tpu.enqueue_indirect_dma source(%arg6 : memref<128x64xf32, #tpu.memory_space<vmem>>) target(%dma_start3A_109 : memref<10080x64xf32, #tpu.memory_space<vmem_shared>>) offsets(%dma_start3A_106 : memref<128xi32, #tpu.memory_space<vmem>>) semaphore(%arg14 : memref<!tpu.dma_semaphore, #tpu.memory_space<semaphore_mem>>) {add = true}
      %ge3A = arith.constant 1 : i32
      %ge3A_110 = arith.cmpi sge, %add3A_95, %ge3A : i32
      %convert_element_type3A_111 = arith.extui %ge3A_110 : i1 to i32
      %cond3A_112 = arith.constant 0 : i32
      %cond3A_113 = arith.cmpi ne, %convert_element_type3A_111, %cond3A_112 : i32
      scf.if %cond3A_113 {
        %dma_wait3A_181 = arith.constant 80 : i32
        %dma_wait3A_182 = arith.constant 0 : i32
        %dma_wait3A_183 = tpu.memref_slice %arg5[%dma_wait3A_181, %dma_wait3A_182] : memref<160x128xi32, #tpu.memory_space<vmem>> -> memref<1x128xi32, #tpu.memory_space<vmem>>
        %dma_wait3A_184 = tpu.memref_squeeze %dma_wait3A_183 : memref<1x128xi32, #tpu.memory_space<vmem>> -> memref<128xi32, #tpu.memory_space<vmem>>
        %dma_wait3A_185 = arith.constant 0 : i32
        %dma_wait3A_186 = arith.constant 0 : i32
        %dma_wait3A_187 = tpu.memref_slice %arg10[%dma_wait3A_185, %dma_wait3A_186] : memref<10080x64xf32, #tpu.memory_space<vmem_shared>> -> memref<10080x64xf32, #tpu.memory_space<vmem_shared>>
        tpu.wait_indirect_dma semaphore(%arg16 : memref<!tpu.dma_semaphore, #tpu.memory_space<semaphore_mem>>) src(%arg8 : memref<128x64xf32, #tpu.memory_space<vmem>>) dst(%dma_wait3A_187 : memref<10080x64xf32, #tpu.memory_space<vmem_shared>>)
      } else {
      }
      %add3A_114 = arith.constant 2 : i32
      %add3A_115 = arith.addi %add3A_95, %add3A_114 : i32
      %lt3A_116 = arith.constant 80 : i32
      %lt3A_117 = arith.cmpi slt, %add3A_115, %lt3A_116 : i32
      %convert_element_type3A_118 = arith.extui %lt3A_117 : i1 to i32
      %cond3A_119 = arith.constant 0 : i32
      %cond3A_120 = arith.cmpi ne, %convert_element_type3A_118, %cond3A_119 : i32
      scf.if %cond3A_120 {
        %add3A_181 = arith.constant 2 : i32
        %add3A_182 = arith.addi %add3A_95, %add3A_181 : i32
        %dma_start3A_183 = arith.constant 0 : i32
        %dma_start3A_184 = tpu.memref_slice %arg5[%add3A_182, %dma_start3A_183] : memref<160x128xi32, #tpu.memory_space<vmem>> -> memref<1x128xi32, #tpu.memory_space<vmem>>
        %dma_start3A_185 = tpu.memref_squeeze %dma_start3A_184 : memref<1x128xi32, #tpu.memory_space<vmem>> -> memref<128xi32, #tpu.memory_space<vmem>>
        %dma_start3A_186 = arith.constant 0 : i32
        %dma_start3A_187 = arith.constant 0 : i32
        %dma_start3A_188 = tpu.memref_slice %arg9[%dma_start3A_186, %dma_start3A_187] : memref<10000x64xf32, #tpu.memory_space<vmem_shared>> -> memref<10000x64xf32, #tpu.memory_space<vmem_shared>>
        tpu.enqueue_indirect_dma source(%dma_start3A_188 : memref<10000x64xf32, #tpu.memory_space<vmem_shared>>) target(%arg8 : memref<128x64xf32, #tpu.memory_space<vmem>>) offsets(%dma_start3A_185 : memref<128xi32, #tpu.memory_space<vmem>>) semaphore(%arg13 : memref<!tpu.dma_semaphore, #tpu.memory_space<semaphore_mem>>)
      } else {
      }
      %mul3A_121 = arith.constant 3 : i32
      %mul3A_122 = arith.muli %mul3A_121, %scan3A_91 : i32
      %add3A_123 = arith.constant 1 : i32
      %add3A_124 = arith.addi %mul3A_122, %add3A_123 : i32
      %dma_wait3A_125 = arith.constant 0 : i32
      %dma_wait3A_126 = tpu.memref_slice %arg5[%add3A_124, %dma_wait3A_125] : memref<160x128xi32, #tpu.memory_space<vmem>> -> memref<1x128xi32, #tpu.memory_space<vmem>>
      %dma_wait3A_127 = tpu.memref_squeeze %dma_wait3A_126 : memref<1x128xi32, #tpu.memory_space<vmem>> -> memref<128xi32, #tpu.memory_space<vmem>>
      %dma_wait3A_128 = arith.constant 0 : i32
      %dma_wait3A_129 = arith.constant 0 : i32
      %dma_wait3A_130 = tpu.memref_slice %arg9[%dma_wait3A_128, %dma_wait3A_129] : memref<10000x64xf32, #tpu.memory_space<vmem_shared>> -> memref<10000x64xf32, #tpu.memory_space<vmem_shared>>
      tpu.wait_indirect_dma semaphore(%arg12 : memref<!tpu.dma_semaphore, #tpu.memory_space<semaphore_mem>>) src(%dma_wait3A_130 : memref<10000x64xf32, #tpu.memory_space<vmem_shared>>) dst(%arg7 : memref<128x64xf32, #tpu.memory_space<vmem>>)
      %add3A_131 = arith.constant 80 : i32
      %add3A_132 = arith.addi %add3A_131, %add3A_124 : i32
      %dma_start3A_133 = arith.constant 0 : i32
      %dma_start3A_134 = tpu.memref_slice %arg5[%add3A_132, %dma_start3A_133] : memref<160x128xi32, #tpu.memory_space<vmem>> -> memref<1x128xi32, #tpu.memory_space<vmem>>
      %dma_start3A_135 = tpu.memref_squeeze %dma_start3A_134 : memref<1x128xi32, #tpu.memory_space<vmem>> -> memref<128xi32, #tpu.memory_space<vmem>>
      %dma_start3A_136 = arith.constant 0 : i32
      %dma_start3A_137 = arith.constant 0 : i32
      %dma_start3A_138 = tpu.memref_slice %arg10[%dma_start3A_136, %dma_start3A_137] : memref<10080x64xf32, #tpu.memory_space<vmem_shared>> -> memref<10080x64xf32, #tpu.memory_space<vmem_shared>>
      tpu.enqueue_indirect_dma source(%arg7 : memref<128x64xf32, #tpu.memory_space<vmem>>) target(%dma_start3A_138 : memref<10080x64xf32, #tpu.memory_space<vmem_shared>>) offsets(%dma_start3A_135 : memref<128xi32, #tpu.memory_space<vmem>>) semaphore(%arg15 : memref<!tpu.dma_semaphore, #tpu.memory_space<semaphore_mem>>) {add = true}
      %ge3A_139 = arith.constant 1 : i32
      %ge3A_140 = arith.cmpi sge, %add3A_124, %ge3A_139 : i32
      %convert_element_type3A_141 = arith.extui %ge3A_140 : i1 to i32
      %cond3A_142 = arith.constant 0 : i32
      %cond3A_143 = arith.cmpi ne, %convert_element_type3A_141, %cond3A_142 : i32
      scf.if %cond3A_143 {
        %dma_wait3A_181 = arith.constant 80 : i32
        %dma_wait3A_182 = arith.constant 0 : i32
        %dma_wait3A_183 = tpu.memref_slice %arg5[%dma_wait3A_181, %dma_wait3A_182] : memref<160x128xi32, #tpu.memory_space<vmem>> -> memref<1x128xi32, #tpu.memory_space<vmem>>
        %dma_wait3A_184 = tpu.memref_squeeze %dma_wait3A_183 : memref<1x128xi32, #tpu.memory_space<vmem>> -> memref<128xi32, #tpu.memory_space<vmem>>
        %dma_wait3A_185 = arith.constant 0 : i32
        %dma_wait3A_186 = arith.constant 0 : i32
        %dma_wait3A_187 = tpu.memref_slice %arg10[%dma_wait3A_185, %dma_wait3A_186] : memref<10080x64xf32, #tpu.memory_space<vmem_shared>> -> memref<10080x64xf32, #tpu.memory_space<vmem_shared>>
        tpu.wait_indirect_dma semaphore(%arg14 : memref<!tpu.dma_semaphore, #tpu.memory_space<semaphore_mem>>) src(%arg6 : memref<128x64xf32, #tpu.memory_space<vmem>>) dst(%dma_wait3A_187 : memref<10080x64xf32, #tpu.memory_space<vmem_shared>>)
      } else {
      }
      %add3A_144 = arith.constant 2 : i32
      %add3A_145 = arith.addi %add3A_124, %add3A_144 : i32
      %lt3A_146 = arith.constant 80 : i32
      %lt3A_147 = arith.cmpi slt, %add3A_145, %lt3A_146 : i32
      %convert_element_type3A_148 = arith.extui %lt3A_147 : i1 to i32
      %cond3A_149 = arith.constant 0 : i32
      %cond3A_150 = arith.cmpi ne, %convert_element_type3A_148, %cond3A_149 : i32
      scf.if %cond3A_150 {
        %add3A_181 = arith.constant 2 : i32
        %add3A_182 = arith.addi %add3A_124, %add3A_181 : i32
        %dma_start3A_183 = arith.constant 0 : i32
        %dma_start3A_184 = tpu.memref_slice %arg5[%add3A_182, %dma_start3A_183] : memref<160x128xi32, #tpu.memory_space<vmem>> -> memref<1x128xi32, #tpu.memory_space<vmem>>
        %dma_start3A_185 = tpu.memref_squeeze %dma_start3A_184 : memref<1x128xi32, #tpu.memory_space<vmem>> -> memref<128xi32, #tpu.memory_space<vmem>>
        %dma_start3A_186 = arith.constant 0 : i32
        %dma_start3A_187 = arith.constant 0 : i32
        %dma_start3A_188 = tpu.memref_slice %arg9[%dma_start3A_186, %dma_start3A_187] : memref<10000x64xf32, #tpu.memory_space<vmem_shared>> -> memref<10000x64xf32, #tpu.memory_space<vmem_shared>>
        tpu.enqueue_indirect_dma source(%dma_start3A_188 : memref<10000x64xf32, #tpu.memory_space<vmem_shared>>) target(%arg6 : memref<128x64xf32, #tpu.memory_space<vmem>>) offsets(%dma_start3A_185 : memref<128xi32, #tpu.memory_space<vmem>>) semaphore(%arg11 : memref<!tpu.dma_semaphore, #tpu.memory_space<semaphore_mem>>)
      } else {
      }
      %mul3A_151 = arith.constant 3 : i32
      %mul3A_152 = arith.muli %mul3A_151, %scan3A_91 : i32
      %add3A_153 = arith.constant 2 : i32
      %add3A_154 = arith.addi %mul3A_152, %add3A_153 : i32
      %dma_wait3A_155 = arith.constant 0 : i32
      %dma_wait3A_156 = tpu.memref_slice %arg5[%add3A_154, %dma_wait3A_155] : memref<160x128xi32, #tpu.memory_space<vmem>> -> memref<1x128xi32, #tpu.memory_space<vmem>>
      %dma_wait3A_157 = tpu.memref_squeeze %dma_wait3A_156 : memref<1x128xi32, #tpu.memory_space<vmem>> -> memref<128xi32, #tpu.memory_space<vmem>>
      %dma_wait3A_158 = arith.constant 0 : i32
      %dma_wait3A_159 = arith.constant 0 : i32
      %dma_wait3A_160 = tpu.memref_slice %arg9[%dma_wait3A_158, %dma_wait3A_159] : memref<10000x64xf32, #tpu.memory_space<vmem_shared>> -> memref<10000x64xf32, #tpu.memory_space<vmem_shared>>
      tpu.wait_indirect_dma semaphore(%arg13 : memref<!tpu.dma_semaphore, #tpu.memory_space<semaphore_mem>>) src(%dma_wait3A_160 : memref<10000x64xf32, #tpu.memory_space<vmem_shared>>) dst(%arg8 : memref<128x64xf32, #tpu.memory_space<vmem>>)
      %add3A_161 = arith.constant 80 : i32
      %add3A_162 = arith.addi %add3A_161, %add3A_154 : i32
      %dma_start3A_163 = arith.constant 0 : i32
      %dma_start3A_164 = tpu.memref_slice %arg5[%add3A_162, %dma_start3A_163] : memref<160x128xi32, #tpu.memory_space<vmem>> -> memref<1x128xi32, #tpu.memory_space<vmem>>
      %dma_start3A_165 = tpu.memref_squeeze %dma_start3A_164 : memref<1x128xi32, #tpu.memory_space<vmem>> -> memref<128xi32, #tpu.memory_space<vmem>>
      %dma_start3A_166 = arith.constant 0 : i32
      %dma_start3A_167 = arith.constant 0 : i32
      %dma_start3A_168 = tpu.memref_slice %arg10[%dma_start3A_166, %dma_start3A_167] : memref<10080x64xf32, #tpu.memory_space<vmem_shared>> -> memref<10080x64xf32, #tpu.memory_space<vmem_shared>>
      tpu.enqueue_indirect_dma source(%arg8 : memref<128x64xf32, #tpu.memory_space<vmem>>) target(%dma_start3A_168 : memref<10080x64xf32, #tpu.memory_space<vmem_shared>>) offsets(%dma_start3A_165 : memref<128xi32, #tpu.memory_space<vmem>>) semaphore(%arg16 : memref<!tpu.dma_semaphore, #tpu.memory_space<semaphore_mem>>) {add = true}
      %ge3A_169 = arith.constant 1 : i32
      %ge3A_170 = arith.cmpi sge, %add3A_154, %ge3A_169 : i32
      %convert_element_type3A_171 = arith.extui %ge3A_170 : i1 to i32
      %cond3A_172 = arith.constant 0 : i32
      %cond3A_173 = arith.cmpi ne, %convert_element_type3A_171, %cond3A_172 : i32
      scf.if %cond3A_173 {
        %dma_wait3A_181 = arith.constant 80 : i32
        %dma_wait3A_182 = arith.constant 0 : i32
        %dma_wait3A_183 = tpu.memref_slice %arg5[%dma_wait3A_181, %dma_wait3A_182] : memref<160x128xi32, #tpu.memory_space<vmem>> -> memref<1x128xi32, #tpu.memory_space<vmem>>
        %dma_wait3A_184 = tpu.memref_squeeze %dma_wait3A_183 : memref<1x128xi32, #tpu.memory_space<vmem>> -> memref<128xi32, #tpu.memory_space<vmem>>
        %dma_wait3A_185 = arith.constant 0 : i32
        %dma_wait3A_186 = arith.constant 0 : i32
        %dma_wait3A_187 = tpu.memref_slice %arg10[%dma_wait3A_185, %dma_wait3A_186] : memref<10080x64xf32, #tpu.memory_space<vmem_shared>> -> memref<10080x64xf32, #tpu.memory_space<vmem_shared>>
        tpu.wait_indirect_dma semaphore(%arg15 : memref<!tpu.dma_semaphore, #tpu.memory_space<semaphore_mem>>) src(%arg7 : memref<128x64xf32, #tpu.memory_space<vmem>>) dst(%dma_wait3A_187 : memref<10080x64xf32, #tpu.memory_space<vmem_shared>>)
      } else {
      }
      %add3A_174 = arith.constant 2 : i32
      %add3A_175 = arith.addi %add3A_154, %add3A_174 : i32
      %lt3A_176 = arith.constant 80 : i32
      %lt3A_177 = arith.cmpi slt, %add3A_175, %lt3A_176 : i32
      %convert_element_type3A_178 = arith.extui %lt3A_177 : i1 to i32
      %cond3A_179 = arith.constant 0 : i32
      %cond3A_180 = arith.cmpi ne, %convert_element_type3A_178, %cond3A_179 : i32
      scf.if %cond3A_180 {
        %add3A_181 = arith.constant 2 : i32
        %add3A_182 = arith.addi %add3A_154, %add3A_181 : i32
        %dma_start3A_183 = arith.constant 0 : i32
        %dma_start3A_184 = tpu.memref_slice %arg5[%add3A_182, %dma_start3A_183] : memref<160x128xi32, #tpu.memory_space<vmem>> -> memref<1x128xi32, #tpu.memory_space<vmem>>
        %dma_start3A_185 = tpu.memref_squeeze %dma_start3A_184 : memref<1x128xi32, #tpu.memory_space<vmem>> -> memref<128xi32, #tpu.memory_space<vmem>>
        %dma_start3A_186 = arith.constant 0 : i32
        %dma_start3A_187 = arith.constant 0 : i32
        %dma_start3A_188 = tpu.memref_slice %arg9[%dma_start3A_186, %dma_start3A_187] : memref<10000x64xf32, #tpu.memory_space<vmem_shared>> -> memref<10000x64xf32, #tpu.memory_space<vmem_shared>>
        tpu.enqueue_indirect_dma source(%dma_start3A_188 : memref<10000x64xf32, #tpu.memory_space<vmem_shared>>) target(%arg7 : memref<128x64xf32, #tpu.memory_space<vmem>>) offsets(%dma_start3A_185 : memref<128xi32, #tpu.memory_space<vmem>>) semaphore(%arg12 : memref<!tpu.dma_semaphore, #tpu.memory_space<semaphore_mem>>)
      } else {
      }
    }
    %scan3A_31 = arith.constant 26 : i32
    %dma_wait3A = arith.constant 78 : i32
    %dma_wait3A_32 = arith.constant 0 : i32
    %dma_wait3A_33 = tpu.memref_slice %arg5[%dma_wait3A, %dma_wait3A_32] : memref<160x128xi32, #tpu.memory_space<vmem>> -> memref<1x128xi32, #tpu.memory_space<vmem>>
    %dma_wait3A_34 = tpu.memref_squeeze %dma_wait3A_33 : memref<1x128xi32, #tpu.memory_space<vmem>> -> memref<128xi32, #tpu.memory_space<vmem>>
    %dma_wait3A_35 = arith.constant 0 : i32
    %dma_wait3A_36 = arith.constant 0 : i32
    %dma_wait3A_37 = tpu.memref_slice %arg9[%dma_wait3A_35, %dma_wait3A_36] : memref<10000x64xf32, #tpu.memory_space<vmem_shared>> -> memref<10000x64xf32, #tpu.memory_space<vmem_shared>>
    tpu.wait_indirect_dma semaphore(%arg11 : memref<!tpu.dma_semaphore, #tpu.memory_space<semaphore_mem>>) src(%dma_wait3A_37 : memref<10000x64xf32, #tpu.memory_space<vmem_shared>>) dst(%arg6 : memref<128x64xf32, #tpu.memory_space<vmem>>)
    %dma_start3A_38 = arith.constant 158 : i32
    %dma_start3A_39 = arith.constant 0 : i32
    %dma_start3A_40 = tpu.memref_slice %arg5[%dma_start3A_38, %dma_start3A_39] : memref<160x128xi32, #tpu.memory_space<vmem>> -> memref<1x128xi32, #tpu.memory_space<vmem>>
    %dma_start3A_41 = tpu.memref_squeeze %dma_start3A_40 : memref<1x128xi32, #tpu.memory_space<vmem>> -> memref<128xi32, #tpu.memory_space<vmem>>
    %dma_start3A_42 = arith.constant 0 : i32
    %dma_start3A_43 = arith.constant 0 : i32
    %dma_start3A_44 = tpu.memref_slice %arg10[%dma_start3A_42, %dma_start3A_43] : memref<10080x64xf32, #tpu.memory_space<vmem_shared>> -> memref<10080x64xf32, #tpu.memory_space<vmem_shared>>
    tpu.enqueue_indirect_dma source(%arg6 : memref<128x64xf32, #tpu.memory_space<vmem>>) target(%dma_start3A_44 : memref<10080x64xf32, #tpu.memory_space<vmem_shared>>) offsets(%dma_start3A_41 : memref<128xi32, #tpu.memory_space<vmem>>) semaphore(%arg14 : memref<!tpu.dma_semaphore, #tpu.memory_space<semaphore_mem>>) {add = true}
    %dma_wait3A_45 = arith.constant 80 : i32
    %dma_wait3A_46 = arith.constant 0 : i32
    %dma_wait3A_47 = tpu.memref_slice %arg5[%dma_wait3A_45, %dma_wait3A_46] : memref<160x128xi32, #tpu.memory_space<vmem>> -> memref<1x128xi32, #tpu.memory_space<vmem>>
    %dma_wait3A_48 = tpu.memref_squeeze %dma_wait3A_47 : memref<1x128xi32, #tpu.memory_space<vmem>> -> memref<128xi32, #tpu.memory_space<vmem>>
    %dma_wait3A_49 = arith.constant 0 : i32
    %dma_wait3A_50 = arith.constant 0 : i32
    %dma_wait3A_51 = tpu.memref_slice %arg10[%dma_wait3A_49, %dma_wait3A_50] : memref<10080x64xf32, #tpu.memory_space<vmem_shared>> -> memref<10080x64xf32, #tpu.memory_space<vmem_shared>>
    tpu.wait_indirect_dma semaphore(%arg16 : memref<!tpu.dma_semaphore, #tpu.memory_space<semaphore_mem>>) src(%arg8 : memref<128x64xf32, #tpu.memory_space<vmem>>) dst(%dma_wait3A_51 : memref<10080x64xf32, #tpu.memory_space<vmem_shared>>)
    %dma_wait3A_52 = arith.constant 79 : i32
    %dma_wait3A_53 = arith.constant 0 : i32
    %dma_wait3A_54 = tpu.memref_slice %arg5[%dma_wait3A_52, %dma_wait3A_53] : memref<160x128xi32, #tpu.memory_space<vmem>> -> memref<1x128xi32, #tpu.memory_space<vmem>>
    %dma_wait3A_55 = tpu.memref_squeeze %dma_wait3A_54 : memref<1x128xi32, #tpu.memory_space<vmem>> -> memref<128xi32, #tpu.memory_space<vmem>>
    %dma_wait3A_56 = arith.constant 0 : i32
    %dma_wait3A_57 = arith.constant 0 : i32
    %dma_wait3A_58 = tpu.memref_slice %arg9[%dma_wait3A_56, %dma_wait3A_57] : memref<10000x64xf32, #tpu.memory_space<vmem_shared>> -> memref<10000x64xf32, #tpu.memory_space<vmem_shared>>
    tpu.wait_indirect_dma semaphore(%arg12 : memref<!tpu.dma_semaphore, #tpu.memory_space<semaphore_mem>>) src(%dma_wait3A_58 : memref<10000x64xf32, #tpu.memory_space<vmem_shared>>) dst(%arg7 : memref<128x64xf32, #tpu.memory_space<vmem>>)
    %dma_start3A_59 = arith.constant 159 : i32
    %dma_start3A_60 = arith.constant 0 : i32
    %dma_start3A_61 = tpu.memref_slice %arg5[%dma_start3A_59, %dma_start3A_60] : memref<160x128xi32, #tpu.memory_space<vmem>> -> memref<1x128xi32, #tpu.memory_space<vmem>>
    %dma_start3A_62 = tpu.memref_squeeze %dma_start3A_61 : memref<1x128xi32, #tpu.memory_space<vmem>> -> memref<128xi32, #tpu.memory_space<vmem>>
    %dma_start3A_63 = arith.constant 0 : i32
    %dma_start3A_64 = arith.constant 0 : i32
    %dma_start3A_65 = tpu.memref_slice %arg10[%dma_start3A_63, %dma_start3A_64] : memref<10080x64xf32, #tpu.memory_space<vmem_shared>> -> memref<10080x64xf32, #tpu.memory_space<vmem_shared>>
    tpu.enqueue_indirect_dma source(%arg7 : memref<128x64xf32, #tpu.memory_space<vmem>>) target(%dma_start3A_65 : memref<10080x64xf32, #tpu.memory_space<vmem_shared>>) offsets(%dma_start3A_62 : memref<128xi32, #tpu.memory_space<vmem>>) semaphore(%arg15 : memref<!tpu.dma_semaphore, #tpu.memory_space<semaphore_mem>>) {add = true}
    %dma_wait3A_66 = arith.constant 80 : i32
    %dma_wait3A_67 = arith.constant 0 : i32
    %dma_wait3A_68 = tpu.memref_slice %arg5[%dma_wait3A_66, %dma_wait3A_67] : memref<160x128xi32, #tpu.memory_space<vmem>> -> memref<1x128xi32, #tpu.memory_space<vmem>>
    %dma_wait3A_69 = tpu.memref_squeeze %dma_wait3A_68 : memref<1x128xi32, #tpu.memory_space<vmem>> -> memref<128xi32, #tpu.memory_space<vmem>>
    %dma_wait3A_70 = arith.constant 0 : i32
    %dma_wait3A_71 = arith.constant 0 : i32
    %dma_wait3A_72 = tpu.memref_slice %arg10[%dma_wait3A_70, %dma_wait3A_71] : memref<10080x64xf32, #tpu.memory_space<vmem_shared>> -> memref<10080x64xf32, #tpu.memory_space<vmem_shared>>
    tpu.wait_indirect_dma semaphore(%arg14 : memref<!tpu.dma_semaphore, #tpu.memory_space<semaphore_mem>>) src(%arg6 : memref<128x64xf32, #tpu.memory_space<vmem>>) dst(%dma_wait3A_72 : memref<10080x64xf32, #tpu.memory_space<vmem_shared>>)
    %dma_wait3A_73 = arith.constant 80 : i32
    %dma_wait3A_74 = arith.constant 0 : i32
    %dma_wait3A_75 = tpu.memref_slice %arg5[%dma_wait3A_73, %dma_wait3A_74] : memref<160x128xi32, #tpu.memory_space<vmem>> -> memref<1x128xi32, #tpu.memory_space<vmem>>
    %dma_wait3A_76 = tpu.memref_squeeze %dma_wait3A_75 : memref<1x128xi32, #tpu.memory_space<vmem>> -> memref<128xi32, #tpu.memory_space<vmem>>
    %dma_wait3A_77 = arith.constant 0 : i32
    %dma_wait3A_78 = arith.constant 0 : i32
    %dma_wait3A_79 = tpu.memref_slice %arg10[%dma_wait3A_77, %dma_wait3A_78] : memref<10080x64xf32, #tpu.memory_space<vmem_shared>> -> memref<10080x64xf32, #tpu.memory_space<vmem_shared>>
    tpu.wait_indirect_dma semaphore(%arg15 : memref<!tpu.dma_semaphore, #tpu.memory_space<semaphore_mem>>) src(%arg7 : memref<128x64xf32, #tpu.memory_space<vmem>>) dst(%dma_wait3A_79 : memref<10080x64xf32, #tpu.memory_space<vmem_shared>>)
    %barrier3A_80 = arith.constant 0 : index
    tpu.barrier barrier_id(%barrier3A_80)
    %lt3A_81 = arith.constant 15 : i32
    %lt3A_82 = arith.cmpi slt, %arg1, %lt3A_81 : i32
    %convert_element_type3A_83 = arith.extui %lt3A_82 : i1 to i32
    %cond3A_84 = arith.constant 0 : i32
    %cond3A_85 = arith.cmpi ne, %convert_element_type3A_83, %cond3A_84 : i32
    scf.if %cond3A_85 {
      %mul3A_91 = arith.constant 640 : i32
      %mul3A_92 = arith.muli %mul3A_91, %arg1 : i32
      %mul3A_93 = arith.constant 640 : i32
      %mul3A_94 = arith.muli %mul3A_93, %arg1 : i32
      "tpu.region"() ({
        %run_scoped3A_95 = tpu.sem_alloc : memref<!tpu.dma_semaphore, #tpu.memory_space<semaphore_mem>>
        %dma_start3A_96 = arith.constant 0 : i32
        %dma_start3A_97 = tpu.memref_slice %arg4[%arg0, %mul3A_94, %dma_start3A_96] : memref<2x10000x64xf32, #tpu.memory_space<hbm>> -> memref<1x640x64xf32, #tpu.memory_space<hbm>>
        %dma_start3A_98 = tpu.memref_squeeze %dma_start3A_97 : memref<1x640x64xf32, #tpu.memory_space<hbm>> -> memref<640x64xf32, #tpu.memory_space<hbm>>
        %dma_start3A_99 = arith.constant 0 : i32
        %dma_start3A_100 = tpu.memref_slice %arg10[%mul3A_92, %dma_start3A_99] : memref<10080x64xf32, #tpu.memory_space<vmem_shared>> -> memref<640x64xf32, #tpu.memory_space<vmem_shared>>
        tpu.enqueue_dma source(%dma_start3A_100 : memref<640x64xf32, #tpu.memory_space<vmem_shared>>) target(%dma_start3A_98 : memref<640x64xf32, #tpu.memory_space<hbm>>) target_semaphore(%run_scoped3A_95 : memref<!tpu.dma_semaphore, #tpu.memory_space<semaphore_mem>>)
        %dma_wait3A_101 = arith.constant 0 : i32
        %dma_wait3A_102 = tpu.memref_slice %arg4[%arg0, %mul3A_94, %dma_wait3A_101] : memref<2x10000x64xf32, #tpu.memory_space<hbm>> -> memref<1x640x64xf32, #tpu.memory_space<hbm>>
        %dma_wait3A_103 = tpu.memref_squeeze %dma_wait3A_102 : memref<1x640x64xf32, #tpu.memory_space<hbm>> -> memref<640x64xf32, #tpu.memory_space<hbm>>
        %dma_wait3A_104 = arith.constant 0 : i32
        %dma_wait3A_105 = tpu.memref_slice %arg10[%mul3A_92, %dma_wait3A_104] : memref<10080x64xf32, #tpu.memory_space<vmem_shared>> -> memref<640x64xf32, #tpu.memory_space<vmem_shared>>
        tpu.wait_dma2 semaphore(%run_scoped3A_95 : memref<!tpu.dma_semaphore, #tpu.memory_space<semaphore_mem>>) src(%dma_wait3A_105 : memref<640x64xf32, #tpu.memory_space<vmem_shared>>) dst(%dma_wait3A_103 : memref<640x64xf32, #tpu.memory_space<hbm>>)
        tpu.yield
      }) : () -> ()
    } else {
    }
    %eq3A_86 = arith.constant 15 : i32
    %eq3A_87 = arith.cmpi eq, %arg1, %eq3A_86 : i32
    %convert_element_type3A_88 = arith.extui %eq3A_87 : i1 to i32
    %cond3A_89 = arith.constant 0 : i32
    %cond3A_90 = arith.cmpi ne, %convert_element_type3A_88, %cond3A_89 : i32
    scf.if %cond3A_90 {
      "tpu.region"() ({
        %run_scoped3A_91 = tpu.sem_alloc : memref<!tpu.dma_semaphore, #tpu.memory_space<semaphore_mem>>
        %dma_start3A_92 = arith.constant 9600 : i32
        %dma_start3A_93 = arith.constant 0 : i32
        %dma_start3A_94 = tpu.memref_slice %arg4[%arg0, %dma_start3A_92, %dma_start3A_93] : memref<2x10000x64xf32, #tpu.memory_space<hbm>> -> memref<1x400x64xf32, #tpu.memory_space<hbm>>
        %dma_start3A_95 = tpu.memref_squeeze %dma_start3A_94 : memref<1x400x64xf32, #tpu.memory_space<hbm>> -> memref<400x64xf32, #tpu.memory_space<hbm>>
        %dma_start3A_96 = arith.constant 9600 : i32
        %dma_start3A_97 = arith.constant 0 : i32
        %dma_start3A_98 = tpu.memref_slice %arg10[%dma_start3A_96, %dma_start3A_97] : memref<10080x64xf32, #tpu.memory_space<vmem_shared>> -> memref<400x64xf32, #tpu.memory_space<vmem_shared>>
        tpu.enqueue_dma source(%dma_start3A_98 : memref<400x64xf32, #tpu.memory_space<vmem_shared>>) target(%dma_start3A_95 : memref<400x64xf32, #tpu.memory_space<hbm>>) target_semaphore(%run_scoped3A_91 : memref<!tpu.dma_semaphore, #tpu.memory_space<semaphore_mem>>)
        %dma_wait3A_99 = arith.constant 9600 : i32
        %dma_wait3A_100 = arith.constant 0 : i32
        %dma_wait3A_101 = tpu.memref_slice %arg4[%arg0, %dma_wait3A_99, %dma_wait3A_100] : memref<2x10000x64xf32, #tpu.memory_space<hbm>> -> memref<1x400x64xf32, #tpu.memory_space<hbm>>
        %dma_wait3A_102 = tpu.memref_squeeze %dma_wait3A_101 : memref<1x400x64xf32, #tpu.memory_space<hbm>> -> memref<400x64xf32, #tpu.memory_space<hbm>>
        %dma_wait3A_103 = arith.constant 9600 : i32
        %dma_wait3A_104 = arith.constant 0 : i32
        %dma_wait3A_105 = tpu.memref_slice %arg10[%dma_wait3A_103, %dma_wait3A_104] : memref<10080x64xf32, #tpu.memory_space<vmem_shared>> -> memref<400x64xf32, #tpu.memory_space<vmem_shared>>
        tpu.wait_dma2 semaphore(%run_scoped3A_91 : memref<!tpu.dma_semaphore, #tpu.memory_space<semaphore_mem>>) src(%dma_wait3A_105 : memref<400x64xf32, #tpu.memory_space<vmem_shared>>) dst(%dma_wait3A_102 : memref<400x64xf32, #tpu.memory_space<hbm>>)
        tpu.yield
      }) : () -> ()
    } else {
    }
    return
  }
}

#map = affine_map<(d0, d1) -> (0, 0)>
#map1 = affine_map<(d0, d1) -> (0, 0, 0, 0)>
#map2 = affine_map<(d0, d1) -> (0, 0, 0)>
module attributes {stable_mosaic.version = 14 : i64} {
  func.func @_agg_kernel(%arg0: i32, %arg1: i32, %arg2: memref<10000x64xf32, #tpu.memory_space<hbm>>, %arg3: memref<2x32x80x128xi32, #tpu.memory_space<hbm>>, %arg4: memref<2x10000x64xf32, #tpu.memory_space<hbm>>, %arg5: memref<160x128xi32, #tpu.memory_space<vmem>>, %arg6: memref<128x64xf32, #tpu.memory_space<vmem>>, %arg7: memref<128x64xf32, #tpu.memory_space<vmem>>, %arg8: memref<128x64xf32, #tpu.memory_space<vmem>>, %arg9: memref<10000x64xf32, #tpu.memory_space<vmem_shared>>, %arg10: memref<10080x64xf32, #tpu.memory_space<vmem_shared>>, %arg11: memref<!tpu.dma_semaphore, #tpu.memory_space<semaphore_mem>>, %arg12: memref<!tpu.dma_semaphore, #tpu.memory_space<semaphore_mem>>, %arg13: memref<!tpu.dma_semaphore, #tpu.memory_space<semaphore_mem>>, %arg14: memref<!tpu.dma_semaphore, #tpu.memory_space<semaphore_mem>>, %arg15: memref<!tpu.dma_semaphore, #tpu.memory_space<semaphore_mem>>, %arg16: memref<!tpu.dma_semaphore, #tpu.memory_space<semaphore_mem>>) attributes {dimension_semantics = [#tpu.dimension_semantics<core_parallel>, #tpu.dimension_semantics<subcore_parallel>], iteration_bounds = array<i64: 2, 16>, scalar_prefetch = 0 : i64, scratch_operands = 12 : i64, tpu.core_type = #tpu.core_type<sc_vector_subcore>, window_params = [{transform_indices = #map}, {transform_indices = #map1}, {transform_indices = #map2}]} {
    %mul3A = arith.constant 2 : i32
    %mul3A_0 = arith.muli %arg1, %mul3A : i32
    %add3A = arith.addi %mul3A_0, %arg0 : i32
    %broadcast_in_dim3A = arith.constant 0.000000e+00 : f32
    %broadcast_in_dim3A_1 = vector.broadcast %broadcast_in_dim3A : f32 to vector<16xf32>
    %scan3A = arith.constant 0 : i32
    %scan3A_2 = arith.constant 128 : i32
    %scan3A_3 = arith.addi %scan3A, %scan3A_2 : i32
    %scan3A_4 = arith.constant 1 : i32
    scf.for %scan3A_91 = %scan3A to %scan3A_3 step %scan3A_4  : i32 {
      %mul3A_92 = arith.constant 1 : i32
      %mul3A_93 = arith.muli %scan3A_91, %mul3A_92 : i32
      %add3A_94 = arith.constant 0 : i32
      %add3A_95 = arith.addi %add3A_94, %mul3A_93 : i32
      %swap3A = arith.index_cast %add3A_95 : i32 to index
      %swap3A_96 = arith.constant 0 : index
      %swap3A_97 = tpu.vector_load %arg6[%swap3A, %swap3A_96] {strides = array<i32>} : memref<128x64xf32, #tpu.memory_space<vmem>>, vector<1x16xf32>,
      %swap3A_98 = vector.shape_cast %swap3A_97 : vector<1x16xf32> to vector<16xf32>
      %swap3A_99 = vector.shape_cast %broadcast_in_dim3A_1 : vector<16xf32> to vector<1x16xf32>
      tpu.vector_store %arg6[%swap3A, %swap3A_96], %swap3A_99 {strides = array<i32>} : memref<128x64xf32, #tpu.memory_space<vmem>>, vector<1x16xf32>,
      %swap3A_100 = arith.index_cast %add3A_95 : i32 to index
      %swap3A_101 = arith.constant 16 : index
      %swap3A_102 = tpu.vector_load %arg6[%swap3A_100, %swap3A_101] {strides = array<i32>} : memref<128x64xf32, #tpu.memory_space<vmem>>, vector<1x16xf32>,
      %swap3A_103 = vector.shape_cast %swap3A_102 : vector<1x16xf32> to vector<16xf32>
      %swap3A_104 = vector.shape_cast %broadcast_in_dim3A_1 : vector<16xf32> to vector<1x16xf32>
      tpu.vector_store %arg6[%swap3A_100, %swap3A_101], %swap3A_104 {strides = array<i32>} : memref<128x64xf32, #tpu.memory_space<vmem>>, vector<1x16xf32>,
      %swap3A_105 = arith.index_cast %add3A_95 : i32 to index
      %swap3A_106 = arith.constant 32 : index
      %swap3A_107 = tpu.vector_load %arg6[%swap3A_105, %swap3A_106] {strides = array<i32>} : memref<128x64xf32, #tpu.memory_space<vmem>>, vector<1x16xf32>,
      %swap3A_108 = vector.shape_cast %swap3A_107 : vector<1x16xf32> to vector<16xf32>
      %swap3A_109 = vector.shape_cast %broadcast_in_dim3A_1 : vector<16xf32> to vector<1x16xf32>
      tpu.vector_store %arg6[%swap3A_105, %swap3A_106], %swap3A_109 {strides = array<i32>} : memref<128x64xf32, #tpu.memory_space<vmem>>, vector<1x16xf32>,
      %swap3A_110 = arith.index_cast %add3A_95 : i32 to index
      %swap3A_111 = arith.constant 48 : index
      %swap3A_112 = tpu.vector_load %arg6[%swap3A_110, %swap3A_111] {strides = array<i32>} : memref<128x64xf32, #tpu.memory_space<vmem>>, vector<1x16xf32>,
      %swap3A_113 = vector.shape_cast %swap3A_112 : vector<1x16xf32> to vector<16xf32>
      %swap3A_114 = vector.shape_cast %broadcast_in_dim3A_1 : vector<16xf32> to vector<1x16xf32>
      tpu.vector_store %arg6[%swap3A_110, %swap3A_111], %swap3A_114 {strides = array<i32>} : memref<128x64xf32, #tpu.memory_space<vmem>>, vector<1x16xf32>,
    }
    %scan3A_5 = arith.constant 128 : i32
    %run_scoped3A = arith.constant 0 : i32
    "tpu.region"() ({
      %run_scoped3A_91 = tpu.sem_alloc : memref<!tpu.dma_semaphore, #tpu.memory_space<semaphore_mem>>
      %dma_start3A_92 = arith.constant 0 : i32
      %dma_start3A_93 = arith.constant 0 : i32
      %dma_start3A_94 = tpu.memref_slice %arg5[%dma_start3A_92, %dma_start3A_93] : memref<160x128xi32, #tpu.memory_space<vmem>> -> memref<80x128xi32, #tpu.memory_space<vmem>>
      %dma_start3A_95 = arith.constant 0 : i32
      %dma_start3A_96 = arith.constant 0 : i32
      %dma_start3A_97 = tpu.memref_slice %arg3[%run_scoped3A, %add3A, %dma_start3A_95, %dma_start3A_96] : memref<2x32x80x128xi32, #tpu.memory_space<hbm>> -> memref<1x1x80x128xi32, #tpu.memory_space<hbm>>
      %dma_start3A_98 = tpu.memref_squeeze %dma_start3A_97 : memref<1x1x80x128xi32, #tpu.memory_space<hbm>> -> memref<80x128xi32, #tpu.memory_space<hbm>>
      %dma_start3A_99 = arith.constant 0 : i32
      %dma_start3A_100 = arith.constant 0 : i32
      %dma_start3A_101 = tpu.memref_slice %arg5[%dma_start3A_99, %dma_start3A_100] : memref<160x128xi32, #tpu.memory_space<vmem>> -> memref<80x128xi32, #tpu.memory_space<vmem>>
      %dma_start3A_102 = arith.constant 0 : i32
      %dma_start3A_103 = arith.constant 0 : i32
      %dma_start3A_104 = tpu.memref_slice %arg3[%run_scoped3A, %add3A, %dma_start3A_102, %dma_start3A_103] : memref<2x32x80x128xi32, #tpu.memory_space<hbm>> -> memref<1x1x80x128xi32, #tpu.memory_space<hbm>>
      %dma_start3A_105 = tpu.memref_squeeze %dma_start3A_104 : memref<1x1x80x128xi32, #tpu.memory_space<hbm>> -> memref<80x128xi32, #tpu.memory_space<hbm>>
      tpu.enqueue_dma source(%dma_start3A_105 : memref<80x128xi32, #tpu.memory_space<hbm>>) target(%dma_start3A_101 : memref<80x128xi32, #tpu.memory_space<vmem>>) target_semaphore(%run_scoped3A_91 : memref<!tpu.dma_semaphore, #tpu.memory_space<semaphore_mem>>)
      %dma_wait3A_106 = arith.constant 0 : i32
      %dma_wait3A_107 = arith.constant 0 : i32
      %dma_wait3A_108 = tpu.memref_slice %arg5[%dma_wait3A_106, %dma_wait3A_107] : memref<160x128xi32, #tpu.memory_space<vmem>> -> memref<80x128xi32, #tpu.memory_space<vmem>>
      %dma_wait3A_109 = arith.constant 0 : i32
      %dma_wait3A_110 = arith.constant 0 : i32
      %dma_wait3A_111 = tpu.memref_slice %arg3[%run_scoped3A, %add3A, %dma_wait3A_109, %dma_wait3A_110] : memref<2x32x80x128xi32, #tpu.memory_space<hbm>> -> memref<1x1x80x128xi32, #tpu.memory_space<hbm>>
      %dma_wait3A_112 = tpu.memref_squeeze %dma_wait3A_111 : memref<1x1x80x128xi32, #tpu.memory_space<hbm>> -> memref<80x128xi32, #tpu.memory_space<hbm>>
      %dma_wait3A_113 = arith.constant 0 : i32
      %dma_wait3A_114 = arith.constant 0 : i32
      %dma_wait3A_115 = tpu.memref_slice %arg5[%dma_wait3A_113, %dma_wait3A_114] : memref<160x128xi32, #tpu.memory_space<vmem>> -> memref<80x128xi32, #tpu.memory_space<vmem>>
      %dma_wait3A_116 = arith.constant 0 : i32
      %dma_wait3A_117 = arith.constant 0 : i32
      %dma_wait3A_118 = tpu.memref_slice %arg3[%run_scoped3A, %add3A, %dma_wait3A_116, %dma_wait3A_117] : memref<2x32x80x128xi32, #tpu.memory_space<hbm>> -> memref<1x1x80x128xi32, #tpu.memory_space<hbm>>
      %dma_wait3A_119 = tpu.memref_squeeze %dma_wait3A_118 : memref<1x1x80x128xi32, #tpu.memory_space<hbm>> -> memref<80x128xi32, #tpu.memory_space<hbm>>
      tpu.wait_dma2 semaphore(%run_scoped3A_91 : memref<!tpu.dma_semaphore, #tpu.memory_space<semaphore_mem>>) src(%dma_wait3A_119 : memref<80x128xi32, #tpu.memory_space<hbm>>) dst(%dma_wait3A_115 : memref<80x128xi32, #tpu.memory_space<vmem>>)
      tpu.yield
    }) : () -> ()
    %run_scoped3A_6 = arith.constant 1 : i32
    "tpu.region"() ({
      %run_scoped3A_91 = tpu.sem_alloc : memref<!tpu.dma_semaphore, #tpu.memory_space<semaphore_mem>>
      %dma_start3A_92 = arith.constant 80 : i32
      %dma_start3A_93 = arith.constant 0 : i32
      %dma_start3A_94 = tpu.memref_slice %arg5[%dma_start3A_92, %dma_start3A_93] : memref<160x128xi32, #tpu.memory_space<vmem>> -> memref<80x128xi32, #tpu.memory_space<vmem>>
      %dma_start3A_95 = arith.constant 0 : i32
      %dma_start3A_96 = arith.constant 0 : i32
      %dma_start3A_97 = tpu.memref_slice %arg3[%run_scoped3A_6, %add3A, %dma_start3A_95, %dma_start3A_96] : memref<2x32x80x128xi32, #tpu.memory_space<hbm>> -> memref<1x1x80x128xi32, #tpu.memory_space<hbm>>
      %dma_start3A_98 = tpu.memref_squeeze %dma_start3A_97 : memref<1x1x80x128xi32, #tpu.memory_space<hbm>> -> memref<80x128xi32, #tpu.memory_space<hbm>>
      %dma_start3A_99 = arith.constant 80 : i32
      %dma_start3A_100 = arith.constant 0 : i32
      %dma_start3A_101 = tpu.memref_slice %arg5[%dma_start3A_99, %dma_start3A_100] : memref<160x128xi32, #tpu.memory_space<vmem>> -> memref<80x128xi32, #tpu.memory_space<vmem>>
      %dma_start3A_102 = arith.constant 0 : i32
      %dma_start3A_103 = arith.constant 0 : i32
      %dma_start3A_104 = tpu.memref_slice %arg3[%run_scoped3A_6, %add3A, %dma_start3A_102, %dma_start3A_103] : memref<2x32x80x128xi32, #tpu.memory_space<hbm>> -> memref<1x1x80x128xi32, #tpu.memory_space<hbm>>
      %dma_start3A_105 = tpu.memref_squeeze %dma_start3A_104 : memref<1x1x80x128xi32, #tpu.memory_space<hbm>> -> memref<80x128xi32, #tpu.memory_space<hbm>>
      tpu.enqueue_dma source(%dma_start3A_105 : memref<80x128xi32, #tpu.memory_space<hbm>>) target(%dma_start3A_101 : memref<80x128xi32, #tpu.memory_space<vmem>>) target_semaphore(%run_scoped3A_91 : memref<!tpu.dma_semaphore, #tpu.memory_space<semaphore_mem>>)
      %dma_wait3A_106 = arith.constant 80 : i32
      %dma_wait3A_107 = arith.constant 0 : i32
      %dma_wait3A_108 = tpu.memref_slice %arg5[%dma_wait3A_106, %dma_wait3A_107] : memref<160x128xi32, #tpu.memory_space<vmem>> -> memref<80x128xi32, #tpu.memory_space<vmem>>
      %dma_wait3A_109 = arith.constant 0 : i32
      %dma_wait3A_110 = arith.constant 0 : i32
      %dma_wait3A_111 = tpu.memref_slice %arg3[%run_scoped3A_6, %add3A, %dma_wait3A_109, %dma_wait3A_110] : memref<2x32x80x128xi32, #tpu.memory_space<hbm>> -> memref<1x1x80x128xi32, #tpu.memory_space<hbm>>
      %dma_wait3A_112 = tpu.memref_squeeze %dma_wait3A_111 : memref<1x1x80x128xi32, #tpu.memory_space<hbm>> -> memref<80x128xi32, #tpu.memory_space<hbm>>
      %dma_wait3A_113 = arith.constant 80 : i32
      %dma_wait3A_114 = arith.constant 0 : i32
      %dma_wait3A_115 = tpu.memref_slice %arg5[%dma_wait3A_113, %dma_wait3A_114] : memref<160x128xi32, #tpu.memory_space<vmem>> -> memref<80x128xi32, #tpu.memory_space<vmem>>
      %dma_wait3A_116 = arith.constant 0 : i32
      %dma_wait3A_117 = arith.constant 0 : i32
      %dma_wait3A_118 = tpu.memref_slice %arg3[%run_scoped3A_6, %add3A, %dma_wait3A_116, %dma_wait3A_117] : memref<2x32x80x128xi32, #tpu.memory_space<hbm>> -> memref<1x1x80x128xi32, #tpu.memory_space<hbm>>
      %dma_wait3A_119 = tpu.memref_squeeze %dma_wait3A_118 : memref<1x1x80x128xi32, #tpu.memory_space<hbm>> -> memref<80x128xi32, #tpu.memory_space<hbm>>
      tpu.wait_dma2 semaphore(%run_scoped3A_91 : memref<!tpu.dma_semaphore, #tpu.memory_space<semaphore_mem>>) src(%dma_wait3A_119 : memref<80x128xi32, #tpu.memory_space<hbm>>) dst(%dma_wait3A_115 : memref<80x128xi32, #tpu.memory_space<vmem>>)
      tpu.yield
    }) : () -> ()
    %lt3A = arith.constant 15 : i32
    %lt3A_7 = arith.cmpi slt, %arg1, %lt3A : i32
    %convert_element_type3A = arith.extui %lt3A_7 : i1 to i32
    %cond3A = arith.constant 0 : i32
    %cond3A_8 = arith.cmpi ne, %convert_element_type3A, %cond3A : i32
    scf.if %cond3A_8 {
      %mul3A_91 = arith.constant 640 : i32
      %mul3A_92 = arith.muli %mul3A_91, %arg1 : i32
      %add3A_93 = arith.constant 0 : i32
      %add3A_94 = arith.addi %mul3A_92, %add3A_93 : i32
      "tpu.region"() ({
        %run_scoped3A_115 = tpu.sem_alloc : memref<!tpu.dma_semaphore, #tpu.memory_space<semaphore_mem>>
        %dma_start3A_116 = arith.constant 0 : i32
        %dma_start3A_117 = tpu.memref_slice %arg10[%add3A_94, %dma_start3A_116] : memref<10080x64xf32, #tpu.memory_space<vmem_shared>> -> memref<128x64xf32, #tpu.memory_space<vmem_shared>>
        %dma_start3A_118 = arith.constant 0 : i32
        %dma_start3A_119 = tpu.memref_slice %arg10[%add3A_94, %dma_start3A_118] : memref<10080x64xf32, #tpu.memory_space<vmem_shared>> -> memref<128x64xf32, #tpu.memory_space<vmem_shared>>
        tpu.enqueue_dma source(%arg6 : memref<128x64xf32, #tpu.memory_space<vmem>>) target(%dma_start3A_119 : memref<128x64xf32, #tpu.memory_space<vmem_shared>>) target_semaphore(%run_scoped3A_115 : memref<!tpu.dma_semaphore, #tpu.memory_space<semaphore_mem>>)
        %dma_wait3A_120 = arith.constant 0 : i32
        %dma_wait3A_121 = tpu.memref_slice %arg10[%add3A_94, %dma_wait3A_120] : memref<10080x64xf32, #tpu.memory_space<vmem_shared>> -> memref<128x64xf32, #tpu.memory_space<vmem_shared>>
        %dma_wait3A_122 = arith.constant 0 : i32
        %dma_wait3A_123 = tpu.memref_slice %arg10[%add3A_94, %dma_wait3A_122] : memref<10080x64xf32, #tpu.memory_space<vmem_shared>> -> memref<128x64xf32, #tpu.memory_space<vmem_shared>>
        tpu.wait_dma2 semaphore(%run_scoped3A_115 : memref<!tpu.dma_semaphore, #tpu.memory_space<semaphore_mem>>) src(%arg6 : memref<128x64xf32, #tpu.memory_space<vmem>>) dst(%dma_wait3A_123 : memref<128x64xf32, #tpu.memory_space<vmem_shared>>)
        tpu.yield
      }) : () -> ()
      %mul3A_95 = arith.constant 640 : i32
      %mul3A_96 = arith.muli %mul3A_95, %arg1 : i32
      %add3A_97 = arith.constant 128 : i32
      %add3A_98 = arith.addi %mul3A_96, %add3A_97 : i32
      "tpu.region"() ({
        %run_scoped3A_115 = tpu.sem_alloc : memref<!tpu.dma_semaphore, #tpu.memory_space<semaphore_mem>>
        %dma_start3A_116 = arith.constant 0 : i32
        %dma_start3A_117 = tpu.memref_slice %arg10[%add3A_98, %dma_start3A_116] : memref<10080x64xf32, #tpu.memory_space<vmem_shared>> -> memref<128x64xf32, #tpu.memory_space<vmem_shared>>
        %dma_start3A_118 = arith.constant 0 : i32
        %dma_start3A_119 = tpu.memref_slice %arg10[%add3A_98, %dma_start3A_118] : memref<10080x64xf32, #tpu.memory_space<vmem_shared>> -> memref<128x64xf32, #tpu.memory_space<vmem_shared>>
        tpu.enqueue_dma source(%arg6 : memref<128x64xf32, #tpu.memory_space<vmem>>) target(%dma_start3A_119 : memref<128x64xf32, #tpu.memory_space<vmem_shared>>) target_semaphore(%run_scoped3A_115 : memref<!tpu.dma_semaphore, #tpu.memory_space<semaphore_mem>>)
        %dma_wait3A_120 = arith.constant 0 : i32
        %dma_wait3A_121 = tpu.memref_slice %arg10[%add3A_98, %dma_wait3A_120] : memref<10080x64xf32, #tpu.memory_space<vmem_shared>> -> memref<128x64xf32, #tpu.memory_space<vmem_shared>>
        %dma_wait3A_122 = arith.constant 0 : i32
        %dma_wait3A_123 = tpu.memref_slice %arg10[%add3A_98, %dma_wait3A_122] : memref<10080x64xf32, #tpu.memory_space<vmem_shared>> -> memref<128x64xf32, #tpu.memory_space<vmem_shared>>
        tpu.wait_dma2 semaphore(%run_scoped3A_115 : memref<!tpu.dma_semaphore, #tpu.memory_space<semaphore_mem>>) src(%arg6 : memref<128x64xf32, #tpu.memory_space<vmem>>) dst(%dma_wait3A_123 : memref<128x64xf32, #tpu.memory_space<vmem_shared>>)
        tpu.yield
      }) : () -> ()
      %mul3A_99 = arith.constant 640 : i32
      %mul3A_100 = arith.muli %mul3A_99, %arg1 : i32
      %add3A_101 = arith.constant 256 : i32
      %add3A_102 = arith.addi %mul3A_100, %add3A_101 : i32
      "tpu.region"() ({
        %run_scoped3A_115 = tpu.sem_alloc : memref<!tpu.dma_semaphore, #tpu.memory_space<semaphore_mem>>
        %dma_start3A_116 = arith.constant 0 : i32
        %dma_start3A_117 = tpu.memref_slice %arg10[%add3A_102, %dma_start3A_116] : memref<10080x64xf32, #tpu.memory_space<vmem_shared>> -> memref<128x64xf32, #tpu.memory_space<vmem_shared>>
        %dma_start3A_118 = arith.constant 0 : i32
        %dma_start3A_119 = tpu.memref_slice %arg10[%add3A_102, %dma_start3A_118] : memref<10080x64xf32, #tpu.memory_space<vmem_shared>> -> memref<128x64xf32, #tpu.memory_space<vmem_shared>>
        tpu.enqueue_dma source(%arg6 : memref<128x64xf32, #tpu.memory_space<vmem>>) target(%dma_start3A_119 : memref<128x64xf32, #tpu.memory_space<vmem_shared>>) target_semaphore(%run_scoped3A_115 : memref<!tpu.dma_semaphore, #tpu.memory_space<semaphore_mem>>)
        %dma_wait3A_120 = arith.constant 0 : i32
        %dma_wait3A_121 = tpu.memref_slice %arg10[%add3A_102, %dma_wait3A_120] : memref<10080x64xf32, #tpu.memory_space<vmem_shared>> -> memref<128x64xf32, #tpu.memory_space<vmem_shared>>
        %dma_wait3A_122 = arith.constant 0 : i32
        %dma_wait3A_123 = tpu.memref_slice %arg10[%add3A_102, %dma_wait3A_122] : memref<10080x64xf32, #tpu.memory_space<vmem_shared>> -> memref<128x64xf32, #tpu.memory_space<vmem_shared>>
        tpu.wait_dma2 semaphore(%run_scoped3A_115 : memref<!tpu.dma_semaphore, #tpu.memory_space<semaphore_mem>>) src(%arg6 : memref<128x64xf32, #tpu.memory_space<vmem>>) dst(%dma_wait3A_123 : memref<128x64xf32, #tpu.memory_space<vmem_shared>>)
        tpu.yield
      }) : () -> ()
      %mul3A_103 = arith.constant 640 : i32
      %mul3A_104 = arith.muli %mul3A_103, %arg1 : i32
      %add3A_105 = arith.constant 384 : i32
      %add3A_106 = arith.addi %mul3A_104, %add3A_105 : i32
      "tpu.region"() ({
        %run_scoped3A_115 = tpu.sem_alloc : memref<!tpu.dma_semaphore, #tpu.memory_space<semaphore_mem>>
        %dma_start3A_116 = arith.constant 0 : i32
        %dma_start3A_117 = tpu.memref_slice %arg10[%add3A_106, %dma_start3A_116] : memref<10080x64xf32, #tpu.memory_space<vmem_shared>> -> memref<128x64xf32, #tpu.memory_space<vmem_shared>>
        %dma_start3A_118 = arith.constant 0 : i32
        %dma_start3A_119 = tpu.memref_slice %arg10[%add3A_106, %dma_start3A_118] : memref<10080x64xf32, #tpu.memory_space<vmem_shared>> -> memref<128x64xf32, #tpu.memory_space<vmem_shared>>
        tpu.enqueue_dma source(%arg6 : memref<128x64xf32, #tpu.memory_space<vmem>>) target(%dma_start3A_119 : memref<128x64xf32, #tpu.memory_space<vmem_shared>>) target_semaphore(%run_scoped3A_115 : memref<!tpu.dma_semaphore, #tpu.memory_space<semaphore_mem>>)
        %dma_wait3A_120 = arith.constant 0 : i32
        %dma_wait3A_121 = tpu.memref_slice %arg10[%add3A_106, %dma_wait3A_120] : memref<10080x64xf32, #tpu.memory_space<vmem_shared>> -> memref<128x64xf32, #tpu.memory_space<vmem_shared>>
        %dma_wait3A_122 = arith.constant 0 : i32
        %dma_wait3A_123 = tpu.memref_slice %arg10[%add3A_106, %dma_wait3A_122] : memref<10080x64xf32, #tpu.memory_space<vmem_shared>> -> memref<128x64xf32, #tpu.memory_space<vmem_shared>>
        tpu.wait_dma2 semaphore(%run_scoped3A_115 : memref<!tpu.dma_semaphore, #tpu.memory_space<semaphore_mem>>) src(%arg6 : memref<128x64xf32, #tpu.memory_space<vmem>>) dst(%dma_wait3A_123 : memref<128x64xf32, #tpu.memory_space<vmem_shared>>)
        tpu.yield
      }) : () -> ()
      %mul3A_107 = arith.constant 640 : i32
      %mul3A_108 = arith.muli %mul3A_107, %arg1 : i32
      %add3A_109 = arith.constant 512 : i32
      %add3A_110 = arith.addi %mul3A_108, %add3A_109 : i32
      "tpu.region"() ({
        %run_scoped3A_115 = tpu.sem_alloc : memref<!tpu.dma_semaphore, #tpu.memory_space<semaphore_mem>>
        %dma_start3A_116 = arith.constant 0 : i32
        %dma_start3A_117 = tpu.memref_slice %arg10[%add3A_110, %dma_start3A_116] : memref<10080x64xf32, #tpu.memory_space<vmem_shared>> -> memref<128x64xf32, #tpu.memory_space<vmem_shared>>
        %dma_start3A_118 = arith.constant 0 : i32
        %dma_start3A_119 = tpu.memref_slice %arg10[%add3A_110, %dma_start3A_118] : memref<10080x64xf32, #tpu.memory_space<vmem_shared>> -> memref<128x64xf32, #tpu.memory_space<vmem_shared>>
        tpu.enqueue_dma source(%arg6 : memref<128x64xf32, #tpu.memory_space<vmem>>) target(%dma_start3A_119 : memref<128x64xf32, #tpu.memory_space<vmem_shared>>) target_semaphore(%run_scoped3A_115 : memref<!tpu.dma_semaphore, #tpu.memory_space<semaphore_mem>>)
        %dma_wait3A_120 = arith.constant 0 : i32
        %dma_wait3A_121 = tpu.memref_slice %arg10[%add3A_110, %dma_wait3A_120] : memref<10080x64xf32, #tpu.memory_space<vmem_shared>> -> memref<128x64xf32, #tpu.memory_space<vmem_shared>>
        %dma_wait3A_122 = arith.constant 0 : i32
        %dma_wait3A_123 = tpu.memref_slice %arg10[%add3A_110, %dma_wait3A_122] : memref<10080x64xf32, #tpu.memory_space<vmem_shared>> -> memref<128x64xf32, #tpu.memory_space<vmem_shared>>
        tpu.wait_dma2 semaphore(%run_scoped3A_115 : memref<!tpu.dma_semaphore, #tpu.memory_space<semaphore_mem>>) src(%arg6 : memref<128x64xf32, #tpu.memory_space<vmem>>) dst(%dma_wait3A_123 : memref<128x64xf32, #tpu.memory_space<vmem_shared>>)
        tpu.yield
      }) : () -> ()
      %mul3A_111 = arith.constant 640 : i32
      %mul3A_112 = arith.muli %mul3A_111, %arg1 : i32
      %mul3A_113 = arith.constant 640 : i32
      %mul3A_114 = arith.muli %mul3A_113, %arg1 : i32
      "tpu.region"() ({
        %run_scoped3A_115 = tpu.sem_alloc : memref<!tpu.dma_semaphore, #tpu.memory_space<semaphore_mem>>
        %dma_start3A_116 = arith.constant 0 : i32
        %dma_start3A_117 = tpu.memref_slice %arg9[%mul3A_114, %dma_start3A_116] : memref<10000x64xf32, #tpu.memory_space<vmem_shared>> -> memref<640x64xf32, #tpu.memory_space<vmem_shared>>
        %dma_start3A_118 = arith.constant 0 : i32
        %dma_start3A_119 = tpu.memref_slice %arg2[%mul3A_112, %dma_start3A_118] : memref<10000x64xf32, #tpu.memory_space<hbm>> -> memref<640x64xf32, #tpu.memory_space<hbm>>
        tpu.enqueue_dma source(%dma_start3A_119 : memref<640x64xf32, #tpu.memory_space<hbm>>) target(%dma_start3A_117 : memref<640x64xf32, #tpu.memory_space<vmem_shared>>) target_semaphore(%run_scoped3A_115 : memref<!tpu.dma_semaphore, #tpu.memory_space<semaphore_mem>>)
        %dma_wait3A_120 = arith.constant 0 : i32
        %dma_wait3A_121 = tpu.memref_slice %arg9[%mul3A_114, %dma_wait3A_120] : memref<10000x64xf32, #tpu.memory_space<vmem_shared>> -> memref<640x64xf32, #tpu.memory_space<vmem_shared>>
        %dma_wait3A_122 = arith.constant 0 : i32
        %dma_wait3A_123 = tpu.memref_slice %arg2[%mul3A_112, %dma_wait3A_122] : memref<10000x64xf32, #tpu.memory_space<hbm>> -> memref<640x64xf32, #tpu.memory_space<hbm>>
        tpu.wait_dma2 semaphore(%run_scoped3A_115 : memref<!tpu.dma_semaphore, #tpu.memory_space<semaphore_mem>>) src(%dma_wait3A_123 : memref<640x64xf32, #tpu.memory_space<hbm>>) dst(%dma_wait3A_121 : memref<640x64xf32, #tpu.memory_space<vmem_shared>>)
        tpu.yield
      }) : () -> ()
    } else {
    }
    %eq3A = arith.constant 15 : i32
    %eq3A_9 = arith.cmpi eq, %arg1, %eq3A : i32
    %convert_element_type3A_10 = arith.extui %eq3A_9 : i1 to i32
    %cond3A_11 = arith.constant 0 : i32
    %cond3A_12 = arith.cmpi ne, %convert_element_type3A_10, %cond3A_11 : i32
    scf.if %cond3A_12 {
      "tpu.region"() ({
        %run_scoped3A_91 = tpu.sem_alloc : memref<!tpu.dma_semaphore, #tpu.memory_space<semaphore_mem>>
        %dma_start3A_92 = arith.constant 9600 : i32
        %dma_start3A_93 = arith.constant 0 : i32
        %dma_start3A_94 = tpu.memref_slice %arg10[%dma_start3A_92, %dma_start3A_93] : memref<10080x64xf32, #tpu.memory_space<vmem_shared>> -> memref<128x64xf32, #tpu.memory_space<vmem_shared>>
        %dma_start3A_95 = arith.constant 9600 : i32
        %dma_start3A_96 = arith.constant 0 : i32
        %dma_start3A_97 = tpu.memref_slice %arg10[%dma_start3A_95, %dma_start3A_96] : memref<10080x64xf32, #tpu.memory_space<vmem_shared>> -> memref<128x64xf32, #tpu.memory_space<vmem_shared>>
        tpu.enqueue_dma source(%arg6 : memref<128x64xf32, #tpu.memory_space<vmem>>) target(%dma_start3A_97 : memref<128x64xf32, #tpu.memory_space<vmem_shared>>) target_semaphore(%run_scoped3A_91 : memref<!tpu.dma_semaphore, #tpu.memory_space<semaphore_mem>>)
        %dma_wait3A_98 = arith.constant 9600 : i32
        %dma_wait3A_99 = arith.constant 0 : i32
        %dma_wait3A_100 = tpu.memref_slice %arg10[%dma_wait3A_98, %dma_wait3A_99] : memref<10080x64xf32, #tpu.memory_space<vmem_shared>> -> memref<128x64xf32, #tpu.memory_space<vmem_shared>>
        %dma_wait3A_101 = arith.constant 9600 : i32
        %dma_wait3A_102 = arith.constant 0 : i32
        %dma_wait3A_103 = tpu.memref_slice %arg10[%dma_wait3A_101, %dma_wait3A_102] : memref<10080x64xf32, #tpu.memory_space<vmem_shared>> -> memref<128x64xf32, #tpu.memory_space<vmem_shared>>
        tpu.wait_dma2 semaphore(%run_scoped3A_91 : memref<!tpu.dma_semaphore, #tpu.memory_space<semaphore_mem>>) src(%arg6 : memref<128x64xf32, #tpu.memory_space<vmem>>) dst(%dma_wait3A_103 : memref<128x64xf32, #tpu.memory_space<vmem_shared>>)
        tpu.yield
      }) : () -> ()
      "tpu.region"() ({
        %run_scoped3A_91 = tpu.sem_alloc : memref<!tpu.dma_semaphore, #tpu.memory_space<semaphore_mem>>
        %dma_start3A_92 = arith.constant 9728 : i32
        %dma_start3A_93 = arith.constant 0 : i32
        %dma_start3A_94 = tpu.memref_slice %arg10[%dma_start3A_92, %dma_start3A_93] : memref<10080x64xf32, #tpu.memory_space<vmem_shared>> -> memref<128x64xf32, #tpu.memory_space<vmem_shared>>
        %dma_start3A_95 = arith.constant 9728 : i32
        %dma_start3A_96 = arith.constant 0 : i32
        %dma_start3A_97 = tpu.memref_slice %arg10[%dma_start3A_95, %dma_start3A_96] : memref<10080x64xf32, #tpu.memory_space<vmem_shared>> -> memref<128x64xf32, #tpu.memory_space<vmem_shared>>
        tpu.enqueue_dma source(%arg6 : memref<128x64xf32, #tpu.memory_space<vmem>>) target(%dma_start3A_97 : memref<128x64xf32, #tpu.memory_space<vmem_shared>>) target_semaphore(%run_scoped3A_91 : memref<!tpu.dma_semaphore, #tpu.memory_space<semaphore_mem>>)
        %dma_wait3A_98 = arith.constant 9728 : i32
        %dma_wait3A_99 = arith.constant 0 : i32
        %dma_wait3A_100 = tpu.memref_slice %arg10[%dma_wait3A_98, %dma_wait3A_99] : memref<10080x64xf32, #tpu.memory_space<vmem_shared>> -> memref<128x64xf32, #tpu.memory_space<vmem_shared>>
        %dma_wait3A_101 = arith.constant 9728 : i32
        %dma_wait3A_102 = arith.constant 0 : i32
        %dma_wait3A_103 = tpu.memref_slice %arg10[%dma_wait3A_101, %dma_wait3A_102] : memref<10080x64xf32, #tpu.memory_space<vmem_shared>> -> memref<128x64xf32, #tpu.memory_space<vmem_shared>>
        tpu.wait_dma2 semaphore(%run_scoped3A_91 : memref<!tpu.dma_semaphore, #tpu.memory_space<semaphore_mem>>) src(%arg6 : memref<128x64xf32, #tpu.memory_space<vmem>>) dst(%dma_wait3A_103 : memref<128x64xf32, #tpu.memory_space<vmem_shared>>)
        tpu.yield
      }) : () -> ()
      "tpu.region"() ({
        %run_scoped3A_91 = tpu.sem_alloc : memref<!tpu.dma_semaphore, #tpu.memory_space<semaphore_mem>>
        %dma_start3A_92 = arith.constant 9856 : i32
        %dma_start3A_93 = arith.constant 0 : i32
        %dma_start3A_94 = tpu.memref_slice %arg10[%dma_start3A_92, %dma_start3A_93] : memref<10080x64xf32, #tpu.memory_space<vmem_shared>> -> memref<128x64xf32, #tpu.memory_space<vmem_shared>>
        %dma_start3A_95 = arith.constant 9856 : i32
        %dma_start3A_96 = arith.constant 0 : i32
        %dma_start3A_97 = tpu.memref_slice %arg10[%dma_start3A_95, %dma_start3A_96] : memref<10080x64xf32, #tpu.memory_space<vmem_shared>> -> memref<128x64xf32, #tpu.memory_space<vmem_shared>>
        tpu.enqueue_dma source(%arg6 : memref<128x64xf32, #tpu.memory_space<vmem>>) target(%dma_start3A_97 : memref<128x64xf32, #tpu.memory_space<vmem_shared>>) target_semaphore(%run_scoped3A_91 : memref<!tpu.dma_semaphore, #tpu.memory_space<semaphore_mem>>)
        %dma_wait3A_98 = arith.constant 9856 : i32
        %dma_wait3A_99 = arith.constant 0 : i32
        %dma_wait3A_100 = tpu.memref_slice %arg10[%dma_wait3A_98, %dma_wait3A_99] : memref<10080x64xf32, #tpu.memory_space<vmem_shared>> -> memref<128x64xf32, #tpu.memory_space<vmem_shared>>
        %dma_wait3A_101 = arith.constant 9856 : i32
        %dma_wait3A_102 = arith.constant 0 : i32
        %dma_wait3A_103 = tpu.memref_slice %arg10[%dma_wait3A_101, %dma_wait3A_102] : memref<10080x64xf32, #tpu.memory_space<vmem_shared>> -> memref<128x64xf32, #tpu.memory_space<vmem_shared>>
        tpu.wait_dma2 semaphore(%run_scoped3A_91 : memref<!tpu.dma_semaphore, #tpu.memory_space<semaphore_mem>>) src(%arg6 : memref<128x64xf32, #tpu.memory_space<vmem>>) dst(%dma_wait3A_103 : memref<128x64xf32, #tpu.memory_space<vmem_shared>>)
        tpu.yield
      }) : () -> ()
      "tpu.region"() ({
        %run_scoped3A_91 = tpu.sem_alloc : memref<!tpu.dma_semaphore, #tpu.memory_space<semaphore_mem>>
        %dma_start3A_92 = arith.constant 0 : i32
        %dma_start3A_93 = arith.constant 0 : i32
        %dma_start3A_94 = tpu.memref_slice %arg6[%dma_start3A_92, %dma_start3A_93] : memref<128x64xf32, #tpu.memory_space<vmem>> -> memref<96x64xf32, #tpu.memory_space<vmem>>
        %dma_start3A_95 = arith.constant 9984 : i32
        %dma_start3A_96 = arith.constant 0 : i32
        %dma_start3A_97 = tpu.memref_slice %arg10[%dma_start3A_95, %dma_start3A_96] : memref<10080x64xf32, #tpu.memory_space<vmem_shared>> -> memref<96x64xf32, #tpu.memory_space<vmem_shared>>
        %dma_start3A_98 = arith.constant 9984 : i32
        %dma_start3A_99 = arith.constant 0 : i32
        %dma_start3A_100 = tpu.memref_slice %arg10[%dma_start3A_98, %dma_start3A_99] : memref<10080x64xf32, #tpu.memory_space<vmem_shared>> -> memref<96x64xf32, #tpu.memory_space<vmem_shared>>
        %dma_start3A_101 = arith.constant 0 : i32
        %dma_start3A_102 = arith.constant 0 : i32
        %dma_start3A_103 = tpu.memref_slice %arg6[%dma_start3A_101, %dma_start3A_102] : memref<128x64xf32, #tpu.memory_space<vmem>> -> memref<96x64xf32, #tpu.memory_space<vmem>>
        tpu.enqueue_dma source(%dma_start3A_103 : memref<96x64xf32, #tpu.memory_space<vmem>>) target(%dma_start3A_100 : memref<96x64xf32, #tpu.memory_space<vmem_shared>>) target_semaphore(%run_scoped3A_91 : memref<!tpu.dma_semaphore, #tpu.memory_space<semaphore_mem>>)
        %dma_wait3A_104 = arith.constant 0 : i32
        %dma_wait3A_105 = arith.constant 0 : i32
        %dma_wait3A_106 = tpu.memref_slice %arg6[%dma_wait3A_104, %dma_wait3A_105] : memref<128x64xf32, #tpu.memory_space<vmem>> -> memref<96x64xf32, #tpu.memory_space<vmem>>
        %dma_wait3A_107 = arith.constant 9984 : i32
        %dma_wait3A_108 = arith.constant 0 : i32
        %dma_wait3A_109 = tpu.memref_slice %arg10[%dma_wait3A_107, %dma_wait3A_108] : memref<10080x64xf32, #tpu.memory_space<vmem_shared>> -> memref<96x64xf32, #tpu.memory_space<vmem_shared>>
        %dma_wait3A_110 = arith.constant 9984 : i32
        %dma_wait3A_111 = arith.constant 0 : i32
        %dma_wait3A_112 = tpu.memref_slice %arg10[%dma_wait3A_110, %dma_wait3A_111] : memref<10080x64xf32, #tpu.memory_space<vmem_shared>> -> memref<96x64xf32, #tpu.memory_space<vmem_shared>>
        %dma_wait3A_113 = arith.constant 0 : i32
        %dma_wait3A_114 = arith.constant 0 : i32
        %dma_wait3A_115 = tpu.memref_slice %arg6[%dma_wait3A_113, %dma_wait3A_114] : memref<128x64xf32, #tpu.memory_space<vmem>> -> memref<96x64xf32, #tpu.memory_space<vmem>>
        tpu.wait_dma2 semaphore(%run_scoped3A_91 : memref<!tpu.dma_semaphore, #tpu.memory_space<semaphore_mem>>) src(%dma_wait3A_115 : memref<96x64xf32, #tpu.memory_space<vmem>>) dst(%dma_wait3A_112 : memref<96x64xf32, #tpu.memory_space<vmem_shared>>)
        tpu.yield
      }) : () -> ()
      "tpu.region"() ({
        %run_scoped3A_91 = tpu.sem_alloc : memref<!tpu.dma_semaphore, #tpu.memory_space<semaphore_mem>>
        %dma_start3A_92 = arith.constant 9600 : i32
        %dma_start3A_93 = arith.constant 0 : i32
        %dma_start3A_94 = tpu.memref_slice %arg9[%dma_start3A_92, %dma_start3A_93] : memref<10000x64xf32, #tpu.memory_space<vmem_shared>> -> memref<400x64xf32, #tpu.memory_space<vmem_shared>>
        %dma_start3A_95 = arith.constant 9600 : i32
        %dma_start3A_96 = arith.constant 0 : i32
        %dma_start3A_97 = tpu.memref_slice %arg2[%dma_start3A_95, %dma_start3A_96] : memref<10000x64xf32, #tpu.memory_space<hbm>> -> memref<400x64xf32, #tpu.memory_space<hbm>>
        tpu.enqueue_dma source(%dma_start3A_97 : memref<400x64xf32, #tpu.memory_space<hbm>>) target(%dma_start3A_94 : memref<400x64xf32, #tpu.memory_space<vmem_shared>>) target_semaphore(%run_scoped3A_91 : memref<!tpu.dma_semaphore, #tpu.memory_space<semaphore_mem>>)
        %dma_wait3A_98 = arith.constant 9600 : i32
        %dma_wait3A_99 = arith.constant 0 : i32
        %dma_wait3A_100 = tpu.memref_slice %arg9[%dma_wait3A_98, %dma_wait3A_99] : memref<10000x64xf32, #tpu.memory_space<vmem_shared>> -> memref<400x64xf32, #tpu.memory_space<vmem_shared>>
        %dma_wait3A_101 = arith.constant 9600 : i32
        %dma_wait3A_102 = arith.constant 0 : i32
        %dma_wait3A_103 = tpu.memref_slice %arg2[%dma_wait3A_101, %dma_wait3A_102] : memref<10000x64xf32, #tpu.memory_space<hbm>> -> memref<400x64xf32, #tpu.memory_space<hbm>>
        tpu.wait_dma2 semaphore(%run_scoped3A_91 : memref<!tpu.dma_semaphore, #tpu.memory_space<semaphore_mem>>) src(%dma_wait3A_103 : memref<400x64xf32, #tpu.memory_space<hbm>>) dst(%dma_wait3A_100 : memref<400x64xf32, #tpu.memory_space<vmem_shared>>)
        tpu.yield
      }) : () -> ()
    } else {
    }
    %barrier3A = arith.constant 0 : index
    tpu.barrier barrier_id(%barrier3A)
    %dma_start3A = arith.constant 0 : i32
    %dma_start3A_13 = arith.constant 0 : i32
    %dma_start3A_14 = tpu.memref_slice %arg5[%dma_start3A, %dma_start3A_13] : memref<160x128xi32, #tpu.memory_space<vmem>> -> memref<1x128xi32, #tpu.memory_space<vmem>>
    %dma_start3A_15 = tpu.memref_squeeze %dma_start3A_14 : memref<1x128xi32, #tpu.memory_space<vmem>> -> memref<128xi32, #tpu.memory_space<vmem>>
    %dma_start3A_16 = arith.constant 0 : i32
    %dma_start3A_17 = arith.constant 0 : i32
    %dma_start3A_18 = tpu.memref_slice %arg9[%dma_start3A_16, %dma_start3A_17] : memref<10000x64xf32, #tpu.memory_space<vmem_shared>> -> memref<10000x64xf32, #tpu.memory_space<vmem_shared>>
    tpu.enqueue_indirect_dma source(%dma_start3A_18 : memref<10000x64xf32, #tpu.memory_space<vmem_shared>>) target(%arg6 : memref<128x64xf32, #tpu.memory_space<vmem>>) offsets(%dma_start3A_15 : memref<128xi32, #tpu.memory_space<vmem>>) semaphore(%arg11 : memref<!tpu.dma_semaphore, #tpu.memory_space<semaphore_mem>>)
    %dma_start3A_19 = arith.constant 1 : i32
    %dma_start3A_20 = arith.constant 0 : i32
    %dma_start3A_21 = tpu.memref_slice %arg5[%dma_start3A_19, %dma_start3A_20] : memref<160x128xi32, #tpu.memory_space<vmem>> -> memref<1x128xi32, #tpu.memory_space<vmem>>
    %dma_start3A_22 = tpu.memref_squeeze %dma_start3A_21 : memref<1x128xi32, #tpu.memory_space<vmem>> -> memref<128xi32, #tpu.memory_space<vmem>>
    %dma_start3A_23 = arith.constant 0 : i32
    %dma_start3A_24 = arith.constant 0 : i32
    %dma_start3A_25 = tpu.memref_slice %arg9[%dma_start3A_23, %dma_start3A_24] : memref<10000x64xf32, #tpu.memory_space<vmem_shared>> -> memref<10000x64xf32, #tpu.memory_space<vmem_shared>>
    tpu.enqueue_indirect_dma source(%dma_start3A_25 : memref<10000x64xf32, #tpu.memory_space<vmem_shared>>) target(%arg7 : memref<128x64xf32, #tpu.memory_space<vmem>>) offsets(%dma_start3A_22 : memref<128xi32, #tpu.memory_space<vmem>>) semaphore(%arg12 : memref<!tpu.dma_semaphore, #tpu.memory_space<semaphore_mem>>)
    %scan3A_26 = arith.constant 0 : i32
    %scan3A_27 = arith.constant 0 : i32
    %scan3A_28 = arith.constant 26 : i32
    %scan3A_29 = arith.addi %scan3A_27, %scan3A_28 : i32
    %scan3A_30 = arith.constant 1 : i32
    scf.for %scan3A_91 = %scan3A_27 to %scan3A_29 step %scan3A_30  : i32 {
      %mul3A_92 = arith.constant 3 : i32
      %mul3A_93 = arith.muli %mul3A_92, %scan3A_91 : i32
      %add3A_94 = arith.constant 0 : i32
      %add3A_95 = arith.addi %mul3A_93, %add3A_94 : i32
      %dma_wait3A_96 = arith.constant 0 : i32
      %dma_wait3A_97 = tpu.memref_slice %arg5[%add3A_95, %dma_wait3A_96] : memref<160x128xi32, #tpu.memory_space<vmem>> -> memref<1x128xi32, #tpu.memory_space<vmem>>
      %dma_wait3A_98 = tpu.memref_squeeze %dma_wait3A_97 : memref<1x128xi32, #tpu.memory_space<vmem>> -> memref<128xi32, #tpu.memory_space<vmem>>
      %dma_wait3A_99 = arith.constant 0 : i32
      %dma_wait3A_100 = arith.constant 0 : i32
      %dma_wait3A_101 = tpu.memref_slice %arg9[%dma_wait3A_99, %dma_wait3A_100] : memref<10000x64xf32, #tpu.memory_space<vmem_shared>> -> memref<10000x64xf32, #tpu.memory_space<vmem_shared>>
      tpu.wait_indirect_dma semaphore(%arg11 : memref<!tpu.dma_semaphore, #tpu.memory_space<semaphore_mem>>) src(%dma_wait3A_101 : memref<10000x64xf32, #tpu.memory_space<vmem_shared>>) dst(%arg6 : memref<128x64xf32, #tpu.memory_space<vmem>>)
      %add3A_102 = arith.constant 80 : i32
      %add3A_103 = arith.addi %add3A_102, %add3A_95 : i32
      %dma_start3A_104 = arith.constant 0 : i32
      %dma_start3A_105 = tpu.memref_slice %arg5[%add3A_103, %dma_start3A_104] : memref<160x128xi32, #tpu.memory_space<vmem>> -> memref<1x128xi32, #tpu.memory_space<vmem>>
      %dma_start3A_106 = tpu.memref_squeeze %dma_start3A_105 : memref<1x128xi32, #tpu.memory_space<vmem>> -> memref<128xi32, #tpu.memory_space<vmem>>
      %dma_start3A_107 = arith.constant 0 : i32
      %dma_start3A_108 = arith.constant 0 : i32
      %dma_start3A_109 = tpu.memref_slice %arg10[%dma_start3A_107, %dma_start3A_108] : memref<10080x64xf32, #tpu.memory_space<vmem_shared>> -> memref<10080x64xf32, #tpu.memory_space<vmem_shared>>
      tpu.enqueue_indirect_dma source(%arg6 : memref<128x64xf32, #tpu.memory_space<vmem>>) target(%dma_start3A_109 : memref<10080x64xf32, #tpu.memory_space<vmem_shared>>) offsets(%dma_start3A_106 : memref<128xi32, #tpu.memory_space<vmem>>) semaphore(%arg14 : memref<!tpu.dma_semaphore, #tpu.memory_space<semaphore_mem>>) {add = true}
      %ge3A = arith.constant 1 : i32
      %ge3A_110 = arith.cmpi sge, %add3A_95, %ge3A : i32
      %convert_element_type3A_111 = arith.extui %ge3A_110 : i1 to i32
      %cond3A_112 = arith.constant 0 : i32
      %cond3A_113 = arith.cmpi ne, %convert_element_type3A_111, %cond3A_112 : i32
      scf.if %cond3A_113 {
        %dma_wait3A_181 = arith.constant 80 : i32
        %dma_wait3A_182 = arith.constant 0 : i32
        %dma_wait3A_183 = tpu.memref_slice %arg5[%dma_wait3A_181, %dma_wait3A_182] : memref<160x128xi32, #tpu.memory_space<vmem>> -> memref<1x128xi32, #tpu.memory_space<vmem>>
        %dma_wait3A_184 = tpu.memref_squeeze %dma_wait3A_183 : memref<1x128xi32, #tpu.memory_space<vmem>> -> memref<128xi32, #tpu.memory_space<vmem>>
        %dma_wait3A_185 = arith.constant 0 : i32
        %dma_wait3A_186 = arith.constant 0 : i32
        %dma_wait3A_187 = tpu.memref_slice %arg10[%dma_wait3A_185, %dma_wait3A_186] : memref<10080x64xf32, #tpu.memory_space<vmem_shared>> -> memref<10080x64xf32, #tpu.memory_space<vmem_shared>>
        tpu.wait_indirect_dma semaphore(%arg16 : memref<!tpu.dma_semaphore, #tpu.memory_space<semaphore_mem>>) src(%arg8 : memref<128x64xf32, #tpu.memory_space<vmem>>) dst(%dma_wait3A_187 : memref<10080x64xf32, #tpu.memory_space<vmem_shared>>)
      } else {
      }
      %add3A_114 = arith.constant 2 : i32
      %add3A_115 = arith.addi %add3A_95, %add3A_114 : i32
      %lt3A_116 = arith.constant 80 : i32
      %lt3A_117 = arith.cmpi slt, %add3A_115, %lt3A_116 : i32
      %convert_element_type3A_118 = arith.extui %lt3A_117 : i1 to i32
      %cond3A_119 = arith.constant 0 : i32
      %cond3A_120 = arith.cmpi ne, %convert_element_type3A_118, %cond3A_119 : i32
      scf.if %cond3A_120 {
        %add3A_181 = arith.constant 2 : i32
        %add3A_182 = arith.addi %add3A_95, %add3A_181 : i32
        %dma_start3A_183 = arith.constant 0 : i32
        %dma_start3A_184 = tpu.memref_slice %arg5[%add3A_182, %dma_start3A_183] : memref<160x128xi32, #tpu.memory_space<vmem>> -> memref<1x128xi32, #tpu.memory_space<vmem>>
        %dma_start3A_185 = tpu.memref_squeeze %dma_start3A_184 : memref<1x128xi32, #tpu.memory_space<vmem>> -> memref<128xi32, #tpu.memory_space<vmem>>
        %dma_start3A_186 = arith.constant 0 : i32
        %dma_start3A_187 = arith.constant 0 : i32
        %dma_start3A_188 = tpu.memref_slice %arg9[%dma_start3A_186, %dma_start3A_187] : memref<10000x64xf32, #tpu.memory_space<vmem_shared>> -> memref<10000x64xf32, #tpu.memory_space<vmem_shared>>
        tpu.enqueue_indirect_dma source(%dma_start3A_188 : memref<10000x64xf32, #tpu.memory_space<vmem_shared>>) target(%arg8 : memref<128x64xf32, #tpu.memory_space<vmem>>) offsets(%dma_start3A_185 : memref<128xi32, #tpu.memory_space<vmem>>) semaphore(%arg13 : memref<!tpu.dma_semaphore, #tpu.memory_space<semaphore_mem>>)
      } else {
      }
      %mul3A_121 = arith.constant 3 : i32
      %mul3A_122 = arith.muli %mul3A_121, %scan3A_91 : i32
      %add3A_123 = arith.constant 1 : i32
      %add3A_124 = arith.addi %mul3A_122, %add3A_123 : i32
      %dma_wait3A_125 = arith.constant 0 : i32
      %dma_wait3A_126 = tpu.memref_slice %arg5[%add3A_124, %dma_wait3A_125] : memref<160x128xi32, #tpu.memory_space<vmem>> -> memref<1x128xi32, #tpu.memory_space<vmem>>
      %dma_wait3A_127 = tpu.memref_squeeze %dma_wait3A_126 : memref<1x128xi32, #tpu.memory_space<vmem>> -> memref<128xi32, #tpu.memory_space<vmem>>
      %dma_wait3A_128 = arith.constant 0 : i32
      %dma_wait3A_129 = arith.constant 0 : i32
      %dma_wait3A_130 = tpu.memref_slice %arg9[%dma_wait3A_128, %dma_wait3A_129] : memref<10000x64xf32, #tpu.memory_space<vmem_shared>> -> memref<10000x64xf32, #tpu.memory_space<vmem_shared>>
      tpu.wait_indirect_dma semaphore(%arg12 : memref<!tpu.dma_semaphore, #tpu.memory_space<semaphore_mem>>) src(%dma_wait3A_130 : memref<10000x64xf32, #tpu.memory_space<vmem_shared>>) dst(%arg7 : memref<128x64xf32, #tpu.memory_space<vmem>>)
      %add3A_131 = arith.constant 80 : i32
      %add3A_132 = arith.addi %add3A_131, %add3A_124 : i32
      %dma_start3A_133 = arith.constant 0 : i32
      %dma_start3A_134 = tpu.memref_slice %arg5[%add3A_132, %dma_start3A_133] : memref<160x128xi32, #tpu.memory_space<vmem>> -> memref<1x128xi32, #tpu.memory_space<vmem>>
      %dma_start3A_135 = tpu.memref_squeeze %dma_start3A_134 : memref<1x128xi32, #tpu.memory_space<vmem>> -> memref<128xi32, #tpu.memory_space<vmem>>
      %dma_start3A_136 = arith.constant 0 : i32
      %dma_start3A_137 = arith.constant 0 : i32
      %dma_start3A_138 = tpu.memref_slice %arg10[%dma_start3A_136, %dma_start3A_137] : memref<10080x64xf32, #tpu.memory_space<vmem_shared>> -> memref<10080x64xf32, #tpu.memory_space<vmem_shared>>
      tpu.enqueue_indirect_dma source(%arg7 : memref<128x64xf32, #tpu.memory_space<vmem>>) target(%dma_start3A_138 : memref<10080x64xf32, #tpu.memory_space<vmem_shared>>) offsets(%dma_start3A_135 : memref<128xi32, #tpu.memory_space<vmem>>) semaphore(%arg15 : memref<!tpu.dma_semaphore, #tpu.memory_space<semaphore_mem>>) {add = true}
      %ge3A_139 = arith.constant 1 : i32
      %ge3A_140 = arith.cmpi sge, %add3A_124, %ge3A_139 : i32
      %convert_element_type3A_141 = arith.extui %ge3A_140 : i1 to i32
      %cond3A_142 = arith.constant 0 : i32
      %cond3A_143 = arith.cmpi ne, %convert_element_type3A_141, %cond3A_142 : i32
      scf.if %cond3A_143 {
        %dma_wait3A_181 = arith.constant 80 : i32
        %dma_wait3A_182 = arith.constant 0 : i32
        %dma_wait3A_183 = tpu.memref_slice %arg5[%dma_wait3A_181, %dma_wait3A_182] : memref<160x128xi32, #tpu.memory_space<vmem>> -> memref<1x128xi32, #tpu.memory_space<vmem>>
        %dma_wait3A_184 = tpu.memref_squeeze %dma_wait3A_183 : memref<1x128xi32, #tpu.memory_space<vmem>> -> memref<128xi32, #tpu.memory_space<vmem>>
        %dma_wait3A_185 = arith.constant 0 : i32
        %dma_wait3A_186 = arith.constant 0 : i32
        %dma_wait3A_187 = tpu.memref_slice %arg10[%dma_wait3A_185, %dma_wait3A_186] : memref<10080x64xf32, #tpu.memory_space<vmem_shared>> -> memref<10080x64xf32, #tpu.memory_space<vmem_shared>>
        tpu.wait_indirect_dma semaphore(%arg14 : memref<!tpu.dma_semaphore, #tpu.memory_space<semaphore_mem>>) src(%arg6 : memref<128x64xf32, #tpu.memory_space<vmem>>) dst(%dma_wait3A_187 : memref<10080x64xf32, #tpu.memory_space<vmem_shared>>)
      } else {
      }
      %add3A_144 = arith.constant 2 : i32
      %add3A_145 = arith.addi %add3A_124, %add3A_144 : i32
      %lt3A_146 = arith.constant 80 : i32
      %lt3A_147 = arith.cmpi slt, %add3A_145, %lt3A_146 : i32
      %convert_element_type3A_148 = arith.extui %lt3A_147 : i1 to i32
      %cond3A_149 = arith.constant 0 : i32
      %cond3A_150 = arith.cmpi ne, %convert_element_type3A_148, %cond3A_149 : i32
      scf.if %cond3A_150 {
        %add3A_181 = arith.constant 2 : i32
        %add3A_182 = arith.addi %add3A_124, %add3A_181 : i32
        %dma_start3A_183 = arith.constant 0 : i32
        %dma_start3A_184 = tpu.memref_slice %arg5[%add3A_182, %dma_start3A_183] : memref<160x128xi32, #tpu.memory_space<vmem>> -> memref<1x128xi32, #tpu.memory_space<vmem>>
        %dma_start3A_185 = tpu.memref_squeeze %dma_start3A_184 : memref<1x128xi32, #tpu.memory_space<vmem>> -> memref<128xi32, #tpu.memory_space<vmem>>
        %dma_start3A_186 = arith.constant 0 : i32
        %dma_start3A_187 = arith.constant 0 : i32
        %dma_start3A_188 = tpu.memref_slice %arg9[%dma_start3A_186, %dma_start3A_187] : memref<10000x64xf32, #tpu.memory_space<vmem_shared>> -> memref<10000x64xf32, #tpu.memory_space<vmem_shared>>
        tpu.enqueue_indirect_dma source(%dma_start3A_188 : memref<10000x64xf32, #tpu.memory_space<vmem_shared>>) target(%arg6 : memref<128x64xf32, #tpu.memory_space<vmem>>) offsets(%dma_start3A_185 : memref<128xi32, #tpu.memory_space<vmem>>) semaphore(%arg11 : memref<!tpu.dma_semaphore, #tpu.memory_space<semaphore_mem>>)
      } else {
      }
      %mul3A_151 = arith.constant 3 : i32
      %mul3A_152 = arith.muli %mul3A_151, %scan3A_91 : i32
      %add3A_153 = arith.constant 2 : i32
      %add3A_154 = arith.addi %mul3A_152, %add3A_153 : i32
      %dma_wait3A_155 = arith.constant 0 : i32
      %dma_wait3A_156 = tpu.memref_slice %arg5[%add3A_154, %dma_wait3A_155] : memref<160x128xi32, #tpu.memory_space<vmem>> -> memref<1x128xi32, #tpu.memory_space<vmem>>
      %dma_wait3A_157 = tpu.memref_squeeze %dma_wait3A_156 : memref<1x128xi32, #tpu.memory_space<vmem>> -> memref<128xi32, #tpu.memory_space<vmem>>
      %dma_wait3A_158 = arith.constant 0 : i32
      %dma_wait3A_159 = arith.constant 0 : i32
      %dma_wait3A_160 = tpu.memref_slice %arg9[%dma_wait3A_158, %dma_wait3A_159] : memref<10000x64xf32, #tpu.memory_space<vmem_shared>> -> memref<10000x64xf32, #tpu.memory_space<vmem_shared>>
      tpu.wait_indirect_dma semaphore(%arg13 : memref<!tpu.dma_semaphore, #tpu.memory_space<semaphore_mem>>) src(%dma_wait3A_160 : memref<10000x64xf32, #tpu.memory_space<vmem_shared>>) dst(%arg8 : memref<128x64xf32, #tpu.memory_space<vmem>>)
      %add3A_161 = arith.constant 80 : i32
      %add3A_162 = arith.addi %add3A_161, %add3A_154 : i32
      %dma_start3A_163 = arith.constant 0 : i32
      %dma_start3A_164 = tpu.memref_slice %arg5[%add3A_162, %dma_start3A_163] : memref<160x128xi32, #tpu.memory_space<vmem>> -> memref<1x128xi32, #tpu.memory_space<vmem>>
      %dma_start3A_165 = tpu.memref_squeeze %dma_start3A_164 : memref<1x128xi32, #tpu.memory_space<vmem>> -> memref<128xi32, #tpu.memory_space<vmem>>
      %dma_start3A_166 = arith.constant 0 : i32
      %dma_start3A_167 = arith.constant 0 : i32
      %dma_start3A_168 = tpu.memref_slice %arg10[%dma_start3A_166, %dma_start3A_167] : memref<10080x64xf32, #tpu.memory_space<vmem_shared>> -> memref<10080x64xf32, #tpu.memory_space<vmem_shared>>
      tpu.enqueue_indirect_dma source(%arg8 : memref<128x64xf32, #tpu.memory_space<vmem>>) target(%dma_start3A_168 : memref<10080x64xf32, #tpu.memory_space<vmem_shared>>) offsets(%dma_start3A_165 : memref<128xi32, #tpu.memory_space<vmem>>) semaphore(%arg16 : memref<!tpu.dma_semaphore, #tpu.memory_space<semaphore_mem>>) {add = true}
      %ge3A_169 = arith.constant 1 : i32
      %ge3A_170 = arith.cmpi sge, %add3A_154, %ge3A_169 : i32
      %convert_element_type3A_171 = arith.extui %ge3A_170 : i1 to i32
      %cond3A_172 = arith.constant 0 : i32
      %cond3A_173 = arith.cmpi ne, %convert_element_type3A_171, %cond3A_172 : i32
      scf.if %cond3A_173 {
        %dma_wait3A_181 = arith.constant 80 : i32
        %dma_wait3A_182 = arith.constant 0 : i32
        %dma_wait3A_183 = tpu.memref_slice %arg5[%dma_wait3A_181, %dma_wait3A_182] : memref<160x128xi32, #tpu.memory_space<vmem>> -> memref<1x128xi32, #tpu.memory_space<vmem>>
        %dma_wait3A_184 = tpu.memref_squeeze %dma_wait3A_183 : memref<1x128xi32, #tpu.memory_space<vmem>> -> memref<128xi32, #tpu.memory_space<vmem>>
        %dma_wait3A_185 = arith.constant 0 : i32
        %dma_wait3A_186 = arith.constant 0 : i32
        %dma_wait3A_187 = tpu.memref_slice %arg10[%dma_wait3A_185, %dma_wait3A_186] : memref<10080x64xf32, #tpu.memory_space<vmem_shared>> -> memref<10080x64xf32, #tpu.memory_space<vmem_shared>>
        tpu.wait_indirect_dma semaphore(%arg15 : memref<!tpu.dma_semaphore, #tpu.memory_space<semaphore_mem>>) src(%arg7 : memref<128x64xf32, #tpu.memory_space<vmem>>) dst(%dma_wait3A_187 : memref<10080x64xf32, #tpu.memory_space<vmem_shared>>)
      } else {
      }
      %add3A_174 = arith.constant 2 : i32
      %add3A_175 = arith.addi %add3A_154, %add3A_174 : i32
      %lt3A_176 = arith.constant 80 : i32
      %lt3A_177 = arith.cmpi slt, %add3A_175, %lt3A_176 : i32
      %convert_element_type3A_178 = arith.extui %lt3A_177 : i1 to i32
      %cond3A_179 = arith.constant 0 : i32
      %cond3A_180 = arith.cmpi ne, %convert_element_type3A_178, %cond3A_179 : i32
      scf.if %cond3A_180 {
        %add3A_181 = arith.constant 2 : i32
        %add3A_182 = arith.addi %add3A_154, %add3A_181 : i32
        %dma_start3A_183 = arith.constant 0 : i32
        %dma_start3A_184 = tpu.memref_slice %arg5[%add3A_182, %dma_start3A_183] : memref<160x128xi32, #tpu.memory_space<vmem>> -> memref<1x128xi32, #tpu.memory_space<vmem>>
        %dma_start3A_185 = tpu.memref_squeeze %dma_start3A_184 : memref<1x128xi32, #tpu.memory_space<vmem>> -> memref<128xi32, #tpu.memory_space<vmem>>
        %dma_start3A_186 = arith.constant 0 : i32
        %dma_start3A_187 = arith.constant 0 : i32
        %dma_start3A_188 = tpu.memref_slice %arg9[%dma_start3A_186, %dma_start3A_187] : memref<10000x64xf32, #tpu.memory_space<vmem_shared>> -> memref<10000x64xf32, #tpu.memory_space<vmem_shared>>
        tpu.enqueue_indirect_dma source(%dma_start3A_188 : memref<10000x64xf32, #tpu.memory_space<vmem_shared>>) target(%arg7 : memref<128x64xf32, #tpu.memory_space<vmem>>) offsets(%dma_start3A_185 : memref<128xi32, #tpu.memory_space<vmem>>) semaphore(%arg12 : memref<!tpu.dma_semaphore, #tpu.memory_space<semaphore_mem>>)
      } else {
      }
    }
    %scan3A_31 = arith.constant 26 : i32
    %dma_wait3A = arith.constant 78 : i32
    %dma_wait3A_32 = arith.constant 0 : i32
    %dma_wait3A_33 = tpu.memref_slice %arg5[%dma_wait3A, %dma_wait3A_32] : memref<160x128xi32, #tpu.memory_space<vmem>> -> memref<1x128xi32, #tpu.memory_space<vmem>>
    %dma_wait3A_34 = tpu.memref_squeeze %dma_wait3A_33 : memref<1x128xi32, #tpu.memory_space<vmem>> -> memref<128xi32, #tpu.memory_space<vmem>>
    %dma_wait3A_35 = arith.constant 0 : i32
    %dma_wait3A_36 = arith.constant 0 : i32
    %dma_wait3A_37 = tpu.memref_slice %arg9[%dma_wait3A_35, %dma_wait3A_36] : memref<10000x64xf32, #tpu.memory_space<vmem_shared>> -> memref<10000x64xf32, #tpu.memory_space<vmem_shared>>
    tpu.wait_indirect_dma semaphore(%arg11 : memref<!tpu.dma_semaphore, #tpu.memory_space<semaphore_mem>>) src(%dma_wait3A_37 : memref<10000x64xf32, #tpu.memory_space<vmem_shared>>) dst(%arg6 : memref<128x64xf32, #tpu.memory_space<vmem>>)
    %dma_start3A_38 = arith.constant 158 : i32
    %dma_start3A_39 = arith.constant 0 : i32
    %dma_start3A_40 = tpu.memref_slice %arg5[%dma_start3A_38, %dma_start3A_39] : memref<160x128xi32, #tpu.memory_space<vmem>> -> memref<1x128xi32, #tpu.memory_space<vmem>>
    %dma_start3A_41 = tpu.memref_squeeze %dma_start3A_40 : memref<1x128xi32, #tpu.memory_space<vmem>> -> memref<128xi32, #tpu.memory_space<vmem>>
    %dma_start3A_42 = arith.constant 0 : i32
    %dma_start3A_43 = arith.constant 0 : i32
    %dma_start3A_44 = tpu.memref_slice %arg10[%dma_start3A_42, %dma_start3A_43] : memref<10080x64xf32, #tpu.memory_space<vmem_shared>> -> memref<10080x64xf32, #tpu.memory_space<vmem_shared>>
    tpu.enqueue_indirect_dma source(%arg6 : memref<128x64xf32, #tpu.memory_space<vmem>>) target(%dma_start3A_44 : memref<10080x64xf32, #tpu.memory_space<vmem_shared>>) offsets(%dma_start3A_41 : memref<128xi32, #tpu.memory_space<vmem>>) semaphore(%arg14 : memref<!tpu.dma_semaphore, #tpu.memory_space<semaphore_mem>>) {add = true}
    %dma_wait3A_45 = arith.constant 80 : i32
    %dma_wait3A_46 = arith.constant 0 : i32
    %dma_wait3A_47 = tpu.memref_slice %arg5[%dma_wait3A_45, %dma_wait3A_46] : memref<160x128xi32, #tpu.memory_space<vmem>> -> memref<1x128xi32, #tpu.memory_space<vmem>>
    %dma_wait3A_48 = tpu.memref_squeeze %dma_wait3A_47 : memref<1x128xi32, #tpu.memory_space<vmem>> -> memref<128xi32, #tpu.memory_space<vmem>>
    %dma_wait3A_49 = arith.constant 0 : i32
    %dma_wait3A_50 = arith.constant 0 : i32
    %dma_wait3A_51 = tpu.memref_slice %arg10[%dma_wait3A_49, %dma_wait3A_50] : memref<10080x64xf32, #tpu.memory_space<vmem_shared>> -> memref<10080x64xf32, #tpu.memory_space<vmem_shared>>
    tpu.wait_indirect_dma semaphore(%arg16 : memref<!tpu.dma_semaphore, #tpu.memory_space<semaphore_mem>>) src(%arg8 : memref<128x64xf32, #tpu.memory_space<vmem>>) dst(%dma_wait3A_51 : memref<10080x64xf32, #tpu.memory_space<vmem_shared>>)
    %dma_wait3A_52 = arith.constant 79 : i32
    %dma_wait3A_53 = arith.constant 0 : i32
    %dma_wait3A_54 = tpu.memref_slice %arg5[%dma_wait3A_52, %dma_wait3A_53] : memref<160x128xi32, #tpu.memory_space<vmem>> -> memref<1x128xi32, #tpu.memory_space<vmem>>
    %dma_wait3A_55 = tpu.memref_squeeze %dma_wait3A_54 : memref<1x128xi32, #tpu.memory_space<vmem>> -> memref<128xi32, #tpu.memory_space<vmem>>
    %dma_wait3A_56 = arith.constant 0 : i32
    %dma_wait3A_57 = arith.constant 0 : i32
    %dma_wait3A_58 = tpu.memref_slice %arg9[%dma_wait3A_56, %dma_wait3A_57] : memref<10000x64xf32, #tpu.memory_space<vmem_shared>> -> memref<10000x64xf32, #tpu.memory_space<vmem_shared>>
    tpu.wait_indirect_dma semaphore(%arg12 : memref<!tpu.dma_semaphore, #tpu.memory_space<semaphore_mem>>) src(%dma_wait3A_58 : memref<10000x64xf32, #tpu.memory_space<vmem_shared>>) dst(%arg7 : memref<128x64xf32, #tpu.memory_space<vmem>>)
    %dma_start3A_59 = arith.constant 159 : i32
    %dma_start3A_60 = arith.constant 0 : i32
    %dma_start3A_61 = tpu.memref_slice %arg5[%dma_start3A_59, %dma_start3A_60] : memref<160x128xi32, #tpu.memory_space<vmem>> -> memref<1x128xi32, #tpu.memory_space<vmem>>
    %dma_start3A_62 = tpu.memref_squeeze %dma_start3A_61 : memref<1x128xi32, #tpu.memory_space<vmem>> -> memref<128xi32, #tpu.memory_space<vmem>>
    %dma_start3A_63 = arith.constant 0 : i32
    %dma_start3A_64 = arith.constant 0 : i32
    %dma_start3A_65 = tpu.memref_slice %arg10[%dma_start3A_63, %dma_start3A_64] : memref<10080x64xf32, #tpu.memory_space<vmem_shared>> -> memref<10080x64xf32, #tpu.memory_space<vmem_shared>>
    tpu.enqueue_indirect_dma source(%arg7 : memref<128x64xf32, #tpu.memory_space<vmem>>) target(%dma_start3A_65 : memref<10080x64xf32, #tpu.memory_space<vmem_shared>>) offsets(%dma_start3A_62 : memref<128xi32, #tpu.memory_space<vmem>>) semaphore(%arg15 : memref<!tpu.dma_semaphore, #tpu.memory_space<semaphore_mem>>) {add = true}
    %dma_wait3A_66 = arith.constant 80 : i32
    %dma_wait3A_67 = arith.constant 0 : i32
    %dma_wait3A_68 = tpu.memref_slice %arg5[%dma_wait3A_66, %dma_wait3A_67] : memref<160x128xi32, #tpu.memory_space<vmem>> -> memref<1x128xi32, #tpu.memory_space<vmem>>
    %dma_wait3A_69 = tpu.memref_squeeze %dma_wait3A_68 : memref<1x128xi32, #tpu.memory_space<vmem>> -> memref<128xi32, #tpu.memory_space<vmem>>
    %dma_wait3A_70 = arith.constant 0 : i32
    %dma_wait3A_71 = arith.constant 0 : i32
    %dma_wait3A_72 = tpu.memref_slice %arg10[%dma_wait3A_70, %dma_wait3A_71] : memref<10080x64xf32, #tpu.memory_space<vmem_shared>> -> memref<10080x64xf32, #tpu.memory_space<vmem_shared>>
    tpu.wait_indirect_dma semaphore(%arg14 : memref<!tpu.dma_semaphore, #tpu.memory_space<semaphore_mem>>) src(%arg6 : memref<128x64xf32, #tpu.memory_space<vmem>>) dst(%dma_wait3A_72 : memref<10080x64xf32, #tpu.memory_space<vmem_shared>>)
    %dma_wait3A_73 = arith.constant 80 : i32
    %dma_wait3A_74 = arith.constant 0 : i32
    %dma_wait3A_75 = tpu.memref_slice %arg5[%dma_wait3A_73, %dma_wait3A_74] : memref<160x128xi32, #tpu.memory_space<vmem>> -> memref<1x128xi32, #tpu.memory_space<vmem>>
    %dma_wait3A_76 = tpu.memref_squeeze %dma_wait3A_75 : memref<1x128xi32, #tpu.memory_space<vmem>> -> memref<128xi32, #tpu.memory_space<vmem>>
    %dma_wait3A_77 = arith.constant 0 : i32
    %dma_wait3A_78 = arith.constant 0 : i32
    %dma_wait3A_79 = tpu.memref_slice %arg10[%dma_wait3A_77, %dma_wait3A_78] : memref<10080x64xf32, #tpu.memory_space<vmem_shared>> -> memref<10080x64xf32, #tpu.memory_space<vmem_shared>>
    tpu.wait_indirect_dma semaphore(%arg15 : memref<!tpu.dma_semaphore, #tpu.memory_space<semaphore_mem>>) src(%arg7 : memref<128x64xf32, #tpu.memory_space<vmem>>) dst(%dma_wait3A_79 : memref<10080x64xf32, #tpu.memory_space<vmem_shared>>)
    %barrier3A_80 = arith.constant 0 : index
    tpu.barrier barrier_id(%barrier3A_80)
    %lt3A_81 = arith.constant 15 : i32
    %lt3A_82 = arith.cmpi slt, %arg1, %lt3A_81 : i32
    %convert_element_type3A_83 = arith.extui %lt3A_82 : i1 to i32
    %cond3A_84 = arith.constant 0 : i32
    %cond3A_85 = arith.cmpi ne, %convert_element_type3A_83, %cond3A_84 : i32
    scf.if %cond3A_85 {
      %mul3A_91 = arith.constant 640 : i32
      %mul3A_92 = arith.muli %mul3A_91, %arg1 : i32
      %mul3A_93 = arith.constant 640 : i32
      %mul3A_94 = arith.muli %mul3A_93, %arg1 : i32
      "tpu.region"() ({
        %run_scoped3A_95 = tpu.sem_alloc : memref<!tpu.dma_semaphore, #tpu.memory_space<semaphore_mem>>
        %dma_start3A_96 = arith.constant 0 : i32
        %dma_start3A_97 = tpu.memref_slice %arg4[%arg0, %mul3A_94, %dma_start3A_96] : memref<2x10000x64xf32, #tpu.memory_space<hbm>> -> memref<1x640x64xf32, #tpu.memory_space<hbm>>
        %dma_start3A_98 = tpu.memref_squeeze %dma_start3A_97 : memref<1x640x64xf32, #tpu.memory_space<hbm>> -> memref<640x64xf32, #tpu.memory_space<hbm>>
        %dma_start3A_99 = arith.constant 0 : i32
        %dma_start3A_100 = tpu.memref_slice %arg10[%mul3A_92, %dma_start3A_99] : memref<10080x64xf32, #tpu.memory_space<vmem_shared>> -> memref<640x64xf32, #tpu.memory_space<vmem_shared>>
        tpu.enqueue_dma source(%dma_start3A_100 : memref<640x64xf32, #tpu.memory_space<vmem_shared>>) target(%dma_start3A_98 : memref<640x64xf32, #tpu.memory_space<hbm>>) target_semaphore(%run_scoped3A_95 : memref<!tpu.dma_semaphore, #tpu.memory_space<semaphore_mem>>)
        %dma_wait3A_101 = arith.constant 0 : i32
        %dma_wait3A_102 = tpu.memref_slice %arg4[%arg0, %mul3A_94, %dma_wait3A_101] : memref<2x10000x64xf32, #tpu.memory_space<hbm>> -> memref<1x640x64xf32, #tpu.memory_space<hbm>>
        %dma_wait3A_103 = tpu.memref_squeeze %dma_wait3A_102 : memref<1x640x64xf32, #tpu.memory_space<hbm>> -> memref<640x64xf32, #tpu.memory_space<hbm>>
        %dma_wait3A_104 = arith.constant 0 : i32
        %dma_wait3A_105 = tpu.memref_slice %arg10[%mul3A_92, %dma_wait3A_104] : memref<10080x64xf32, #tpu.memory_space<vmem_shared>> -> memref<640x64xf32, #tpu.memory_space<vmem_shared>>
        tpu.wait_dma2 semaphore(%run_scoped3A_95 : memref<!tpu.dma_semaphore, #tpu.memory_space<semaphore_mem>>) src(%dma_wait3A_105 : memref<640x64xf32, #tpu.memory_space<vmem_shared>>) dst(%dma_wait3A_103 : memref<640x64xf32, #tpu.memory_space<hbm>>)
        tpu.yield
      }) : () -> ()
    } else {
    }
    %eq3A_86 = arith.constant 15 : i32
    %eq3A_87 = arith.cmpi eq, %arg1, %eq3A_86 : i32
    %convert_element_type3A_88 = arith.extui %eq3A_87 : i1 to i32
    %cond3A_89 = arith.constant 0 : i32
    %cond3A_90 = arith.cmpi ne, %convert_element_type3A_88, %cond3A_89 : i32
    scf.if %cond3A_90 {
      "tpu.region"() ({
        %run_scoped3A_91 = tpu.sem_alloc : memref<!tpu.dma_semaphore, #tpu.memory_space<semaphore_mem>>
        %dma_start3A_92 = arith.constant 9600 : i32
        %dma_start3A_93 = arith.constant 0 : i32
        %dma_start3A_94 = tpu.memref_slice %arg4[%arg0, %dma_start3A_92, %dma_start3A_93] : memref<2x10000x64xf32, #tpu.memory_space<hbm>> -> memref<1x400x64xf32, #tpu.memory_space<hbm>>
        %dma_start3A_95 = tpu.memref_squeeze %dma_start3A_94 : memref<1x400x64xf32, #tpu.memory_space<hbm>> -> memref<400x64xf32, #tpu.memory_space<hbm>>
        %dma_start3A_96 = arith.constant 9600 : i32
        %dma_start3A_97 = arith.constant 0 : i32
        %dma_start3A_98 = tpu.memref_slice %arg10[%dma_start3A_96, %dma_start3A_97] : memref<10080x64xf32, #tpu.memory_space<vmem_shared>> -> memref<400x64xf32, #tpu.memory_space<vmem_shared>>
        tpu.enqueue_dma source(%dma_start3A_98 : memref<400x64xf32, #tpu.memory_space<vmem_shared>>) target(%dma_start3A_95 : memref<400x64xf32, #tpu.memory_space<hbm>>) target_semaphore(%run_scoped3A_91 : memref<!tpu.dma_semaphore, #tpu.memory_space<semaphore_mem>>)
        %dma_wait3A_99 = arith.constant 9600 : i32
        %dma_wait3A_100 = arith.constant 0 : i32
        %dma_wait3A_101 = tpu.memref_slice %arg4[%arg0, %dma_wait3A_99, %dma_wait3A_100] : memref<2x10000x64xf32, #tpu.memory_space<hbm>> -> memref<1x400x64xf32, #tpu.memory_space<hbm>>
        %dma_wait3A_102 = tpu.memref_squeeze %dma_wait3A_101 : memref<1x400x64xf32, #tpu.memory_space<hbm>> -> memref<400x64xf32, #tpu.memory_space<hbm>>
        %dma_wait3A_103 = arith.constant 9600 : i32
        %dma_wait3A_104 = arith.constant 0 : i32
        %dma_wait3A_105 = tpu.memref_slice %arg10[%dma_wait3A_103, %dma_wait3A_104] : memref<10080x64xf32, #tpu.memory_space<vmem_shared>> -> memref<400x64xf32, #tpu.memory_space<vmem_shared>>
        tpu.wait_dma2 semaphore(%run_scoped3A_91 : memref<!tpu.dma_semaphore, #tpu.memory_space<semaphore_mem>>) src(%dma_wait3A_105 : memref<400x64xf32, #tpu.memory_space<vmem_shared>>) dst(%dma_wait3A_102 : memref<400x64xf32, #tpu.memory_space<hbm>>)
        tpu.yield
      }) : () -> ()
    } else {
    }
    return
  }
}

#map = affine_map<(d0, d1) -> (0, 0)>
#map1 = affine_map<(d0, d1) -> (0, 0, 0, 0)>
#map2 = affine_map<(d0, d1) -> (0, 0, 0)>
module attributes {stable_mosaic.version = 14 : i64} {
  func.func @_agg_kernel(%arg0: i32, %arg1: i32, %arg2: memref<10000x64xf32, #tpu.memory_space<hbm>>, %arg3: memref<2x32x80x128xi32, #tpu.memory_space<hbm>>, %arg4: memref<2x10000x64xf32, #tpu.memory_space<hbm>>, %arg5: memref<160x128xi32, #tpu.memory_space<vmem>>, %arg6: memref<128x64xf32, #tpu.memory_space<vmem>>, %arg7: memref<128x64xf32, #tpu.memory_space<vmem>>, %arg8: memref<128x64xf32, #tpu.memory_space<vmem>>, %arg9: memref<10000x64xf32, #tpu.memory_space<vmem_shared>>, %arg10: memref<10080x64xf32, #tpu.memory_space<vmem_shared>>, %arg11: memref<!tpu.dma_semaphore, #tpu.memory_space<semaphore_mem>>, %arg12: memref<!tpu.dma_semaphore, #tpu.memory_space<semaphore_mem>>, %arg13: memref<!tpu.dma_semaphore, #tpu.memory_space<semaphore_mem>>, %arg14: memref<!tpu.dma_semaphore, #tpu.memory_space<semaphore_mem>>, %arg15: memref<!tpu.dma_semaphore, #tpu.memory_space<semaphore_mem>>, %arg16: memref<!tpu.dma_semaphore, #tpu.memory_space<semaphore_mem>>) attributes {dimension_semantics = [#tpu.dimension_semantics<core_parallel>, #tpu.dimension_semantics<subcore_parallel>], iteration_bounds = array<i64: 2, 16>, scalar_prefetch = 0 : i64, scratch_operands = 12 : i64, tpu.core_type = #tpu.core_type<sc_vector_subcore>, window_params = [{transform_indices = #map}, {transform_indices = #map1}, {transform_indices = #map2}]} {
    %mul3A = arith.constant 2 : i32
    %mul3A_0 = arith.muli %arg1, %mul3A : i32
    %add3A = arith.addi %mul3A_0, %arg0 : i32
    %broadcast_in_dim3A = arith.constant 0.000000e+00 : f32
    %broadcast_in_dim3A_1 = vector.broadcast %broadcast_in_dim3A : f32 to vector<16xf32>
    %scan3A = arith.constant 0 : i32
    %scan3A_2 = arith.constant 128 : i32
    %scan3A_3 = arith.addi %scan3A, %scan3A_2 : i32
    %scan3A_4 = arith.constant 1 : i32
    scf.for %scan3A_91 = %scan3A to %scan3A_3 step %scan3A_4  : i32 {
      %mul3A_92 = arith.constant 1 : i32
      %mul3A_93 = arith.muli %scan3A_91, %mul3A_92 : i32
      %add3A_94 = arith.constant 0 : i32
      %add3A_95 = arith.addi %add3A_94, %mul3A_93 : i32
      %swap3A = arith.index_cast %add3A_95 : i32 to index
      %swap3A_96 = arith.constant 0 : index
      %swap3A_97 = tpu.vector_load %arg6[%swap3A, %swap3A_96] {strides = array<i32>} : memref<128x64xf32, #tpu.memory_space<vmem>>, vector<1x16xf32>,
      %swap3A_98 = vector.shape_cast %swap3A_97 : vector<1x16xf32> to vector<16xf32>
      %swap3A_99 = vector.shape_cast %broadcast_in_dim3A_1 : vector<16xf32> to vector<1x16xf32>
      tpu.vector_store %arg6[%swap3A, %swap3A_96], %swap3A_99 {strides = array<i32>} : memref<128x64xf32, #tpu.memory_space<vmem>>, vector<1x16xf32>,
      %swap3A_100 = arith.index_cast %add3A_95 : i32 to index
      %swap3A_101 = arith.constant 16 : index
      %swap3A_102 = tpu.vector_load %arg6[%swap3A_100, %swap3A_101] {strides = array<i32>} : memref<128x64xf32, #tpu.memory_space<vmem>>, vector<1x16xf32>,
      %swap3A_103 = vector.shape_cast %swap3A_102 : vector<1x16xf32> to vector<16xf32>
      %swap3A_104 = vector.shape_cast %broadcast_in_dim3A_1 : vector<16xf32> to vector<1x16xf32>
      tpu.vector_store %arg6[%swap3A_100, %swap3A_101], %swap3A_104 {strides = array<i32>} : memref<128x64xf32, #tpu.memory_space<vmem>>, vector<1x16xf32>,
      %swap3A_105 = arith.index_cast %add3A_95 : i32 to index
      %swap3A_106 = arith.constant 32 : index
      %swap3A_107 = tpu.vector_load %arg6[%swap3A_105, %swap3A_106] {strides = array<i32>} : memref<128x64xf32, #tpu.memory_space<vmem>>, vector<1x16xf32>,
      %swap3A_108 = vector.shape_cast %swap3A_107 : vector<1x16xf32> to vector<16xf32>
      %swap3A_109 = vector.shape_cast %broadcast_in_dim3A_1 : vector<16xf32> to vector<1x16xf32>
      tpu.vector_store %arg6[%swap3A_105, %swap3A_106], %swap3A_109 {strides = array<i32>} : memref<128x64xf32, #tpu.memory_space<vmem>>, vector<1x16xf32>,
      %swap3A_110 = arith.index_cast %add3A_95 : i32 to index
      %swap3A_111 = arith.constant 48 : index
      %swap3A_112 = tpu.vector_load %arg6[%swap3A_110, %swap3A_111] {strides = array<i32>} : memref<128x64xf32, #tpu.memory_space<vmem>>, vector<1x16xf32>,
      %swap3A_113 = vector.shape_cast %swap3A_112 : vector<1x16xf32> to vector<16xf32>
      %swap3A_114 = vector.shape_cast %broadcast_in_dim3A_1 : vector<16xf32> to vector<1x16xf32>
      tpu.vector_store %arg6[%swap3A_110, %swap3A_111], %swap3A_114 {strides = array<i32>} : memref<128x64xf32, #tpu.memory_space<vmem>>, vector<1x16xf32>,
    }
    %scan3A_5 = arith.constant 128 : i32
    %run_scoped3A = arith.constant 0 : i32
    "tpu.region"() ({
      %run_scoped3A_91 = tpu.sem_alloc : memref<!tpu.dma_semaphore, #tpu.memory_space<semaphore_mem>>
      %dma_start3A_92 = arith.constant 0 : i32
      %dma_start3A_93 = arith.constant 0 : i32
      %dma_start3A_94 = tpu.memref_slice %arg5[%dma_start3A_92, %dma_start3A_93] : memref<160x128xi32, #tpu.memory_space<vmem>> -> memref<80x128xi32, #tpu.memory_space<vmem>>
      %dma_start3A_95 = arith.constant 0 : i32
      %dma_start3A_96 = arith.constant 0 : i32
      %dma_start3A_97 = tpu.memref_slice %arg3[%run_scoped3A, %add3A, %dma_start3A_95, %dma_start3A_96] : memref<2x32x80x128xi32, #tpu.memory_space<hbm>> -> memref<1x1x80x128xi32, #tpu.memory_space<hbm>>
      %dma_start3A_98 = tpu.memref_squeeze %dma_start3A_97 : memref<1x1x80x128xi32, #tpu.memory_space<hbm>> -> memref<80x128xi32, #tpu.memory_space<hbm>>
      %dma_start3A_99 = arith.constant 0 : i32
      %dma_start3A_100 = arith.constant 0 : i32
      %dma_start3A_101 = tpu.memref_slice %arg5[%dma_start3A_99, %dma_start3A_100] : memref<160x128xi32, #tpu.memory_space<vmem>> -> memref<80x128xi32, #tpu.memory_space<vmem>>
      %dma_start3A_102 = arith.constant 0 : i32
      %dma_start3A_103 = arith.constant 0 : i32
      %dma_start3A_104 = tpu.memref_slice %arg3[%run_scoped3A, %add3A, %dma_start3A_102, %dma_start3A_103] : memref<2x32x80x128xi32, #tpu.memory_space<hbm>> -> memref<1x1x80x128xi32, #tpu.memory_space<hbm>>
      %dma_start3A_105 = tpu.memref_squeeze %dma_start3A_104 : memref<1x1x80x128xi32, #tpu.memory_space<hbm>> -> memref<80x128xi32, #tpu.memory_space<hbm>>
      tpu.enqueue_dma source(%dma_start3A_105 : memref<80x128xi32, #tpu.memory_space<hbm>>) target(%dma_start3A_101 : memref<80x128xi32, #tpu.memory_space<vmem>>) target_semaphore(%run_scoped3A_91 : memref<!tpu.dma_semaphore, #tpu.memory_space<semaphore_mem>>)
      %dma_wait3A_106 = arith.constant 0 : i32
      %dma_wait3A_107 = arith.constant 0 : i32
      %dma_wait3A_108 = tpu.memref_slice %arg5[%dma_wait3A_106, %dma_wait3A_107] : memref<160x128xi32, #tpu.memory_space<vmem>> -> memref<80x128xi32, #tpu.memory_space<vmem>>
      %dma_wait3A_109 = arith.constant 0 : i32
      %dma_wait3A_110 = arith.constant 0 : i32
      %dma_wait3A_111 = tpu.memref_slice %arg3[%run_scoped3A, %add3A, %dma_wait3A_109, %dma_wait3A_110] : memref<2x32x80x128xi32, #tpu.memory_space<hbm>> -> memref<1x1x80x128xi32, #tpu.memory_space<hbm>>
      %dma_wait3A_112 = tpu.memref_squeeze %dma_wait3A_111 : memref<1x1x80x128xi32, #tpu.memory_space<hbm>> -> memref<80x128xi32, #tpu.memory_space<hbm>>
      %dma_wait3A_113 = arith.constant 0 : i32
      %dma_wait3A_114 = arith.constant 0 : i32
      %dma_wait3A_115 = tpu.memref_slice %arg5[%dma_wait3A_113, %dma_wait3A_114] : memref<160x128xi32, #tpu.memory_space<vmem>> -> memref<80x128xi32, #tpu.memory_space<vmem>>
      %dma_wait3A_116 = arith.constant 0 : i32
      %dma_wait3A_117 = arith.constant 0 : i32
      %dma_wait3A_118 = tpu.memref_slice %arg3[%run_scoped3A, %add3A, %dma_wait3A_116, %dma_wait3A_117] : memref<2x32x80x128xi32, #tpu.memory_space<hbm>> -> memref<1x1x80x128xi32, #tpu.memory_space<hbm>>
      %dma_wait3A_119 = tpu.memref_squeeze %dma_wait3A_118 : memref<1x1x80x128xi32, #tpu.memory_space<hbm>> -> memref<80x128xi32, #tpu.memory_space<hbm>>
      tpu.wait_dma2 semaphore(%run_scoped3A_91 : memref<!tpu.dma_semaphore, #tpu.memory_space<semaphore_mem>>) src(%dma_wait3A_119 : memref<80x128xi32, #tpu.memory_space<hbm>>) dst(%dma_wait3A_115 : memref<80x128xi32, #tpu.memory_space<vmem>>)
      tpu.yield
    }) : () -> ()
    %run_scoped3A_6 = arith.constant 1 : i32
    "tpu.region"() ({
      %run_scoped3A_91 = tpu.sem_alloc : memref<!tpu.dma_semaphore, #tpu.memory_space<semaphore_mem>>
      %dma_start3A_92 = arith.constant 80 : i32
      %dma_start3A_93 = arith.constant 0 : i32
      %dma_start3A_94 = tpu.memref_slice %arg5[%dma_start3A_92, %dma_start3A_93] : memref<160x128xi32, #tpu.memory_space<vmem>> -> memref<80x128xi32, #tpu.memory_space<vmem>>
      %dma_start3A_95 = arith.constant 0 : i32
      %dma_start3A_96 = arith.constant 0 : i32
      %dma_start3A_97 = tpu.memref_slice %arg3[%run_scoped3A_6, %add3A, %dma_start3A_95, %dma_start3A_96] : memref<2x32x80x128xi32, #tpu.memory_space<hbm>> -> memref<1x1x80x128xi32, #tpu.memory_space<hbm>>
      %dma_start3A_98 = tpu.memref_squeeze %dma_start3A_97 : memref<1x1x80x128xi32, #tpu.memory_space<hbm>> -> memref<80x128xi32, #tpu.memory_space<hbm>>
      %dma_start3A_99 = arith.constant 80 : i32
      %dma_start3A_100 = arith.constant 0 : i32
      %dma_start3A_101 = tpu.memref_slice %arg5[%dma_start3A_99, %dma_start3A_100] : memref<160x128xi32, #tpu.memory_space<vmem>> -> memref<80x128xi32, #tpu.memory_space<vmem>>
      %dma_start3A_102 = arith.constant 0 : i32
      %dma_start3A_103 = arith.constant 0 : i32
      %dma_start3A_104 = tpu.memref_slice %arg3[%run_scoped3A_6, %add3A, %dma_start3A_102, %dma_start3A_103] : memref<2x32x80x128xi32, #tpu.memory_space<hbm>> -> memref<1x1x80x128xi32, #tpu.memory_space<hbm>>
      %dma_start3A_105 = tpu.memref_squeeze %dma_start3A_104 : memref<1x1x80x128xi32, #tpu.memory_space<hbm>> -> memref<80x128xi32, #tpu.memory_space<hbm>>
      tpu.enqueue_dma source(%dma_start3A_105 : memref<80x128xi32, #tpu.memory_space<hbm>>) target(%dma_start3A_101 : memref<80x128xi32, #tpu.memory_space<vmem>>) target_semaphore(%run_scoped3A_91 : memref<!tpu.dma_semaphore, #tpu.memory_space<semaphore_mem>>)
      %dma_wait3A_106 = arith.constant 80 : i32
      %dma_wait3A_107 = arith.constant 0 : i32
      %dma_wait3A_108 = tpu.memref_slice %arg5[%dma_wait3A_106, %dma_wait3A_107] : memref<160x128xi32, #tpu.memory_space<vmem>> -> memref<80x128xi32, #tpu.memory_space<vmem>>
      %dma_wait3A_109 = arith.constant 0 : i32
      %dma_wait3A_110 = arith.constant 0 : i32
      %dma_wait3A_111 = tpu.memref_slice %arg3[%run_scoped3A_6, %add3A, %dma_wait3A_109, %dma_wait3A_110] : memref<2x32x80x128xi32, #tpu.memory_space<hbm>> -> memref<1x1x80x128xi32, #tpu.memory_space<hbm>>
      %dma_wait3A_112 = tpu.memref_squeeze %dma_wait3A_111 : memref<1x1x80x128xi32, #tpu.memory_space<hbm>> -> memref<80x128xi32, #tpu.memory_space<hbm>>
      %dma_wait3A_113 = arith.constant 80 : i32
      %dma_wait3A_114 = arith.constant 0 : i32
      %dma_wait3A_115 = tpu.memref_slice %arg5[%dma_wait3A_113, %dma_wait3A_114] : memref<160x128xi32, #tpu.memory_space<vmem>> -> memref<80x128xi32, #tpu.memory_space<vmem>>
      %dma_wait3A_116 = arith.constant 0 : i32
      %dma_wait3A_117 = arith.constant 0 : i32
      %dma_wait3A_118 = tpu.memref_slice %arg3[%run_scoped3A_6, %add3A, %dma_wait3A_116, %dma_wait3A_117] : memref<2x32x80x128xi32, #tpu.memory_space<hbm>> -> memref<1x1x80x128xi32, #tpu.memory_space<hbm>>
      %dma_wait3A_119 = tpu.memref_squeeze %dma_wait3A_118 : memref<1x1x80x128xi32, #tpu.memory_space<hbm>> -> memref<80x128xi32, #tpu.memory_space<hbm>>
      tpu.wait_dma2 semaphore(%run_scoped3A_91 : memref<!tpu.dma_semaphore, #tpu.memory_space<semaphore_mem>>) src(%dma_wait3A_119 : memref<80x128xi32, #tpu.memory_space<hbm>>) dst(%dma_wait3A_115 : memref<80x128xi32, #tpu.memory_space<vmem>>)
      tpu.yield
    }) : () -> ()
    %lt3A = arith.constant 15 : i32
    %lt3A_7 = arith.cmpi slt, %arg1, %lt3A : i32
    %convert_element_type3A = arith.extui %lt3A_7 : i1 to i32
    %cond3A = arith.constant 0 : i32
    %cond3A_8 = arith.cmpi ne, %convert_element_type3A, %cond3A : i32
    scf.if %cond3A_8 {
      %mul3A_91 = arith.constant 640 : i32
      %mul3A_92 = arith.muli %mul3A_91, %arg1 : i32
      %add3A_93 = arith.constant 0 : i32
      %add3A_94 = arith.addi %mul3A_92, %add3A_93 : i32
      "tpu.region"() ({
        %run_scoped3A_115 = tpu.sem_alloc : memref<!tpu.dma_semaphore, #tpu.memory_space<semaphore_mem>>
        %dma_start3A_116 = arith.constant 0 : i32
        %dma_start3A_117 = tpu.memref_slice %arg10[%add3A_94, %dma_start3A_116] : memref<10080x64xf32, #tpu.memory_space<vmem_shared>> -> memref<128x64xf32, #tpu.memory_space<vmem_shared>>
        %dma_start3A_118 = arith.constant 0 : i32
        %dma_start3A_119 = tpu.memref_slice %arg10[%add3A_94, %dma_start3A_118] : memref<10080x64xf32, #tpu.memory_space<vmem_shared>> -> memref<128x64xf32, #tpu.memory_space<vmem_shared>>
        tpu.enqueue_dma source(%arg6 : memref<128x64xf32, #tpu.memory_space<vmem>>) target(%dma_start3A_119 : memref<128x64xf32, #tpu.memory_space<vmem_shared>>) target_semaphore(%run_scoped3A_115 : memref<!tpu.dma_semaphore, #tpu.memory_space<semaphore_mem>>)
        %dma_wait3A_120 = arith.constant 0 : i32
        %dma_wait3A_121 = tpu.memref_slice %arg10[%add3A_94, %dma_wait3A_120] : memref<10080x64xf32, #tpu.memory_space<vmem_shared>> -> memref<128x64xf32, #tpu.memory_space<vmem_shared>>
        %dma_wait3A_122 = arith.constant 0 : i32
        %dma_wait3A_123 = tpu.memref_slice %arg10[%add3A_94, %dma_wait3A_122] : memref<10080x64xf32, #tpu.memory_space<vmem_shared>> -> memref<128x64xf32, #tpu.memory_space<vmem_shared>>
        tpu.wait_dma2 semaphore(%run_scoped3A_115 : memref<!tpu.dma_semaphore, #tpu.memory_space<semaphore_mem>>) src(%arg6 : memref<128x64xf32, #tpu.memory_space<vmem>>) dst(%dma_wait3A_123 : memref<128x64xf32, #tpu.memory_space<vmem_shared>>)
        tpu.yield
      }) : () -> ()
      %mul3A_95 = arith.constant 640 : i32
      %mul3A_96 = arith.muli %mul3A_95, %arg1 : i32
      %add3A_97 = arith.constant 128 : i32
      %add3A_98 = arith.addi %mul3A_96, %add3A_97 : i32
      "tpu.region"() ({
        %run_scoped3A_115 = tpu.sem_alloc : memref<!tpu.dma_semaphore, #tpu.memory_space<semaphore_mem>>
        %dma_start3A_116 = arith.constant 0 : i32
        %dma_start3A_117 = tpu.memref_slice %arg10[%add3A_98, %dma_start3A_116] : memref<10080x64xf32, #tpu.memory_space<vmem_shared>> -> memref<128x64xf32, #tpu.memory_space<vmem_shared>>
        %dma_start3A_118 = arith.constant 0 : i32
        %dma_start3A_119 = tpu.memref_slice %arg10[%add3A_98, %dma_start3A_118] : memref<10080x64xf32, #tpu.memory_space<vmem_shared>> -> memref<128x64xf32, #tpu.memory_space<vmem_shared>>
        tpu.enqueue_dma source(%arg6 : memref<128x64xf32, #tpu.memory_space<vmem>>) target(%dma_start3A_119 : memref<128x64xf32, #tpu.memory_space<vmem_shared>>) target_semaphore(%run_scoped3A_115 : memref<!tpu.dma_semaphore, #tpu.memory_space<semaphore_mem>>)
        %dma_wait3A_120 = arith.constant 0 : i32
        %dma_wait3A_121 = tpu.memref_slice %arg10[%add3A_98, %dma_wait3A_120] : memref<10080x64xf32, #tpu.memory_space<vmem_shared>> -> memref<128x64xf32, #tpu.memory_space<vmem_shared>>
        %dma_wait3A_122 = arith.constant 0 : i32
        %dma_wait3A_123 = tpu.memref_slice %arg10[%add3A_98, %dma_wait3A_122] : memref<10080x64xf32, #tpu.memory_space<vmem_shared>> -> memref<128x64xf32, #tpu.memory_space<vmem_shared>>
        tpu.wait_dma2 semaphore(%run_scoped3A_115 : memref<!tpu.dma_semaphore, #tpu.memory_space<semaphore_mem>>) src(%arg6 : memref<128x64xf32, #tpu.memory_space<vmem>>) dst(%dma_wait3A_123 : memref<128x64xf32, #tpu.memory_space<vmem_shared>>)
        tpu.yield
      }) : () -> ()
      %mul3A_99 = arith.constant 640 : i32
      %mul3A_100 = arith.muli %mul3A_99, %arg1 : i32
      %add3A_101 = arith.constant 256 : i32
      %add3A_102 = arith.addi %mul3A_100, %add3A_101 : i32
      "tpu.region"() ({
        %run_scoped3A_115 = tpu.sem_alloc : memref<!tpu.dma_semaphore, #tpu.memory_space<semaphore_mem>>
        %dma_start3A_116 = arith.constant 0 : i32
        %dma_start3A_117 = tpu.memref_slice %arg10[%add3A_102, %dma_start3A_116] : memref<10080x64xf32, #tpu.memory_space<vmem_shared>> -> memref<128x64xf32, #tpu.memory_space<vmem_shared>>
        %dma_start3A_118 = arith.constant 0 : i32
        %dma_start3A_119 = tpu.memref_slice %arg10[%add3A_102, %dma_start3A_118] : memref<10080x64xf32, #tpu.memory_space<vmem_shared>> -> memref<128x64xf32, #tpu.memory_space<vmem_shared>>
        tpu.enqueue_dma source(%arg6 : memref<128x64xf32, #tpu.memory_space<vmem>>) target(%dma_start3A_119 : memref<128x64xf32, #tpu.memory_space<vmem_shared>>) target_semaphore(%run_scoped3A_115 : memref<!tpu.dma_semaphore, #tpu.memory_space<semaphore_mem>>)
        %dma_wait3A_120 = arith.constant 0 : i32
        %dma_wait3A_121 = tpu.memref_slice %arg10[%add3A_102, %dma_wait3A_120] : memref<10080x64xf32, #tpu.memory_space<vmem_shared>> -> memref<128x64xf32, #tpu.memory_space<vmem_shared>>
        %dma_wait3A_122 = arith.constant 0 : i32
        %dma_wait3A_123 = tpu.memref_slice %arg10[%add3A_102, %dma_wait3A_122] : memref<10080x64xf32, #tpu.memory_space<vmem_shared>> -> memref<128x64xf32, #tpu.memory_space<vmem_shared>>
        tpu.wait_dma2 semaphore(%run_scoped3A_115 : memref<!tpu.dma_semaphore, #tpu.memory_space<semaphore_mem>>) src(%arg6 : memref<128x64xf32, #tpu.memory_space<vmem>>) dst(%dma_wait3A_123 : memref<128x64xf32, #tpu.memory_space<vmem_shared>>)
        tpu.yield
      }) : () -> ()
      %mul3A_103 = arith.constant 640 : i32
      %mul3A_104 = arith.muli %mul3A_103, %arg1 : i32
      %add3A_105 = arith.constant 384 : i32
      %add3A_106 = arith.addi %mul3A_104, %add3A_105 : i32
      "tpu.region"() ({
        %run_scoped3A_115 = tpu.sem_alloc : memref<!tpu.dma_semaphore, #tpu.memory_space<semaphore_mem>>
        %dma_start3A_116 = arith.constant 0 : i32
        %dma_start3A_117 = tpu.memref_slice %arg10[%add3A_106, %dma_start3A_116] : memref<10080x64xf32, #tpu.memory_space<vmem_shared>> -> memref<128x64xf32, #tpu.memory_space<vmem_shared>>
        %dma_start3A_118 = arith.constant 0 : i32
        %dma_start3A_119 = tpu.memref_slice %arg10[%add3A_106, %dma_start3A_118] : memref<10080x64xf32, #tpu.memory_space<vmem_shared>> -> memref<128x64xf32, #tpu.memory_space<vmem_shared>>
        tpu.enqueue_dma source(%arg6 : memref<128x64xf32, #tpu.memory_space<vmem>>) target(%dma_start3A_119 : memref<128x64xf32, #tpu.memory_space<vmem_shared>>) target_semaphore(%run_scoped3A_115 : memref<!tpu.dma_semaphore, #tpu.memory_space<semaphore_mem>>)
        %dma_wait3A_120 = arith.constant 0 : i32
        %dma_wait3A_121 = tpu.memref_slice %arg10[%add3A_106, %dma_wait3A_120] : memref<10080x64xf32, #tpu.memory_space<vmem_shared>> -> memref<128x64xf32, #tpu.memory_space<vmem_shared>>
        %dma_wait3A_122 = arith.constant 0 : i32
        %dma_wait3A_123 = tpu.memref_slice %arg10[%add3A_106, %dma_wait3A_122] : memref<10080x64xf32, #tpu.memory_space<vmem_shared>> -> memref<128x64xf32, #tpu.memory_space<vmem_shared>>
        tpu.wait_dma2 semaphore(%run_scoped3A_115 : memref<!tpu.dma_semaphore, #tpu.memory_space<semaphore_mem>>) src(%arg6 : memref<128x64xf32, #tpu.memory_space<vmem>>) dst(%dma_wait3A_123 : memref<128x64xf32, #tpu.memory_space<vmem_shared>>)
        tpu.yield
      }) : () -> ()
      %mul3A_107 = arith.constant 640 : i32
      %mul3A_108 = arith.muli %mul3A_107, %arg1 : i32
      %add3A_109 = arith.constant 512 : i32
      %add3A_110 = arith.addi %mul3A_108, %add3A_109 : i32
      "tpu.region"() ({
        %run_scoped3A_115 = tpu.sem_alloc : memref<!tpu.dma_semaphore, #tpu.memory_space<semaphore_mem>>
        %dma_start3A_116 = arith.constant 0 : i32
        %dma_start3A_117 = tpu.memref_slice %arg10[%add3A_110, %dma_start3A_116] : memref<10080x64xf32, #tpu.memory_space<vmem_shared>> -> memref<128x64xf32, #tpu.memory_space<vmem_shared>>
        %dma_start3A_118 = arith.constant 0 : i32
        %dma_start3A_119 = tpu.memref_slice %arg10[%add3A_110, %dma_start3A_118] : memref<10080x64xf32, #tpu.memory_space<vmem_shared>> -> memref<128x64xf32, #tpu.memory_space<vmem_shared>>
        tpu.enqueue_dma source(%arg6 : memref<128x64xf32, #tpu.memory_space<vmem>>) target(%dma_start3A_119 : memref<128x64xf32, #tpu.memory_space<vmem_shared>>) target_semaphore(%run_scoped3A_115 : memref<!tpu.dma_semaphore, #tpu.memory_space<semaphore_mem>>)
        %dma_wait3A_120 = arith.constant 0 : i32
        %dma_wait3A_121 = tpu.memref_slice %arg10[%add3A_110, %dma_wait3A_120] : memref<10080x64xf32, #tpu.memory_space<vmem_shared>> -> memref<128x64xf32, #tpu.memory_space<vmem_shared>>
        %dma_wait3A_122 = arith.constant 0 : i32
        %dma_wait3A_123 = tpu.memref_slice %arg10[%add3A_110, %dma_wait3A_122] : memref<10080x64xf32, #tpu.memory_space<vmem_shared>> -> memref<128x64xf32, #tpu.memory_space<vmem_shared>>
        tpu.wait_dma2 semaphore(%run_scoped3A_115 : memref<!tpu.dma_semaphore, #tpu.memory_space<semaphore_mem>>) src(%arg6 : memref<128x64xf32, #tpu.memory_space<vmem>>) dst(%dma_wait3A_123 : memref<128x64xf32, #tpu.memory_space<vmem_shared>>)
        tpu.yield
      }) : () -> ()
      %mul3A_111 = arith.constant 640 : i32
      %mul3A_112 = arith.muli %mul3A_111, %arg1 : i32
      %mul3A_113 = arith.constant 640 : i32
      %mul3A_114 = arith.muli %mul3A_113, %arg1 : i32
      "tpu.region"() ({
        %run_scoped3A_115 = tpu.sem_alloc : memref<!tpu.dma_semaphore, #tpu.memory_space<semaphore_mem>>
        %dma_start3A_116 = arith.constant 0 : i32
        %dma_start3A_117 = tpu.memref_slice %arg9[%mul3A_114, %dma_start3A_116] : memref<10000x64xf32, #tpu.memory_space<vmem_shared>> -> memref<640x64xf32, #tpu.memory_space<vmem_shared>>
        %dma_start3A_118 = arith.constant 0 : i32
        %dma_start3A_119 = tpu.memref_slice %arg2[%mul3A_112, %dma_start3A_118] : memref<10000x64xf32, #tpu.memory_space<hbm>> -> memref<640x64xf32, #tpu.memory_space<hbm>>
        tpu.enqueue_dma source(%dma_start3A_119 : memref<640x64xf32, #tpu.memory_space<hbm>>) target(%dma_start3A_117 : memref<640x64xf32, #tpu.memory_space<vmem_shared>>) target_semaphore(%run_scoped3A_115 : memref<!tpu.dma_semaphore, #tpu.memory_space<semaphore_mem>>)
        %dma_wait3A_120 = arith.constant 0 : i32
        %dma_wait3A_121 = tpu.memref_slice %arg9[%mul3A_114, %dma_wait3A_120] : memref<10000x64xf32, #tpu.memory_space<vmem_shared>> -> memref<640x64xf32, #tpu.memory_space<vmem_shared>>
        %dma_wait3A_122 = arith.constant 0 : i32
        %dma_wait3A_123 = tpu.memref_slice %arg2[%mul3A_112, %dma_wait3A_122] : memref<10000x64xf32, #tpu.memory_space<hbm>> -> memref<640x64xf32, #tpu.memory_space<hbm>>
        tpu.wait_dma2 semaphore(%run_scoped3A_115 : memref<!tpu.dma_semaphore, #tpu.memory_space<semaphore_mem>>) src(%dma_wait3A_123 : memref<640x64xf32, #tpu.memory_space<hbm>>) dst(%dma_wait3A_121 : memref<640x64xf32, #tpu.memory_space<vmem_shared>>)
        tpu.yield
      }) : () -> ()
    } else {
    }
    %eq3A = arith.constant 15 : i32
    %eq3A_9 = arith.cmpi eq, %arg1, %eq3A : i32
    %convert_element_type3A_10 = arith.extui %eq3A_9 : i1 to i32
    %cond3A_11 = arith.constant 0 : i32
    %cond3A_12 = arith.cmpi ne, %convert_element_type3A_10, %cond3A_11 : i32
    scf.if %cond3A_12 {
      "tpu.region"() ({
        %run_scoped3A_91 = tpu.sem_alloc : memref<!tpu.dma_semaphore, #tpu.memory_space<semaphore_mem>>
        %dma_start3A_92 = arith.constant 9600 : i32
        %dma_start3A_93 = arith.constant 0 : i32
        %dma_start3A_94 = tpu.memref_slice %arg10[%dma_start3A_92, %dma_start3A_93] : memref<10080x64xf32, #tpu.memory_space<vmem_shared>> -> memref<128x64xf32, #tpu.memory_space<vmem_shared>>
        %dma_start3A_95 = arith.constant 9600 : i32
        %dma_start3A_96 = arith.constant 0 : i32
        %dma_start3A_97 = tpu.memref_slice %arg10[%dma_start3A_95, %dma_start3A_96] : memref<10080x64xf32, #tpu.memory_space<vmem_shared>> -> memref<128x64xf32, #tpu.memory_space<vmem_shared>>
        tpu.enqueue_dma source(%arg6 : memref<128x64xf32, #tpu.memory_space<vmem>>) target(%dma_start3A_97 : memref<128x64xf32, #tpu.memory_space<vmem_shared>>) target_semaphore(%run_scoped3A_91 : memref<!tpu.dma_semaphore, #tpu.memory_space<semaphore_mem>>)
        %dma_wait3A_98 = arith.constant 9600 : i32
        %dma_wait3A_99 = arith.constant 0 : i32
        %dma_wait3A_100 = tpu.memref_slice %arg10[%dma_wait3A_98, %dma_wait3A_99] : memref<10080x64xf32, #tpu.memory_space<vmem_shared>> -> memref<128x64xf32, #tpu.memory_space<vmem_shared>>
        %dma_wait3A_101 = arith.constant 9600 : i32
        %dma_wait3A_102 = arith.constant 0 : i32
        %dma_wait3A_103 = tpu.memref_slice %arg10[%dma_wait3A_101, %dma_wait3A_102] : memref<10080x64xf32, #tpu.memory_space<vmem_shared>> -> memref<128x64xf32, #tpu.memory_space<vmem_shared>>
        tpu.wait_dma2 semaphore(%run_scoped3A_91 : memref<!tpu.dma_semaphore, #tpu.memory_space<semaphore_mem>>) src(%arg6 : memref<128x64xf32, #tpu.memory_space<vmem>>) dst(%dma_wait3A_103 : memref<128x64xf32, #tpu.memory_space<vmem_shared>>)
        tpu.yield
      }) : () -> ()
      "tpu.region"() ({
        %run_scoped3A_91 = tpu.sem_alloc : memref<!tpu.dma_semaphore, #tpu.memory_space<semaphore_mem>>
        %dma_start3A_92 = arith.constant 9728 : i32
        %dma_start3A_93 = arith.constant 0 : i32
        %dma_start3A_94 = tpu.memref_slice %arg10[%dma_start3A_92, %dma_start3A_93] : memref<10080x64xf32, #tpu.memory_space<vmem_shared>> -> memref<128x64xf32, #tpu.memory_space<vmem_shared>>
        %dma_start3A_95 = arith.constant 9728 : i32
        %dma_start3A_96 = arith.constant 0 : i32
        %dma_start3A_97 = tpu.memref_slice %arg10[%dma_start3A_95, %dma_start3A_96] : memref<10080x64xf32, #tpu.memory_space<vmem_shared>> -> memref<128x64xf32, #tpu.memory_space<vmem_shared>>
        tpu.enqueue_dma source(%arg6 : memref<128x64xf32, #tpu.memory_space<vmem>>) target(%dma_start3A_97 : memref<128x64xf32, #tpu.memory_space<vmem_shared>>) target_semaphore(%run_scoped3A_91 : memref<!tpu.dma_semaphore, #tpu.memory_space<semaphore_mem>>)
        %dma_wait3A_98 = arith.constant 9728 : i32
        %dma_wait3A_99 = arith.constant 0 : i32
        %dma_wait3A_100 = tpu.memref_slice %arg10[%dma_wait3A_98, %dma_wait3A_99] : memref<10080x64xf32, #tpu.memory_space<vmem_shared>> -> memref<128x64xf32, #tpu.memory_space<vmem_shared>>
        %dma_wait3A_101 = arith.constant 9728 : i32
        %dma_wait3A_102 = arith.constant 0 : i32
        %dma_wait3A_103 = tpu.memref_slice %arg10[%dma_wait3A_101, %dma_wait3A_102] : memref<10080x64xf32, #tpu.memory_space<vmem_shared>> -> memref<128x64xf32, #tpu.memory_space<vmem_shared>>
        tpu.wait_dma2 semaphore(%run_scoped3A_91 : memref<!tpu.dma_semaphore, #tpu.memory_space<semaphore_mem>>) src(%arg6 : memref<128x64xf32, #tpu.memory_space<vmem>>) dst(%dma_wait3A_103 : memref<128x64xf32, #tpu.memory_space<vmem_shared>>)
        tpu.yield
      }) : () -> ()
      "tpu.region"() ({
        %run_scoped3A_91 = tpu.sem_alloc : memref<!tpu.dma_semaphore, #tpu.memory_space<semaphore_mem>>
        %dma_start3A_92 = arith.constant 9856 : i32
        %dma_start3A_93 = arith.constant 0 : i32
        %dma_start3A_94 = tpu.memref_slice %arg10[%dma_start3A_92, %dma_start3A_93] : memref<10080x64xf32, #tpu.memory_space<vmem_shared>> -> memref<128x64xf32, #tpu.memory_space<vmem_shared>>
        %dma_start3A_95 = arith.constant 9856 : i32
        %dma_start3A_96 = arith.constant 0 : i32
        %dma_start3A_97 = tpu.memref_slice %arg10[%dma_start3A_95, %dma_start3A_96] : memref<10080x64xf32, #tpu.memory_space<vmem_shared>> -> memref<128x64xf32, #tpu.memory_space<vmem_shared>>
        tpu.enqueue_dma source(%arg6 : memref<128x64xf32, #tpu.memory_space<vmem>>) target(%dma_start3A_97 : memref<128x64xf32, #tpu.memory_space<vmem_shared>>) target_semaphore(%run_scoped3A_91 : memref<!tpu.dma_semaphore, #tpu.memory_space<semaphore_mem>>)
        %dma_wait3A_98 = arith.constant 9856 : i32
        %dma_wait3A_99 = arith.constant 0 : i32
        %dma_wait3A_100 = tpu.memref_slice %arg10[%dma_wait3A_98, %dma_wait3A_99] : memref<10080x64xf32, #tpu.memory_space<vmem_shared>> -> memref<128x64xf32, #tpu.memory_space<vmem_shared>>
        %dma_wait3A_101 = arith.constant 9856 : i32
        %dma_wait3A_102 = arith.constant 0 : i32
        %dma_wait3A_103 = tpu.memref_slice %arg10[%dma_wait3A_101, %dma_wait3A_102] : memref<10080x64xf32, #tpu.memory_space<vmem_shared>> -> memref<128x64xf32, #tpu.memory_space<vmem_shared>>
        tpu.wait_dma2 semaphore(%run_scoped3A_91 : memref<!tpu.dma_semaphore, #tpu.memory_space<semaphore_mem>>) src(%arg6 : memref<128x64xf32, #tpu.memory_space<vmem>>) dst(%dma_wait3A_103 : memref<128x64xf32, #tpu.memory_space<vmem_shared>>)
        tpu.yield
      }) : () -> ()
      "tpu.region"() ({
        %run_scoped3A_91 = tpu.sem_alloc : memref<!tpu.dma_semaphore, #tpu.memory_space<semaphore_mem>>
        %dma_start3A_92 = arith.constant 0 : i32
        %dma_start3A_93 = arith.constant 0 : i32
        %dma_start3A_94 = tpu.memref_slice %arg6[%dma_start3A_92, %dma_start3A_93] : memref<128x64xf32, #tpu.memory_space<vmem>> -> memref<96x64xf32, #tpu.memory_space<vmem>>
        %dma_start3A_95 = arith.constant 9984 : i32
        %dma_start3A_96 = arith.constant 0 : i32
        %dma_start3A_97 = tpu.memref_slice %arg10[%dma_start3A_95, %dma_start3A_96] : memref<10080x64xf32, #tpu.memory_space<vmem_shared>> -> memref<96x64xf32, #tpu.memory_space<vmem_shared>>
        %dma_start3A_98 = arith.constant 9984 : i32
        %dma_start3A_99 = arith.constant 0 : i32
        %dma_start3A_100 = tpu.memref_slice %arg10[%dma_start3A_98, %dma_start3A_99] : memref<10080x64xf32, #tpu.memory_space<vmem_shared>> -> memref<96x64xf32, #tpu.memory_space<vmem_shared>>
        %dma_start3A_101 = arith.constant 0 : i32
        %dma_start3A_102 = arith.constant 0 : i32
        %dma_start3A_103 = tpu.memref_slice %arg6[%dma_start3A_101, %dma_start3A_102] : memref<128x64xf32, #tpu.memory_space<vmem>> -> memref<96x64xf32, #tpu.memory_space<vmem>>
        tpu.enqueue_dma source(%dma_start3A_103 : memref<96x64xf32, #tpu.memory_space<vmem>>) target(%dma_start3A_100 : memref<96x64xf32, #tpu.memory_space<vmem_shared>>) target_semaphore(%run_scoped3A_91 : memref<!tpu.dma_semaphore, #tpu.memory_space<semaphore_mem>>)
        %dma_wait3A_104 = arith.constant 0 : i32
        %dma_wait3A_105 = arith.constant 0 : i32
        %dma_wait3A_106 = tpu.memref_slice %arg6[%dma_wait3A_104, %dma_wait3A_105] : memref<128x64xf32, #tpu.memory_space<vmem>> -> memref<96x64xf32, #tpu.memory_space<vmem>>
        %dma_wait3A_107 = arith.constant 9984 : i32
        %dma_wait3A_108 = arith.constant 0 : i32
        %dma_wait3A_109 = tpu.memref_slice %arg10[%dma_wait3A_107, %dma_wait3A_108] : memref<10080x64xf32, #tpu.memory_space<vmem_shared>> -> memref<96x64xf32, #tpu.memory_space<vmem_shared>>
        %dma_wait3A_110 = arith.constant 9984 : i32
        %dma_wait3A_111 = arith.constant 0 : i32
        %dma_wait3A_112 = tpu.memref_slice %arg10[%dma_wait3A_110, %dma_wait3A_111] : memref<10080x64xf32, #tpu.memory_space<vmem_shared>> -> memref<96x64xf32, #tpu.memory_space<vmem_shared>>
        %dma_wait3A_113 = arith.constant 0 : i32
        %dma_wait3A_114 = arith.constant 0 : i32
        %dma_wait3A_115 = tpu.memref_slice %arg6[%dma_wait3A_113, %dma_wait3A_114] : memref<128x64xf32, #tpu.memory_space<vmem>> -> memref<96x64xf32, #tpu.memory_space<vmem>>
        tpu.wait_dma2 semaphore(%run_scoped3A_91 : memref<!tpu.dma_semaphore, #tpu.memory_space<semaphore_mem>>) src(%dma_wait3A_115 : memref<96x64xf32, #tpu.memory_space<vmem>>) dst(%dma_wait3A_112 : memref<96x64xf32, #tpu.memory_space<vmem_shared>>)
        tpu.yield
      }) : () -> ()
      "tpu.region"() ({
        %run_scoped3A_91 = tpu.sem_alloc : memref<!tpu.dma_semaphore, #tpu.memory_space<semaphore_mem>>
        %dma_start3A_92 = arith.constant 9600 : i32
        %dma_start3A_93 = arith.constant 0 : i32
        %dma_start3A_94 = tpu.memref_slice %arg9[%dma_start3A_92, %dma_start3A_93] : memref<10000x64xf32, #tpu.memory_space<vmem_shared>> -> memref<400x64xf32, #tpu.memory_space<vmem_shared>>
        %dma_start3A_95 = arith.constant 9600 : i32
        %dma_start3A_96 = arith.constant 0 : i32
        %dma_start3A_97 = tpu.memref_slice %arg2[%dma_start3A_95, %dma_start3A_96] : memref<10000x64xf32, #tpu.memory_space<hbm>> -> memref<400x64xf32, #tpu.memory_space<hbm>>
        tpu.enqueue_dma source(%dma_start3A_97 : memref<400x64xf32, #tpu.memory_space<hbm>>) target(%dma_start3A_94 : memref<400x64xf32, #tpu.memory_space<vmem_shared>>) target_semaphore(%run_scoped3A_91 : memref<!tpu.dma_semaphore, #tpu.memory_space<semaphore_mem>>)
        %dma_wait3A_98 = arith.constant 9600 : i32
        %dma_wait3A_99 = arith.constant 0 : i32
        %dma_wait3A_100 = tpu.memref_slice %arg9[%dma_wait3A_98, %dma_wait3A_99] : memref<10000x64xf32, #tpu.memory_space<vmem_shared>> -> memref<400x64xf32, #tpu.memory_space<vmem_shared>>
        %dma_wait3A_101 = arith.constant 9600 : i32
        %dma_wait3A_102 = arith.constant 0 : i32
        %dma_wait3A_103 = tpu.memref_slice %arg2[%dma_wait3A_101, %dma_wait3A_102] : memref<10000x64xf32, #tpu.memory_space<hbm>> -> memref<400x64xf32, #tpu.memory_space<hbm>>
        tpu.wait_dma2 semaphore(%run_scoped3A_91 : memref<!tpu.dma_semaphore, #tpu.memory_space<semaphore_mem>>) src(%dma_wait3A_103 : memref<400x64xf32, #tpu.memory_space<hbm>>) dst(%dma_wait3A_100 : memref<400x64xf32, #tpu.memory_space<vmem_shared>>)
        tpu.yield
      }) : () -> ()
    } else {
    }
    %barrier3A = arith.constant 0 : index
    tpu.barrier barrier_id(%barrier3A)
    %dma_start3A = arith.constant 0 : i32
    %dma_start3A_13 = arith.constant 0 : i32
    %dma_start3A_14 = tpu.memref_slice %arg5[%dma_start3A, %dma_start3A_13] : memref<160x128xi32, #tpu.memory_space<vmem>> -> memref<1x128xi32, #tpu.memory_space<vmem>>
    %dma_start3A_15 = tpu.memref_squeeze %dma_start3A_14 : memref<1x128xi32, #tpu.memory_space<vmem>> -> memref<128xi32, #tpu.memory_space<vmem>>
    %dma_start3A_16 = arith.constant 0 : i32
    %dma_start3A_17 = arith.constant 0 : i32
    %dma_start3A_18 = tpu.memref_slice %arg9[%dma_start3A_16, %dma_start3A_17] : memref<10000x64xf32, #tpu.memory_space<vmem_shared>> -> memref<10000x64xf32, #tpu.memory_space<vmem_shared>>
    tpu.enqueue_indirect_dma source(%dma_start3A_18 : memref<10000x64xf32, #tpu.memory_space<vmem_shared>>) target(%arg6 : memref<128x64xf32, #tpu.memory_space<vmem>>) offsets(%dma_start3A_15 : memref<128xi32, #tpu.memory_space<vmem>>) semaphore(%arg11 : memref<!tpu.dma_semaphore, #tpu.memory_space<semaphore_mem>>)
    %dma_start3A_19 = arith.constant 1 : i32
    %dma_start3A_20 = arith.constant 0 : i32
    %dma_start3A_21 = tpu.memref_slice %arg5[%dma_start3A_19, %dma_start3A_20] : memref<160x128xi32, #tpu.memory_space<vmem>> -> memref<1x128xi32, #tpu.memory_space<vmem>>
    %dma_start3A_22 = tpu.memref_squeeze %dma_start3A_21 : memref<1x128xi32, #tpu.memory_space<vmem>> -> memref<128xi32, #tpu.memory_space<vmem>>
    %dma_start3A_23 = arith.constant 0 : i32
    %dma_start3A_24 = arith.constant 0 : i32
    %dma_start3A_25 = tpu.memref_slice %arg9[%dma_start3A_23, %dma_start3A_24] : memref<10000x64xf32, #tpu.memory_space<vmem_shared>> -> memref<10000x64xf32, #tpu.memory_space<vmem_shared>>
    tpu.enqueue_indirect_dma source(%dma_start3A_25 : memref<10000x64xf32, #tpu.memory_space<vmem_shared>>) target(%arg7 : memref<128x64xf32, #tpu.memory_space<vmem>>) offsets(%dma_start3A_22 : memref<128xi32, #tpu.memory_space<vmem>>) semaphore(%arg12 : memref<!tpu.dma_semaphore, #tpu.memory_space<semaphore_mem>>)
    %scan3A_26 = arith.constant 0 : i32
    %scan3A_27 = arith.constant 0 : i32
    %scan3A_28 = arith.constant 26 : i32
    %scan3A_29 = arith.addi %scan3A_27, %scan3A_28 : i32
    %scan3A_30 = arith.constant 1 : i32
    scf.for %scan3A_91 = %scan3A_27 to %scan3A_29 step %scan3A_30  : i32 {
      %mul3A_92 = arith.constant 3 : i32
      %mul3A_93 = arith.muli %mul3A_92, %scan3A_91 : i32
      %add3A_94 = arith.constant 0 : i32
      %add3A_95 = arith.addi %mul3A_93, %add3A_94 : i32
      %dma_wait3A_96 = arith.constant 0 : i32
      %dma_wait3A_97 = tpu.memref_slice %arg5[%add3A_95, %dma_wait3A_96] : memref<160x128xi32, #tpu.memory_space<vmem>> -> memref<1x128xi32, #tpu.memory_space<vmem>>
      %dma_wait3A_98 = tpu.memref_squeeze %dma_wait3A_97 : memref<1x128xi32, #tpu.memory_space<vmem>> -> memref<128xi32, #tpu.memory_space<vmem>>
      %dma_wait3A_99 = arith.constant 0 : i32
      %dma_wait3A_100 = arith.constant 0 : i32
      %dma_wait3A_101 = tpu.memref_slice %arg9[%dma_wait3A_99, %dma_wait3A_100] : memref<10000x64xf32, #tpu.memory_space<vmem_shared>> -> memref<10000x64xf32, #tpu.memory_space<vmem_shared>>
      tpu.wait_indirect_dma semaphore(%arg11 : memref<!tpu.dma_semaphore, #tpu.memory_space<semaphore_mem>>) src(%dma_wait3A_101 : memref<10000x64xf32, #tpu.memory_space<vmem_shared>>) dst(%arg6 : memref<128x64xf32, #tpu.memory_space<vmem>>)
      %add3A_102 = arith.constant 80 : i32
      %add3A_103 = arith.addi %add3A_102, %add3A_95 : i32
      %dma_start3A_104 = arith.constant 0 : i32
      %dma_start3A_105 = tpu.memref_slice %arg5[%add3A_103, %dma_start3A_104] : memref<160x128xi32, #tpu.memory_space<vmem>> -> memref<1x128xi32, #tpu.memory_space<vmem>>
      %dma_start3A_106 = tpu.memref_squeeze %dma_start3A_105 : memref<1x128xi32, #tpu.memory_space<vmem>> -> memref<128xi32, #tpu.memory_space<vmem>>
      %dma_start3A_107 = arith.constant 0 : i32
      %dma_start3A_108 = arith.constant 0 : i32
      %dma_start3A_109 = tpu.memref_slice %arg10[%dma_start3A_107, %dma_start3A_108] : memref<10080x64xf32, #tpu.memory_space<vmem_shared>> -> memref<10080x64xf32, #tpu.memory_space<vmem_shared>>
      tpu.enqueue_indirect_dma source(%arg6 : memref<128x64xf32, #tpu.memory_space<vmem>>) target(%dma_start3A_109 : memref<10080x64xf32, #tpu.memory_space<vmem_shared>>) offsets(%dma_start3A_106 : memref<128xi32, #tpu.memory_space<vmem>>) semaphore(%arg14 : memref<!tpu.dma_semaphore, #tpu.memory_space<semaphore_mem>>) {add = true}
      %ge3A = arith.constant 1 : i32
      %ge3A_110 = arith.cmpi sge, %add3A_95, %ge3A : i32
      %convert_element_type3A_111 = arith.extui %ge3A_110 : i1 to i32
      %cond3A_112 = arith.constant 0 : i32
      %cond3A_113 = arith.cmpi ne, %convert_element_type3A_111, %cond3A_112 : i32
      scf.if %cond3A_113 {
        %dma_wait3A_181 = arith.constant 80 : i32
        %dma_wait3A_182 = arith.constant 0 : i32
        %dma_wait3A_183 = tpu.memref_slice %arg5[%dma_wait3A_181, %dma_wait3A_182] : memref<160x128xi32, #tpu.memory_space<vmem>> -> memref<1x128xi32, #tpu.memory_space<vmem>>
        %dma_wait3A_184 = tpu.memref_squeeze %dma_wait3A_183 : memref<1x128xi32, #tpu.memory_space<vmem>> -> memref<128xi32, #tpu.memory_space<vmem>>
        %dma_wait3A_185 = arith.constant 0 : i32
        %dma_wait3A_186 = arith.constant 0 : i32
        %dma_wait3A_187 = tpu.memref_slice %arg10[%dma_wait3A_185, %dma_wait3A_186] : memref<10080x64xf32, #tpu.memory_space<vmem_shared>> -> memref<10080x64xf32, #tpu.memory_space<vmem_shared>>
        tpu.wait_indirect_dma semaphore(%arg16 : memref<!tpu.dma_semaphore, #tpu.memory_space<semaphore_mem>>) src(%arg8 : memref<128x64xf32, #tpu.memory_space<vmem>>) dst(%dma_wait3A_187 : memref<10080x64xf32, #tpu.memory_space<vmem_shared>>)
      } else {
      }
      %add3A_114 = arith.constant 2 : i32
      %add3A_115 = arith.addi %add3A_95, %add3A_114 : i32
      %lt3A_116 = arith.constant 80 : i32
      %lt3A_117 = arith.cmpi slt, %add3A_115, %lt3A_116 : i32
      %convert_element_type3A_118 = arith.extui %lt3A_117 : i1 to i32
      %cond3A_119 = arith.constant 0 : i32
      %cond3A_120 = arith.cmpi ne, %convert_element_type3A_118, %cond3A_119 : i32
      scf.if %cond3A_120 {
        %add3A_181 = arith.constant 2 : i32
        %add3A_182 = arith.addi %add3A_95, %add3A_181 : i32
        %dma_start3A_183 = arith.constant 0 : i32
        %dma_start3A_184 = tpu.memref_slice %arg5[%add3A_182, %dma_start3A_183] : memref<160x128xi32, #tpu.memory_space<vmem>> -> memref<1x128xi32, #tpu.memory_space<vmem>>
        %dma_start3A_185 = tpu.memref_squeeze %dma_start3A_184 : memref<1x128xi32, #tpu.memory_space<vmem>> -> memref<128xi32, #tpu.memory_space<vmem>>
        %dma_start3A_186 = arith.constant 0 : i32
        %dma_start3A_187 = arith.constant 0 : i32
        %dma_start3A_188 = tpu.memref_slice %arg9[%dma_start3A_186, %dma_start3A_187] : memref<10000x64xf32, #tpu.memory_space<vmem_shared>> -> memref<10000x64xf32, #tpu.memory_space<vmem_shared>>
        tpu.enqueue_indirect_dma source(%dma_start3A_188 : memref<10000x64xf32, #tpu.memory_space<vmem_shared>>) target(%arg8 : memref<128x64xf32, #tpu.memory_space<vmem>>) offsets(%dma_start3A_185 : memref<128xi32, #tpu.memory_space<vmem>>) semaphore(%arg13 : memref<!tpu.dma_semaphore, #tpu.memory_space<semaphore_mem>>)
      } else {
      }
      %mul3A_121 = arith.constant 3 : i32
      %mul3A_122 = arith.muli %mul3A_121, %scan3A_91 : i32
      %add3A_123 = arith.constant 1 : i32
      %add3A_124 = arith.addi %mul3A_122, %add3A_123 : i32
      %dma_wait3A_125 = arith.constant 0 : i32
      %dma_wait3A_126 = tpu.memref_slice %arg5[%add3A_124, %dma_wait3A_125] : memref<160x128xi32, #tpu.memory_space<vmem>> -> memref<1x128xi32, #tpu.memory_space<vmem>>
      %dma_wait3A_127 = tpu.memref_squeeze %dma_wait3A_126 : memref<1x128xi32, #tpu.memory_space<vmem>> -> memref<128xi32, #tpu.memory_space<vmem>>
      %dma_wait3A_128 = arith.constant 0 : i32
      %dma_wait3A_129 = arith.constant 0 : i32
      %dma_wait3A_130 = tpu.memref_slice %arg9[%dma_wait3A_128, %dma_wait3A_129] : memref<10000x64xf32, #tpu.memory_space<vmem_shared>> -> memref<10000x64xf32, #tpu.memory_space<vmem_shared>>
      tpu.wait_indirect_dma semaphore(%arg12 : memref<!tpu.dma_semaphore, #tpu.memory_space<semaphore_mem>>) src(%dma_wait3A_130 : memref<10000x64xf32, #tpu.memory_space<vmem_shared>>) dst(%arg7 : memref<128x64xf32, #tpu.memory_space<vmem>>)
      %add3A_131 = arith.constant 80 : i32
      %add3A_132 = arith.addi %add3A_131, %add3A_124 : i32
      %dma_start3A_133 = arith.constant 0 : i32
      %dma_start3A_134 = tpu.memref_slice %arg5[%add3A_132, %dma_start3A_133] : memref<160x128xi32, #tpu.memory_space<vmem>> -> memref<1x128xi32, #tpu.memory_space<vmem>>
      %dma_start3A_135 = tpu.memref_squeeze %dma_start3A_134 : memref<1x128xi32, #tpu.memory_space<vmem>> -> memref<128xi32, #tpu.memory_space<vmem>>
      %dma_start3A_136 = arith.constant 0 : i32
      %dma_start3A_137 = arith.constant 0 : i32
      %dma_start3A_138 = tpu.memref_slice %arg10[%dma_start3A_136, %dma_start3A_137] : memref<10080x64xf32, #tpu.memory_space<vmem_shared>> -> memref<10080x64xf32, #tpu.memory_space<vmem_shared>>
      tpu.enqueue_indirect_dma source(%arg7 : memref<128x64xf32, #tpu.memory_space<vmem>>) target(%dma_start3A_138 : memref<10080x64xf32, #tpu.memory_space<vmem_shared>>) offsets(%dma_start3A_135 : memref<128xi32, #tpu.memory_space<vmem>>) semaphore(%arg15 : memref<!tpu.dma_semaphore, #tpu.memory_space<semaphore_mem>>) {add = true}
      %ge3A_139 = arith.constant 1 : i32
      %ge3A_140 = arith.cmpi sge, %add3A_124, %ge3A_139 : i32
      %convert_element_type3A_141 = arith.extui %ge3A_140 : i1 to i32
      %cond3A_142 = arith.constant 0 : i32
      %cond3A_143 = arith.cmpi ne, %convert_element_type3A_141, %cond3A_142 : i32
      scf.if %cond3A_143 {
        %dma_wait3A_181 = arith.constant 80 : i32
        %dma_wait3A_182 = arith.constant 0 : i32
        %dma_wait3A_183 = tpu.memref_slice %arg5[%dma_wait3A_181, %dma_wait3A_182] : memref<160x128xi32, #tpu.memory_space<vmem>> -> memref<1x128xi32, #tpu.memory_space<vmem>>
        %dma_wait3A_184 = tpu.memref_squeeze %dma_wait3A_183 : memref<1x128xi32, #tpu.memory_space<vmem>> -> memref<128xi32, #tpu.memory_space<vmem>>
        %dma_wait3A_185 = arith.constant 0 : i32
        %dma_wait3A_186 = arith.constant 0 : i32
        %dma_wait3A_187 = tpu.memref_slice %arg10[%dma_wait3A_185, %dma_wait3A_186] : memref<10080x64xf32, #tpu.memory_space<vmem_shared>> -> memref<10080x64xf32, #tpu.memory_space<vmem_shared>>
        tpu.wait_indirect_dma semaphore(%arg14 : memref<!tpu.dma_semaphore, #tpu.memory_space<semaphore_mem>>) src(%arg6 : memref<128x64xf32, #tpu.memory_space<vmem>>) dst(%dma_wait3A_187 : memref<10080x64xf32, #tpu.memory_space<vmem_shared>>)
      } else {
      }
      %add3A_144 = arith.constant 2 : i32
      %add3A_145 = arith.addi %add3A_124, %add3A_144 : i32
      %lt3A_146 = arith.constant 80 : i32
      %lt3A_147 = arith.cmpi slt, %add3A_145, %lt3A_146 : i32
      %convert_element_type3A_148 = arith.extui %lt3A_147 : i1 to i32
      %cond3A_149 = arith.constant 0 : i32
      %cond3A_150 = arith.cmpi ne, %convert_element_type3A_148, %cond3A_149 : i32
      scf.if %cond3A_150 {
        %add3A_181 = arith.constant 2 : i32
        %add3A_182 = arith.addi %add3A_124, %add3A_181 : i32
        %dma_start3A_183 = arith.constant 0 : i32
        %dma_start3A_184 = tpu.memref_slice %arg5[%add3A_182, %dma_start3A_183] : memref<160x128xi32, #tpu.memory_space<vmem>> -> memref<1x128xi32, #tpu.memory_space<vmem>>
        %dma_start3A_185 = tpu.memref_squeeze %dma_start3A_184 : memref<1x128xi32, #tpu.memory_space<vmem>> -> memref<128xi32, #tpu.memory_space<vmem>>
        %dma_start3A_186 = arith.constant 0 : i32
        %dma_start3A_187 = arith.constant 0 : i32
        %dma_start3A_188 = tpu.memref_slice %arg9[%dma_start3A_186, %dma_start3A_187] : memref<10000x64xf32, #tpu.memory_space<vmem_shared>> -> memref<10000x64xf32, #tpu.memory_space<vmem_shared>>
        tpu.enqueue_indirect_dma source(%dma_start3A_188 : memref<10000x64xf32, #tpu.memory_space<vmem_shared>>) target(%arg6 : memref<128x64xf32, #tpu.memory_space<vmem>>) offsets(%dma_start3A_185 : memref<128xi32, #tpu.memory_space<vmem>>) semaphore(%arg11 : memref<!tpu.dma_semaphore, #tpu.memory_space<semaphore_mem>>)
      } else {
      }
      %mul3A_151 = arith.constant 3 : i32
      %mul3A_152 = arith.muli %mul3A_151, %scan3A_91 : i32
      %add3A_153 = arith.constant 2 : i32
      %add3A_154 = arith.addi %mul3A_152, %add3A_153 : i32
      %dma_wait3A_155 = arith.constant 0 : i32
      %dma_wait3A_156 = tpu.memref_slice %arg5[%add3A_154, %dma_wait3A_155] : memref<160x128xi32, #tpu.memory_space<vmem>> -> memref<1x128xi32, #tpu.memory_space<vmem>>
      %dma_wait3A_157 = tpu.memref_squeeze %dma_wait3A_156 : memref<1x128xi32, #tpu.memory_space<vmem>> -> memref<128xi32, #tpu.memory_space<vmem>>
      %dma_wait3A_158 = arith.constant 0 : i32
      %dma_wait3A_159 = arith.constant 0 : i32
      %dma_wait3A_160 = tpu.memref_slice %arg9[%dma_wait3A_158, %dma_wait3A_159] : memref<10000x64xf32, #tpu.memory_space<vmem_shared>> -> memref<10000x64xf32, #tpu.memory_space<vmem_shared>>
      tpu.wait_indirect_dma semaphore(%arg13 : memref<!tpu.dma_semaphore, #tpu.memory_space<semaphore_mem>>) src(%dma_wait3A_160 : memref<10000x64xf32, #tpu.memory_space<vmem_shared>>) dst(%arg8 : memref<128x64xf32, #tpu.memory_space<vmem>>)
      %add3A_161 = arith.constant 80 : i32
      %add3A_162 = arith.addi %add3A_161, %add3A_154 : i32
      %dma_start3A_163 = arith.constant 0 : i32
      %dma_start3A_164 = tpu.memref_slice %arg5[%add3A_162, %dma_start3A_163] : memref<160x128xi32, #tpu.memory_space<vmem>> -> memref<1x128xi32, #tpu.memory_space<vmem>>
      %dma_start3A_165 = tpu.memref_squeeze %dma_start3A_164 : memref<1x128xi32, #tpu.memory_space<vmem>> -> memref<128xi32, #tpu.memory_space<vmem>>
      %dma_start3A_166 = arith.constant 0 : i32
      %dma_start3A_167 = arith.constant 0 : i32
      %dma_start3A_168 = tpu.memref_slice %arg10[%dma_start3A_166, %dma_start3A_167] : memref<10080x64xf32, #tpu.memory_space<vmem_shared>> -> memref<10080x64xf32, #tpu.memory_space<vmem_shared>>
      tpu.enqueue_indirect_dma source(%arg8 : memref<128x64xf32, #tpu.memory_space<vmem>>) target(%dma_start3A_168 : memref<10080x64xf32, #tpu.memory_space<vmem_shared>>) offsets(%dma_start3A_165 : memref<128xi32, #tpu.memory_space<vmem>>) semaphore(%arg16 : memref<!tpu.dma_semaphore, #tpu.memory_space<semaphore_mem>>) {add = true}
      %ge3A_169 = arith.constant 1 : i32
      %ge3A_170 = arith.cmpi sge, %add3A_154, %ge3A_169 : i32
      %convert_element_type3A_171 = arith.extui %ge3A_170 : i1 to i32
      %cond3A_172 = arith.constant 0 : i32
      %cond3A_173 = arith.cmpi ne, %convert_element_type3A_171, %cond3A_172 : i32
      scf.if %cond3A_173 {
        %dma_wait3A_181 = arith.constant 80 : i32
        %dma_wait3A_182 = arith.constant 0 : i32
        %dma_wait3A_183 = tpu.memref_slice %arg5[%dma_wait3A_181, %dma_wait3A_182] : memref<160x128xi32, #tpu.memory_space<vmem>> -> memref<1x128xi32, #tpu.memory_space<vmem>>
        %dma_wait3A_184 = tpu.memref_squeeze %dma_wait3A_183 : memref<1x128xi32, #tpu.memory_space<vmem>> -> memref<128xi32, #tpu.memory_space<vmem>>
        %dma_wait3A_185 = arith.constant 0 : i32
        %dma_wait3A_186 = arith.constant 0 : i32
        %dma_wait3A_187 = tpu.memref_slice %arg10[%dma_wait3A_185, %dma_wait3A_186] : memref<10080x64xf32, #tpu.memory_space<vmem_shared>> -> memref<10080x64xf32, #tpu.memory_space<vmem_shared>>
        tpu.wait_indirect_dma semaphore(%arg15 : memref<!tpu.dma_semaphore, #tpu.memory_space<semaphore_mem>>) src(%arg7 : memref<128x64xf32, #tpu.memory_space<vmem>>) dst(%dma_wait3A_187 : memref<10080x64xf32, #tpu.memory_space<vmem_shared>>)
      } else {
      }
      %add3A_174 = arith.constant 2 : i32
      %add3A_175 = arith.addi %add3A_154, %add3A_174 : i32
      %lt3A_176 = arith.constant 80 : i32
      %lt3A_177 = arith.cmpi slt, %add3A_175, %lt3A_176 : i32
      %convert_element_type3A_178 = arith.extui %lt3A_177 : i1 to i32
      %cond3A_179 = arith.constant 0 : i32
      %cond3A_180 = arith.cmpi ne, %convert_element_type3A_178, %cond3A_179 : i32
      scf.if %cond3A_180 {
        %add3A_181 = arith.constant 2 : i32
        %add3A_182 = arith.addi %add3A_154, %add3A_181 : i32
        %dma_start3A_183 = arith.constant 0 : i32
        %dma_start3A_184 = tpu.memref_slice %arg5[%add3A_182, %dma_start3A_183] : memref<160x128xi32, #tpu.memory_space<vmem>> -> memref<1x128xi32, #tpu.memory_space<vmem>>
        %dma_start3A_185 = tpu.memref_squeeze %dma_start3A_184 : memref<1x128xi32, #tpu.memory_space<vmem>> -> memref<128xi32, #tpu.memory_space<vmem>>
        %dma_start3A_186 = arith.constant 0 : i32
        %dma_start3A_187 = arith.constant 0 : i32
        %dma_start3A_188 = tpu.memref_slice %arg9[%dma_start3A_186, %dma_start3A_187] : memref<10000x64xf32, #tpu.memory_space<vmem_shared>> -> memref<10000x64xf32, #tpu.memory_space<vmem_shared>>
        tpu.enqueue_indirect_dma source(%dma_start3A_188 : memref<10000x64xf32, #tpu.memory_space<vmem_shared>>) target(%arg7 : memref<128x64xf32, #tpu.memory_space<vmem>>) offsets(%dma_start3A_185 : memref<128xi32, #tpu.memory_space<vmem>>) semaphore(%arg12 : memref<!tpu.dma_semaphore, #tpu.memory_space<semaphore_mem>>)
      } else {
      }
    }
    %scan3A_31 = arith.constant 26 : i32
    %dma_wait3A = arith.constant 78 : i32
    %dma_wait3A_32 = arith.constant 0 : i32
    %dma_wait3A_33 = tpu.memref_slice %arg5[%dma_wait3A, %dma_wait3A_32] : memref<160x128xi32, #tpu.memory_space<vmem>> -> memref<1x128xi32, #tpu.memory_space<vmem>>
    %dma_wait3A_34 = tpu.memref_squeeze %dma_wait3A_33 : memref<1x128xi32, #tpu.memory_space<vmem>> -> memref<128xi32, #tpu.memory_space<vmem>>
    %dma_wait3A_35 = arith.constant 0 : i32
    %dma_wait3A_36 = arith.constant 0 : i32
    %dma_wait3A_37 = tpu.memref_slice %arg9[%dma_wait3A_35, %dma_wait3A_36] : memref<10000x64xf32, #tpu.memory_space<vmem_shared>> -> memref<10000x64xf32, #tpu.memory_space<vmem_shared>>
    tpu.wait_indirect_dma semaphore(%arg11 : memref<!tpu.dma_semaphore, #tpu.memory_space<semaphore_mem>>) src(%dma_wait3A_37 : memref<10000x64xf32, #tpu.memory_space<vmem_shared>>) dst(%arg6 : memref<128x64xf32, #tpu.memory_space<vmem>>)
    %dma_start3A_38 = arith.constant 158 : i32
    %dma_start3A_39 = arith.constant 0 : i32
    %dma_start3A_40 = tpu.memref_slice %arg5[%dma_start3A_38, %dma_start3A_39] : memref<160x128xi32, #tpu.memory_space<vmem>> -> memref<1x128xi32, #tpu.memory_space<vmem>>
    %dma_start3A_41 = tpu.memref_squeeze %dma_start3A_40 : memref<1x128xi32, #tpu.memory_space<vmem>> -> memref<128xi32, #tpu.memory_space<vmem>>
    %dma_start3A_42 = arith.constant 0 : i32
    %dma_start3A_43 = arith.constant 0 : i32
    %dma_start3A_44 = tpu.memref_slice %arg10[%dma_start3A_42, %dma_start3A_43] : memref<10080x64xf32, #tpu.memory_space<vmem_shared>> -> memref<10080x64xf32, #tpu.memory_space<vmem_shared>>
    tpu.enqueue_indirect_dma source(%arg6 : memref<128x64xf32, #tpu.memory_space<vmem>>) target(%dma_start3A_44 : memref<10080x64xf32, #tpu.memory_space<vmem_shared>>) offsets(%dma_start3A_41 : memref<128xi32, #tpu.memory_space<vmem>>) semaphore(%arg14 : memref<!tpu.dma_semaphore, #tpu.memory_space<semaphore_mem>>) {add = true}
    %dma_wait3A_45 = arith.constant 80 : i32
    %dma_wait3A_46 = arith.constant 0 : i32
    %dma_wait3A_47 = tpu.memref_slice %arg5[%dma_wait3A_45, %dma_wait3A_46] : memref<160x128xi32, #tpu.memory_space<vmem>> -> memref<1x128xi32, #tpu.memory_space<vmem>>
    %dma_wait3A_48 = tpu.memref_squeeze %dma_wait3A_47 : memref<1x128xi32, #tpu.memory_space<vmem>> -> memref<128xi32, #tpu.memory_space<vmem>>
    %dma_wait3A_49 = arith.constant 0 : i32
    %dma_wait3A_50 = arith.constant 0 : i32
    %dma_wait3A_51 = tpu.memref_slice %arg10[%dma_wait3A_49, %dma_wait3A_50] : memref<10080x64xf32, #tpu.memory_space<vmem_shared>> -> memref<10080x64xf32, #tpu.memory_space<vmem_shared>>
    tpu.wait_indirect_dma semaphore(%arg16 : memref<!tpu.dma_semaphore, #tpu.memory_space<semaphore_mem>>) src(%arg8 : memref<128x64xf32, #tpu.memory_space<vmem>>) dst(%dma_wait3A_51 : memref<10080x64xf32, #tpu.memory_space<vmem_shared>>)
    %dma_wait3A_52 = arith.constant 79 : i32
    %dma_wait3A_53 = arith.constant 0 : i32
    %dma_wait3A_54 = tpu.memref_slice %arg5[%dma_wait3A_52, %dma_wait3A_53] : memref<160x128xi32, #tpu.memory_space<vmem>> -> memref<1x128xi32, #tpu.memory_space<vmem>>
    %dma_wait3A_55 = tpu.memref_squeeze %dma_wait3A_54 : memref<1x128xi32, #tpu.memory_space<vmem>> -> memref<128xi32, #tpu.memory_space<vmem>>
    %dma_wait3A_56 = arith.constant 0 : i32
    %dma_wait3A_57 = arith.constant 0 : i32
    %dma_wait3A_58 = tpu.memref_slice %arg9[%dma_wait3A_56, %dma_wait3A_57] : memref<10000x64xf32, #tpu.memory_space<vmem_shared>> -> memref<10000x64xf32, #tpu.memory_space<vmem_shared>>
    tpu.wait_indirect_dma semaphore(%arg12 : memref<!tpu.dma_semaphore, #tpu.memory_space<semaphore_mem>>) src(%dma_wait3A_58 : memref<10000x64xf32, #tpu.memory_space<vmem_shared>>) dst(%arg7 : memref<128x64xf32, #tpu.memory_space<vmem>>)
    %dma_start3A_59 = arith.constant 159 : i32
    %dma_start3A_60 = arith.constant 0 : i32
    %dma_start3A_61 = tpu.memref_slice %arg5[%dma_start3A_59, %dma_start3A_60] : memref<160x128xi32, #tpu.memory_space<vmem>> -> memref<1x128xi32, #tpu.memory_space<vmem>>
    %dma_start3A_62 = tpu.memref_squeeze %dma_start3A_61 : memref<1x128xi32, #tpu.memory_space<vmem>> -> memref<128xi32, #tpu.memory_space<vmem>>
    %dma_start3A_63 = arith.constant 0 : i32
    %dma_start3A_64 = arith.constant 0 : i32
    %dma_start3A_65 = tpu.memref_slice %arg10[%dma_start3A_63, %dma_start3A_64] : memref<10080x64xf32, #tpu.memory_space<vmem_shared>> -> memref<10080x64xf32, #tpu.memory_space<vmem_shared>>
    tpu.enqueue_indirect_dma source(%arg7 : memref<128x64xf32, #tpu.memory_space<vmem>>) target(%dma_start3A_65 : memref<10080x64xf32, #tpu.memory_space<vmem_shared>>) offsets(%dma_start3A_62 : memref<128xi32, #tpu.memory_space<vmem>>) semaphore(%arg15 : memref<!tpu.dma_semaphore, #tpu.memory_space<semaphore_mem>>) {add = true}
    %dma_wait3A_66 = arith.constant 80 : i32
    %dma_wait3A_67 = arith.constant 0 : i32
    %dma_wait3A_68 = tpu.memref_slice %arg5[%dma_wait3A_66, %dma_wait3A_67] : memref<160x128xi32, #tpu.memory_space<vmem>> -> memref<1x128xi32, #tpu.memory_space<vmem>>
    %dma_wait3A_69 = tpu.memref_squeeze %dma_wait3A_68 : memref<1x128xi32, #tpu.memory_space<vmem>> -> memref<128xi32, #tpu.memory_space<vmem>>
    %dma_wait3A_70 = arith.constant 0 : i32
    %dma_wait3A_71 = arith.constant 0 : i32
    %dma_wait3A_72 = tpu.memref_slice %arg10[%dma_wait3A_70, %dma_wait3A_71] : memref<10080x64xf32, #tpu.memory_space<vmem_shared>> -> memref<10080x64xf32, #tpu.memory_space<vmem_shared>>
    tpu.wait_indirect_dma semaphore(%arg14 : memref<!tpu.dma_semaphore, #tpu.memory_space<semaphore_mem>>) src(%arg6 : memref<128x64xf32, #tpu.memory_space<vmem>>) dst(%dma_wait3A_72 : memref<10080x64xf32, #tpu.memory_space<vmem_shared>>)
    %dma_wait3A_73 = arith.constant 80 : i32
    %dma_wait3A_74 = arith.constant 0 : i32
    %dma_wait3A_75 = tpu.memref_slice %arg5[%dma_wait3A_73, %dma_wait3A_74] : memref<160x128xi32, #tpu.memory_space<vmem>> -> memref<1x128xi32, #tpu.memory_space<vmem>>
    %dma_wait3A_76 = tpu.memref_squeeze %dma_wait3A_75 : memref<1x128xi32, #tpu.memory_space<vmem>> -> memref<128xi32, #tpu.memory_space<vmem>>
    %dma_wait3A_77 = arith.constant 0 : i32
    %dma_wait3A_78 = arith.constant 0 : i32
    %dma_wait3A_79 = tpu.memref_slice %arg10[%dma_wait3A_77, %dma_wait3A_78] : memref<10080x64xf32, #tpu.memory_space<vmem_shared>> -> memref<10080x64xf32, #tpu.memory_space<vmem_shared>>
    tpu.wait_indirect_dma semaphore(%arg15 : memref<!tpu.dma_semaphore, #tpu.memory_space<semaphore_mem>>) src(%arg7 : memref<128x64xf32, #tpu.memory_space<vmem>>) dst(%dma_wait3A_79 : memref<10080x64xf32, #tpu.memory_space<vmem_shared>>)
    %barrier3A_80 = arith.constant 0 : index
    tpu.barrier barrier_id(%barrier3A_80)
    %lt3A_81 = arith.constant 15 : i32
    %lt3A_82 = arith.cmpi slt, %arg1, %lt3A_81 : i32
    %convert_element_type3A_83 = arith.extui %lt3A_82 : i1 to i32
    %cond3A_84 = arith.constant 0 : i32
    %cond3A_85 = arith.cmpi ne, %convert_element_type3A_83, %cond3A_84 : i32
    scf.if %cond3A_85 {
      %mul3A_91 = arith.constant 640 : i32
      %mul3A_92 = arith.muli %mul3A_91, %arg1 : i32
      %mul3A_93 = arith.constant 640 : i32
      %mul3A_94 = arith.muli %mul3A_93, %arg1 : i32
      "tpu.region"() ({
        %run_scoped3A_95 = tpu.sem_alloc : memref<!tpu.dma_semaphore, #tpu.memory_space<semaphore_mem>>
        %dma_start3A_96 = arith.constant 0 : i32
        %dma_start3A_97 = tpu.memref_slice %arg4[%arg0, %mul3A_94, %dma_start3A_96] : memref<2x10000x64xf32, #tpu.memory_space<hbm>> -> memref<1x640x64xf32, #tpu.memory_space<hbm>>
        %dma_start3A_98 = tpu.memref_squeeze %dma_start3A_97 : memref<1x640x64xf32, #tpu.memory_space<hbm>> -> memref<640x64xf32, #tpu.memory_space<hbm>>
        %dma_start3A_99 = arith.constant 0 : i32
        %dma_start3A_100 = tpu.memref_slice %arg10[%mul3A_92, %dma_start3A_99] : memref<10080x64xf32, #tpu.memory_space<vmem_shared>> -> memref<640x64xf32, #tpu.memory_space<vmem_shared>>
        tpu.enqueue_dma source(%dma_start3A_100 : memref<640x64xf32, #tpu.memory_space<vmem_shared>>) target(%dma_start3A_98 : memref<640x64xf32, #tpu.memory_space<hbm>>) target_semaphore(%run_scoped3A_95 : memref<!tpu.dma_semaphore, #tpu.memory_space<semaphore_mem>>)
        %dma_wait3A_101 = arith.constant 0 : i32
        %dma_wait3A_102 = tpu.memref_slice %arg4[%arg0, %mul3A_94, %dma_wait3A_101] : memref<2x10000x64xf32, #tpu.memory_space<hbm>> -> memref<1x640x64xf32, #tpu.memory_space<hbm>>
        %dma_wait3A_103 = tpu.memref_squeeze %dma_wait3A_102 : memref<1x640x64xf32, #tpu.memory_space<hbm>> -> memref<640x64xf32, #tpu.memory_space<hbm>>
        %dma_wait3A_104 = arith.constant 0 : i32
        %dma_wait3A_105 = tpu.memref_slice %arg10[%mul3A_92, %dma_wait3A_104] : memref<10080x64xf32, #tpu.memory_space<vmem_shared>> -> memref<640x64xf32, #tpu.memory_space<vmem_shared>>
        tpu.wait_dma2 semaphore(%run_scoped3A_95 : memref<!tpu.dma_semaphore, #tpu.memory_space<semaphore_mem>>) src(%dma_wait3A_105 : memref<640x64xf32, #tpu.memory_space<vmem_shared>>) dst(%dma_wait3A_103 : memref<640x64xf32, #tpu.memory_space<hbm>>)
        tpu.yield
      }) : () -> ()
    } else {
    }
    %eq3A_86 = arith.constant 15 : i32
    %eq3A_87 = arith.cmpi eq, %arg1, %eq3A_86 : i32
    %convert_element_type3A_88 = arith.extui %eq3A_87 : i1 to i32
    %cond3A_89 = arith.constant 0 : i32
    %cond3A_90 = arith.cmpi ne, %convert_element_type3A_88, %cond3A_89 : i32
    scf.if %cond3A_90 {
      "tpu.region"() ({
        %run_scoped3A_91 = tpu.sem_alloc : memref<!tpu.dma_semaphore, #tpu.memory_space<semaphore_mem>>
        %dma_start3A_92 = arith.constant 9600 : i32
        %dma_start3A_93 = arith.constant 0 : i32
        %dma_start3A_94 = tpu.memref_slice %arg4[%arg0, %dma_start3A_92, %dma_start3A_93] : memref<2x10000x64xf32, #tpu.memory_space<hbm>> -> memref<1x400x64xf32, #tpu.memory_space<hbm>>
        %dma_start3A_95 = tpu.memref_squeeze %dma_start3A_94 : memref<1x400x64xf32, #tpu.memory_space<hbm>> -> memref<400x64xf32, #tpu.memory_space<hbm>>
        %dma_start3A_96 = arith.constant 9600 : i32
        %dma_start3A_97 = arith.constant 0 : i32
        %dma_start3A_98 = tpu.memref_slice %arg10[%dma_start3A_96, %dma_start3A_97] : memref<10080x64xf32, #tpu.memory_space<vmem_shared>> -> memref<400x64xf32, #tpu.memory_space<vmem_shared>>
        tpu.enqueue_dma source(%dma_start3A_98 : memref<400x64xf32, #tpu.memory_space<vmem_shared>>) target(%dma_start3A_95 : memref<400x64xf32, #tpu.memory_space<hbm>>) target_semaphore(%run_scoped3A_91 : memref<!tpu.dma_semaphore, #tpu.memory_space<semaphore_mem>>)
        %dma_wait3A_99 = arith.constant 9600 : i32
        %dma_wait3A_100 = arith.constant 0 : i32
        %dma_wait3A_101 = tpu.memref_slice %arg4[%arg0, %dma_wait3A_99, %dma_wait3A_100] : memref<2x10000x64xf32, #tpu.memory_space<hbm>> -> memref<1x400x64xf32, #tpu.memory_space<hbm>>
        %dma_wait3A_102 = tpu.memref_squeeze %dma_wait3A_101 : memref<1x400x64xf32, #tpu.memory_space<hbm>> -> memref<400x64xf32, #tpu.memory_space<hbm>>
        %dma_wait3A_103 = arith.constant 9600 : i32
        %dma_wait3A_104 = arith.constant 0 : i32
        %dma_wait3A_105 = tpu.memref_slice %arg10[%dma_wait3A_103, %dma_wait3A_104] : memref<10080x64xf32, #tpu.memory_space<vmem_shared>> -> memref<400x64xf32, #tpu.memory_space<vmem_shared>>
        tpu.wait_dma2 semaphore(%run_scoped3A_91 : memref<!tpu.dma_semaphore, #tpu.memory_space<semaphore_mem>>) src(%dma_wait3A_105 : memref<400x64xf32, #tpu.memory_space<vmem_shared>>) dst(%dma_wait3A_102 : memref<400x64xf32, #tpu.memory_space<hbm>>)
        tpu.yield
      }) : () -> ()
    } else {
    }
    return
  }
}

#map = affine_map<(d0, d1) -> (0, 0)>
#map1 = affine_map<(d0, d1) -> (0)>
module attributes {stable_mosaic.version = 14 : i64} {
  func.func @_pool_kernel(%arg0: i32, %arg1: i32, %arg2: memref<10000x64xf32, #tpu.memory_space<hbm>>, %arg3: memref<10000xi32, #tpu.memory_space<hbm>>, %arg4: memref<32x16384xf32, #tpu.memory_space<hbm>>, %arg5: memref<32x16384xf32, #tpu.memory_space<hbm>>, %arg6: memref<32x16384xf32, #tpu.memory_space<hbm>>, %arg7: memref<400x64xf32, #tpu.memory_space<vmem>>, %arg8: memref<400xi32, #tpu.memory_space<vmem>>, %arg9: memref<16384xf32, #tpu.memory_space<vmem>>, %arg10: memref<16384xf32, #tpu.memory_space<vmem>>, %arg11: memref<16384xf32, #tpu.memory_space<vmem>>) attributes {dimension_semantics = [#tpu.dimension_semantics<core_parallel>, #tpu.dimension_semantics<subcore_parallel>], iteration_bounds = array<i64: 2, 16>, scalar_prefetch = 0 : i64, scratch_operands = 5 : i64, tpu.core_type = #tpu.core_type<sc_vector_subcore>, window_params = [{transform_indices = #map}, {transform_indices = #map1}, {transform_indices = #map}, {transform_indices = #map}, {transform_indices = #map}]} {
    %mul3A = arith.constant 2 : i32
    %mul3A_0 = arith.muli %arg1, %mul3A : i32
    %add3A = arith.addi %mul3A_0, %arg0 : i32
    %broadcast_in_dim3A = arith.constant 0.000000e+00 : f32
    %broadcast_in_dim3A_1 = vector.broadcast %broadcast_in_dim3A : f32 to vector<16xf32>
    %broadcast_in_dim3A_2 = arith.constant -3.000000e+38 : f32
    %broadcast_in_dim3A_3 = vector.broadcast %broadcast_in_dim3A_2 : f32 to vector<16xf32>
    %scan3A = arith.constant 0 : i32
    %scan3A_4 = arith.constant 1024 : i32
    %scan3A_5 = arith.addi %scan3A, %scan3A_4 : i32
    %scan3A_6 = arith.constant 1 : i32
    scf.for %scan3A_10 = %scan3A to %scan3A_5 step %scan3A_6  : i32 {
      %mul3A_11 = arith.constant 1 : i32
      %mul3A_12 = arith.muli %scan3A_10, %mul3A_11 : i32
      %add3A_13 = arith.constant 0 : i32
      %add3A_14 = arith.addi %add3A_13, %mul3A_12 : i32
      %mul3A_15 = arith.constant 16 : i32
      %mul3A_16 = arith.muli %mul3A_15, %add3A_14 : i32
      %swap3A = arith.index_cast %mul3A_16 : i32 to index
      %swap3A_17 = tpu.vector_load %arg9[%swap3A] {strides = array<i32>} : memref<16384xf32, #tpu.memory_space<vmem>>, vector<16xf32>,
      tpu.vector_store %arg9[%swap3A], %broadcast_in_dim3A_1 {strides = array<i32>} : memref<16384xf32, #tpu.memory_space<vmem>>, vector<16xf32>,
      %mul3A_18 = arith.constant 16 : i32
      %mul3A_19 = arith.muli %mul3A_18, %add3A_14 : i32
      %swap3A_20 = arith.index_cast %mul3A_19 : i32 to index
      %swap3A_21 = tpu.vector_load %arg10[%swap3A_20] {strides = array<i32>} : memref<16384xf32, #tpu.memory_space<vmem>>, vector<16xf32>,
      tpu.vector_store %arg10[%swap3A_20], %broadcast_in_dim3A_3 {strides = array<i32>} : memref<16384xf32, #tpu.memory_space<vmem>>, vector<16xf32>,
      %mul3A_22 = arith.constant 16 : i32
      %mul3A_23 = arith.muli %mul3A_22, %add3A_14 : i32
      %swap3A_24 = arith.index_cast %mul3A_23 : i32 to index
      %swap3A_25 = tpu.vector_load %arg11[%swap3A_24] {strides = array<i32>} : memref<16384xf32, #tpu.memory_space<vmem>>, vector<16xf32>,
      tpu.vector_store %arg11[%swap3A_24], %broadcast_in_dim3A_1 {strides = array<i32>} : memref<16384xf32, #tpu.memory_space<vmem>>, vector<16xf32>,
    }
    %scan3A_7 = arith.constant 1024 : i32
    %lt3A = arith.constant 25 : i32
    %lt3A_8 = arith.cmpi slt, %add3A, %lt3A : i32
    %convert_element_type3A = arith.extui %lt3A_8 : i1 to i32
    %cond3A = arith.constant 0 : i32
    %cond3A_9 = arith.cmpi ne, %convert_element_type3A, %cond3A : i32
    scf.if %cond3A_9 {
      %mul3A_10 = arith.constant 400 : i32
      %mul3A_11 = arith.muli %mul3A_10, %add3A : i32
      "tpu.region"() ({
        %run_scoped3A = tpu.sem_alloc : memref<!tpu.dma_semaphore, #tpu.memory_space<semaphore_mem>>
        %dma_start3A = arith.constant 0 : i32
        %dma_start3A_20 = tpu.memref_slice %arg2[%mul3A_11, %dma_start3A] : memref<10000x64xf32, #tpu.memory_space<hbm>> -> memref<400x64xf32, #tpu.memory_space<hbm>>
        %dma_start3A_21 = arith.constant 0 : i32
        %dma_start3A_22 = tpu.memref_slice %arg2[%mul3A_11, %dma_start3A_21] : memref<10000x64xf32, #tpu.memory_space<hbm>> -> memref<400x64xf32, #tpu.memory_space<hbm>>
        tpu.enqueue_dma source(%dma_start3A_22 : memref<400x64xf32, #tpu.memory_space<hbm>>) target(%arg7 : memref<400x64xf32, #tpu.memory_space<vmem>>) target_semaphore(%run_scoped3A : memref<!tpu.dma_semaphore, #tpu.memory_space<semaphore_mem>>)
        %dma_wait3A = arith.constant 0 : i32
        %dma_wait3A_23 = tpu.memref_slice %arg2[%mul3A_11, %dma_wait3A] : memref<10000x64xf32, #tpu.memory_space<hbm>> -> memref<400x64xf32, #tpu.memory_space<hbm>>
        %dma_wait3A_24 = arith.constant 0 : i32
        %dma_wait3A_25 = tpu.memref_slice %arg2[%mul3A_11, %dma_wait3A_24] : memref<10000x64xf32, #tpu.memory_space<hbm>> -> memref<400x64xf32, #tpu.memory_space<hbm>>
        tpu.wait_dma2 semaphore(%run_scoped3A : memref<!tpu.dma_semaphore, #tpu.memory_space<semaphore_mem>>) src(%dma_wait3A_25 : memref<400x64xf32, #tpu.memory_space<hbm>>) dst(%arg7 : memref<400x64xf32, #tpu.memory_space<vmem>>)
        tpu.yield
      }) : () -> ()
      "tpu.region"() ({
        %run_scoped3A = tpu.sem_alloc : memref<!tpu.dma_semaphore, #tpu.memory_space<semaphore_mem>>
        %dma_start3A = tpu.memref_slice %arg3[%mul3A_11] : memref<10000xi32, #tpu.memory_space<hbm>> -> memref<400xi32, #tpu.memory_space<hbm>>
        %dma_start3A_20 = tpu.memref_slice %arg3[%mul3A_11] : memref<10000xi32, #tpu.memory_space<hbm>> -> memref<400xi32, #tpu.memory_space<hbm>>
        tpu.enqueue_dma source(%dma_start3A_20 : memref<400xi32, #tpu.memory_space<hbm>>) target(%arg8 : memref<400xi32, #tpu.memory_space<vmem>>) target_semaphore(%run_scoped3A : memref<!tpu.dma_semaphore, #tpu.memory_space<semaphore_mem>>)
        %dma_wait3A = tpu.memref_slice %arg3[%mul3A_11] : memref<10000xi32, #tpu.memory_space<hbm>> -> memref<400xi32, #tpu.memory_space<hbm>>
        %dma_wait3A_21 = tpu.memref_slice %arg3[%mul3A_11] : memref<10000xi32, #tpu.memory_space<hbm>> -> memref<400xi32, #tpu.memory_space<hbm>>
        tpu.wait_dma2 semaphore(%run_scoped3A : memref<!tpu.dma_semaphore, #tpu.memory_space<semaphore_mem>>) src(%dma_wait3A_21 : memref<400xi32, #tpu.memory_space<hbm>>) dst(%arg8 : memref<400xi32, #tpu.memory_space<vmem>>)
        tpu.yield
      }) : () -> ()
      %iota3A = tpu.iota {dimensions = array<i32: 0>} : vector<16xi32>
      %broadcast_in_dim3A_12 = arith.constant 1.000000e+00 : f32
      %broadcast_in_dim3A_13 = vector.broadcast %broadcast_in_dim3A_12 : f32 to vector<16xf32>
      %scan3A_14 = arith.constant 0 : i32
      %scan3A_15 = arith.constant 0 : i32
      %scan3A_16 = arith.constant 400 : i32
      %scan3A_17 = arith.addi %scan3A_15, %scan3A_16 : i32
      %scan3A_18 = arith.constant 1 : i32
      scf.for %scan3A_20 = %scan3A_15 to %scan3A_17 step %scan3A_18  : i32 {
        %broadcast_in_dim3A_21 = vector.broadcast %scan3A_20 : i32 to vector<16xi32>
        %gather3A = tpu.vector_load_idx %arg8[%broadcast_in_dim3A_21] : memref<400xi32, #tpu.memory_space<vmem>>[vector<16xi32>], vector<16xi32>,
        %mul3A_22 = arith.constant 64 : i32
        %mul3A_23 = vector.broadcast %mul3A_22 : i32 to vector<16xi32>
        %mul3A_24 = arith.muli %gather3A, %mul3A_23 : vector<16xi32>
        %add3A_25 = arith.constant 0 : i32
        %add3A_26 = vector.broadcast %add3A_25 : i32 to vector<16xi32>
        %add3A_27 = arith.addi %mul3A_24, %add3A_26 : vector<16xi32>
        %add3A_28 = arith.addi %add3A_27, %iota3A : vector<16xi32>
        %get3A = arith.index_cast %scan3A_20 : i32 to index
        %get3A_29 = arith.constant 0 : index
        %get3A_30 = tpu.vector_load %arg7[%get3A, %get3A_29] {strides = array<i32>} : memref<400x64xf32, #tpu.memory_space<vmem>>, vector<16xf32>,
        tpu.vector_store_idx %arg9[%add3A_28], %get3A_30 {add = true} : memref<16384xf32, #tpu.memory_space<vmem>>[vector<16xi32>], vector<16xf32>,
        tpu.vector_store_idx %arg11[%add3A_28], %broadcast_in_dim3A_13 {add = true} : memref<16384xf32, #tpu.memory_space<vmem>>[vector<16xi32>], vector<16xf32>,
        %gather3A_31 = tpu.vector_load_idx %arg10[%add3A_28] : memref<16384xf32, #tpu.memory_space<vmem>>[vector<16xi32>], vector<16xf32>,
        %max3A = arith.maximumf %gather3A_31, %get3A_30 : vector<16xf32>
        tpu.vector_store_idx %arg10[%add3A_28], %max3A : memref<16384xf32, #tpu.memory_space<vmem>>[vector<16xi32>], vector<16xf32>,
        %add3A_32 = arith.constant 16 : i32
        %add3A_33 = vector.broadcast %add3A_32 : i32 to vector<16xi32>
        %add3A_34 = arith.addi %mul3A_24, %add3A_33 : vector<16xi32>
        %add3A_35 = arith.addi %add3A_34, %iota3A : vector<16xi32>
        %get3A_36 = arith.index_cast %scan3A_20 : i32 to index
        %get3A_37 = arith.constant 16 : index
        %get3A_38 = tpu.vector_load %arg7[%get3A_36, %get3A_37] {strides = array<i32>} : memref<400x64xf32, #tpu.memory_space<vmem>>, vector<16xf32>,
        tpu.vector_store_idx %arg9[%add3A_35], %get3A_38 {add = true} : memref<16384xf32, #tpu.memory_space<vmem>>[vector<16xi32>], vector<16xf32>,
        tpu.vector_store_idx %arg11[%add3A_35], %broadcast_in_dim3A_13 {add = true} : memref<16384xf32, #tpu.memory_space<vmem>>[vector<16xi32>], vector<16xf32>,
        %gather3A_39 = tpu.vector_load_idx %arg10[%add3A_35] : memref<16384xf32, #tpu.memory_space<vmem>>[vector<16xi32>], vector<16xf32>,
        %max3A_40 = arith.maximumf %gather3A_39, %get3A_38 : vector<16xf32>
        tpu.vector_store_idx %arg10[%add3A_35], %max3A_40 : memref<16384xf32, #tpu.memory_space<vmem>>[vector<16xi32>], vector<16xf32>,
        %add3A_41 = arith.constant 32 : i32
        %add3A_42 = vector.broadcast %add3A_41 : i32 to vector<16xi32>
        %add3A_43 = arith.addi %mul3A_24, %add3A_42 : vector<16xi32>
        %add3A_44 = arith.addi %add3A_43, %iota3A : vector<16xi32>
        %get3A_45 = arith.index_cast %scan3A_20 : i32 to index
        %get3A_46 = arith.constant 32 : index
        %get3A_47 = tpu.vector_load %arg7[%get3A_45, %get3A_46] {strides = array<i32>} : memref<400x64xf32, #tpu.memory_space<vmem>>, vector<16xf32>,
        tpu.vector_store_idx %arg9[%add3A_44], %get3A_47 {add = true} : memref<16384xf32, #tpu.memory_space<vmem>>[vector<16xi32>], vector<16xf32>,
        tpu.vector_store_idx %arg11[%add3A_44], %broadcast_in_dim3A_13 {add = true} : memref<16384xf32, #tpu.memory_space<vmem>>[vector<16xi32>], vector<16xf32>,
        %gather3A_48 = tpu.vector_load_idx %arg10[%add3A_44] : memref<16384xf32, #tpu.memory_space<vmem>>[vector<16xi32>], vector<16xf32>,
        %max3A_49 = arith.maximumf %gather3A_48, %get3A_47 : vector<16xf32>
        tpu.vector_store_idx %arg10[%add3A_44], %max3A_49 : memref<16384xf32, #tpu.memory_space<vmem>>[vector<16xi32>], vector<16xf32>,
        %add3A_50 = arith.constant 48 : i32
        %add3A_51 = vector.broadcast %add3A_50 : i32 to vector<16xi32>
        %add3A_52 = arith.addi %mul3A_24, %add3A_51 : vector<16xi32>
        %add3A_53 = arith.addi %add3A_52, %iota3A : vector<16xi32>
        %get3A_54 = arith.index_cast %scan3A_20 : i32 to index
        %get3A_55 = arith.constant 48 : index
        %get3A_56 = tpu.vector_load %arg7[%get3A_54, %get3A_55] {strides = array<i32>} : memref<400x64xf32, #tpu.memory_space<vmem>>, vector<16xf32>,
        tpu.vector_store_idx %arg9[%add3A_53], %get3A_56 {add = true} : memref<16384xf32, #tpu.memory_space<vmem>>[vector<16xi32>], vector<16xf32>,
        tpu.vector_store_idx %arg11[%add3A_53], %broadcast_in_dim3A_13 {add = true} : memref<16384xf32, #tpu.memory_space<vmem>>[vector<16xi32>], vector<16xf32>,
        %gather3A_57 = tpu.vector_load_idx %arg10[%add3A_53] : memref<16384xf32, #tpu.memory_space<vmem>>[vector<16xi32>], vector<16xf32>,
        %max3A_58 = arith.maximumf %gather3A_57, %get3A_56 : vector<16xf32>
        tpu.vector_store_idx %arg10[%add3A_53], %max3A_58 : memref<16384xf32, #tpu.memory_space<vmem>>[vector<16xi32>], vector<16xf32>,
      }
      %scan3A_19 = arith.constant 400 : i32
    } else {
    }
    "tpu.region"() ({
      %run_scoped3A = tpu.sem_alloc : memref<!tpu.dma_semaphore, #tpu.memory_space<semaphore_mem>>
      %dma_start3A = arith.constant 0 : i32
      %dma_start3A_10 = tpu.memref_slice %arg4[%add3A, %dma_start3A] : memref<32x16384xf32, #tpu.memory_space<hbm>> -> memref<1x16384xf32, #tpu.memory_space<hbm>>
      %dma_start3A_11 = tpu.memref_squeeze %dma_start3A_10 : memref<1x16384xf32, #tpu.memory_space<hbm>> -> memref<16384xf32, #tpu.memory_space<hbm>>
      %dma_start3A_12 = arith.constant 0 : i32
      %dma_start3A_13 = tpu.memref_slice %arg4[%add3A, %dma_start3A_12] : memref<32x16384xf32, #tpu.memory_space<hbm>> -> memref<1x16384xf32, #tpu.memory_space<hbm>>
      %dma_start3A_14 = tpu.memref_squeeze %dma_start3A_13 : memref<1x16384xf32, #tpu.memory_space<hbm>> -> memref<16384xf32, #tpu.memory_space<hbm>>
      tpu.enqueue_dma source(%arg9 : memref<16384xf32, #tpu.memory_space<vmem>>) target(%dma_start3A_14 : memref<16384xf32, #tpu.memory_space<hbm>>) target_semaphore(%run_scoped3A : memref<!tpu.dma_semaphore, #tpu.memory_space<semaphore_mem>>)
      %dma_wait3A = arith.constant 0 : i32
      %dma_wait3A_15 = tpu.memref_slice %arg4[%add3A, %dma_wait3A] : memref<32x16384xf32, #tpu.memory_space<hbm>> -> memref<1x16384xf32, #tpu.memory_space<hbm>>
      %dma_wait3A_16 = tpu.memref_squeeze %dma_wait3A_15 : memref<1x16384xf32, #tpu.memory_space<hbm>> -> memref<16384xf32, #tpu.memory_space<hbm>>
      %dma_wait3A_17 = arith.constant 0 : i32
      %dma_wait3A_18 = tpu.memref_slice %arg4[%add3A, %dma_wait3A_17] : memref<32x16384xf32, #tpu.memory_space<hbm>> -> memref<1x16384xf32, #tpu.memory_space<hbm>>
      %dma_wait3A_19 = tpu.memref_squeeze %dma_wait3A_18 : memref<1x16384xf32, #tpu.memory_space<hbm>> -> memref<16384xf32, #tpu.memory_space<hbm>>
      tpu.wait_dma2 semaphore(%run_scoped3A : memref<!tpu.dma_semaphore, #tpu.memory_space<semaphore_mem>>) src(%arg9 : memref<16384xf32, #tpu.memory_space<vmem>>) dst(%dma_wait3A_19 : memref<16384xf32, #tpu.memory_space<hbm>>)
      tpu.yield
    }) : () -> ()
    "tpu.region"() ({
      %run_scoped3A = tpu.sem_alloc : memref<!tpu.dma_semaphore, #tpu.memory_space<semaphore_mem>>
      %dma_start3A = arith.constant 0 : i32
      %dma_start3A_10 = tpu.memref_slice %arg5[%add3A, %dma_start3A] : memref<32x16384xf32, #tpu.memory_space<hbm>> -> memref<1x16384xf32, #tpu.memory_space<hbm>>
      %dma_start3A_11 = tpu.memref_squeeze %dma_start3A_10 : memref<1x16384xf32, #tpu.memory_space<hbm>> -> memref<16384xf32, #tpu.memory_space<hbm>>
      %dma_start3A_12 = arith.constant 0 : i32
      %dma_start3A_13 = tpu.memref_slice %arg5[%add3A, %dma_start3A_12] : memref<32x16384xf32, #tpu.memory_space<hbm>> -> memref<1x16384xf32, #tpu.memory_space<hbm>>
      %dma_start3A_14 = tpu.memref_squeeze %dma_start3A_13 : memref<1x16384xf32, #tpu.memory_space<hbm>> -> memref<16384xf32, #tpu.memory_space<hbm>>
      tpu.enqueue_dma source(%arg10 : memref<16384xf32, #tpu.memory_space<vmem>>) target(%dma_start3A_14 : memref<16384xf32, #tpu.memory_space<hbm>>) target_semaphore(%run_scoped3A : memref<!tpu.dma_semaphore, #tpu.memory_space<semaphore_mem>>)
      %dma_wait3A = arith.constant 0 : i32
      %dma_wait3A_15 = tpu.memref_slice %arg5[%add3A, %dma_wait3A] : memref<32x16384xf32, #tpu.memory_space<hbm>> -> memref<1x16384xf32, #tpu.memory_space<hbm>>
      %dma_wait3A_16 = tpu.memref_squeeze %dma_wait3A_15 : memref<1x16384xf32, #tpu.memory_space<hbm>> -> memref<16384xf32, #tpu.memory_space<hbm>>
      %dma_wait3A_17 = arith.constant 0 : i32
      %dma_wait3A_18 = tpu.memref_slice %arg5[%add3A, %dma_wait3A_17] : memref<32x16384xf32, #tpu.memory_space<hbm>> -> memref<1x16384xf32, #tpu.memory_space<hbm>>
      %dma_wait3A_19 = tpu.memref_squeeze %dma_wait3A_18 : memref<1x16384xf32, #tpu.memory_space<hbm>> -> memref<16384xf32, #tpu.memory_space<hbm>>
      tpu.wait_dma2 semaphore(%run_scoped3A : memref<!tpu.dma_semaphore, #tpu.memory_space<semaphore_mem>>) src(%arg10 : memref<16384xf32, #tpu.memory_space<vmem>>) dst(%dma_wait3A_19 : memref<16384xf32, #tpu.memory_space<hbm>>)
      tpu.yield
    }) : () -> ()
    "tpu.region"() ({
      %run_scoped3A = tpu.sem_alloc : memref<!tpu.dma_semaphore, #tpu.memory_space<semaphore_mem>>
      %dma_start3A = arith.constant 0 : i32
      %dma_start3A_10 = tpu.memref_slice %arg6[%add3A, %dma_start3A] : memref<32x16384xf32, #tpu.memory_space<hbm>> -> memref<1x16384xf32, #tpu.memory_space<hbm>>
      %dma_start3A_11 = tpu.memref_squeeze %dma_start3A_10 : memref<1x16384xf32, #tpu.memory_space<hbm>> -> memref<16384xf32, #tpu.memory_space<hbm>>
      %dma_start3A_12 = arith.constant 0 : i32
      %dma_start3A_13 = tpu.memref_slice %arg6[%add3A, %dma_start3A_12] : memref<32x16384xf32, #tpu.memory_space<hbm>> -> memref<1x16384xf32, #tpu.memory_space<hbm>>
      %dma_start3A_14 = tpu.memref_squeeze %dma_start3A_13 : memref<1x16384xf32, #tpu.memory_space<hbm>> -> memref<16384xf32, #tpu.memory_space<hbm>>
      tpu.enqueue_dma source(%arg11 : memref<16384xf32, #tpu.memory_space<vmem>>) target(%dma_start3A_14 : memref<16384xf32, #tpu.memory_space<hbm>>) target_semaphore(%run_scoped3A : memref<!tpu.dma_semaphore, #tpu.memory_space<semaphore_mem>>)
      %dma_wait3A = arith.constant 0 : i32
      %dma_wait3A_15 = tpu.memref_slice %arg6[%add3A, %dma_wait3A] : memref<32x16384xf32, #tpu.memory_space<hbm>> -> memref<1x16384xf32, #tpu.memory_space<hbm>>
      %dma_wait3A_16 = tpu.memref_squeeze %dma_wait3A_15 : memref<1x16384xf32, #tpu.memory_space<hbm>> -> memref<16384xf32, #tpu.memory_space<hbm>>
      %dma_wait3A_17 = arith.constant 0 : i32
      %dma_wait3A_18 = tpu.memref_slice %arg6[%add3A, %dma_wait3A_17] : memref<32x16384xf32, #tpu.memory_space<hbm>> -> memref<1x16384xf32, #tpu.memory_space<hbm>>
      %dma_wait3A_19 = tpu.memref_squeeze %dma_wait3A_18 : memref<1x16384xf32, #tpu.memory_space<hbm>> -> memref<16384xf32, #tpu.memory_space<hbm>>
      tpu.wait_dma2 semaphore(%run_scoped3A : memref<!tpu.dma_semaphore, #tpu.memory_space<semaphore_mem>>) src(%arg11 : memref<16384xf32, #tpu.memory_space<vmem>>) dst(%dma_wait3A_19 : memref<16384xf32, #tpu.memory_space<hbm>>)
      tpu.yield
    }) : () -> ()
    return
  }
}

module attributes {stable_mosaic.version = 14 : i64} {
  func.func @_proj_body(%arg0: memref<10000x128xf32, #tpu.memory_space<vmem>>, %arg1: memref<128x64xf32, #tpu.memory_space<vmem>>, %arg2: memref<10000x64xf32, #tpu.memory_space<vmem>>) attributes {dimension_semantics = [], scalar_prefetch = 0 : i64, scratch_operands = 0 : i64, tpu.core_type = #tpu.core_type<tc>} {
    %get3A = arith.constant 0 : index
    %get3A_0 = arith.constant 0 : index
    %get3A_1 = vector.load %arg0[%get3A, %get3A_0] : memref<10000x128xf32, #tpu.memory_space<vmem>>, vector<10000x128xf32>
    %get3A_2 = arith.constant 0 : index
    %get3A_3 = arith.constant 0 : index
    %get3A_4 = vector.load %arg1[%get3A_2, %get3A_3] : memref<128x64xf32, #tpu.memory_space<vmem>>, vector<128x64xf32>
    %dot_general3A = arith.constant dense<0.000000e+00> : vector<10000x64xf32>
    %dot_general3A_5 = tpu.matmul %get3A_1, %get3A_4, %dot_general3A {dimension_numbers = #tpu.dot_dimension_numbers<[1], [0], [0], [1], [0, 0, 1, 1], [], []>, transpose_lhs_hint = false} : vector<10000x128xf32>, vector<128x64xf32>, vector<10000x64xf32> -> vector<10000x64xf32>
    %swap3A = arith.constant 0 : index
    %swap3A_6 = arith.constant 0 : index
    %swap3A_7 = vector.load %arg2[%swap3A, %swap3A_6] : memref<10000x64xf32, #tpu.memory_space<vmem>>, vector<10000x64xf32>
    tpu.vector_store %arg2[%swap3A, %swap3A_6], %dot_general3A_5 {strides = array<i32>} : memref<10000x64xf32, #tpu.memory_space<vmem>>, vector<10000x64xf32>,
    return
  }
}

module attributes {stable_mosaic.version = 14 : i64} {
  func.func @_mlp_body(%arg0: memref<10000x64xf32, #tpu.memory_space<vmem>>, %arg1: memref<10000x64xf32, #tpu.memory_space<vmem>>, %arg2: memref<10000x64xf32, #tpu.memory_space<vmem>>, %arg3: memref<1x1xf32, #tpu.memory_space<vmem>>, %arg4: memref<1x64xf32, #tpu.memory_space<vmem>>, %arg5: memref<64x64xf32, #tpu.memory_space<vmem>>, %arg6: memref<1x64xf32, #tpu.memory_space<vmem>>, %arg7: memref<1x64xf32, #tpu.memory_space<vmem>>, %arg8: memref<1x64xf32, #tpu.memory_space<vmem>>, %arg9: memref<1x64xf32, #tpu.memory_space<vmem>>, %arg10: memref<1x64xf32, #tpu.memory_space<vmem>>, %arg11: memref<64x64xf32, #tpu.memory_space<vmem>>, %arg12: memref<10000x64xf32, #tpu.memory_space<vmem>>) attributes {dimension_semantics = [], scalar_prefetch = 0 : i64, scratch_operands = 0 : i64, tpu.core_type = #tpu.core_type<tc>} {
    %get3A = arith.constant 0 : index
    %get3A_0 = arith.constant 0 : index
    %get3A_1 = vector.load %arg3[%get3A, %get3A_0] : memref<1x1xf32, #tpu.memory_space<vmem>>, vector<1x1xf32>
    %get3A_2 = vector.extract %get3A_1[0, 0] : f32 from vector<1x1xf32>
    %add3A = arith.constant 1.000000e+00 : f32
    %add3A_3 = arith.addf %add3A, %get3A_2 : f32
    %get3A_4 = arith.constant 0 : index
    %get3A_5 = arith.constant 0 : index
    %get3A_6 = vector.load %arg0[%get3A_4, %get3A_5] : memref<10000x64xf32, #tpu.memory_space<vmem>>, vector<10000x64xf32>
    %mul3A = vector.broadcast %add3A_3 : f32 to vector<10000x64xf32>
    %mul3A_7 = arith.mulf %mul3A, %get3A_6 : vector<10000x64xf32>
    %get3A_8 = arith.constant 0 : index
    %get3A_9 = arith.constant 0 : index
    %get3A_10 = vector.load %arg1[%get3A_8, %get3A_9] : memref<10000x64xf32, #tpu.memory_space<vmem>>, vector<10000x64xf32>
    %add3A_11 = arith.addf %mul3A_7, %get3A_10 : vector<10000x64xf32>
    %get3A_12 = arith.constant 0 : index
    %get3A_13 = arith.constant 0 : index
    %get3A_14 = vector.load %arg2[%get3A_12, %get3A_13] : memref<10000x64xf32, #tpu.memory_space<vmem>>, vector<10000x64xf32>
    %add3A_15 = arith.addf %add3A_11, %get3A_14 : vector<10000x64xf32>
    %get3A_16 = arith.constant 0 : index
    %get3A_17 = arith.constant 0 : index
    %get3A_18 = vector.load %arg4[%get3A_16, %get3A_17] : memref<1x64xf32, #tpu.memory_space<vmem>>, vector<1x64xf32>
    %add3A_19 = vector.broadcast %get3A_18 : vector<1x64xf32> to vector<10000x64xf32>
    %add3A_20 = arith.addf %add3A_15, %add3A_19 : vector<10000x64xf32>
    %max3A = arith.constant 0.000000e+00 : f32
    %max3A_21 = vector.broadcast %max3A : f32 to vector<10000x64xf32>
    %max3A_22 = arith.maximumf %add3A_20, %max3A_21 : vector<10000x64xf32>
    %get3A_23 = arith.constant 0 : index
    %get3A_24 = arith.constant 0 : index
    %get3A_25 = vector.load %arg5[%get3A_23, %get3A_24] : memref<64x64xf32, #tpu.memory_space<vmem>>, vector<64x64xf32>
    %dot_general3A = arith.constant dense<0.000000e+00> : vector<10000x64xf32>
    %dot_general3A_26 = tpu.matmul %max3A_22, %get3A_25, %dot_general3A {dimension_numbers = #tpu.dot_dimension_numbers<[1], [0], [0], [1], [0, 0, 1, 1], [], []>, transpose_lhs_hint = false} : vector<10000x64xf32>, vector<64x64xf32>, vector<10000x64xf32> -> vector<10000x64xf32>
    %get3A_27 = arith.constant 0 : index
    %get3A_28 = arith.constant 0 : index
    %get3A_29 = vector.load %arg6[%get3A_27, %get3A_28] : memref<1x64xf32, #tpu.memory_space<vmem>>, vector<1x64xf32>
    %add3A_30 = vector.broadcast %get3A_29 : vector<1x64xf32> to vector<10000x64xf32>
    %add3A_31 = arith.addf %dot_general3A_26, %add3A_30 : vector<10000x64xf32>
    %max3A_32 = arith.constant 0.000000e+00 : f32
    %max3A_33 = vector.broadcast %max3A_32 : f32 to vector<10000x64xf32>
    %max3A_34 = arith.maximumf %add3A_31, %max3A_33 : vector<10000x64xf32>
    %get3A_35 = arith.constant 0 : index
    %get3A_36 = arith.constant 0 : index
    %get3A_37 = vector.load %arg9[%get3A_35, %get3A_36] : memref<1x64xf32, #tpu.memory_space<vmem>>, vector<1x64xf32>
    %sub3A = vector.broadcast %get3A_37 : vector<1x64xf32> to vector<10000x64xf32>
    %sub3A_38 = arith.subf %max3A_34, %sub3A : vector<10000x64xf32>
    %get3A_39 = arith.constant 0 : index
    %get3A_40 = arith.constant 0 : index
    %get3A_41 = vector.load %arg10[%get3A_39, %get3A_40] : memref<1x64xf32, #tpu.memory_space<vmem>>, vector<1x64xf32>
    %add3A_42 = arith.constant 9.99999974E-6 : f32
    %add3A_43 = vector.broadcast %add3A_42 : f32 to vector<1x64xf32>
    %add3A_44 = arith.addf %get3A_41, %add3A_43 : vector<1x64xf32>
    %sqrt3A = math.sqrt %add3A_44 : vector<1x64xf32>
    %div3A = vector.broadcast %sqrt3A : vector<1x64xf32> to vector<10000x64xf32>
    %div3A_45 = arith.divf %sub3A_38, %div3A : vector<10000x64xf32>
    %get3A_46 = arith.constant 0 : index
    %get3A_47 = arith.constant 0 : index
    %get3A_48 = vector.load %arg7[%get3A_46, %get3A_47] : memref<1x64xf32, #tpu.memory_space<vmem>>, vector<1x64xf32>
    %mul3A_49 = vector.broadcast %get3A_48 : vector<1x64xf32> to vector<10000x64xf32>
    %mul3A_50 = arith.mulf %div3A_45, %mul3A_49 : vector<10000x64xf32>
    %get3A_51 = arith.constant 0 : index
    %get3A_52 = arith.constant 0 : index
    %get3A_53 = vector.load %arg8[%get3A_51, %get3A_52] : memref<1x64xf32, #tpu.memory_space<vmem>>, vector<1x64xf32>
    %add3A_54 = vector.broadcast %get3A_53 : vector<1x64xf32> to vector<10000x64xf32>
    %add3A_55 = arith.addf %mul3A_50, %add3A_54 : vector<10000x64xf32>
    %get3A_56 = arith.constant 0 : index
    %get3A_57 = arith.constant 0 : index
    %get3A_58 = vector.load %arg11[%get3A_56, %get3A_57] : memref<64x64xf32, #tpu.memory_space<vmem>>, vector<64x64xf32>
    %dot_general3A_59 = arith.constant dense<0.000000e+00> : vector<10000x64xf32>
    %dot_general3A_60 = tpu.matmul %add3A_55, %get3A_58, %dot_general3A_59 {dimension_numbers = #tpu.dot_dimension_numbers<[1], [0], [0], [1], [0, 0, 1, 1], [], []>, transpose_lhs_hint = false} : vector<10000x64xf32>, vector<64x64xf32>, vector<10000x64xf32> -> vector<10000x64xf32>
    %swap3A = arith.constant 0 : index
    %swap3A_61 = arith.constant 0 : index
    %swap3A_62 = vector.load %arg12[%swap3A, %swap3A_61] : memref<10000x64xf32, #tpu.memory_space<vmem>>, vector<10000x64xf32>
    tpu.vector_store %arg12[%swap3A, %swap3A_61], %dot_general3A_60 {strides = array<i32>} : memref<10000x64xf32, #tpu.memory_space<vmem>>, vector<10000x64xf32>,
    return
  }
}

module attributes {stable_mosaic.version = 14 : i64} {
  func.func @_mlp_body(%arg0: memref<10000x64xf32, #tpu.memory_space<vmem>>, %arg1: memref<10000x64xf32, #tpu.memory_space<vmem>>, %arg2: memref<10000x64xf32, #tpu.memory_space<vmem>>, %arg3: memref<1x1xf32, #tpu.memory_space<vmem>>, %arg4: memref<1x64xf32, #tpu.memory_space<vmem>>, %arg5: memref<64x64xf32, #tpu.memory_space<vmem>>, %arg6: memref<1x64xf32, #tpu.memory_space<vmem>>, %arg7: memref<1x64xf32, #tpu.memory_space<vmem>>, %arg8: memref<1x64xf32, #tpu.memory_space<vmem>>, %arg9: memref<1x64xf32, #tpu.memory_space<vmem>>, %arg10: memref<1x64xf32, #tpu.memory_space<vmem>>, %arg11: memref<10000x64xf32, #tpu.memory_space<vmem>>) attributes {dimension_semantics = [], scalar_prefetch = 0 : i64, scratch_operands = 0 : i64, tpu.core_type = #tpu.core_type<tc>} {
    %get3A = arith.constant 0 : index
    %get3A_0 = arith.constant 0 : index
    %get3A_1 = vector.load %arg3[%get3A, %get3A_0] : memref<1x1xf32, #tpu.memory_space<vmem>>, vector<1x1xf32>
    %get3A_2 = vector.extract %get3A_1[0, 0] : f32 from vector<1x1xf32>
    %add3A = arith.constant 1.000000e+00 : f32
    %add3A_3 = arith.addf %add3A, %get3A_2 : f32
    %get3A_4 = arith.constant 0 : index
    %get3A_5 = arith.constant 0 : index
    %get3A_6 = vector.load %arg0[%get3A_4, %get3A_5] : memref<10000x64xf32, #tpu.memory_space<vmem>>, vector<10000x64xf32>
    %mul3A = vector.broadcast %add3A_3 : f32 to vector<10000x64xf32>
    %mul3A_7 = arith.mulf %mul3A, %get3A_6 : vector<10000x64xf32>
    %get3A_8 = arith.constant 0 : index
    %get3A_9 = arith.constant 0 : index
    %get3A_10 = vector.load %arg1[%get3A_8, %get3A_9] : memref<10000x64xf32, #tpu.memory_space<vmem>>, vector<10000x64xf32>
    %add3A_11 = arith.addf %mul3A_7, %get3A_10 : vector<10000x64xf32>
    %get3A_12 = arith.constant 0 : index
    %get3A_13 = arith.constant 0 : index
    %get3A_14 = vector.load %arg2[%get3A_12, %get3A_13] : memref<10000x64xf32, #tpu.memory_space<vmem>>, vector<10000x64xf32>
    %add3A_15 = arith.addf %add3A_11, %get3A_14 : vector<10000x64xf32>
    %get3A_16 = arith.constant 0 : index
    %get3A_17 = arith.constant 0 : index
    %get3A_18 = vector.load %arg4[%get3A_16, %get3A_17] : memref<1x64xf32, #tpu.memory_space<vmem>>, vector<1x64xf32>
    %add3A_19 = vector.broadcast %get3A_18 : vector<1x64xf32> to vector<10000x64xf32>
    %add3A_20 = arith.addf %add3A_15, %add3A_19 : vector<10000x64xf32>
    %max3A = arith.constant 0.000000e+00 : f32
    %max3A_21 = vector.broadcast %max3A : f32 to vector<10000x64xf32>
    %max3A_22 = arith.maximumf %add3A_20, %max3A_21 : vector<10000x64xf32>
    %get3A_23 = arith.constant 0 : index
    %get3A_24 = arith.constant 0 : index
    %get3A_25 = vector.load %arg5[%get3A_23, %get3A_24] : memref<64x64xf32, #tpu.memory_space<vmem>>, vector<64x64xf32>
    %dot_general3A = arith.constant dense<0.000000e+00> : vector<10000x64xf32>
    %dot_general3A_26 = tpu.matmul %max3A_22, %get3A_25, %dot_general3A {dimension_numbers = #tpu.dot_dimension_numbers<[1], [0], [0], [1], [0, 0, 1, 1], [], []>, transpose_lhs_hint = false} : vector<10000x64xf32>, vector<64x64xf32>, vector<10000x64xf32> -> vector<10000x64xf32>
    %get3A_27 = arith.constant 0 : index
    %get3A_28 = arith.constant 0 : index
    %get3A_29 = vector.load %arg6[%get3A_27, %get3A_28] : memref<1x64xf32, #tpu.memory_space<vmem>>, vector<1x64xf32>
    %add3A_30 = vector.broadcast %get3A_29 : vector<1x64xf32> to vector<10000x64xf32>
    %add3A_31 = arith.addf %dot_general3A_26, %add3A_30 : vector<10000x64xf32>
    %max3A_32 = arith.constant 0.000000e+00 : f32
    %max3A_33 = vector.broadcast %max3A_32 : f32 to vector<10000x64xf32>
    %max3A_34 = arith.maximumf %add3A_31, %max3A_33 : vector<10000x64xf32>
    %get3A_35 = arith.constant 0 : index
    %get3A_36 = arith.constant 0 : index
    %get3A_37 = vector.load %arg9[%get3A_35, %get3A_36] : memref<1x64xf32, #tpu.memory_space<vmem>>, vector<1x64xf32>
    %sub3A = vector.broadcast %get3A_37 : vector<1x64xf32> to vector<10000x64xf32>
    %sub3A_38 = arith.subf %max3A_34, %sub3A : vector<10000x64xf32>
    %get3A_39 = arith.constant 0 : index
    %get3A_40 = arith.constant 0 : index
    %get3A_41 = vector.load %arg10[%get3A_39, %get3A_40] : memref<1x64xf32, #tpu.memory_space<vmem>>, vector<1x64xf32>
    %add3A_42 = arith.constant 9.99999974E-6 : f32
    %add3A_43 = vector.broadcast %add3A_42 : f32 to vector<1x64xf32>
    %add3A_44 = arith.addf %get3A_41, %add3A_43 : vector<1x64xf32>
    %sqrt3A = math.sqrt %add3A_44 : vector<1x64xf32>
    %div3A = vector.broadcast %sqrt3A : vector<1x64xf32> to vector<10000x64xf32>
    %div3A_45 = arith.divf %sub3A_38, %div3A : vector<10000x64xf32>
    %get3A_46 = arith.constant 0 : index
    %get3A_47 = arith.constant 0 : index
    %get3A_48 = vector.load %arg7[%get3A_46, %get3A_47] : memref<1x64xf32, #tpu.memory_space<vmem>>, vector<1x64xf32>
    %mul3A_49 = vector.broadcast %get3A_48 : vector<1x64xf32> to vector<10000x64xf32>
    %mul3A_50 = arith.mulf %div3A_45, %mul3A_49 : vector<10000x64xf32>
    %get3A_51 = arith.constant 0 : index
    %get3A_52 = arith.constant 0 : index
    %get3A_53 = vector.load %arg8[%get3A_51, %get3A_52] : memref<1x64xf32, #tpu.memory_space<vmem>>, vector<1x64xf32>
    %add3A_54 = vector.broadcast %get3A_53 : vector<1x64xf32> to vector<10000x64xf32>
    %add3A_55 = arith.addf %mul3A_50, %add3A_54 : vector<10000x64xf32>
    %swap3A = arith.constant 0 : index
    %swap3A_56 = arith.constant 0 : index
    %swap3A_57 = vector.load %arg11[%swap3A, %swap3A_56] : memref<10000x64xf32, #tpu.memory_space<vmem>>, vector<10000x64xf32>
    tpu.vector_store %arg11[%swap3A, %swap3A_56], %add3A_55 {strides = array<i32>} : memref<10000x64xf32, #tpu.memory_space<vmem>>, vector<10000x64xf32>,
    return
  }
}

module attributes {stable_mosaic.version = 14 : i64} {
  func.func @_final_body(%arg0: memref<32x256x64xf32, #tpu.memory_space<vmem>>, %arg1: memref<32x256x64xf32, #tpu.memory_space<vmem>>, %arg2: memref<32x256x64xf32, #tpu.memory_space<vmem>>, %arg3: memref<128x6xf32, #tpu.memory_space<vmem>>, %arg4: memref<1x6xf32, #tpu.memory_space<vmem>>, %arg5: memref<200x6xf32, #tpu.memory_space<vmem>>) attributes {dimension_semantics = [], scalar_prefetch = 0 : i64, scratch_operands = 0 : i64, tpu.core_type = #tpu.core_type<tc>} {
    %get3A = arith.constant 0 : index
    %get3A_0 = arith.constant 0 : index
    %get3A_1 = arith.constant 0 : index
    %get3A_2 = vector.load %arg0[%get3A, %get3A_0, %get3A_1] : memref<32x256x64xf32, #tpu.memory_space<vmem>>, vector<1x256x64xf32>
    %get3A_3 = vector.shape_cast %get3A_2 : vector<1x256x64xf32> to vector<256x64xf32>
    %get3A_4 = arith.constant 0 : index
    %get3A_5 = arith.constant 0 : index
    %get3A_6 = arith.constant 0 : index
    %get3A_7 = vector.load %arg1[%get3A_4, %get3A_5, %get3A_6] : memref<32x256x64xf32, #tpu.memory_space<vmem>>, vector<1x256x64xf32>
    %get3A_8 = vector.shape_cast %get3A_7 : vector<1x256x64xf32> to vector<256x64xf32>
    %get3A_9 = arith.constant 0 : index
    %get3A_10 = arith.constant 0 : index
    %get3A_11 = arith.constant 0 : index
    %get3A_12 = vector.load %arg2[%get3A_9, %get3A_10, %get3A_11] : memref<32x256x64xf32, #tpu.memory_space<vmem>>, vector<1x256x64xf32>
    %get3A_13 = vector.shape_cast %get3A_12 : vector<1x256x64xf32> to vector<256x64xf32>
    %get3A_14 = arith.constant 1 : index
    %get3A_15 = arith.constant 0 : index
    %get3A_16 = arith.constant 0 : index
    %get3A_17 = vector.load %arg0[%get3A_14, %get3A_15, %get3A_16] : memref<32x256x64xf32, #tpu.memory_space<vmem>>, vector<1x256x64xf32>
    %get3A_18 = vector.shape_cast %get3A_17 : vector<1x256x64xf32> to vector<256x64xf32>
    %add3A = arith.addf %get3A_3, %get3A_18 : vector<256x64xf32>
    %get3A_19 = arith.constant 1 : index
    %get3A_20 = arith.constant 0 : index
    %get3A_21 = arith.constant 0 : index
    %get3A_22 = vector.load %arg1[%get3A_19, %get3A_20, %get3A_21] : memref<32x256x64xf32, #tpu.memory_space<vmem>>, vector<1x256x64xf32>
    %get3A_23 = vector.shape_cast %get3A_22 : vector<1x256x64xf32> to vector<256x64xf32>
    %max3A = arith.maximumf %get3A_8, %get3A_23 : vector<256x64xf32>
    %get3A_24 = arith.constant 1 : index
    %get3A_25 = arith.constant 0 : index
    %get3A_26 = arith.constant 0 : index
    %get3A_27 = vector.load %arg2[%get3A_24, %get3A_25, %get3A_26] : memref<32x256x64xf32, #tpu.memory_space<vmem>>, vector<1x256x64xf32>
    %get3A_28 = vector.shape_cast %get3A_27 : vector<1x256x64xf32> to vector<256x64xf32>
    %add3A_29 = arith.addf %get3A_13, %get3A_28 : vector<256x64xf32>
    %get3A_30 = arith.constant 2 : index
    %get3A_31 = arith.constant 0 : index
    %get3A_32 = arith.constant 0 : index
    %get3A_33 = vector.load %arg0[%get3A_30, %get3A_31, %get3A_32] : memref<32x256x64xf32, #tpu.memory_space<vmem>>, vector<1x256x64xf32>
    %get3A_34 = vector.shape_cast %get3A_33 : vector<1x256x64xf32> to vector<256x64xf32>
    %add3A_35 = arith.addf %add3A, %get3A_34 : vector<256x64xf32>
    %get3A_36 = arith.constant 2 : index
    %get3A_37 = arith.constant 0 : index
    %get3A_38 = arith.constant 0 : index
    %get3A_39 = vector.load %arg1[%get3A_36, %get3A_37, %get3A_38] : memref<32x256x64xf32, #tpu.memory_space<vmem>>, vector<1x256x64xf32>
    %get3A_40 = vector.shape_cast %get3A_39 : vector<1x256x64xf32> to vector<256x64xf32>
    %max3A_41 = arith.maximumf %max3A, %get3A_40 : vector<256x64xf32>
    %get3A_42 = arith.constant 2 : index
    %get3A_43 = arith.constant 0 : index
    %get3A_44 = arith.constant 0 : index
    %get3A_45 = vector.load %arg2[%get3A_42, %get3A_43, %get3A_44] : memref<32x256x64xf32, #tpu.memory_space<vmem>>, vector<1x256x64xf32>
    %get3A_46 = vector.shape_cast %get3A_45 : vector<1x256x64xf32> to vector<256x64xf32>
    %add3A_47 = arith.addf %add3A_29, %get3A_46 : vector<256x64xf32>
    %get3A_48 = arith.constant 3 : index
    %get3A_49 = arith.constant 0 : index
    %get3A_50 = arith.constant 0 : index
    %get3A_51 = vector.load %arg0[%get3A_48, %get3A_49, %get3A_50] : memref<32x256x64xf32, #tpu.memory_space<vmem>>, vector<1x256x64xf32>
    %get3A_52 = vector.shape_cast %get3A_51 : vector<1x256x64xf32> to vector<256x64xf32>
    %add3A_53 = arith.addf %add3A_35, %get3A_52 : vector<256x64xf32>
    %get3A_54 = arith.constant 3 : index
    %get3A_55 = arith.constant 0 : index
    %get3A_56 = arith.constant 0 : index
    %get3A_57 = vector.load %arg1[%get3A_54, %get3A_55, %get3A_56] : memref<32x256x64xf32, #tpu.memory_space<vmem>>, vector<1x256x64xf32>
    %get3A_58 = vector.shape_cast %get3A_57 : vector<1x256x64xf32> to vector<256x64xf32>
    %max3A_59 = arith.maximumf %max3A_41, %get3A_58 : vector<256x64xf32>
    %get3A_60 = arith.constant 3 : index
    %get3A_61 = arith.constant 0 : index
    %get3A_62 = arith.constant 0 : index
    %get3A_63 = vector.load %arg2[%get3A_60, %get3A_61, %get3A_62] : memref<32x256x64xf32, #tpu.memory_space<vmem>>, vector<1x256x64xf32>
    %get3A_64 = vector.shape_cast %get3A_63 : vector<1x256x64xf32> to vector<256x64xf32>
    %add3A_65 = arith.addf %add3A_47, %get3A_64 : vector<256x64xf32>
    %get3A_66 = arith.constant 4 : index
    %get3A_67 = arith.constant 0 : index
    %get3A_68 = arith.constant 0 : index
    %get3A_69 = vector.load %arg0[%get3A_66, %get3A_67, %get3A_68] : memref<32x256x64xf32, #tpu.memory_space<vmem>>, vector<1x256x64xf32>
    %get3A_70 = vector.shape_cast %get3A_69 : vector<1x256x64xf32> to vector<256x64xf32>
    %add3A_71 = arith.addf %add3A_53, %get3A_70 : vector<256x64xf32>
    %get3A_72 = arith.constant 4 : index
    %get3A_73 = arith.constant 0 : index
    %get3A_74 = arith.constant 0 : index
    %get3A_75 = vector.load %arg1[%get3A_72, %get3A_73, %get3A_74] : memref<32x256x64xf32, #tpu.memory_space<vmem>>, vector<1x256x64xf32>
    %get3A_76 = vector.shape_cast %get3A_75 : vector<1x256x64xf32> to vector<256x64xf32>
    %max3A_77 = arith.maximumf %max3A_59, %get3A_76 : vector<256x64xf32>
    %get3A_78 = arith.constant 4 : index
    %get3A_79 = arith.constant 0 : index
    %get3A_80 = arith.constant 0 : index
    %get3A_81 = vector.load %arg2[%get3A_78, %get3A_79, %get3A_80] : memref<32x256x64xf32, #tpu.memory_space<vmem>>, vector<1x256x64xf32>
    %get3A_82 = vector.shape_cast %get3A_81 : vector<1x256x64xf32> to vector<256x64xf32>
    %add3A_83 = arith.addf %add3A_65, %get3A_82 : vector<256x64xf32>
    %get3A_84 = arith.constant 5 : index
    %get3A_85 = arith.constant 0 : index
    %get3A_86 = arith.constant 0 : index
    %get3A_87 = vector.load %arg0[%get3A_84, %get3A_85, %get3A_86] : memref<32x256x64xf32, #tpu.memory_space<vmem>>, vector<1x256x64xf32>
    %get3A_88 = vector.shape_cast %get3A_87 : vector<1x256x64xf32> to vector<256x64xf32>
    %add3A_89 = arith.addf %add3A_71, %get3A_88 : vector<256x64xf32>
    %get3A_90 = arith.constant 5 : index
    %get3A_91 = arith.constant 0 : index
    %get3A_92 = arith.constant 0 : index
    %get3A_93 = vector.load %arg1[%get3A_90, %get3A_91, %get3A_92] : memref<32x256x64xf32, #tpu.memory_space<vmem>>, vector<1x256x64xf32>
    %get3A_94 = vector.shape_cast %get3A_93 : vector<1x256x64xf32> to vector<256x64xf32>
    %max3A_95 = arith.maximumf %max3A_77, %get3A_94 : vector<256x64xf32>
    %get3A_96 = arith.constant 5 : index
    %get3A_97 = arith.constant 0 : index
    %get3A_98 = arith.constant 0 : index
    %get3A_99 = vector.load %arg2[%get3A_96, %get3A_97, %get3A_98] : memref<32x256x64xf32, #tpu.memory_space<vmem>>, vector<1x256x64xf32>
    %get3A_100 = vector.shape_cast %get3A_99 : vector<1x256x64xf32> to vector<256x64xf32>
    %add3A_101 = arith.addf %add3A_83, %get3A_100 : vector<256x64xf32>
    %get3A_102 = arith.constant 6 : index
    %get3A_103 = arith.constant 0 : index
    %get3A_104 = arith.constant 0 : index
    %get3A_105 = vector.load %arg0[%get3A_102, %get3A_103, %get3A_104] : memref<32x256x64xf32, #tpu.memory_space<vmem>>, vector<1x256x64xf32>
    %get3A_106 = vector.shape_cast %get3A_105 : vector<1x256x64xf32> to vector<256x64xf32>
    %add3A_107 = arith.addf %add3A_89, %get3A_106 : vector<256x64xf32>
    %get3A_108 = arith.constant 6 : index
    %get3A_109 = arith.constant 0 : index
    %get3A_110 = arith.constant 0 : index
    %get3A_111 = vector.load %arg1[%get3A_108, %get3A_109, %get3A_110] : memref<32x256x64xf32, #tpu.memory_space<vmem>>, vector<1x256x64xf32>
    %get3A_112 = vector.shape_cast %get3A_111 : vector<1x256x64xf32> to vector<256x64xf32>
    %max3A_113 = arith.maximumf %max3A_95, %get3A_112 : vector<256x64xf32>
    %get3A_114 = arith.constant 6 : index
    %get3A_115 = arith.constant 0 : index
    %get3A_116 = arith.constant 0 : index
    %get3A_117 = vector.load %arg2[%get3A_114, %get3A_115, %get3A_116] : memref<32x256x64xf32, #tpu.memory_space<vmem>>, vector<1x256x64xf32>
    %get3A_118 = vector.shape_cast %get3A_117 : vector<1x256x64xf32> to vector<256x64xf32>
    %add3A_119 = arith.addf %add3A_101, %get3A_118 : vector<256x64xf32>
    %get3A_120 = arith.constant 7 : index
    %get3A_121 = arith.constant 0 : index
    %get3A_122 = arith.constant 0 : index
    %get3A_123 = vector.load %arg0[%get3A_120, %get3A_121, %get3A_122] : memref<32x256x64xf32, #tpu.memory_space<vmem>>, vector<1x256x64xf32>
    %get3A_124 = vector.shape_cast %get3A_123 : vector<1x256x64xf32> to vector<256x64xf32>
    %add3A_125 = arith.addf %add3A_107, %get3A_124 : vector<256x64xf32>
    %get3A_126 = arith.constant 7 : index
    %get3A_127 = arith.constant 0 : index
    %get3A_128 = arith.constant 0 : index
    %get3A_129 = vector.load %arg1[%get3A_126, %get3A_127, %get3A_128] : memref<32x256x64xf32, #tpu.memory_space<vmem>>, vector<1x256x64xf32>
    %get3A_130 = vector.shape_cast %get3A_129 : vector<1x256x64xf32> to vector<256x64xf32>
    %max3A_131 = arith.maximumf %max3A_113, %get3A_130 : vector<256x64xf32>
    %get3A_132 = arith.constant 7 : index
    %get3A_133 = arith.constant 0 : index
    %get3A_134 = arith.constant 0 : index
    %get3A_135 = vector.load %arg2[%get3A_132, %get3A_133, %get3A_134] : memref<32x256x64xf32, #tpu.memory_space<vmem>>, vector<1x256x64xf32>
    %get3A_136 = vector.shape_cast %get3A_135 : vector<1x256x64xf32> to vector<256x64xf32>
    %add3A_137 = arith.addf %add3A_119, %get3A_136 : vector<256x64xf32>
    %get3A_138 = arith.constant 8 : index
    %get3A_139 = arith.constant 0 : index
    %get3A_140 = arith.constant 0 : index
    %get3A_141 = vector.load %arg0[%get3A_138, %get3A_139, %get3A_140] : memref<32x256x64xf32, #tpu.memory_space<vmem>>, vector<1x256x64xf32>
    %get3A_142 = vector.shape_cast %get3A_141 : vector<1x256x64xf32> to vector<256x64xf32>
    %add3A_143 = arith.addf %add3A_125, %get3A_142 : vector<256x64xf32>
    %get3A_144 = arith.constant 8 : index
    %get3A_145 = arith.constant 0 : index
    %get3A_146 = arith.constant 0 : index
    %get3A_147 = vector.load %arg1[%get3A_144, %get3A_145, %get3A_146] : memref<32x256x64xf32, #tpu.memory_space<vmem>>, vector<1x256x64xf32>
    %get3A_148 = vector.shape_cast %get3A_147 : vector<1x256x64xf32> to vector<256x64xf32>
    %max3A_149 = arith.maximumf %max3A_131, %get3A_148 : vector<256x64xf32>
    %get3A_150 = arith.constant 8 : index
    %get3A_151 = arith.constant 0 : index
    %get3A_152 = arith.constant 0 : index
    %get3A_153 = vector.load %arg2[%get3A_150, %get3A_151, %get3A_152] : memref<32x256x64xf32, #tpu.memory_space<vmem>>, vector<1x256x64xf32>
    %get3A_154 = vector.shape_cast %get3A_153 : vector<1x256x64xf32> to vector<256x64xf32>
    %add3A_155 = arith.addf %add3A_137, %get3A_154 : vector<256x64xf32>
    %get3A_156 = arith.constant 9 : index
    %get3A_157 = arith.constant 0 : index
    %get3A_158 = arith.constant 0 : index
    %get3A_159 = vector.load %arg0[%get3A_156, %get3A_157, %get3A_158] : memref<32x256x64xf32, #tpu.memory_space<vmem>>, vector<1x256x64xf32>
    %get3A_160 = vector.shape_cast %get3A_159 : vector<1x256x64xf32> to vector<256x64xf32>
    %add3A_161 = arith.addf %add3A_143, %get3A_160 : vector<256x64xf32>
    %get3A_162 = arith.constant 9 : index
    %get3A_163 = arith.constant 0 : index
    %get3A_164 = arith.constant 0 : index
    %get3A_165 = vector.load %arg1[%get3A_162, %get3A_163, %get3A_164] : memref<32x256x64xf32, #tpu.memory_space<vmem>>, vector<1x256x64xf32>
    %get3A_166 = vector.shape_cast %get3A_165 : vector<1x256x64xf32> to vector<256x64xf32>
    %max3A_167 = arith.maximumf %max3A_149, %get3A_166 : vector<256x64xf32>
    %get3A_168 = arith.constant 9 : index
    %get3A_169 = arith.constant 0 : index
    %get3A_170 = arith.constant 0 : index
    %get3A_171 = vector.load %arg2[%get3A_168, %get3A_169, %get3A_170] : memref<32x256x64xf32, #tpu.memory_space<vmem>>, vector<1x256x64xf32>
    %get3A_172 = vector.shape_cast %get3A_171 : vector<1x256x64xf32> to vector<256x64xf32>
    %add3A_173 = arith.addf %add3A_155, %get3A_172 : vector<256x64xf32>
    %get3A_174 = arith.constant 10 : index
    %get3A_175 = arith.constant 0 : index
    %get3A_176 = arith.constant 0 : index
    %get3A_177 = vector.load %arg0[%get3A_174, %get3A_175, %get3A_176] : memref<32x256x64xf32, #tpu.memory_space<vmem>>, vector<1x256x64xf32>
    %get3A_178 = vector.shape_cast %get3A_177 : vector<1x256x64xf32> to vector<256x64xf32>
    %add3A_179 = arith.addf %add3A_161, %get3A_178 : vector<256x64xf32>
    %get3A_180 = arith.constant 10 : index
    %get3A_181 = arith.constant 0 : index
    %get3A_182 = arith.constant 0 : index
    %get3A_183 = vector.load %arg1[%get3A_180, %get3A_181, %get3A_182] : memref<32x256x64xf32, #tpu.memory_space<vmem>>, vector<1x256x64xf32>
    %get3A_184 = vector.shape_cast %get3A_183 : vector<1x256x64xf32> to vector<256x64xf32>
    %max3A_185 = arith.maximumf %max3A_167, %get3A_184 : vector<256x64xf32>
    %get3A_186 = arith.constant 10 : index
    %get3A_187 = arith.constant 0 : index
    %get3A_188 = arith.constant 0 : index
    %get3A_189 = vector.load %arg2[%get3A_186, %get3A_187, %get3A_188] : memref<32x256x64xf32, #tpu.memory_space<vmem>>, vector<1x256x64xf32>
    %get3A_190 = vector.shape_cast %get3A_189 : vector<1x256x64xf32> to vector<256x64xf32>
    %add3A_191 = arith.addf %add3A_173, %get3A_190 : vector<256x64xf32>
    %get3A_192 = arith.constant 11 : index
    %get3A_193 = arith.constant 0 : index
    %get3A_194 = arith.constant 0 : index
    %get3A_195 = vector.load %arg0[%get3A_192, %get3A_193, %get3A_194] : memref<32x256x64xf32, #tpu.memory_space<vmem>>, vector<1x256x64xf32>
    %get3A_196 = vector.shape_cast %get3A_195 : vector<1x256x64xf32> to vector<256x64xf32>
    %add3A_197 = arith.addf %add3A_179, %get3A_196 : vector<256x64xf32>
    %get3A_198 = arith.constant 11 : index
    %get3A_199 = arith.constant 0 : index
    %get3A_200 = arith.constant 0 : index
    %get3A_201 = vector.load %arg1[%get3A_198, %get3A_199, %get3A_200] : memref<32x256x64xf32, #tpu.memory_space<vmem>>, vector<1x256x64xf32>
    %get3A_202 = vector.shape_cast %get3A_201 : vector<1x256x64xf32> to vector<256x64xf32>
    %max3A_203 = arith.maximumf %max3A_185, %get3A_202 : vector<256x64xf32>
    %get3A_204 = arith.constant 11 : index
    %get3A_205 = arith.constant 0 : index
    %get3A_206 = arith.constant 0 : index
    %get3A_207 = vector.load %arg2[%get3A_204, %get3A_205, %get3A_206] : memref<32x256x64xf32, #tpu.memory_space<vmem>>, vector<1x256x64xf32>
    %get3A_208 = vector.shape_cast %get3A_207 : vector<1x256x64xf32> to vector<256x64xf32>
    %add3A_209 = arith.addf %add3A_191, %get3A_208 : vector<256x64xf32>
    %get3A_210 = arith.constant 12 : index
    %get3A_211 = arith.constant 0 : index
    %get3A_212 = arith.constant 0 : index
    %get3A_213 = vector.load %arg0[%get3A_210, %get3A_211, %get3A_212] : memref<32x256x64xf32, #tpu.memory_space<vmem>>, vector<1x256x64xf32>
    %get3A_214 = vector.shape_cast %get3A_213 : vector<1x256x64xf32> to vector<256x64xf32>
    %add3A_215 = arith.addf %add3A_197, %get3A_214 : vector<256x64xf32>
    %get3A_216 = arith.constant 12 : index
    %get3A_217 = arith.constant 0 : index
    %get3A_218 = arith.constant 0 : index
    %get3A_219 = vector.load %arg1[%get3A_216, %get3A_217, %get3A_218] : memref<32x256x64xf32, #tpu.memory_space<vmem>>, vector<1x256x64xf32>
    %get3A_220 = vector.shape_cast %get3A_219 : vector<1x256x64xf32> to vector<256x64xf32>
    %max3A_221 = arith.maximumf %max3A_203, %get3A_220 : vector<256x64xf32>
    %get3A_222 = arith.constant 12 : index
    %get3A_223 = arith.constant 0 : index
    %get3A_224 = arith.constant 0 : index
    %get3A_225 = vector.load %arg2[%get3A_222, %get3A_223, %get3A_224] : memref<32x256x64xf32, #tpu.memory_space<vmem>>, vector<1x256x64xf32>
    %get3A_226 = vector.shape_cast %get3A_225 : vector<1x256x64xf32> to vector<256x64xf32>
    %add3A_227 = arith.addf %add3A_209, %get3A_226 : vector<256x64xf32>
    %get3A_228 = arith.constant 13 : index
    %get3A_229 = arith.constant 0 : index
    %get3A_230 = arith.constant 0 : index
    %get3A_231 = vector.load %arg0[%get3A_228, %get3A_229, %get3A_230] : memref<32x256x64xf32, #tpu.memory_space<vmem>>, vector<1x256x64xf32>
    %get3A_232 = vector.shape_cast %get3A_231 : vector<1x256x64xf32> to vector<256x64xf32>
    %add3A_233 = arith.addf %add3A_215, %get3A_232 : vector<256x64xf32>
    %get3A_234 = arith.constant 13 : index
    %get3A_235 = arith.constant 0 : index
    %get3A_236 = arith.constant 0 : index
    %get3A_237 = vector.load %arg1[%get3A_234, %get3A_235, %get3A_236] : memref<32x256x64xf32, #tpu.memory_space<vmem>>, vector<1x256x64xf32>
    %get3A_238 = vector.shape_cast %get3A_237 : vector<1x256x64xf32> to vector<256x64xf32>
    %max3A_239 = arith.maximumf %max3A_221, %get3A_238 : vector<256x64xf32>
    %get3A_240 = arith.constant 13 : index
    %get3A_241 = arith.constant 0 : index
    %get3A_242 = arith.constant 0 : index
    %get3A_243 = vector.load %arg2[%get3A_240, %get3A_241, %get3A_242] : memref<32x256x64xf32, #tpu.memory_space<vmem>>, vector<1x256x64xf32>
    %get3A_244 = vector.shape_cast %get3A_243 : vector<1x256x64xf32> to vector<256x64xf32>
    %add3A_245 = arith.addf %add3A_227, %get3A_244 : vector<256x64xf32>
    %get3A_246 = arith.constant 14 : index
    %get3A_247 = arith.constant 0 : index
    %get3A_248 = arith.constant 0 : index
    %get3A_249 = vector.load %arg0[%get3A_246, %get3A_247, %get3A_248] : memref<32x256x64xf32, #tpu.memory_space<vmem>>, vector<1x256x64xf32>
    %get3A_250 = vector.shape_cast %get3A_249 : vector<1x256x64xf32> to vector<256x64xf32>
    %add3A_251 = arith.addf %add3A_233, %get3A_250 : vector<256x64xf32>
    %get3A_252 = arith.constant 14 : index
    %get3A_253 = arith.constant 0 : index
    %get3A_254 = arith.constant 0 : index
    %get3A_255 = vector.load %arg1[%get3A_252, %get3A_253, %get3A_254] : memref<32x256x64xf32, #tpu.memory_space<vmem>>, vector<1x256x64xf32>
    %get3A_256 = vector.shape_cast %get3A_255 : vector<1x256x64xf32> to vector<256x64xf32>
    %max3A_257 = arith.maximumf %max3A_239, %get3A_256 : vector<256x64xf32>
    %get3A_258 = arith.constant 14 : index
    %get3A_259 = arith.constant 0 : index
    %get3A_260 = arith.constant 0 : index
    %get3A_261 = vector.load %arg2[%get3A_258, %get3A_259, %get3A_260] : memref<32x256x64xf32, #tpu.memory_space<vmem>>, vector<1x256x64xf32>
    %get3A_262 = vector.shape_cast %get3A_261 : vector<1x256x64xf32> to vector<256x64xf32>
    %add3A_263 = arith.addf %add3A_245, %get3A_262 : vector<256x64xf32>
    %get3A_264 = arith.constant 15 : index
    %get3A_265 = arith.constant 0 : index
    %get3A_266 = arith.constant 0 : index
    %get3A_267 = vector.load %arg0[%get3A_264, %get3A_265, %get3A_266] : memref<32x256x64xf32, #tpu.memory_space<vmem>>, vector<1x256x64xf32>
    %get3A_268 = vector.shape_cast %get3A_267 : vector<1x256x64xf32> to vector<256x64xf32>
    %add3A_269 = arith.addf %add3A_251, %get3A_268 : vector<256x64xf32>
    %get3A_270 = arith.constant 15 : index
    %get3A_271 = arith.constant 0 : index
    %get3A_272 = arith.constant 0 : index
    %get3A_273 = vector.load %arg1[%get3A_270, %get3A_271, %get3A_272] : memref<32x256x64xf32, #tpu.memory_space<vmem>>, vector<1x256x64xf32>
    %get3A_274 = vector.shape_cast %get3A_273 : vector<1x256x64xf32> to vector<256x64xf32>
    %max3A_275 = arith.maximumf %max3A_257, %get3A_274 : vector<256x64xf32>
    %get3A_276 = arith.constant 15 : index
    %get3A_277 = arith.constant 0 : index
    %get3A_278 = arith.constant 0 : index
    %get3A_279 = vector.load %arg2[%get3A_276, %get3A_277, %get3A_278] : memref<32x256x64xf32, #tpu.memory_space<vmem>>, vector<1x256x64xf32>
    %get3A_280 = vector.shape_cast %get3A_279 : vector<1x256x64xf32> to vector<256x64xf32>
    %add3A_281 = arith.addf %add3A_263, %get3A_280 : vector<256x64xf32>
    %get3A_282 = arith.constant 16 : index
    %get3A_283 = arith.constant 0 : index
    %get3A_284 = arith.constant 0 : index
    %get3A_285 = vector.load %arg0[%get3A_282, %get3A_283, %get3A_284] : memref<32x256x64xf32, #tpu.memory_space<vmem>>, vector<1x256x64xf32>
    %get3A_286 = vector.shape_cast %get3A_285 : vector<1x256x64xf32> to vector<256x64xf32>
    %add3A_287 = arith.addf %add3A_269, %get3A_286 : vector<256x64xf32>
    %get3A_288 = arith.constant 16 : index
    %get3A_289 = arith.constant 0 : index
    %get3A_290 = arith.constant 0 : index
    %get3A_291 = vector.load %arg1[%get3A_288, %get3A_289, %get3A_290] : memref<32x256x64xf32, #tpu.memory_space<vmem>>, vector<1x256x64xf32>
    %get3A_292 = vector.shape_cast %get3A_291 : vector<1x256x64xf32> to vector<256x64xf32>
    %max3A_293 = arith.maximumf %max3A_275, %get3A_292 : vector<256x64xf32>
    %get3A_294 = arith.constant 16 : index
    %get3A_295 = arith.constant 0 : index
    %get3A_296 = arith.constant 0 : index
    %get3A_297 = vector.load %arg2[%get3A_294, %get3A_295, %get3A_296] : memref<32x256x64xf32, #tpu.memory_space<vmem>>, vector<1x256x64xf32>
    %get3A_298 = vector.shape_cast %get3A_297 : vector<1x256x64xf32> to vector<256x64xf32>
    %add3A_299 = arith.addf %add3A_281, %get3A_298 : vector<256x64xf32>
    %get3A_300 = arith.constant 17 : index
    %get3A_301 = arith.constant 0 : index
    %get3A_302 = arith.constant 0 : index
    %get3A_303 = vector.load %arg0[%get3A_300, %get3A_301, %get3A_302] : memref<32x256x64xf32, #tpu.memory_space<vmem>>, vector<1x256x64xf32>
    %get3A_304 = vector.shape_cast %get3A_303 : vector<1x256x64xf32> to vector<256x64xf32>
    %add3A_305 = arith.addf %add3A_287, %get3A_304 : vector<256x64xf32>
    %get3A_306 = arith.constant 17 : index
    %get3A_307 = arith.constant 0 : index
    %get3A_308 = arith.constant 0 : index
    %get3A_309 = vector.load %arg1[%get3A_306, %get3A_307, %get3A_308] : memref<32x256x64xf32, #tpu.memory_space<vmem>>, vector<1x256x64xf32>
    %get3A_310 = vector.shape_cast %get3A_309 : vector<1x256x64xf32> to vector<256x64xf32>
    %max3A_311 = arith.maximumf %max3A_293, %get3A_310 : vector<256x64xf32>
    %get3A_312 = arith.constant 17 : index
    %get3A_313 = arith.constant 0 : index
    %get3A_314 = arith.constant 0 : index
    %get3A_315 = vector.load %arg2[%get3A_312, %get3A_313, %get3A_314] : memref<32x256x64xf32, #tpu.memory_space<vmem>>, vector<1x256x64xf32>
    %get3A_316 = vector.shape_cast %get3A_315 : vector<1x256x64xf32> to vector<256x64xf32>
    %add3A_317 = arith.addf %add3A_299, %get3A_316 : vector<256x64xf32>
    %get3A_318 = arith.constant 18 : index
    %get3A_319 = arith.constant 0 : index
    %get3A_320 = arith.constant 0 : index
    %get3A_321 = vector.load %arg0[%get3A_318, %get3A_319, %get3A_320] : memref<32x256x64xf32, #tpu.memory_space<vmem>>, vector<1x256x64xf32>
    %get3A_322 = vector.shape_cast %get3A_321 : vector<1x256x64xf32> to vector<256x64xf32>
    %add3A_323 = arith.addf %add3A_305, %get3A_322 : vector<256x64xf32>
    %get3A_324 = arith.constant 18 : index
    %get3A_325 = arith.constant 0 : index
    %get3A_326 = arith.constant 0 : index
    %get3A_327 = vector.load %arg1[%get3A_324, %get3A_325, %get3A_326] : memref<32x256x64xf32, #tpu.memory_space<vmem>>, vector<1x256x64xf32>
    %get3A_328 = vector.shape_cast %get3A_327 : vector<1x256x64xf32> to vector<256x64xf32>
    %max3A_329 = arith.maximumf %max3A_311, %get3A_328 : vector<256x64xf32>
    %get3A_330 = arith.constant 18 : index
    %get3A_331 = arith.constant 0 : index
    %get3A_332 = arith.constant 0 : index
    %get3A_333 = vector.load %arg2[%get3A_330, %get3A_331, %get3A_332] : memref<32x256x64xf32, #tpu.memory_space<vmem>>, vector<1x256x64xf32>
    %get3A_334 = vector.shape_cast %get3A_333 : vector<1x256x64xf32> to vector<256x64xf32>
    %add3A_335 = arith.addf %add3A_317, %get3A_334 : vector<256x64xf32>
    %get3A_336 = arith.constant 19 : index
    %get3A_337 = arith.constant 0 : index
    %get3A_338 = arith.constant 0 : index
    %get3A_339 = vector.load %arg0[%get3A_336, %get3A_337, %get3A_338] : memref<32x256x64xf32, #tpu.memory_space<vmem>>, vector<1x256x64xf32>
    %get3A_340 = vector.shape_cast %get3A_339 : vector<1x256x64xf32> to vector<256x64xf32>
    %add3A_341 = arith.addf %add3A_323, %get3A_340 : vector<256x64xf32>
    %get3A_342 = arith.constant 19 : index
    %get3A_343 = arith.constant 0 : index
    %get3A_344 = arith.constant 0 : index
    %get3A_345 = vector.load %arg1[%get3A_342, %get3A_343, %get3A_344] : memref<32x256x64xf32, #tpu.memory_space<vmem>>, vector<1x256x64xf32>
    %get3A_346 = vector.shape_cast %get3A_345 : vector<1x256x64xf32> to vector<256x64xf32>
    %max3A_347 = arith.maximumf %max3A_329, %get3A_346 : vector<256x64xf32>
    %get3A_348 = arith.constant 19 : index
    %get3A_349 = arith.constant 0 : index
    %get3A_350 = arith.constant 0 : index
    %get3A_351 = vector.load %arg2[%get3A_348, %get3A_349, %get3A_350] : memref<32x256x64xf32, #tpu.memory_space<vmem>>, vector<1x256x64xf32>
    %get3A_352 = vector.shape_cast %get3A_351 : vector<1x256x64xf32> to vector<256x64xf32>
    %add3A_353 = arith.addf %add3A_335, %get3A_352 : vector<256x64xf32>
    %get3A_354 = arith.constant 20 : index
    %get3A_355 = arith.constant 0 : index
    %get3A_356 = arith.constant 0 : index
    %get3A_357 = vector.load %arg0[%get3A_354, %get3A_355, %get3A_356] : memref<32x256x64xf32, #tpu.memory_space<vmem>>, vector<1x256x64xf32>
    %get3A_358 = vector.shape_cast %get3A_357 : vector<1x256x64xf32> to vector<256x64xf32>
    %add3A_359 = arith.addf %add3A_341, %get3A_358 : vector<256x64xf32>
    %get3A_360 = arith.constant 20 : index
    %get3A_361 = arith.constant 0 : index
    %get3A_362 = arith.constant 0 : index
    %get3A_363 = vector.load %arg1[%get3A_360, %get3A_361, %get3A_362] : memref<32x256x64xf32, #tpu.memory_space<vmem>>, vector<1x256x64xf32>
    %get3A_364 = vector.shape_cast %get3A_363 : vector<1x256x64xf32> to vector<256x64xf32>
    %max3A_365 = arith.maximumf %max3A_347, %get3A_364 : vector<256x64xf32>
    %get3A_366 = arith.constant 20 : index
    %get3A_367 = arith.constant 0 : index
    %get3A_368 = arith.constant 0 : index
    %get3A_369 = vector.load %arg2[%get3A_366, %get3A_367, %get3A_368] : memref<32x256x64xf32, #tpu.memory_space<vmem>>, vector<1x256x64xf32>
    %get3A_370 = vector.shape_cast %get3A_369 : vector<1x256x64xf32> to vector<256x64xf32>
    %add3A_371 = arith.addf %add3A_353, %get3A_370 : vector<256x64xf32>
    %get3A_372 = arith.constant 21 : index
    %get3A_373 = arith.constant 0 : index
    %get3A_374 = arith.constant 0 : index
    %get3A_375 = vector.load %arg0[%get3A_372, %get3A_373, %get3A_374] : memref<32x256x64xf32, #tpu.memory_space<vmem>>, vector<1x256x64xf32>
    %get3A_376 = vector.shape_cast %get3A_375 : vector<1x256x64xf32> to vector<256x64xf32>
    %add3A_377 = arith.addf %add3A_359, %get3A_376 : vector<256x64xf32>
    %get3A_378 = arith.constant 21 : index
    %get3A_379 = arith.constant 0 : index
    %get3A_380 = arith.constant 0 : index
    %get3A_381 = vector.load %arg1[%get3A_378, %get3A_379, %get3A_380] : memref<32x256x64xf32, #tpu.memory_space<vmem>>, vector<1x256x64xf32>
    %get3A_382 = vector.shape_cast %get3A_381 : vector<1x256x64xf32> to vector<256x64xf32>
    %max3A_383 = arith.maximumf %max3A_365, %get3A_382 : vector<256x64xf32>
    %get3A_384 = arith.constant 21 : index
    %get3A_385 = arith.constant 0 : index
    %get3A_386 = arith.constant 0 : index
    %get3A_387 = vector.load %arg2[%get3A_384, %get3A_385, %get3A_386] : memref<32x256x64xf32, #tpu.memory_space<vmem>>, vector<1x256x64xf32>
    %get3A_388 = vector.shape_cast %get3A_387 : vector<1x256x64xf32> to vector<256x64xf32>
    %add3A_389 = arith.addf %add3A_371, %get3A_388 : vector<256x64xf32>
    %get3A_390 = arith.constant 22 : index
    %get3A_391 = arith.constant 0 : index
    %get3A_392 = arith.constant 0 : index
    %get3A_393 = vector.load %arg0[%get3A_390, %get3A_391, %get3A_392] : memref<32x256x64xf32, #tpu.memory_space<vmem>>, vector<1x256x64xf32>
    %get3A_394 = vector.shape_cast %get3A_393 : vector<1x256x64xf32> to vector<256x64xf32>
    %add3A_395 = arith.addf %add3A_377, %get3A_394 : vector<256x64xf32>
    %get3A_396 = arith.constant 22 : index
    %get3A_397 = arith.constant 0 : index
    %get3A_398 = arith.constant 0 : index
    %get3A_399 = vector.load %arg1[%get3A_396, %get3A_397, %get3A_398] : memref<32x256x64xf32, #tpu.memory_space<vmem>>, vector<1x256x64xf32>
    %get3A_400 = vector.shape_cast %get3A_399 : vector<1x256x64xf32> to vector<256x64xf32>
    %max3A_401 = arith.maximumf %max3A_383, %get3A_400 : vector<256x64xf32>
    %get3A_402 = arith.constant 22 : index
    %get3A_403 = arith.constant 0 : index
    %get3A_404 = arith.constant 0 : index
    %get3A_405 = vector.load %arg2[%get3A_402, %get3A_403, %get3A_404] : memref<32x256x64xf32, #tpu.memory_space<vmem>>, vector<1x256x64xf32>
    %get3A_406 = vector.shape_cast %get3A_405 : vector<1x256x64xf32> to vector<256x64xf32>
    %add3A_407 = arith.addf %add3A_389, %get3A_406 : vector<256x64xf32>
    %get3A_408 = arith.constant 23 : index
    %get3A_409 = arith.constant 0 : index
    %get3A_410 = arith.constant 0 : index
    %get3A_411 = vector.load %arg0[%get3A_408, %get3A_409, %get3A_410] : memref<32x256x64xf32, #tpu.memory_space<vmem>>, vector<1x256x64xf32>
    %get3A_412 = vector.shape_cast %get3A_411 : vector<1x256x64xf32> to vector<256x64xf32>
    %add3A_413 = arith.addf %add3A_395, %get3A_412 : vector<256x64xf32>
    %get3A_414 = arith.constant 23 : index
    %get3A_415 = arith.constant 0 : index
    %get3A_416 = arith.constant 0 : index
    %get3A_417 = vector.load %arg1[%get3A_414, %get3A_415, %get3A_416] : memref<32x256x64xf32, #tpu.memory_space<vmem>>, vector<1x256x64xf32>
    %get3A_418 = vector.shape_cast %get3A_417 : vector<1x256x64xf32> to vector<256x64xf32>
    %max3A_419 = arith.maximumf %max3A_401, %get3A_418 : vector<256x64xf32>
    %get3A_420 = arith.constant 23 : index
    %get3A_421 = arith.constant 0 : index
    %get3A_422 = arith.constant 0 : index
    %get3A_423 = vector.load %arg2[%get3A_420, %get3A_421, %get3A_422] : memref<32x256x64xf32, #tpu.memory_space<vmem>>, vector<1x256x64xf32>
    %get3A_424 = vector.shape_cast %get3A_423 : vector<1x256x64xf32> to vector<256x64xf32>
    %add3A_425 = arith.addf %add3A_407, %get3A_424 : vector<256x64xf32>
    %get3A_426 = arith.constant 24 : index
    %get3A_427 = arith.constant 0 : index
    %get3A_428 = arith.constant 0 : index
    %get3A_429 = vector.load %arg0[%get3A_426, %get3A_427, %get3A_428] : memref<32x256x64xf32, #tpu.memory_space<vmem>>, vector<1x256x64xf32>
    %get3A_430 = vector.shape_cast %get3A_429 : vector<1x256x64xf32> to vector<256x64xf32>
    %add3A_431 = arith.addf %add3A_413, %get3A_430 : vector<256x64xf32>
    %get3A_432 = arith.constant 24 : index
    %get3A_433 = arith.constant 0 : index
    %get3A_434 = arith.constant 0 : index
    %get3A_435 = vector.load %arg1[%get3A_432, %get3A_433, %get3A_434] : memref<32x256x64xf32, #tpu.memory_space<vmem>>, vector<1x256x64xf32>
    %get3A_436 = vector.shape_cast %get3A_435 : vector<1x256x64xf32> to vector<256x64xf32>
    %max3A_437 = arith.maximumf %max3A_419, %get3A_436 : vector<256x64xf32>
    %get3A_438 = arith.constant 24 : index
    %get3A_439 = arith.constant 0 : index
    %get3A_440 = arith.constant 0 : index
    %get3A_441 = vector.load %arg2[%get3A_438, %get3A_439, %get3A_440] : memref<32x256x64xf32, #tpu.memory_space<vmem>>, vector<1x256x64xf32>
    %get3A_442 = vector.shape_cast %get3A_441 : vector<1x256x64xf32> to vector<256x64xf32>
    %add3A_443 = arith.addf %add3A_425, %get3A_442 : vector<256x64xf32>
    %get3A_444 = arith.constant 25 : index
    %get3A_445 = arith.constant 0 : index
    %get3A_446 = arith.constant 0 : index
    %get3A_447 = vector.load %arg0[%get3A_444, %get3A_445, %get3A_446] : memref<32x256x64xf32, #tpu.memory_space<vmem>>, vector<1x256x64xf32>
    %get3A_448 = vector.shape_cast %get3A_447 : vector<1x256x64xf32> to vector<256x64xf32>
    %add3A_449 = arith.addf %add3A_431, %get3A_448 : vector<256x64xf32>
    %get3A_450 = arith.constant 25 : index
    %get3A_451 = arith.constant 0 : index
    %get3A_452 = arith.constant 0 : index
    %get3A_453 = vector.load %arg1[%get3A_450, %get3A_451, %get3A_452] : memref<32x256x64xf32, #tpu.memory_space<vmem>>, vector<1x256x64xf32>
    %get3A_454 = vector.shape_cast %get3A_453 : vector<1x256x64xf32> to vector<256x64xf32>
    %max3A_455 = arith.maximumf %max3A_437, %get3A_454 : vector<256x64xf32>
    %get3A_456 = arith.constant 25 : index
    %get3A_457 = arith.constant 0 : index
    %get3A_458 = arith.constant 0 : index
    %get3A_459 = vector.load %arg2[%get3A_456, %get3A_457, %get3A_458] : memref<32x256x64xf32, #tpu.memory_space<vmem>>, vector<1x256x64xf32>
    %get3A_460 = vector.shape_cast %get3A_459 : vector<1x256x64xf32> to vector<256x64xf32>
    %add3A_461 = arith.addf %add3A_443, %get3A_460 : vector<256x64xf32>
    %get3A_462 = arith.constant 26 : index
    %get3A_463 = arith.constant 0 : index
    %get3A_464 = arith.constant 0 : index
    %get3A_465 = vector.load %arg0[%get3A_462, %get3A_463, %get3A_464] : memref<32x256x64xf32, #tpu.memory_space<vmem>>, vector<1x256x64xf32>
    %get3A_466 = vector.shape_cast %get3A_465 : vector<1x256x64xf32> to vector<256x64xf32>
    %add3A_467 = arith.addf %add3A_449, %get3A_466 : vector<256x64xf32>
    %get3A_468 = arith.constant 26 : index
    %get3A_469 = arith.constant 0 : index
    %get3A_470 = arith.constant 0 : index
    %get3A_471 = vector.load %arg1[%get3A_468, %get3A_469, %get3A_470] : memref<32x256x64xf32, #tpu.memory_space<vmem>>, vector<1x256x64xf32>
    %get3A_472 = vector.shape_cast %get3A_471 : vector<1x256x64xf32> to vector<256x64xf32>
    %max3A_473 = arith.maximumf %max3A_455, %get3A_472 : vector<256x64xf32>
    %get3A_474 = arith.constant 26 : index
    %get3A_475 = arith.constant 0 : index
    %get3A_476 = arith.constant 0 : index
    %get3A_477 = vector.load %arg2[%get3A_474, %get3A_475, %get3A_476] : memref<32x256x64xf32, #tpu.memory_space<vmem>>, vector<1x256x64xf32>
    %get3A_478 = vector.shape_cast %get3A_477 : vector<1x256x64xf32> to vector<256x64xf32>
    %add3A_479 = arith.addf %add3A_461, %get3A_478 : vector<256x64xf32>
    %get3A_480 = arith.constant 27 : index
    %get3A_481 = arith.constant 0 : index
    %get3A_482 = arith.constant 0 : index
    %get3A_483 = vector.load %arg0[%get3A_480, %get3A_481, %get3A_482] : memref<32x256x64xf32, #tpu.memory_space<vmem>>, vector<1x256x64xf32>
    %get3A_484 = vector.shape_cast %get3A_483 : vector<1x256x64xf32> to vector<256x64xf32>
    %add3A_485 = arith.addf %add3A_467, %get3A_484 : vector<256x64xf32>
    %get3A_486 = arith.constant 27 : index
    %get3A_487 = arith.constant 0 : index
    %get3A_488 = arith.constant 0 : index
    %get3A_489 = vector.load %arg1[%get3A_486, %get3A_487, %get3A_488] : memref<32x256x64xf32, #tpu.memory_space<vmem>>, vector<1x256x64xf32>
    %get3A_490 = vector.shape_cast %get3A_489 : vector<1x256x64xf32> to vector<256x64xf32>
    %max3A_491 = arith.maximumf %max3A_473, %get3A_490 : vector<256x64xf32>
    %get3A_492 = arith.constant 27 : index
    %get3A_493 = arith.constant 0 : index
    %get3A_494 = arith.constant 0 : index
    %get3A_495 = vector.load %arg2[%get3A_492, %get3A_493, %get3A_494] : memref<32x256x64xf32, #tpu.memory_space<vmem>>, vector<1x256x64xf32>
    %get3A_496 = vector.shape_cast %get3A_495 : vector<1x256x64xf32> to vector<256x64xf32>
    %add3A_497 = arith.addf %add3A_479, %get3A_496 : vector<256x64xf32>
    %get3A_498 = arith.constant 28 : index
    %get3A_499 = arith.constant 0 : index
    %get3A_500 = arith.constant 0 : index
    %get3A_501 = vector.load %arg0[%get3A_498, %get3A_499, %get3A_500] : memref<32x256x64xf32, #tpu.memory_space<vmem>>, vector<1x256x64xf32>
    %get3A_502 = vector.shape_cast %get3A_501 : vector<1x256x64xf32> to vector<256x64xf32>
    %add3A_503 = arith.addf %add3A_485, %get3A_502 : vector<256x64xf32>
    %get3A_504 = arith.constant 28 : index
    %get3A_505 = arith.constant 0 : index
    %get3A_506 = arith.constant 0 : index
    %get3A_507 = vector.load %arg1[%get3A_504, %get3A_505, %get3A_506] : memref<32x256x64xf32, #tpu.memory_space<vmem>>, vector<1x256x64xf32>
    %get3A_508 = vector.shape_cast %get3A_507 : vector<1x256x64xf32> to vector<256x64xf32>
    %max3A_509 = arith.maximumf %max3A_491, %get3A_508 : vector<256x64xf32>
    %get3A_510 = arith.constant 28 : index
    %get3A_511 = arith.constant 0 : index
    %get3A_512 = arith.constant 0 : index
    %get3A_513 = vector.load %arg2[%get3A_510, %get3A_511, %get3A_512] : memref<32x256x64xf32, #tpu.memory_space<vmem>>, vector<1x256x64xf32>
    %get3A_514 = vector.shape_cast %get3A_513 : vector<1x256x64xf32> to vector<256x64xf32>
    %add3A_515 = arith.addf %add3A_497, %get3A_514 : vector<256x64xf32>
    %get3A_516 = arith.constant 29 : index
    %get3A_517 = arith.constant 0 : index
    %get3A_518 = arith.constant 0 : index
    %get3A_519 = vector.load %arg0[%get3A_516, %get3A_517, %get3A_518] : memref<32x256x64xf32, #tpu.memory_space<vmem>>, vector<1x256x64xf32>
    %get3A_520 = vector.shape_cast %get3A_519 : vector<1x256x64xf32> to vector<256x64xf32>
    %add3A_521 = arith.addf %add3A_503, %get3A_520 : vector<256x64xf32>
    %get3A_522 = arith.constant 29 : index
    %get3A_523 = arith.constant 0 : index
    %get3A_524 = arith.constant 0 : index
    %get3A_525 = vector.load %arg1[%get3A_522, %get3A_523, %get3A_524] : memref<32x256x64xf32, #tpu.memory_space<vmem>>, vector<1x256x64xf32>
    %get3A_526 = vector.shape_cast %get3A_525 : vector<1x256x64xf32> to vector<256x64xf32>
    %max3A_527 = arith.maximumf %max3A_509, %get3A_526 : vector<256x64xf32>
    %get3A_528 = arith.constant 29 : index
    %get3A_529 = arith.constant 0 : index
    %get3A_530 = arith.constant 0 : index
    %get3A_531 = vector.load %arg2[%get3A_528, %get3A_529, %get3A_530] : memref<32x256x64xf32, #tpu.memory_space<vmem>>, vector<1x256x64xf32>
    %get3A_532 = vector.shape_cast %get3A_531 : vector<1x256x64xf32> to vector<256x64xf32>
    %add3A_533 = arith.addf %add3A_515, %get3A_532 : vector<256x64xf32>
    %get3A_534 = arith.constant 30 : index
    %get3A_535 = arith.constant 0 : index
    %get3A_536 = arith.constant 0 : index
    %get3A_537 = vector.load %arg0[%get3A_534, %get3A_535, %get3A_536] : memref<32x256x64xf32, #tpu.memory_space<vmem>>, vector<1x256x64xf32>
    %get3A_538 = vector.shape_cast %get3A_537 : vector<1x256x64xf32> to vector<256x64xf32>
    %add3A_539 = arith.addf %add3A_521, %get3A_538 : vector<256x64xf32>
    %get3A_540 = arith.constant 30 : index
    %get3A_541 = arith.constant 0 : index
    %get3A_542 = arith.constant 0 : index
    %get3A_543 = vector.load %arg1[%get3A_540, %get3A_541, %get3A_542] : memref<32x256x64xf32, #tpu.memory_space<vmem>>, vector<1x256x64xf32>
    %get3A_544 = vector.shape_cast %get3A_543 : vector<1x256x64xf32> to vector<256x64xf32>
    %max3A_545 = arith.maximumf %max3A_527, %get3A_544 : vector<256x64xf32>
    %get3A_546 = arith.constant 30 : index
    %get3A_547 = arith.constant 0 : index
    %get3A_548 = arith.constant 0 : index
    %get3A_549 = vector.load %arg2[%get3A_546, %get3A_547, %get3A_548] : memref<32x256x64xf32, #tpu.memory_space<vmem>>, vector<1x256x64xf32>
    %get3A_550 = vector.shape_cast %get3A_549 : vector<1x256x64xf32> to vector<256x64xf32>
    %add3A_551 = arith.addf %add3A_533, %get3A_550 : vector<256x64xf32>
    %get3A_552 = arith.constant 31 : index
    %get3A_553 = arith.constant 0 : index
    %get3A_554 = arith.constant 0 : index
    %get3A_555 = vector.load %arg0[%get3A_552, %get3A_553, %get3A_554] : memref<32x256x64xf32, #tpu.memory_space<vmem>>, vector<1x256x64xf32>
    %get3A_556 = vector.shape_cast %get3A_555 : vector<1x256x64xf32> to vector<256x64xf32>
    %add3A_557 = arith.addf %add3A_539, %get3A_556 : vector<256x64xf32>
    %get3A_558 = arith.constant 31 : index
    %get3A_559 = arith.constant 0 : index
    %get3A_560 = arith.constant 0 : index
    %get3A_561 = vector.load %arg1[%get3A_558, %get3A_559, %get3A_560] : memref<32x256x64xf32, #tpu.memory_space<vmem>>, vector<1x256x64xf32>
    %get3A_562 = vector.shape_cast %get3A_561 : vector<1x256x64xf32> to vector<256x64xf32>
    %max3A_563 = arith.maximumf %max3A_545, %get3A_562 : vector<256x64xf32>
    %get3A_564 = arith.constant 31 : index
    %get3A_565 = arith.constant 0 : index
    %get3A_566 = arith.constant 0 : index
    %get3A_567 = vector.load %arg2[%get3A_564, %get3A_565, %get3A_566] : memref<32x256x64xf32, #tpu.memory_space<vmem>>, vector<1x256x64xf32>
    %get3A_568 = vector.shape_cast %get3A_567 : vector<1x256x64xf32> to vector<256x64xf32>
    %add3A_569 = arith.addf %add3A_551, %get3A_568 : vector<256x64xf32>
    %slice3A = vector.extract_strided_slice %add3A_557 {offsets = [0, 0], sizes = [200, 64], strides = [1, 1]} : vector<256x64xf32> to vector<200x64xf32>
    %slice3A_570 = vector.extract_strided_slice %max3A_563 {offsets = [0, 0], sizes = [200, 64], strides = [1, 1]} : vector<256x64xf32> to vector<200x64xf32>
    %slice3A_571 = vector.extract_strided_slice %add3A_569 {offsets = [0, 0], sizes = [200, 64], strides = [1, 1]} : vector<256x64xf32> to vector<200x64xf32>
    %max3A_572 = arith.constant 1.000000e+00 : f32
    %max3A_573 = vector.broadcast %max3A_572 : f32 to vector<200x64xf32>
    %max3A_574 = arith.maximumf %slice3A_571, %max3A_573 : vector<200x64xf32>
    %div3A = arith.divf %slice3A, %max3A_574 : vector<200x64xf32>
    %gt3A = arith.constant 0.000000e+00 : f32
    %gt3A_575 = vector.broadcast %gt3A : f32 to vector<200x64xf32>
    %gt3A_576 = arith.cmpf ogt, %slice3A_571, %gt3A_575 : vector<200x64xf32>
    %jit3A = arith.constant 0.000000e+00 : f32
    %broadcast_in_dim3A = vector.broadcast %jit3A : f32 to vector<200x64xf32>
    %select_n3A = arith.select %gt3A_576, %slice3A_570, %broadcast_in_dim3A : vector<200x64xi1>, vector<200x64xf32>
    %concatenate3A = tpu.concatenate %div3A, %select_n3A in 1 : vector<200x64xf32>, vector<200x64xf32> -> vector<200x128xf32>
    %get3A_577 = arith.constant 0 : index
    %get3A_578 = arith.constant 0 : index
    %get3A_579 = vector.load %arg3[%get3A_577, %get3A_578] : memref<128x6xf32, #tpu.memory_space<vmem>>, vector<128x6xf32>
    %dot_general3A = arith.constant dense<0.000000e+00> : vector<200x6xf32>
    %dot_general3A_580 = tpu.matmul %concatenate3A, %get3A_579, %dot_general3A {dimension_numbers = #tpu.dot_dimension_numbers<[1], [0], [0], [1], [0, 0, 1, 1], [], []>, transpose_lhs_hint = false} : vector<200x128xf32>, vector<128x6xf32>, vector<200x6xf32> -> vector<200x6xf32>
    %get3A_581 = arith.constant 0 : index
    %get3A_582 = arith.constant 0 : index
    %get3A_583 = vector.load %arg4[%get3A_581, %get3A_582] : memref<1x6xf32, #tpu.memory_space<vmem>>, vector<1x6xf32>
    %add3A_584 = vector.broadcast %get3A_583 : vector<1x6xf32> to vector<200x6xf32>
    %add3A_585 = arith.addf %dot_general3A_580, %add3A_584 : vector<200x6xf32>
    %reduce_max3A = arith.constant dense<0xFF800000> : vector<200xf32>
    %reduce_max3A_586 = vector.multi_reduction <maximumf>, %add3A_585, %reduce_max3A [1] : vector<200x6xf32> to vector<200xf32>
    %broadcast_in_dim3A_587 = vector.shape_cast %reduce_max3A_586 : vector<200xf32> to vector<200x1xf32>
    %sub3A = vector.broadcast %broadcast_in_dim3A_587 : vector<200x1xf32> to vector<200x6xf32>
    %sub3A_588 = arith.subf %add3A_585, %sub3A : vector<200x6xf32>
    %exp3A = math.exp %sub3A_588 : vector<200x6xf32>
    %reduce_sum3A = arith.constant dense<0.000000e+00> : vector<200xf32>
    %reduce_sum3A_589 = vector.multi_reduction <add>, %exp3A, %reduce_sum3A [1] : vector<200x6xf32> to vector<200xf32>
    %broadcast_in_dim3A_590 = vector.shape_cast %reduce_sum3A_589 : vector<200xf32> to vector<200x1xf32>
    %log3A = math.log %broadcast_in_dim3A_590 : vector<200x1xf32>
    %sub3A_591 = vector.broadcast %log3A : vector<200x1xf32> to vector<200x6xf32>
    %sub3A_592 = arith.subf %sub3A_588, %sub3A_591 : vector<200x6xf32>
    %swap3A = arith.constant 0 : index
    %swap3A_593 = arith.constant 0 : index
    %swap3A_594 = vector.load %arg5[%swap3A, %swap3A_593] : memref<200x6xf32, #tpu.memory_space<vmem>>, vector<200x6xf32>
    tpu.vector_store %arg5[%swap3A, %swap3A_593], %sub3A_592 {strides = array<i32>} : memref<200x6xf32, #tpu.memory_space<vmem>>, vector<200x6xf32>,
    return
  }
}

</mosaic_0001>

<sc_bundles>
// kernel: kernel.13.cloned.1.call-start
scs
__scs_entry_jumppad:
0x0: {  	(pc) =	sbr.rel $0x88, $3  }
0x1: {  	(tag) =	ssettag $0x0;
	lr =	simm.s32 $0x1  }
0x2: {  	[smem:$0x3F7C] =	sst lr;
	_ =	strace $0xD0000000  }
0x3: {  	_ = 	snop  }
0x4: {  	_ = 	snop  }
0x5: {  	_ = 	snop  }
0x6: {  	_ = 	snop  }
0x7: {  	_ = 	snop  }
__scs_overlays_trampoline_lowered:
0x8: {  	[smem:$0x3F8B] =	sst s0  }
0x9: {  	[smem:$0x3F8C] =	sst s1  }
0xa: {  	[smem:$0x3F8D] =	sst s2  }
0xb: {  	[smem:$0x3F8E] =	sst s3  }
0xc: {  	[smem:$0x3F8F] =	sst s4  }
0xd: {  	[smem:$0x3F90] =	sst s5  }
0xe: {  	[smem:$0x3F91] =	sst s6  }
0xf: {  	[smem:$0x3F92] =	sst s7  }
0x10: {  	[smem:$0x3F93] =	sst s8  }
0x11: {  	[smem:$0x3F94] =	sst s9;
	s0 =	simm.s32 @!p0 $0x0  }
0x12: {  	s1 =	sld [smem:$0x3F7A];
	s0 =	simm.s32 @p0 $0x1  }
0x13: {  	[smem:$0x3F95] =	sst s0;
	s0 =	simm.s32 @!p1 $0x0  }
0x14: {  	s2 =	sld [smem:$0x3F79];
	s0 =	simm.s32 @p1 $0x1  }
0x15: {  	[smem:$0x3F96] =	sst s0;
	s0 =	simm.s32 @!p2 $0x0  }
0x16: {  	s3 =	sld [smem:$0x3FDB];
	s0 =	simm.s32 @p2 $0x1  }
0x17: {  	s4 =	simm.s32 $0x1BF5;
	[smem:$0x3F98] =	sst s0  }
0x18: {  	s0 =	sld [smem:$0x3F7B];
	_ =	swait.ge [sflag:s4], $0x0  }
0x19: {  	s7 =	sld [smem:$0x3F7C]  }
0x1a: {  	s8 =	sadd.s32 $0xFFFFE003, lr  }
0x1b: {  	s9 =	sadd.s32 $0xFFFFFEF7, lr;
	s5 =	simm.s32 $0xFFFFFFFF;
	p2 =	slt.u32 s8, $0xFFFFF086  }
0x1c: {  	p1 =	slt.u32 s9, $0xF7A;
	s5 =	simm.s32 @!p2 $0x0  }
0x1d: {  	s5 =	simm.s32 @p1 $0x1;
	p0 =	seq.s32 s7, s2  }
0x1e: {  	s7 =	smul.u32 @!p0 $0xF7A, s2;
	p2 =	seq.s32 @!p0 s5, $0x0  }
0x1f: {  	s9 =	smul.u32 $0xF7A, s1;
	s8 =	simm.s32 @!p0 $0x1BF5;
	p2 =	por !p2, p0  }
0x20: {  	[sflag:s8] =	ssyncset.s32 @!p0 $0xFFFFF086;
	s6 =	sadd.s32 @!p0 s3, s7;
	s7 =	simm.s32 @!p0 $0x108  }
0x21: {  	s3 =	sadd.s32 s3, s9;
	s6 =	sadd.s32 @!p0 $0x88, s6;
	s7 =	simm.s32 @p2 $0x1082  }
0x22: {  	[simem:s7], [sflag:s8] =	dma.local @!p0 [hbm:s6], $0xF7A  }
0x23: {  	s9 =	sor.u32 $0xD0000000, s2;
	s6 =	simm.s32 $0x108;
	_ =	swait.ge @!p0 [sflag:s8], $0x0  }
0x24: {  	s3 =	sadd.s32 $0x88, s3;
	s6 =	simm.s32 @!p1 $0x1082;
	[sflag:s4] =	ssyncset.s32 $0xFFFFF086  }
0x25: {  	[simem:s6], [sflag:s4] =	dma.local [hbm:s3], $0xF7A  }
0x26: {  	[smem:$0x3F7C] =	sst s1;
	(tag) =	ssettag s2;
	_ =	strace s9  }
0x27: {  	s1 =	sld [smem:$0x3F8C]  }
0x28: {  	s2 =	sld [smem:$0x3F8D]  }
0x29: {  	s4 =	sld [smem:$0x3F8F]  }
0x2a: {  	p0 =	seq.s32 s5, $0x0;
	s5 =	sld [smem:$0x3F90]  }
0x2b: {  	s6 =	sld [smem:$0x3F91]  }
0x2c: {  	s7 =	sld [smem:$0x3F92]  }
0x2d: {  	s3 =	simm.s32 $0x108;
	s8 =	sld [smem:$0x3F93]  }
0x2e: {  	s3 =	simm.s32 @!p0 $0x1082;
	s9 =	sld [smem:$0x3F94]  }
0x2f: {  	lr =	sadd.s32 s0, s3;
	s0 =	sld [smem:$0x3F8B]  }
0x30: {  	s3 =	sld [smem:$0x3F8E]  }
0x31: {  	[smem:$0x3F97] =	sst s10  }
0x32: {  	s10 =	sld [smem:$0x3F95];
	_ =	sdelay $0x3  }
0x33: {  	p0 =	seq.s32 s10, $0x1;
	s10 =	sld [smem:$0x3F97];
	_ =	sdelay $0x3  }
0x34: {  	[smem:$0x3F97] =	sst s10  }
0x35: {  	s10 =	sld [smem:$0x3F96];
	_ =	sdelay $0x3  }
0x36: {  	p1 =	seq.s32 s10, $0x1;
	s10 =	sld [smem:$0x3F97];
	_ =	sdelay $0x3  }
0x37: {  	[smem:$0x3F97] =	sst s10  }
0x38: {  	s10 =	sld [smem:$0x3F98]  }
0x39: {  	_ = 	snop;
	(pc) =	sbr.ind lr, $3  }
0x3a: {  	_ = 	snop  }
0x3b: {  	_ = 	snop  }
0x3c: {  	p2 =	seq.s32 s10, $0x1;
	s10 =	sld [smem:$0x3F97]  }
0x3d: {  	_ =	shalt  }
0x3e: {  	_ =	shalt  }
0x3f: {  	_ =	shalt  }
0x40: {  	_ =	shalt  }
0x41: {  	_ =	shalt  }
0x42: {  	_ =	shalt  }
0x43: {  	_ =	shalt  }
0x44: {  	_ =	shalt  }
0x45: {  	_ =	shalt  }
0x46: {  	_ =	shalt  }
0x47: {  	_ =	shalt  }
0x48: {  	_ =	shalt  }
0x49: {  	_ =	shalt  }
0x4a: {  	_ =	shalt  }
0x4b: {  	_ =	shalt  }
0x4c: {  	_ =	shalt  }
0x4d: {  	_ =	shalt  }
0x4e: {  	_ =	shalt  }
0x4f: {  	_ =	shalt  }
0x50: {  	_ =	shalt  }
0x51: {  	_ =	shalt  }
0x52: {  	_ =	shalt  }
0x53: {  	_ =	shalt  }
0x54: {  	_ =	shalt  }
0x55: {  	_ =	shalt  }
0x56: {  	_ =	shalt  }
0x57: {  	_ =	shalt  }
0x58: {  	_ =	shalt  }
0x59: {  	_ =	shalt  }
0x5a: {  	_ =	shalt  }
0x5b: {  	_ =	shalt  }
0x5c: {  	_ =	shalt  }
0x5d: {  	_ =	shalt  }
0x5e: {  	_ =	shalt  }
0x5f: {  	_ =	shalt  }
0x60: {  	_ =	shalt  }
0x61: {  	_ =	shalt  }
0x62: {  	_ =	shalt  }
0x63: {  	_ =	shalt  }
0x64: {  	_ =	shalt  }
0x65: {  	_ =	shalt  }
0x66: {  	_ =	shalt  }
0x67: {  	_ =	shalt  }
0x68: {  	_ =	shalt  }
0x69: {  	_ =	shalt  }
0x6a: {  	_ =	shalt  }
0x6b: {  	_ =	shalt  }
0x6c: {  	_ =	shalt  }
0x6d: {  	_ =	shalt  }
0x6e: {  	_ =	shalt  }
0x6f: {  	_ =	shalt  }
0x70: {  	_ =	shalt  }
0x71: {  	_ =	shalt  }
0x72: {  	_ =	shalt  }
0x73: {  	_ =	shalt  }
0x74: {  	_ =	shalt  }
0x75: {  	_ =	shalt  }
0x76: {  	_ =	shalt  }
0x77: {  	_ =	shalt  }
0x78: {  	_ =	shalt  }
0x79: {  	_ =	shalt  }
0x7a: {  	_ =	shalt  }
0x7b: {  	_ =	shalt  }
0x7c: {  	_ =	shalt  }
0x7d: {  	_ =	shalt  }
0x7e: {  	_ =	shalt  }
0x7f: {  	_ =	shalt  }
0x80: {  	_ =	shalt  }
0x81: {  	_ =	shalt  }
0x82: {  	_ =	shalt  }
0x83: {  	_ =	shalt  }
0x84: {  	_ =	shalt  }
0x85: {  	_ =	shalt  }
0x86: {  	_ =	shalt  }
0x87: {  	_ =	shalt  }
.Lfunc_end0:
.L_simem_size_0:
called_computation_lowered:
.L_overlay_start_0:
0x88: {  	s2 =	sld [smem:$0x3FD9]  }
0x89: {  	s3 =	sld [smem:$0x3FFE];
	_ =	sdelay $0x1  }
0x8a: {  	s1 =	srdreg.scid  }
0x8b: {  	s0 =	sand.u32 $0x1, s1  }
0x8c: {  	s16 =	sshll.u32 s0, $0xA;
	s2 =	sadd.s32 s3, s2  }
0x8d: {  	s2 =	sadd.s32 s2, s16  }
0x8e: {  	[smem:$0x3FA3] =	sst s2  }
0x8f: {  	_ = 	snop  }
0x90: {  	(tm) =	ssettm $0x1  }
0x91: {  	s17 =	sld [smem:$0x3FFB];
	_ =	sdelay $0x3  }
0x92: {  	_ =	strace s17  }
0x93: {  	s2 =	sld [smem:$0x3FFC];
	_ =	sdelay $0x3  }
0x94: {  	_ =	strace s2  }
0x95: {  	s2 =	sld [smem:$0x3FFD];
	_ =	sdelay $0x3  }
0x96: {  	_ =	strace s2  }
0x97: {  	_ =	strace $0x8FFFFFFF  }
0x98: {  	s18 =	sld [smem:$0x3FDB];
	_ =	sdelay $0x1  }
0x99: {  	s19 =	simm.s32 $_scs_section_size  }
0x9a: {  	s4 =	simm.s32 $_size__tile_overlayer_lowered;
	s5 =	simm.s32 $_tile_overlayer_lowered  }
0x9b: {  	s22 =	simm.s32 $0x1BFF;
	s21 =	sshll.u32 s5, $0x1;
	s2 =	sadd.s32 s19, s18  }
0x9c: {  	s6 =	simm.s32 $0x0;
	s20 =	sshll.u32 s4, $0x1;
	s4 =	sadd.s32 s21, s2  }
0x9d: {  	[timem:s6], [sflag:s22] =	dma.local [hbm:s4], s20  }
0x9e: {  	_ =	swait.ge [sflag:s22], s20  }
0x9f: {  	s3 =	ssub.s32 $0x0, s20;
	[sflag:s22] =	ssyncset.done $0x0  }
0xa0: {  	[sflag:s22] =	ssyncadd.s32 s3;
	_ =	sdelay $0x1  }
0xa1: {  	s23 =	simm.s32 $0x1B8B  }
0xa2: {  	_ =	swait.ge [sflag:s23], $0x1  }
0xa3: {  	[sflag:s23] =	ssyncset.done $0x0  }
0xa4: {  	s25 =	simm.s32 $0x1B8E;
	s24 =	sld [smem:$0x3FFE];
	[sflag:s23] =	ssyncadd.s32 $0xFFFFFFFF  }
0xa5: {  	s26 =	simm.s32 $execute0_lowered;
	[smem:$0x3FD2] =	sst s25  }
0xa6: {  	s4 =	sshll.u32 s26, $0x1;
	_ =	strace $0x80000046;
	[dreg:$0x1] =	wrdreg $0xFFFFFFFF  }
0xa7: {  	s28 =	simm.s32 $_size_execute0_lowered;
	s2 =	sadd.s32 s2, s4;
	[dreg:$0x0] =	wrdreg $0x0  }
0xa8: {  	s4 =	sshll.u32 s28, $0x1;
	[dreg:$0x2] =	wrdreg s2  }
0xa9: {  	[dreg:$0x3] =	wrdreg s4  }
0xaa: {  	[dreg:$0x4] =	wrdreg $0xC0  }
0xab: {  	_ =	task [dreg:s6], $0x5FFFF  }
0xac: {  	[dreg:$0x1] =	wrdreg $0xFFFFFFFF  }
0xad: {  	[dreg:$0x0] =	wrdreg $0x60  }
0xae: {  	[dreg:$0x2] =	wrdreg s24  }
0xaf: {  	[dreg:$0x3] =	wrdreg $0x14C400  }
0xb0: {  	[dreg:$0x4] =	wrdreg $0xB0000  }
0xb1: {  	[dreg:$0x5] =	wrdreg $0x9  }
0xb2: {  	_ =	task.clear_ibuf [dreg:s6], $0x6FFFF;
	_ =	strace $0x90000046  }
0xb3: {  	s29 =	simm.s32 $0x9;
	_ =	strace $0x80000048  }
0xb4: {  	_ =	swait.ge [sflag:s29], $0x1  }
0xb5: {  	[sflag:s29] =	ssyncadd.s32 $0xFFFFFFFF  }
0xb6: {  	_ =	strace $0x90000048  }
0xb7: {  	_ =	sfence  }
0xb8: {  	s30 =	sld [smem:$0x0];
	_ =	sdelay $0x2  }
0xb9: {  	s31 =	sshll.u32 s1, $0xD;
	s1 =	sshrl.u32 s1, $0x2  }
0xba: {  	s3 =	sand.u32 $0x4000, s31;
	s1 =	sadd.s32 s1, s30  }
0xbb: {  	s0 =	sor.u32 s3, s0;
	s1 =	sshll.u32 s1, $0x11  }
0xbc: {  	s0 =	sor.u32 s1, s0  }
0xbd: {  	s0 =	sadd.s32 $0x8F2B, s0  }
0xbe: {  	[sflag:s0] =	ssyncadd.remote.s32 $0x1  }
0xbf: {  	_ =	sfence.sel $0xFFFF  }
0xc0: {  	[dreg:$0x0] =	wrdreg $0xFFFFFFFF;
	(pc) =	sbr.abs _section_cstart, $3  }
0xc1: {  	[dreg:$0x1] =	wrdreg $0xFFFFFFFF  }
0xc2: {  	_ =	task.clear_ibuf [dreg:s6], $0x2FFFF;
	_ =	strace $0x9FFFFFFF  }
0xc3: {  	(tm) =	ssettm $0x7FFFFFFF  }
tec
execute0_lowered:
.L_overlay_start_1:
0x0: {  	(tag) =	ssettag $0x1  }
0x1: {  	s0 =	rddreg [dreg:$0x0]  }
0x2: {  	s2 =	rddreg [dreg:$0x1]  }
0x3: {  	s3 =	rddreg [dreg:$0x2]  }
0x4: {  	s11 =	stileid.u32;
	s1 =	srdreg.scid;
	s6 =	simm.s32 $0x0  }
0x5: {  	s28 =	simm.s32 $0x7000;
	s29 =	simm.s32 $0x1;
	s31 =	simm.s32 $0x9000  }
0x6: {  	s30 =	simm.s32 $0x4;
	s1 =	sand.u32 $0x1, s1;
	s5 =	smul.u32 $0xA000, s11  }
0x7: {  	s4 =	sshll.u32 s11, $0x1;
	[smem:$0x7FF] =	sst s6;
	s7 =	smul.u32 $0x28000, s11  }
0x8: {  	s9 =	sadd.s32 $0x2DC00, s0;
	s13 =	sadd.s32 $0x96000, s2;
	s14 =	sadd.s32 $0x98000, s2  }
0x9: {  	s15 =	sadd.s32 $0x9A000, s2;
	s16 =	sadd.s32 $0x9C000, s2;
	s17 =	sadd.s32 $0x2CE00, s0  }
0xa: {  	s4 =	sor.u32 s1, s4;
	s8 =	ssub.s32 $0x2, s1;
	s1 =	smul.u32 $0x9C400, s1  }
0xb: {  	p0 =	seq.s32 s11, $0xF;
	_ =	strace $0x80000047;
	s4 =	smul.u32 $0x2800, s4  }
0xc: {  	s20 =	sshrl.u32 s5, $0x3;
	s10 =	sshrl.u32 s8, $0x1;
	s7 =	sshrl.u32 s7, $0x2  }
0xd: {  	s6 =	sadd.s32 s20, s0;
	s8 =	ssub.s32 s8, s10;
	s22 =	sadd.s32 s7, s2  }
0xe: {  	s7 =	sadd.s32 s5, s2;
	s4 =	sshrl.u32 s4, $0x3;
	s23 =	sadd.s32 $0x2000, s22  }
0xf: {  	s24 =	sadd.s32 $0x4000, s22;
	s25 =	sadd.s32 $0x6000, s22;
	[dreg:$0x6] =	wrdreg s23  }
0x10: {  	s26 =	sadd.s32 $0x8000, s22;
	s12 =	sadd.s32 $0x1A200, s6;
	[dreg:$0x7] =	wrdreg s24  }
0x11: {  	s6 =	sadd.s32 $0x96000, s3;
	s20 =	smax.u32 s8, $0x1;
	[dreg:$0x8] =	wrdreg s25  }
0x12: {  	s22 =	simm.s32 $0x2800;
	s4 =	sadd.s32 s4, s0;
	[dreg:$0x9] =	wrdreg s26  }
0x13: {  	s23 =	sshrl.u32 @p0 s6, $0x3;
	s25 =	simm.s32 $0x80;
	s21 =	sadd.s32 $0x6200, s4  }
0x14: {  	s26 =	simm.s32 $0x5000;
	s4 =	sadd.s32 $0x10200, s4;
	[dreg:$0x4] =	wrdreg s21  }
0x15: {  	s0 =	simm.s32 $0x2;
	s6 =	simm.s32 $0x0;
	[dreg:$0x5] =	wrdreg s4  }
0x16: {  	s4 =	sadd.s32 s5, s3;
	s5 =	sadd.s32 s5, s1;
	s1 =	sshrl.u32 s1, $0x3  }
0x17: {  	s21 =	simm.s32 $0x7;
	s5 =	sshrl.u32 s5, $0x3;
	s1 =	sadd.s32 s9, s1  }
0x18: {  	s24 =	sshrl.u32 @!p0 s4, $0x3;
	s4 =	simm.s32 $0x5;
	s18 =	sadd.s32 s9, s5  }
0x19: {  	v0 =	vimm.f32 $0.0e+00;
	s19 =	sadd.s32 $0x12C00, s1;
	s1 =	simm.s32 $0x3;
	s5 =	simm.s32 $0x6  }
.LBB2_1:
0x1a: {  	s9 =	simm.s32 $0x100;
	s8 =	simm.s32 $0x0  }
.LBB2_2:
0x1b: {  	p1 =	sne.s32 s9, $0x7F00;
	[tilespmem:s8+$0x5030] =	vst v0;
	s10 =	smov.u32 s9;
	s9 =	sadd.s32 $0x100, s9  }
.Ltmp0:
0x1c: {  	[tilespmem:s8+$0x5020] =	vst v0;
	(pc) =	sbr.rel @p1 .LBB2_2-.Ltmp0, $3  }
0x1d: {  	[tilespmem:s8+$0x5000] =	vst v0  }
0x1e: {  	[tilespmem:s8+$0x5010] =	vst v0;
	_ =	sdelay $0x1  }
0x1f: {  	s8 =	sshra.s32 s10, $0x2  }
0x20: {  	[tilespmem:s8+$0x5030] =	vst v0  }
0x21: {  	[tilespmem:s8+$0x5020] =	vst v0  }
0x22: {  	[tilespmem:s8+$0x5000] =	vst v0  }
0x23: {  	[tilespmem:s8+$0x5010] =	vst v0;
	s11 =	simm.s32 $0x0;
	s9 =	rddreg [dreg:$0x4]  }
0x24: {  	[tilespmem:s11], [sflag:$0x7] =	stream.linear.gather [hbm4b:s9+s11], $0x2800, $0x38;
	[tilespmem:$0x1E9C0] =	vst v63  }
0x25: {  	_ =	swait.ge [sflag:s21], $0x2800  }
0x26: {  	[sflag:s21] =	ssyncset.done $0x0  }
0x27: {  	s10 =	rddreg [dreg:$0x5];
	[sflag:s21] =	ssyncadd.s32 $0xFFFFD800  }
0x28: {  	[tilespmem:s22], [sflag:$0x7] =	stream.linear.gather [hbm4b:s10+s11], $0x2800, $0x38;
	[tilespmem:$0x1E9C0] =	vst v63  }
0x29: {  	_ =	swait.ge [sflag:s21], $0x2800  }
0x2a: {  	[sflag:s21] =	ssyncset.done $0x0  }
0x2b: {  	s8 =	simm.s32 @p0 $0x5000;
	s9 =	simm.s32 @p0 $0x7;
	[sflag:s21] =	ssyncadd.s32 $0xFFFFD800  }
0x2c: {  	[spmem:s13] =	stream.linear.scatter @p0 [tilespmem:s8], [sflag:$0x7], $0x2000, $0x38;
	[tilespmem:$0x1E9C0] =	vst v63  }
0x2d: {  	_ =	swait.ge @p0 [sflag:s9], $0x2000  }
0x2e: {  	[sflag:s9] =	ssyncset.done @p0 $0x0  }
0x2f: {  	[sflag:s9] =	ssyncadd.s32 @p0 $0xFFFFE000  }
0x30: {  	[spmem:s14] =	stream.linear.scatter @p0 [tilespmem:s8], [sflag:$0x7], $0x2000, $0x38;
	[tilespmem:$0x1E9C0] =	vst v63  }
0x31: {  	_ =	swait.ge @p0 [sflag:s9], $0x2000  }
0x32: {  	[sflag:s9] =	ssyncset.done @p0 $0x0  }
0x33: {  	[sflag:s9] =	ssyncadd.s32 @p0 $0xFFFFE000  }
0x34: {  	[spmem:s15] =	stream.linear.scatter @p0 [tilespmem:s8], [sflag:$0x7], $0x2000, $0x38;
	[tilespmem:$0x1E9C0] =	vst v63  }
0x35: {  	_ =	swait.ge @p0 [sflag:s9], $0x2000  }
0x36: {  	[sflag:s9] =	ssyncset.done @p0 $0x0  }
0x37: {  	[sflag:s9] =	ssyncadd.s32 @p0 $0xFFFFE000  }
0x38: {  	[spmem:s16] =	stream.linear.scatter @p0 [tilespmem:s8], [sflag:$0x7], $0x1800, $0x38;
	[tilespmem:$0x1E9C0] =	vst v63  }
0x39: {  	_ =	swait.ge @p0 [sflag:s9], $0x1800  }
0x3a: {  	[sflag:s9] =	ssyncset.done @p0 $0x0  }
0x3b: {  	s8 =	simm.s32 @p0 $0x1FC7;
	[sflag:s9] =	ssyncadd.s32 @p0 $0xFFFFE800  }
0x3c: {  	[spmem:s23], [sflag:s8] =	dma.local @p0 [hbm:s17], $0xC80  }
0x3d: {  	_ =	swait.ge @p0 [sflag:s9], $0xC80  }
0x3e: {  	[sflag:s9] =	ssyncset.done @p0 $0x0  }
0x3f: {  	s8 =	simm.s32 @!p0 $0x5000;
	[sflag:s9] =	ssyncadd.s32 @p0 $0xFFFFF380;
	s9 =	simm.s32 @!p0 $0x7  }
0x40: {  	[spmem:s7] =	stream.linear.scatter @!p0 [tilespmem:s8], [sflag:$0x7], $0x2000, $0x38;
	[tilespmem:$0x1E9C0] =	vst v63  }
0x41: {  	_ =	swait.ge @!p0 [sflag:s9], $0x2000  }
0x42: {  	[sflag:s9] =	ssyncset.done @!p0 $0x0  }
0x43: {  	s10 =	rddreg [dreg:$0x6];
	[sflag:s9] =	ssyncadd.s32 @!p0 $0xFFFFE000  }
0x44: {  	[spmem:s10] =	stream.linear.scatter @!p0 [tilespmem:s8], [sflag:$0x7], $0x2000, $0x38;
	[tilespmem:$0x1E9C0] =	vst v63  }
0x45: {  	_ =	swait.ge @!p0 [sflag:s9], $0x2000  }
0x46: {  	[sflag:s9] =	ssyncset.done @!p0 $0x0  }
0x47: {  	s10 =	rddreg [dreg:$0x7];
	[sflag:s9] =	ssyncadd.s32 @!p0 $0xFFFFE000  }
0x48: {  	[spmem:s10] =	stream.linear.scatter @!p0 [tilespmem:s8], [sflag:$0x7], $0x2000, $0x38;
	[tilespmem:$0x1E9C0] =	vst v63  }
0x49: {  	_ =	swait.ge @!p0 [sflag:s9], $0x2000  }
0x4a: {  	[sflag:s9] =	ssyncset.done @!p0 $0x0  }
0x4b: {  	s10 =	rddreg [dreg:$0x8];
	[sflag:s9] =	ssyncadd.s32 @!p0 $0xFFFFE000  }
0x4c: {  	[spmem:s10] =	stream.linear.scatter @!p0 [tilespmem:s8], [sflag:$0x7], $0x2000, $0x38;
	[tilespmem:$0x1E9C0] =	vst v63  }
0x4d: {  	_ =	swait.ge @!p0 [sflag:s9], $0x2000  }
0x4e: {  	[sflag:s9] =	ssyncset.done @!p0 $0x0  }
0x4f: {  	s10 =	rddreg [dreg:$0x9];
	[sflag:s9] =	ssyncadd.s32 @!p0 $0xFFFFE000  }
0x50: {  	[spmem:s10] =	stream.linear.scatter @!p0 [tilespmem:s8], [sflag:$0x7], $0x2000, $0x38;
	[tilespmem:$0x1E9C0] =	vst v63  }
0x51: {  	s8 =	stileid.u32;
	_ =	swait.ge @!p0 [sflag:s9], $0x2000  }
0x52: {  	s8 =	sshll.u32 @!p0 s8, $0x6;
	[sflag:s9] =	ssyncset.done @!p0 $0x0  }
0x53: {  	s8 =	sor.u32 @!p0 $0x1C07, s8;
	[sflag:s9] =	ssyncadd.s32 @!p0 $0xFFFFE000  }
0x54: {  	[spmem:s24], [sflag:s8] =	dma.local @!p0 [hbm:s12], $0x1400  }
0x55: {  	_ =	swait.ge @!p0 [sflag:s9], $0x1400  }
0x56: {  	[sflag:s9] =	ssyncset.done @!p0 $0x0  }
0x57: {  	[sflag:s9] =	ssyncadd.s32 @!p0 $0xFFFFEC00  }
0x58: {  	s11 =	simm.s32 $0x0;
	[bflag:$0x0] =	sbarrier.arrive $0xFFFF  }
0x59: {  	[tilespmem:s26], [sflag:$0x1] =	stream.indirect.gather [spmem:s3], $0x40, s11, s25, $0xb8;
	[tilespmem:$0x1E9C0] =	vst v63  }
0x5a: {  	_ = 	snop  }
0x5b: {  	[tilespmem:s28], [sflag:$0x2] =	stream.indirect.gather [spmem:s3], $0x40, s25, s25, $0xb8;
	[tilespmem:$0x1E9C0] =	vst v63  }
0x5c: {  	_ =	swait.ge [sflag:s29], $0x2000  }
0x5d: {  	[sflag:s29] =	ssyncset.done $0x0  }
0x5e: {  	[sflag:s29] =	ssyncadd.s32 $0xFFFFE000  }
0x5f: {  	[spmem:s2] =	stream.indirect.scatter.add.f32 [tilespmem:s26], [sflag:$0x4], $0x40, s22, s25, $0xb8;
	[tilespmem:$0x1E9C0] =	vst v63  }
0x60: {  	s10 =	simm.s32 $0x100  }
0x61: {  	[tilespmem:s31], [sflag:$0x3] =	stream.indirect.gather [spmem:s3], $0x40, s10, s25, $0xb8;
	[tilespmem:$0x1E9C0] =	vst v63  }
0x62: {  	_ =	swait.ge [sflag:s0], $0x2000  }
0x63: {  	[sflag:s0] =	ssyncset.done $0x0  }
0x64: {  	s11 =	simm.s32 $0x2880;
	[sflag:s0] =	ssyncadd.s32 $0xFFFFE000  }
0x65: {  	[spmem:s2] =	stream.indirect.scatter.add.f32 [tilespmem:s28], [sflag:$0x5], $0x40, s11, s25, $0xb8;
	[tilespmem:$0x1E9C0] =	vst v63  }
0x66: {  	_ =	swait.ge [sflag:s30], $0x2000  }
0x67: {  	[sflag:s30] =	ssyncset.done $0x0  }
0x68: {  	s10 =	simm.s32 $0x180;
	[sflag:s30] =	ssyncadd.s32 $0xFFFFE000  }
0x69: {  	[tilespmem:s26], [sflag:$0x1] =	stream.indirect.gather [spmem:s3], $0x40, s10, s25, $0xb8;
	[tilespmem:$0x1E9C0] =	vst v63  }
0x6a: {  	_ =	swait.ge [sflag:s1], $0x2000  }
0x6b: {  	[sflag:s1] =	ssyncset.done $0x0  }
0x6c: {  	s11 =	simm.s32 $0x2900;
	[sflag:s1] =	ssyncadd.s32 $0xFFFFE000  }
0x6d: {  	[spmem:s2] =	stream.indirect.scatter.add.f32 [tilespmem:s31], [sflag:$0x6], $0x40, s11, s25, $0xb8;
	[tilespmem:$0x1E9C0] =	vst v63  }
0x6e: {  	_ =	swait.ge [sflag:s4], $0x2000  }
0x6f: {  	[sflag:s4] =	ssyncset.done $0x0  }
0x70: {  	s10 =	simm.s32 $0x200;
	[sflag:s4] =	ssyncadd.s32 $0xFFFFE000  }
0x71: {  	[tilespmem:s28], [sflag:$0x2] =	stream.indirect.gather [spmem:s3], $0x40, s10, s25, $0xb8;
	[tilespmem:$0x1E9C0] =	vst v63  }
0x72: {  	_ =	swait.ge [sflag:s29], $0x2000  }
0x73: {  	[sflag:s29] =	ssyncset.done $0x0  }
0x74: {  	s11 =	simm.s32 $0x2980;
	[sflag:s29] =	ssyncadd.s32 $0xFFFFE000  }
0x75: {  	[spmem:s2] =	stream.indirect.scatter.add.f32 [tilespmem:s26], [sflag:$0x4], $0x40, s11, s25, $0xb8;
	[tilespmem:$0x1E9C0] =	vst v63  }
0x76: {  	_ =	swait.ge [sflag:s5], $0x2000  }
0x77: {  	[sflag:s5] =	ssyncset.done $0x0  }
0x78: {  	s10 =	simm.s32 $0x280;
	[sflag:s5] =	ssyncadd.s32 $0xFFFFE000  }
0x79: {  	[tilespmem:s31], [sflag:$0x3] =	stream.indirect.gather [spmem:s3], $0x40, s10, s25, $0xb8;
	[tilespmem:$0x1E9C0] =	vst v63  }
0x7a: {  	_ =	swait.ge [sflag:s0], $0x2000  }
0x7b: {  	[sflag:s0] =	ssyncset.done $0x0  }
0x7c: {  	s11 =	simm.s32 $0x2A00;
	[sflag:s0] =	ssyncadd.s32 $0xFFFFE000  }
0x7d: {  	[spmem:s2] =	stream.indirect.scatter.add.f32 [tilespmem:s28], [sflag:$0x5], $0x40, s11, s25, $0xb8;
	[tilespmem:$0x1E9C0] =	vst v63  }
0x7e: {  	_ =	swait.ge [sflag:s30], $0x2000  }
0x7f: {  	[sflag:s30] =	ssyncset.done $0x0  }
0x80: {  	s10 =	simm.s32 $0x300;
	[sflag:s30] =	ssyncadd.s32 $0xFFFFE000  }
0x81: {  	[tilespmem:s26], [sflag:$0x1] =	stream.indirect.gather [spmem:s3], $0x40, s10, s25, $0xb8;
	[tilespmem:$0x1E9C0] =	vst v63  }
0x82: {  	_ =	swait.ge [sflag:s1], $0x2000  }
0x83: {  	[sflag:s1] =	ssyncset.done $0x0  }
0x84: {  	s11 =	simm.s32 $0x2A80;
	[sflag:s1] =	ssyncadd.s32 $0xFFFFE000  }
0x85: {  	[spmem:s2] =	stream.indirect.scatter.add.f32 [tilespmem:s31], [sflag:$0x6], $0x40, s11, s25, $0xb8;
	[tilespmem:$0x1E9C0] =	vst v63  }
0x86: {  	_ =	swait.ge [sflag:s4], $0x2000  }
0x87: {  	[sflag:s4] =	ssyncset.done $0x0  }
0x88: {  	s9 =	simm.s32 $0x600;
	s10 =	simm.s32 $0x380;
	[sflag:s4] =	ssyncadd.s32 $0xFFFFE000  }
.LBB2_4:
0x89: {  	[tilespmem:s28], [sflag:$0x2] =	stream.indirect.gather [spmem:s3], $0x40, s10, s25, $0xb8;
	[tilespmem:$0x1E9C0] =	vst v63  }
0x8a: {  	s10 =	smov.u32 s9  }
0x8b: {  	p1 =	sne.s32 s9, $0x9000;
	s9 =	sadd.s32 $0x600, s9;
	_ =	swait.ge [sflag:s29], $0x2000  }
0x8c: {  	s10 =	sshra.s32 s10, $0x2;
	[sflag:s29] =	ssyncset.done $0x0  }
0x8d: {  	s11 =	sadd.s32 $0x2980, s10;
	[sflag:s29] =	ssyncadd.s32 $0xFFFFE000  }
0x8e: {  	[spmem:s2] =	stream.indirect.scatter.add.f32 [tilespmem:s26], [sflag:$0x4], $0x40, s11, s25, $0xb8;
	[tilespmem:$0x1E9C0] =	vst v63  }
0x8f: {  	_ =	swait.ge [sflag:s5], $0x2000  }
0x90: {  	[sflag:s5] =	ssyncset.done $0x0  }
0x91: {  	s11 =	sadd.s32 $0x280, s10;
	[sflag:s5] =	ssyncadd.s32 $0xFFFFE000  }
0x92: {  	[tilespmem:s31], [sflag:$0x3] =	stream.indirect.gather [spmem:s3], $0x40, s11, s25, $0xb8;
	[tilespmem:$0x1E9C0] =	vst v63  }
0x93: {  	_ =	swait.ge [sflag:s0], $0x2000  }
0x94: {  	[sflag:s0] =	ssyncset.done $0x0  }
0x95: {  	s11 =	sadd.s32 $0x2A00, s10;
	[sflag:s0] =	ssyncadd.s32 $0xFFFFE000  }
0x96: {  	[spmem:s2] =	stream.indirect.scatter.add.f32 [tilespmem:s28], [sflag:$0x5], $0x40, s11, s25, $0xb8;
	[tilespmem:$0x1E9C0] =	vst v63  }
0x97: {  	_ =	swait.ge [sflag:s30], $0x2000  }
0x98: {  	[sflag:s30] =	ssyncset.done $0x0  }
0x99: {  	s11 =	sadd.s32 $0x300, s10;
	[sflag:s30] =	ssyncadd.s32 $0xFFFFE000  }
0x9a: {  	[tilespmem:s26], [sflag:$0x1] =	stream.indirect.gather [spmem:s3], $0x40, s11, s25, $0xb8;
	[tilespmem:$0x1E9C0] =	vst v63  }
0x9b: {  	_ =	swait.ge [sflag:s1], $0x2000  }
0x9c: {  	[sflag:s1] =	ssyncset.done $0x0  }
.Ltmp1:
0x9d: {  	s11 =	sadd.s32 $0x2A80, s10;
	[sflag:s1] =	ssyncadd.s32 $0xFFFFE000;
	(pc) =	sbr.rel @p1 .LBB2_4-.Ltmp1, $4  }
0x9e: {  	[spmem:s2] =	stream.indirect.scatter.add.f32 [tilespmem:s31], [sflag:$0x6], $0x40, s11, s25, $0xb8;
	[tilespmem:$0x1E9C0] =	vst v63  }
0x9f: {  	_ =	swait.ge [sflag:s4], $0x2000  }
0xa0: {  	[sflag:s4] =	ssyncset.done $0x0  }
0xa1: {  	s10 =	sadd.s32 $0x380, s10;
	[sflag:s4] =	ssyncadd.s32 $0xFFFFE000  }
0xa2: {  	[tilespmem:s28], [sflag:$0x2] =	stream.indirect.gather [spmem:s3], $0x40, s10, s25, $0xb8;
	[tilespmem:$0x1E9C0] =	vst v63  }
0xa3: {  	_ =	swait.ge [sflag:s29], $0x2000  }
0xa4: {  	[sflag:s29] =	ssyncset.done $0x0  }
0xa5: {  	s9 =	simm.s32 $0x4F00;
	[sflag:s29] =	ssyncadd.s32 $0xFFFFE000  }
0xa6: {  	[spmem:s2] =	stream.indirect.scatter.add.f32 [tilespmem:s26], [sflag:$0x4], $0x40, s9, s25, $0xb8;
	[tilespmem:$0x1E9C0] =	vst v63  }
0xa7: {  	_ =	swait.ge [sflag:s5], $0x2000  }
0xa8: {  	[sflag:s5] =	ssyncset.done $0x0  }
0xa9: {  	[sflag:s5] =	ssyncadd.s32 $0xFFFFE000  }
0xaa: {  	_ =	swait.ge [sflag:s0], $0x2000  }
0xab: {  	[sflag:s0] =	ssyncset.done $0x0  }
0xac: {  	s11 =	simm.s32 $0x4F80;
	[sflag:s0] =	ssyncadd.s32 $0xFFFFE000  }
0xad: {  	[spmem:s2] =	stream.indirect.scatter.add.f32 [tilespmem:s28], [sflag:$0x5], $0x40, s11, s25, $0xb8;
	[tilespmem:$0x1E9C0] =	vst v63  }
0xae: {  	_ =	swait.ge [sflag:s30], $0x2000  }
0xaf: {  	[sflag:s30] =	ssyncset.done $0x0  }
0xb0: {  	[sflag:s30] =	ssyncadd.s32 $0xFFFFE000  }
0xb1: {  	_ =	swait.ge [sflag:s4], $0x2000  }
0xb2: {  	[sflag:s4] =	ssyncset.done $0x0  }
0xb3: {  	[sflag:s4] =	ssyncadd.s32 $0xFFFFE000  }
0xb4: {  	s10 =	simm.s32 @p0 $0x1FC7;
	s9 =	sshrl.u32 @p0 s13, $0x3;
	[bflag:$0x0] =	sbarrier.arrive $0xFFFF  }
0xb5: {  	[hbm:s19], [sflag:s10] =	dma.local @p0 [spmem:s9], $0xC80  }
0xb6: {  	s9 =	simm.s32 @p0 $0x7  }
0xb7: {  	_ =	swait.ge @p0 [sflag:s9], $0xC80  }
0xb8: {  	s6 =	sadd.s32 $0x1, s6;
	[sflag:s9] =	ssyncset.done @p0 $0x0  }
0xb9: {  	p1 =	sne.s32 s6, s20;
	[sflag:s9] =	ssyncadd.s32 @p0 $0xFFFFF380;
	s9 =	sshrl.u32 @!p0 s7, $0x3  }
0xba: {  	[hbm:s18], [sflag:s8] =	dma.local @!p0 [spmem:s9], $0x1400  }
.Ltmp2:
0xbb: {  	_ = 	snop;
	(pc) =	sbr.rel @p1 .LBB2_1-.Ltmp2, $4  }
0xbc: {  	s8 =	simm.s32 @!p0 $0x7  }
0xbd: {  	_ =	swait.ge @!p0 [sflag:s8], $0x1400  }
0xbe: {  	[sflag:s8] =	ssyncset.done @!p0 $0x0  }
0xbf: {  	[sflag:s8] =	ssyncadd.s32 @!p0 $0xFFFFEC00  }
0xc0: {  	_ =	sfence.sel $0x180000  }
0xc1: {  	[bflag:$0x0] =	sbarrier.arrive $0xFFFF  }
0xc2: {  	_ =	strace $0x90000047  }
0xc3: {  	s0 =	stileid.u32;
	[bflag:$0x2] =	sbarrier.arrive $0xFFFF  }
0xc4: {  	p0 =	sne.s32 s0, $0x0;
	s0 =	rddreg [dreg:$0x3]  }
0xc5: {  	s0 =	sadd.s32 @!p0 $0x100000, s0  }
0xc6: {  	[sflag:s0] =	ssyncadd.tile.s32 @!p0 $0x1;
	_ =	shalt  }
.Lfunc_end2:
_tile_overlayer_lowered:
.L_overlay_start_2:
0xc7: {  	(tag) =	ssettag $0x2  }
0xc8: {  	s0 =	rddreg [dreg:$0x0];
	s2 =	stileid.u32  }
0xc9: {  	s1 =	rddreg [dreg:$0x1];
	p0 =	sne.s32 s2, $0x0  }
0xca: {  	s3 =	rddreg [dreg:$0x2];
	[bflag:$0x3] =	sbarrier.arrive $0xFFFF;
	s2 =	simm.s32 @!p0 $0x1C07  }
0xcb: {  	[timem:s3], [sflag:s2] =	dma.local @!p0 [hbm:s0], s1  }
0xcc: {  	s0 =	simm.s32 @!p0 $0x7  }
0xcd: {  	_ =	swait.ge @!p0 [sflag:s0], s1  }
0xce: {  	s1 =	ssub.s32 @!p0 $0x0, s1;
	[sflag:s0] =	ssyncset.done @!p0 $0x0  }
0xcf: {  	[sflag:s0] =	ssyncadd.s32 @!p0 s1  }
0xd0: {  	[bflag:$0x3] =	sbarrier.arrive $0xFFFF  }
0xd1: {  	_ =	shalt  }

// kernel: kernel.16.cloned.1.call-start
scs
__scs_entry_jumppad:
0x0: {  	(pc) =	sbr.rel $0x88, $3  }
0x1: {  	(tag) =	ssettag $0x0;
	lr =	simm.s32 $0x1  }
0x2: {  	[smem:$0x3F7C] =	sst lr;
	_ =	strace $0xD0000000  }
0x3: {  	_ = 	snop  }
0x4: {  	_ = 	snop  }
0x5: {  	_ = 	snop  }
0x6: {  	_ = 	snop  }
0x7: {  	_ = 	snop  }
__scs_overlays_trampoline_lowered:
0x8: {  	[smem:$0x3F8B] =	sst s0  }
0x9: {  	[smem:$0x3F8C] =	sst s1  }
0xa: {  	[smem:$0x3F8D] =	sst s2  }
0xb: {  	[smem:$0x3F8E] =	sst s3  }
0xc: {  	[smem:$0x3F8F] =	sst s4  }
0xd: {  	[smem:$0x3F90] =	sst s5  }
0xe: {  	[smem:$0x3F91] =	sst s6  }
0xf: {  	[smem:$0x3F92] =	sst s7  }
0x10: {  	[smem:$0x3F93] =	sst s8  }
0x11: {  	[smem:$0x3F94] =	sst s9;
	s0 =	simm.s32 @!p0 $0x0  }
0x12: {  	s1 =	sld [smem:$0x3F7A];
	s0 =	simm.s32 @p0 $0x1  }
0x13: {  	[smem:$0x3F95] =	sst s0;
	s0 =	simm.s32 @!p1 $0x0  }
0x14: {  	s2 =	sld [smem:$0x3F79];
	s0 =	simm.s32 @p1 $0x1  }
0x15: {  	[smem:$0x3F96] =	sst s0;
	s0 =	simm.s32 @!p2 $0x0  }
0x16: {  	s3 =	sld [smem:$0x3FDB];
	s0 =	simm.s32 @p2 $0x1  }
0x17: {  	s4 =	simm.s32 $0x1BF5;
	[smem:$0x3F98] =	sst s0  }
0x18: {  	s0 =	sld [smem:$0x3F7B];
	_ =	swait.ge [sflag:s4], $0x0  }
0x19: {  	s7 =	sld [smem:$0x3F7C]  }
0x1a: {  	s8 =	sadd.s32 $0xFFFFE003, lr  }
0x1b: {  	s9 =	sadd.s32 $0xFFFFFEF7, lr;
	s5 =	simm.s32 $0xFFFFFFFF;
	p2 =	slt.u32 s8, $0xFFFFF086  }
0x1c: {  	p1 =	slt.u32 s9, $0xF7A;
	s5 =	simm.s32 @!p2 $0x0  }
0x1d: {  	s5 =	simm.s32 @p1 $0x1;
	p0 =	seq.s32 s7, s2  }
0x1e: {  	s7 =	smul.u32 @!p0 $0xF7A, s2;
	p2 =	seq.s32 @!p0 s5, $0x0  }
0x1f: {  	s9 =	smul.u32 $0xF7A, s1;
	s8 =	simm.s32 @!p0 $0x1BF5;
	p2 =	por !p2, p0  }
0x20: {  	[sflag:s8] =	ssyncset.s32 @!p0 $0xFFFFF086;
	s6 =	sadd.s32 @!p0 s3, s7;
	s7 =	simm.s32 @!p0 $0x108  }
0x21: {  	s3 =	sadd.s32 s3, s9;
	s6 =	sadd.s32 @!p0 $0x88, s6;
	s7 =	simm.s32 @p2 $0x1082  }
0x22: {  	[simem:s7], [sflag:s8] =	dma.local @!p0 [hbm:s6], $0xF7A  }
0x23: {  	s9 =	sor.u32 $0xD0000000, s2;
	s6 =	simm.s32 $0x108;
	_ =	swait.ge @!p0 [sflag:s8], $0x0  }
0x24: {  	s3 =	sadd.s32 $0x88, s3;
	s6 =	simm.s32 @!p1 $0x1082;
	[sflag:s4] =	ssyncset.s32 $0xFFFFF086  }
0x25: {  	[simem:s6], [sflag:s4] =	dma.local [hbm:s3], $0xF7A  }
0x26: {  	[smem:$0x3F7C] =	sst s1;
	(tag) =	ssettag s2;
	_ =	strace s9  }
0x27: {  	s1 =	sld [smem:$0x3F8C]  }
0x28: {  	s2 =	sld [smem:$0x3F8D]  }
0x29: {  	s4 =	sld [smem:$0x3F8F]  }
0x2a: {  	p0 =	seq.s32 s5, $0x0;
	s5 =	sld [smem:$0x3F90]  }
0x2b: {  	s6 =	sld [smem:$0x3F91]  }
0x2c: {  	s7 =	sld [smem:$0x3F92]  }
0x2d: {  	s3 =	simm.s32 $0x108;
	s8 =	sld [smem:$0x3F93]  }
0x2e: {  	s3 =	simm.s32 @!p0 $0x1082;
	s9 =	sld [smem:$0x3F94]  }
0x2f: {  	lr =	sadd.s32 s0, s3;
	s0 =	sld [smem:$0x3F8B]  }
0x30: {  	s3 =	sld [smem:$0x3F8E]  }
0x31: {  	[smem:$0x3F97] =	sst s10  }
0x32: {  	s10 =	sld [smem:$0x3F95];
	_ =	sdelay $0x3  }
0x33: {  	p0 =	seq.s32 s10, $0x1;
	s10 =	sld [smem:$0x3F97];
	_ =	sdelay $0x3  }
0x34: {  	[smem:$0x3F97] =	sst s10  }
0x35: {  	s10 =	sld [smem:$0x3F96];
	_ =	sdelay $0x3  }
0x36: {  	p1 =	seq.s32 s10, $0x1;
	s10 =	sld [smem:$0x3F97];
	_ =	sdelay $0x3  }
0x37: {  	[smem:$0x3F97] =	sst s10  }
0x38: {  	s10 =	sld [smem:$0x3F98]  }
0x39: {  	_ = 	snop;
	(pc) =	sbr.ind lr, $3  }
0x3a: {  	_ = 	snop  }
0x3b: {  	_ = 	snop  }
0x3c: {  	p2 =	seq.s32 s10, $0x1;
	s10 =	sld [smem:$0x3F97]  }
0x3d: {  	_ =	shalt  }
0x3e: {  	_ =	shalt  }
0x3f: {  	_ =	shalt  }
0x40: {  	_ =	shalt  }
0x41: {  	_ =	shalt  }
0x42: {  	_ =	shalt  }
0x43: {  	_ =	shalt  }
0x44: {  	_ =	shalt  }
0x45: {  	_ =	shalt  }
0x46: {  	_ =	shalt  }
0x47: {  	_ =	shalt  }
0x48: {  	_ =	shalt  }
0x49: {  	_ =	shalt  }
0x4a: {  	_ =	shalt  }
0x4b: {  	_ =	shalt  }
0x4c: {  	_ =	shalt  }
0x4d: {  	_ =	shalt  }
0x4e: {  	_ =	shalt  }
0x4f: {  	_ =	shalt  }
0x50: {  	_ =	shalt  }
0x51: {  	_ =	shalt  }
0x52: {  	_ =	shalt  }
0x53: {  	_ =	shalt  }
0x54: {  	_ =	shalt  }
0x55: {  	_ =	shalt  }
0x56: {  	_ =	shalt  }
0x57: {  	_ =	shalt  }
0x58: {  	_ =	shalt  }
0x59: {  	_ =	shalt  }
0x5a: {  	_ =	shalt  }
0x5b: {  	_ =	shalt  }
0x5c: {  	_ =	shalt  }
0x5d: {  	_ =	shalt  }
0x5e: {  	_ =	shalt  }
0x5f: {  	_ =	shalt  }
0x60: {  	_ =	shalt  }
0x61: {  	_ =	shalt  }
0x62: {  	_ =	shalt  }
0x63: {  	_ =	shalt  }
0x64: {  	_ =	shalt  }
0x65: {  	_ =	shalt  }
0x66: {  	_ =	shalt  }
0x67: {  	_ =	shalt  }
0x68: {  	_ =	shalt  }
0x69: {  	_ =	shalt  }
0x6a: {  	_ =	shalt  }
0x6b: {  	_ =	shalt  }
0x6c: {  	_ =	shalt  }
0x6d: {  	_ =	shalt  }
0x6e: {  	_ =	shalt  }
0x6f: {  	_ =	shalt  }
0x70: {  	_ =	shalt  }
0x71: {  	_ =	shalt  }
0x72: {  	_ =	shalt  }
0x73: {  	_ =	shalt  }
0x74: {  	_ =	shalt  }
0x75: {  	_ =	shalt  }
0x76: {  	_ =	shalt  }
0x77: {  	_ =	shalt  }
0x78: {  	_ =	shalt  }
0x79: {  	_ =	shalt  }
0x7a: {  	_ =	shalt  }
0x7b: {  	_ =	shalt  }
0x7c: {  	_ =	shalt  }
0x7d: {  	_ =	shalt  }
0x7e: {  	_ =	shalt  }
0x7f: {  	_ =	shalt  }
0x80: {  	_ =	shalt  }
0x81: {  	_ =	shalt  }
0x82: {  	_ =	shalt  }
0x83: {  	_ =	shalt  }
0x84: {  	_ =	shalt  }
0x85: {  	_ =	shalt  }
0x86: {  	_ =	shalt  }
0x87: {  	_ =	shalt  }
.Lfunc_end0:
.L_simem_size_0:
called_computation.1_lowered:
.L_overlay_start_0:
0x88: {  	s2 =	sld [smem:$0x3FD9]  }
0x89: {  	s3 =	sld [smem:$0x3FFE];
	_ =	sdelay $0x1  }
0x8a: {  	s1 =	srdreg.scid  }
0x8b: {  	s0 =	sand.u32 $0x1, s1  }
0x8c: {  	s16 =	sshll.u32 s0, $0xA;
	s2 =	sadd.s32 s3, s2  }
0x8d: {  	s2 =	sadd.s32 s2, s16  }
0x8e: {  	[smem:$0x3FA3] =	sst s2  }
0x8f: {  	_ = 	snop  }
0x90: {  	(tm) =	ssettm $0x1  }
0x91: {  	s17 =	sld [smem:$0x3FFB];
	_ =	sdelay $0x3  }
0x92: {  	_ =	strace s17  }
0x93: {  	s2 =	sld [smem:$0x3FFC];
	_ =	sdelay $0x3  }
0x94: {  	_ =	strace s2  }
0x95: {  	s2 =	sld [smem:$0x3FFD];
	_ =	sdelay $0x3  }
0x96: {  	_ =	strace s2  }
0x97: {  	_ =	strace $0x8FFFFFFF  }
0x98: {  	s18 =	sld [smem:$0x3FDB];
	_ =	sdelay $0x1  }
0x99: {  	s19 =	simm.s32 $_scs_section_size  }
0x9a: {  	s4 =	simm.s32 $_size__tile_overlayer_lowered;
	s5 =	simm.s32 $_tile_overlayer_lowered  }
0x9b: {  	s22 =	simm.s32 $0x1BFF;
	s21 =	sshll.u32 s5, $0x1;
	s2 =	sadd.s32 s19, s18  }
0x9c: {  	s6 =	simm.s32 $0x0;
	s20 =	sshll.u32 s4, $0x1;
	s4 =	sadd.s32 s21, s2  }
0x9d: {  	[timem:s6], [sflag:s22] =	dma.local [hbm:s4], s20  }
0x9e: {  	_ =	swait.ge [sflag:s22], s20  }
0x9f: {  	s3 =	ssub.s32 $0x0, s20;
	[sflag:s22] =	ssyncset.done $0x0  }
0xa0: {  	[sflag:s22] =	ssyncadd.s32 s3;
	_ =	sdelay $0x1  }
0xa1: {  	s23 =	simm.s32 $0x1B8B  }
0xa2: {  	_ =	swait.ge [sflag:s23], $0x1  }
0xa3: {  	[sflag:s23] =	ssyncset.done $0x0  }
0xa4: {  	s25 =	simm.s32 $0x1B8E;
	s24 =	sld [smem:$0x3FFE];
	[sflag:s23] =	ssyncadd.s32 $0xFFFFFFFF  }
0xa5: {  	s26 =	simm.s32 $execute0_lowered;
	[smem:$0x3FD2] =	sst s25  }
0xa6: {  	s4 =	sshll.u32 s26, $0x1;
	_ =	strace $0x80000049;
	[dreg:$0x1] =	wrdreg $0xFFFFFFFF  }
0xa7: {  	s28 =	simm.s32 $_size_execute0_lowered;
	s2 =	sadd.s32 s2, s4;
	[dreg:$0x0] =	wrdreg $0x0  }
0xa8: {  	s4 =	sshll.u32 s28, $0x1;
	[dreg:$0x2] =	wrdreg s2  }
0xa9: {  	[dreg:$0x3] =	wrdreg s4  }
0xaa: {  	[dreg:$0x4] =	wrdreg $0xC0  }
0xab: {  	_ =	task [dreg:s6], $0x5FFFF  }
0xac: {  	[dreg:$0x1] =	wrdreg $0xFFFFFFFF  }
0xad: {  	[dreg:$0x0] =	wrdreg $0x60  }
0xae: {  	[dreg:$0x2] =	wrdreg s24  }
0xaf: {  	[dreg:$0x3] =	wrdreg $0x14C400  }
0xb0: {  	[dreg:$0x4] =	wrdreg $0xB0000  }
0xb1: {  	[dreg:$0x5] =	wrdreg $0x9  }
0xb2: {  	_ =	task.clear_ibuf [dreg:s6], $0x6FFFF;
	_ =	strace $0x90000049  }
0xb3: {  	s29 =	simm.s32 $0x9;
	_ =	strace $0x8000004B  }
0xb4: {  	_ =	swait.ge [sflag:s29], $0x1  }
0xb5: {  	[sflag:s29] =	ssyncadd.s32 $0xFFFFFFFF  }
0xb6: {  	_ =	strace $0x9000004B  }
0xb7: {  	_ =	sfence  }
0xb8: {  	s30 =	sld [smem:$0x0];
	_ =	sdelay $0x2  }
0xb9: {  	s31 =	sshll.u32 s1, $0xD;
	s1 =	sshrl.u32 s1, $0x2  }
0xba: {  	s3 =	sand.u32 $0x4000, s31;
	s1 =	sadd.s32 s1, s30  }
0xbb: {  	s0 =	sor.u32 s3, s0;
	s1 =	sshll.u32 s1, $0x11  }
0xbc: {  	s0 =	sor.u32 s1, s0  }
0xbd: {  	s0 =	sadd.s32 $0x8F2B, s0  }
0xbe: {  	[sflag:s0] =	ssyncadd.remote.s32 $0x1  }
0xbf: {  	_ =	sfence.sel $0xFFFF  }
0xc0: {  	[dreg:$0x0] =	wrdreg $0xFFFFFFFF;
	(pc) =	sbr.abs _section_cstart, $3  }
0xc1: {  	[dreg:$0x1] =	wrdreg $0xFFFFFFFF  }
0xc2: {  	_ =	task.clear_ibuf [dreg:s6], $0x2FFFF;
	_ =	strace $0x9FFFFFFF  }
0xc3: {  	(tm) =	ssettm $0x7FFFFFFF  }
tec
execute0_lowered:
.L_overlay_start_1:
0x0: {  	(tag) =	ssettag $0x1  }
0x1: {  	s0 =	rddreg [dreg:$0x0]  }
0x2: {  	s2 =	rddreg [dreg:$0x1]  }
0x3: {  	s3 =	rddreg [dreg:$0x2]  }
0x4: {  	s11 =	stileid.u32;
	s1 =	srdreg.scid;
	s6 =	simm.s32 $0x0  }
0x5: {  	s28 =	simm.s32 $0x7000;
	s29 =	simm.s32 $0x1;
	s31 =	simm.s32 $0x9000  }
0x6: {  	s30 =	simm.s32 $0x4;
	s1 =	sand.u32 $0x1, s1;
	s5 =	smul.u32 $0xA000, s11  }
0x7: {  	s4 =	sshll.u32 s11, $0x1;
	[smem:$0x7FF] =	sst s6;
	s7 =	smul.u32 $0x28000, s11  }
0x8: {  	s9 =	sadd.s32 $0x2DC00, s0;
	s13 =	sadd.s32 $0x96000, s2;
	s14 =	sadd.s32 $0x98000, s2  }
0x9: {  	s15 =	sadd.s32 $0x9A000, s2;
	s16 =	sadd.s32 $0x9C000, s2;
	s17 =	sadd.s32 $0x2CE00, s0  }
0xa: {  	s4 =	sor.u32 s1, s4;
	s8 =	ssub.s32 $0x2, s1;
	s1 =	smul.u32 $0x9C400, s1  }
0xb: {  	p0 =	seq.s32 s11, $0xF;
	_ =	strace $0x8000004A;
	s4 =	smul.u32 $0x2800, s4  }
0xc: {  	s20 =	sshrl.u32 s5, $0x3;
	s10 =	sshrl.u32 s8, $0x1;
	s7 =	sshrl.u32 s7, $0x2  }
0xd: {  	s6 =	sadd.s32 s20, s0;
	s8 =	ssub.s32 s8, s10;
	s22 =	sadd.s32 s7, s2  }
0xe: {  	s7 =	sadd.s32 s5, s2;
	s4 =	sshrl.u32 s4, $0x3;
	s23 =	sadd.s32 $0x2000, s22  }
0xf: {  	s24 =	sadd.s32 $0x4000, s22;
	s25 =	sadd.s32 $0x6000, s22;
	[dreg:$0x6] =	wrdreg s23  }
0x10: {  	s26 =	sadd.s32 $0x8000, s22;
	s12 =	sadd.s32 $0x1A200, s6;
	[dreg:$0x7] =	wrdreg s24  }
0x11: {  	s6 =	sadd.s32 $0x96000, s3;
	s20 =	smax.u32 s8, $0x1;
	[dreg:$0x8] =	wrdreg s25  }
0x12: {  	s22 =	simm.s32 $0x2800;
	s4 =	sadd.s32 s4, s0;
	[dreg:$0x9] =	wrdreg s26  }
0x13: {  	s23 =	sshrl.u32 @p0 s6, $0x3;
	s25 =	simm.s32 $0x80;
	s21 =	sadd.s32 $0x6200, s4  }
0x14: {  	s26 =	simm.s32 $0x5000;
	s4 =	sadd.s32 $0x10200, s4;
	[dreg:$0x4] =	wrdreg s21  }
0x15: {  	s0 =	simm.s32 $0x2;
	s6 =	simm.s32 $0x0;
	[dreg:$0x5] =	wrdreg s4  }
0x16: {  	s4 =	sadd.s32 s5, s3;
	s5 =	sadd.s32 s5, s1;
	s1 =	sshrl.u32 s1, $0x3  }
0x17: {  	s21 =	simm.s32 $0x7;
	s5 =	sshrl.u32 s5, $0x3;
	s1 =	sadd.s32 s9, s1  }
0x18: {  	s24 =	sshrl.u32 @!p0 s4, $0x3;
	s4 =	simm.s32 $0x5;
	s18 =	sadd.s32 s9, s5  }
0x19: {  	v0 =	vimm.f32 $0.0e+00;
	s19 =	sadd.s32 $0x12C00, s1;
	s1 =	simm.s32 $0x3;
	s5 =	simm.s32 $0x6  }
.LBB2_1:
0x1a: {  	s9 =	simm.s32 $0x100;
	s8 =	simm.s32 $0x0  }
.LBB2_2:
0x1b: {  	p1 =	sne.s32 s9, $0x7F00;
	[tilespmem:s8+$0x5030] =	vst v0;
	s10 =	smov.u32 s9;
	s9 =	sadd.s32 $0x100, s9  }
.Ltmp0:
0x1c: {  	[tilespmem:s8+$0x5020] =	vst v0;
	(pc) =	sbr.rel @p1 .LBB2_2-.Ltmp0, $3  }
0x1d: {  	[tilespmem:s8+$0x5000] =	vst v0  }
0x1e: {  	[tilespmem:s8+$0x5010] =	vst v0;
	_ =	sdelay $0x1  }
0x1f: {  	s8 =	sshra.s32 s10, $0x2  }
0x20: {  	[tilespmem:s8+$0x5030] =	vst v0  }
0x21: {  	[tilespmem:s8+$0x5020] =	vst v0  }
0x22: {  	[tilespmem:s8+$0x5000] =	vst v0  }
0x23: {  	[tilespmem:s8+$0x5010] =	vst v0;
	s11 =	simm.s32 $0x0;
	s9 =	rddreg [dreg:$0x4]  }
0x24: {  	[tilespmem:s11], [sflag:$0x7] =	stream.linear.gather [hbm4b:s9+s11], $0x2800, $0x38;
	[tilespmem:$0x1E9C0] =	vst v63  }
0x25: {  	_ =	swait.ge [sflag:s21], $0x2800  }
0x26: {  	[sflag:s21] =	ssyncset.done $0x0  }
0x27: {  	s10 =	rddreg [dreg:$0x5];
	[sflag:s21] =	ssyncadd.s32 $0xFFFFD800  }
0x28: {  	[tilespmem:s22], [sflag:$0x7] =	stream.linear.gather [hbm4b:s10+s11], $0x2800, $0x38;
	[tilespmem:$0x1E9C0] =	vst v63  }
0x29: {  	_ =	swait.ge [sflag:s21], $0x2800  }
0x2a: {  	[sflag:s21] =	ssyncset.done $0x0  }
0x2b: {  	s8 =	simm.s32 @p0 $0x5000;
	s9 =	simm.s32 @p0 $0x7;
	[sflag:s21] =	ssyncadd.s32 $0xFFFFD800  }
0x2c: {  	[spmem:s13] =	stream.linear.scatter @p0 [tilespmem:s8], [sflag:$0x7], $0x2000, $0x38;
	[tilespmem:$0x1E9C0] =	vst v63  }
0x2d: {  	_ =	swait.ge @p0 [sflag:s9], $0x2000  }
0x2e: {  	[sflag:s9] =	ssyncset.done @p0 $0x0  }
0x2f: {  	[sflag:s9] =	ssyncadd.s32 @p0 $0xFFFFE000  }
0x30: {  	[spmem:s14] =	stream.linear.scatter @p0 [tilespmem:s8], [sflag:$0x7], $0x2000, $0x38;
	[tilespmem:$0x1E9C0] =	vst v63  }
0x31: {  	_ =	swait.ge @p0 [sflag:s9], $0x2000  }
0x32: {  	[sflag:s9] =	ssyncset.done @p0 $0x0  }
0x33: {  	[sflag:s9] =	ssyncadd.s32 @p0 $0xFFFFE000  }
0x34: {  	[spmem:s15] =	stream.linear.scatter @p0 [tilespmem:s8], [sflag:$0x7], $0x2000, $0x38;
	[tilespmem:$0x1E9C0] =	vst v63  }
0x35: {  	_ =	swait.ge @p0 [sflag:s9], $0x2000  }
0x36: {  	[sflag:s9] =	ssyncset.done @p0 $0x0  }
0x37: {  	[sflag:s9] =	ssyncadd.s32 @p0 $0xFFFFE000  }
0x38: {  	[spmem:s16] =	stream.linear.scatter @p0 [tilespmem:s8], [sflag:$0x7], $0x1800, $0x38;
	[tilespmem:$0x1E9C0] =	vst v63  }
0x39: {  	_ =	swait.ge @p0 [sflag:s9], $0x1800  }
0x3a: {  	[sflag:s9] =	ssyncset.done @p0 $0x0  }
0x3b: {  	s8 =	simm.s32 @p0 $0x1FC7;
	[sflag:s9] =	ssyncadd.s32 @p0 $0xFFFFE800  }
0x3c: {  	[spmem:s23], [sflag:s8] =	dma.local @p0 [hbm:s17], $0xC80  }
0x3d: {  	_ =	swait.ge @p0 [sflag:s9], $0xC80  }
0x3e: {  	[sflag:s9] =	ssyncset.done @p0 $0x0  }
0x3f: {  	s8 =	simm.s32 @!p0 $0x5000;
	[sflag:s9] =	ssyncadd.s32 @p0 $0xFFFFF380;
	s9 =	simm.s32 @!p0 $0x7  }
0x40: {  	[spmem:s7] =	stream.linear.scatter @!p0 [tilespmem:s8], [sflag:$0x7], $0x2000, $0x38;
	[tilespmem:$0x1E9C0] =	vst v63  }
0x41: {  	_ =	swait.ge @!p0 [sflag:s9], $0x2000  }
0x42: {  	[sflag:s9] =	ssyncset.done @!p0 $0x0  }
0x43: {  	s10 =	rddreg [dreg:$0x6];
	[sflag:s9] =	ssyncadd.s32 @!p0 $0xFFFFE000  }
0x44: {  	[spmem:s10] =	stream.linear.scatter @!p0 [tilespmem:s8], [sflag:$0x7], $0x2000, $0x38;
	[tilespmem:$0x1E9C0] =	vst v63  }
0x45: {  	_ =	swait.ge @!p0 [sflag:s9], $0x2000  }
0x46: {  	[sflag:s9] =	ssyncset.done @!p0 $0x0  }
0x47: {  	s10 =	rddreg [dreg:$0x7];
	[sflag:s9] =	ssyncadd.s32 @!p0 $0xFFFFE000  }
0x48: {  	[spmem:s10] =	stream.linear.scatter @!p0 [tilespmem:s8], [sflag:$0x7], $0x2000, $0x38;
	[tilespmem:$0x1E9C0] =	vst v63  }
0x49: {  	_ =	swait.ge @!p0 [sflag:s9], $0x2000  }
0x4a: {  	[sflag:s9] =	ssyncset.done @!p0 $0x0  }
0x4b: {  	s10 =	rddreg [dreg:$0x8];
	[sflag:s9] =	ssyncadd.s32 @!p0 $0xFFFFE000  }
0x4c: {  	[spmem:s10] =	stream.linear.scatter @!p0 [tilespmem:s8], [sflag:$0x7], $0x2000, $0x38;
	[tilespmem:$0x1E9C0] =	vst v63  }
0x4d: {  	_ =	swait.ge @!p0 [sflag:s9], $0x2000  }
0x4e: {  	[sflag:s9] =	ssyncset.done @!p0 $0x0  }
0x4f: {  	s10 =	rddreg [dreg:$0x9];
	[sflag:s9] =	ssyncadd.s32 @!p0 $0xFFFFE000  }
0x50: {  	[spmem:s10] =	stream.linear.scatter @!p0 [tilespmem:s8], [sflag:$0x7], $0x2000, $0x38;
	[tilespmem:$0x1E9C0] =	vst v63  }
0x51: {  	s8 =	stileid.u32;
	_ =	swait.ge @!p0 [sflag:s9], $0x2000  }
0x52: {  	s8 =	sshll.u32 @!p0 s8, $0x6;
	[sflag:s9] =	ssyncset.done @!p0 $0x0  }
0x53: {  	s8 =	sor.u32 @!p0 $0x1C07, s8;
	[sflag:s9] =	ssyncadd.s32 @!p0 $0xFFFFE000  }
0x54: {  	[spmem:s24], [sflag:s8] =	dma.local @!p0 [hbm:s12], $0x1400  }
0x55: {  	_ =	swait.ge @!p0 [sflag:s9], $0x1400  }
0x56: {  	[sflag:s9] =	ssyncset.done @!p0 $0x0  }
0x57: {  	[sflag:s9] =	ssyncadd.s32 @!p0 $0xFFFFEC00  }
0x58: {  	s11 =	simm.s32 $0x0;
	[bflag:$0x0] =	sbarrier.arrive $0xFFFF  }
0x59: {  	[tilespmem:s26], [sflag:$0x1] =	stream.indirect.gather [spmem:s3], $0x40, s11, s25, $0xb8;
	[tilespmem:$0x1E9C0] =	vst v63  }
0x5a: {  	_ = 	snop  }
0x5b: {  	[tilespmem:s28], [sflag:$0x2] =	stream.indirect.gather [spmem:s3], $0x40, s25, s25, $0xb8;
	[tilespmem:$0x1E9C0] =	vst v63  }
0x5c: {  	_ =	swait.ge [sflag:s29], $0x2000  }
0x5d: {  	[sflag:s29] =	ssyncset.done $0x0  }
0x5e: {  	[sflag:s29] =	ssyncadd.s32 $0xFFFFE000  }
0x5f: {  	[spmem:s2] =	stream.indirect.scatter.add.f32 [tilespmem:s26], [sflag:$0x4], $0x40, s22, s25, $0xb8;
	[tilespmem:$0x1E9C0] =	vst v63  }
0x60: {  	s10 =	simm.s32 $0x100  }
0x61: {  	[tilespmem:s31], [sflag:$0x3] =	stream.indirect.gather [spmem:s3], $0x40, s10, s25, $0xb8;
	[tilespmem:$0x1E9C0] =	vst v63  }
0x62: {  	_ =	swait.ge [sflag:s0], $0x2000  }
0x63: {  	[sflag:s0] =	ssyncset.done $0x0  }
0x64: {  	s11 =	simm.s32 $0x2880;
	[sflag:s0] =	ssyncadd.s32 $0xFFFFE000  }
0x65: {  	[spmem:s2] =	stream.indirect.scatter.add.f32 [tilespmem:s28], [sflag:$0x5], $0x40, s11, s25, $0xb8;
	[tilespmem:$0x1E9C0] =	vst v63  }
0x66: {  	_ =	swait.ge [sflag:s30], $0x2000  }
0x67: {  	[sflag:s30] =	ssyncset.done $0x0  }
0x68: {  	s10 =	simm.s32 $0x180;
	[sflag:s30] =	ssyncadd.s32 $0xFFFFE000  }
0x69: {  	[tilespmem:s26], [sflag:$0x1] =	stream.indirect.gather [spmem:s3], $0x40, s10, s25, $0xb8;
	[tilespmem:$0x1E9C0] =	vst v63  }
0x6a: {  	_ =	swait.ge [sflag:s1], $0x2000  }
0x6b: {  	[sflag:s1] =	ssyncset.done $0x0  }
0x6c: {  	s11 =	simm.s32 $0x2900;
	[sflag:s1] =	ssyncadd.s32 $0xFFFFE000  }
0x6d: {  	[spmem:s2] =	stream.indirect.scatter.add.f32 [tilespmem:s31], [sflag:$0x6], $0x40, s11, s25, $0xb8;
	[tilespmem:$0x1E9C0] =	vst v63  }
0x6e: {  	_ =	swait.ge [sflag:s4], $0x2000  }
0x6f: {  	[sflag:s4] =	ssyncset.done $0x0  }
0x70: {  	s10 =	simm.s32 $0x200;
	[sflag:s4] =	ssyncadd.s32 $0xFFFFE000  }
0x71: {  	[tilespmem:s28], [sflag:$0x2] =	stream.indirect.gather [spmem:s3], $0x40, s10, s25, $0xb8;
	[tilespmem:$0x1E9C0] =	vst v63  }
0x72: {  	_ =	swait.ge [sflag:s29], $0x2000  }
0x73: {  	[sflag:s29] =	ssyncset.done $0x0  }
0x74: {  	s11 =	simm.s32 $0x2980;
	[sflag:s29] =	ssyncadd.s32 $0xFFFFE000  }
0x75: {  	[spmem:s2] =	stream.indirect.scatter.add.f32 [tilespmem:s26], [sflag:$0x4], $0x40, s11, s25, $0xb8;
	[tilespmem:$0x1E9C0] =	vst v63  }
0x76: {  	_ =	swait.ge [sflag:s5], $0x2000  }
0x77: {  	[sflag:s5] =	ssyncset.done $0x0  }
0x78: {  	s10 =	simm.s32 $0x280;
	[sflag:s5] =	ssyncadd.s32 $0xFFFFE000  }
0x79: {  	[tilespmem:s31], [sflag:$0x3] =	stream.indirect.gather [spmem:s3], $0x40, s10, s25, $0xb8;
	[tilespmem:$0x1E9C0] =	vst v63  }
0x7a: {  	_ =	swait.ge [sflag:s0], $0x2000  }
0x7b: {  	[sflag:s0] =	ssyncset.done $0x0  }
0x7c: {  	s11 =	simm.s32 $0x2A00;
	[sflag:s0] =	ssyncadd.s32 $0xFFFFE000  }
0x7d: {  	[spmem:s2] =	stream.indirect.scatter.add.f32 [tilespmem:s28], [sflag:$0x5], $0x40, s11, s25, $0xb8;
	[tilespmem:$0x1E9C0] =	vst v63  }
0x7e: {  	_ =	swait.ge [sflag:s30], $0x2000  }
0x7f: {  	[sflag:s30] =	ssyncset.done $0x0  }
0x80: {  	s10 =	simm.s32 $0x300;
	[sflag:s30] =	ssyncadd.s32 $0xFFFFE000  }
0x81: {  	[tilespmem:s26], [sflag:$0x1] =	stream.indirect.gather [spmem:s3], $0x40, s10, s25, $0xb8;
	[tilespmem:$0x1E9C0] =	vst v63  }
0x82: {  	_ =	swait.ge [sflag:s1], $0x2000  }
0x83: {  	[sflag:s1] =	ssyncset.done $0x0  }
0x84: {  	s11 =	simm.s32 $0x2A80;
	[sflag:s1] =	ssyncadd.s32 $0xFFFFE000  }
0x85: {  	[spmem:s2] =	stream.indirect.scatter.add.f32 [tilespmem:s31], [sflag:$0x6], $0x40, s11, s25, $0xb8;
	[tilespmem:$0x1E9C0] =	vst v63  }
0x86: {  	_ =	swait.ge [sflag:s4], $0x2000  }
0x87: {  	[sflag:s4] =	ssyncset.done $0x0  }
0x88: {  	s9 =	simm.s32 $0x600;
	s10 =	simm.s32 $0x380;
	[sflag:s4] =	ssyncadd.s32 $0xFFFFE000  }
.LBB2_4:
0x89: {  	[tilespmem:s28], [sflag:$0x2] =	stream.indirect.gather [spmem:s3], $0x40, s10, s25, $0xb8;
	[tilespmem:$0x1E9C0] =	vst v63  }
0x8a: {  	s10 =	smov.u32 s9  }
0x8b: {  	p1 =	sne.s32 s9, $0x9000;
	s9 =	sadd.s32 $0x600, s9;
	_ =	swait.ge [sflag:s29], $0x2000  }
0x8c: {  	s10 =	sshra.s32 s10, $0x2;
	[sflag:s29] =	ssyncset.done $0x0  }
0x8d: {  	s11 =	sadd.s32 $0x2980, s10;
	[sflag:s29] =	ssyncadd.s32 $0xFFFFE000  }
0x8e: {  	[spmem:s2] =	stream.indirect.scatter.add.f32 [tilespmem:s26], [sflag:$0x4], $0x40, s11, s25, $0xb8;
	[tilespmem:$0x1E9C0] =	vst v63  }
0x8f: {  	_ =	swait.ge [sflag:s5], $0x2000  }
0x90: {  	[sflag:s5] =	ssyncset.done $0x0  }
0x91: {  	s11 =	sadd.s32 $0x280, s10;
	[sflag:s5] =	ssyncadd.s32 $0xFFFFE000  }
0x92: {  	[tilespmem:s31], [sflag:$0x3] =	stream.indirect.gather [spmem:s3], $0x40, s11, s25, $0xb8;
	[tilespmem:$0x1E9C0] =	vst v63  }
0x93: {  	_ =	swait.ge [sflag:s0], $0x2000  }
0x94: {  	[sflag:s0] =	ssyncset.done $0x0  }
0x95: {  	s11 =	sadd.s32 $0x2A00, s10;
	[sflag:s0] =	ssyncadd.s32 $0xFFFFE000  }
0x96: {  	[spmem:s2] =	stream.indirect.scatter.add.f32 [tilespmem:s28], [sflag:$0x5], $0x40, s11, s25, $0xb8;
	[tilespmem:$0x1E9C0] =	vst v63  }
0x97: {  	_ =	swait.ge [sflag:s30], $0x2000  }
0x98: {  	[sflag:s30] =	ssyncset.done $0x0  }
0x99: {  	s11 =	sadd.s32 $0x300, s10;
	[sflag:s30] =	ssyncadd.s32 $0xFFFFE000  }
0x9a: {  	[tilespmem:s26], [sflag:$0x1] =	stream.indirect.gather [spmem:s3], $0x40, s11, s25, $0xb8;
	[tilespmem:$0x1E9C0] =	vst v63  }
0x9b: {  	_ =	swait.ge [sflag:s1], $0x2000  }
0x9c: {  	[sflag:s1] =	ssyncset.done $0x0  }
.Ltmp1:
0x9d: {  	s11 =	sadd.s32 $0x2A80, s10;
	[sflag:s1] =	ssyncadd.s32 $0xFFFFE000;
	(pc) =	sbr.rel @p1 .LBB2_4-.Ltmp1, $4  }
0x9e: {  	[spmem:s2] =	stream.indirect.scatter.add.f32 [tilespmem:s31], [sflag:$0x6], $0x40, s11, s25, $0xb8;
	[tilespmem:$0x1E9C0] =	vst v63  }
0x9f: {  	_ =	swait.ge [sflag:s4], $0x2000  }
0xa0: {  	[sflag:s4] =	ssyncset.done $0x0  }
0xa1: {  	s10 =	sadd.s32 $0x380, s10;
	[sflag:s4] =	ssyncadd.s32 $0xFFFFE000  }
0xa2: {  	[tilespmem:s28], [sflag:$0x2] =	stream.indirect.gather [spmem:s3], $0x40, s10, s25, $0xb8;
	[tilespmem:$0x1E9C0] =	vst v63  }
0xa3: {  	_ =	swait.ge [sflag:s29], $0x2000  }
0xa4: {  	[sflag:s29] =	ssyncset.done $0x0  }
0xa5: {  	s9 =	simm.s32 $0x4F00;
	[sflag:s29] =	ssyncadd.s32 $0xFFFFE000  }
0xa6: {  	[spmem:s2] =	stream.indirect.scatter.add.f32 [tilespmem:s26], [sflag:$0x4], $0x40, s9, s25, $0xb8;
	[tilespmem:$0x1E9C0] =	vst v63  }
0xa7: {  	_ =	swait.ge [sflag:s5], $0x2000  }
0xa8: {  	[sflag:s5] =	ssyncset.done $0x0  }
0xa9: {  	[sflag:s5] =	ssyncadd.s32 $0xFFFFE000  }
0xaa: {  	_ =	swait.ge [sflag:s0], $0x2000  }
0xab: {  	[sflag:s0] =	ssyncset.done $0x0  }
0xac: {  	s11 =	simm.s32 $0x4F80;
	[sflag:s0] =	ssyncadd.s32 $0xFFFFE000  }
0xad: {  	[spmem:s2] =	stream.indirect.scatter.add.f32 [tilespmem:s28], [sflag:$0x5], $0x40, s11, s25, $0xb8;
	[tilespmem:$0x1E9C0] =	vst v63  }
0xae: {  	_ =	swait.ge [sflag:s30], $0x2000  }
0xaf: {  	[sflag:s30] =	ssyncset.done $0x0  }
0xb0: {  	[sflag:s30] =	ssyncadd.s32 $0xFFFFE000  }
0xb1: {  	_ =	swait.ge [sflag:s4], $0x2000  }
0xb2: {  	[sflag:s4] =	ssyncset.done $0x0  }
0xb3: {  	[sflag:s4] =	ssyncadd.s32 $0xFFFFE000  }
0xb4: {  	s10 =	simm.s32 @p0 $0x1FC7;
	s9 =	sshrl.u32 @p0 s13, $0x3;
	[bflag:$0x0] =	sbarrier.arrive $0xFFFF  }
0xb5: {  	[hbm:s19], [sflag:s10] =	dma.local @p0 [spmem:s9], $0xC80  }
0xb6: {  	s9 =	simm.s32 @p0 $0x7  }
0xb7: {  	_ =	swait.ge @p0 [sflag:s9], $0xC80  }
0xb8: {  	s6 =	sadd.s32 $0x1, s6;
	[sflag:s9] =	ssyncset.done @p0 $0x0  }
0xb9: {  	p1 =	sne.s32 s6, s20;
	[sflag:s9] =	ssyncadd.s32 @p0 $0xFFFFF380;
	s9 =	sshrl.u32 @!p0 s7, $0x3  }
0xba: {  	[hbm:s18], [sflag:s8] =	dma.local @!p0 [spmem:s9], $0x1400  }
.Ltmp2:
0xbb: {  	_ = 	snop;
	(pc) =	sbr.rel @p1 .LBB2_1-.Ltmp2, $4  }
0xbc: {  	s8 =	simm.s32 @!p0 $0x7  }
0xbd: {  	_ =	swait.ge @!p0 [sflag:s8], $0x1400  }
0xbe: {  	[sflag:s8] =	ssyncset.done @!p0 $0x0  }
0xbf: {  	[sflag:s8] =	ssyncadd.s32 @!p0 $0xFFFFEC00  }
0xc0: {  	_ =	sfence.sel $0x180000  }
0xc1: {  	[bflag:$0x0] =	sbarrier.arrive $0xFFFF  }
0xc2: {  	_ =	strace $0x9000004A  }
0xc3: {  	s0 =	stileid.u32;
	[bflag:$0x2] =	sbarrier.arrive $0xFFFF  }
0xc4: {  	p0 =	sne.s32 s0, $0x0;
	s0 =	rddreg [dreg:$0x3]  }
0xc5: {  	s0 =	sadd.s32 @!p0 $0x100000, s0  }
0xc6: {  	[sflag:s0] =	ssyncadd.tile.s32 @!p0 $0x1;
	_ =	shalt  }
.Lfunc_end2:
_tile_overlayer_lowered:
.L_overlay_start_2:
0xc7: {  	(tag) =	ssettag $0x2  }
0xc8: {  	s0 =	rddreg [dreg:$0x0];
	s2 =	stileid.u32  }
0xc9: {  	s1 =	rddreg [dreg:$0x1];
	p0 =	sne.s32 s2, $0x0  }
0xca: {  	s3 =	rddreg [dreg:$0x2];
	[bflag:$0x3] =	sbarrier.arrive $0xFFFF;
	s2 =	simm.s32 @!p0 $0x1C07  }
0xcb: {  	[timem:s3], [sflag:s2] =	dma.local @!p0 [hbm:s0], s1  }
0xcc: {  	s0 =	simm.s32 @!p0 $0x7  }
0xcd: {  	_ =	swait.ge @!p0 [sflag:s0], s1  }
0xce: {  	s1 =	ssub.s32 @!p0 $0x0, s1;
	[sflag:s0] =	ssyncset.done @!p0 $0x0  }
0xcf: {  	[sflag:s0] =	ssyncadd.s32 @!p0 s1  }
0xd0: {  	[bflag:$0x3] =	sbarrier.arrive $0xFFFF  }
0xd1: {  	_ =	shalt  }

// kernel: kernel.19.cloned.1.call-start
scs
__scs_entry_jumppad:
0x0: {  	(pc) =	sbr.rel $0x88, $3  }
0x1: {  	(tag) =	ssettag $0x0;
	lr =	simm.s32 $0x1  }
0x2: {  	[smem:$0x3F7C] =	sst lr;
	_ =	strace $0xD0000000  }
0x3: {  	_ = 	snop  }
0x4: {  	_ = 	snop  }
0x5: {  	_ = 	snop  }
0x6: {  	_ = 	snop  }
0x7: {  	_ = 	snop  }
__scs_overlays_trampoline_lowered:
0x8: {  	[smem:$0x3F8B] =	sst s0  }
0x9: {  	[smem:$0x3F8C] =	sst s1  }
0xa: {  	[smem:$0x3F8D] =	sst s2  }
0xb: {  	[smem:$0x3F8E] =	sst s3  }
0xc: {  	[smem:$0x3F8F] =	sst s4  }
0xd: {  	[smem:$0x3F90] =	sst s5  }
0xe: {  	[smem:$0x3F91] =	sst s6  }
0xf: {  	[smem:$0x3F92] =	sst s7  }
0x10: {  	[smem:$0x3F93] =	sst s8  }
0x11: {  	[smem:$0x3F94] =	sst s9;
	s0 =	simm.s32 @!p0 $0x0  }
0x12: {  	s1 =	sld [smem:$0x3F7A];
	s0 =	simm.s32 @p0 $0x1  }
0x13: {  	[smem:$0x3F95] =	sst s0;
	s0 =	simm.s32 @!p1 $0x0  }
0x14: {  	s2 =	sld [smem:$0x3F79];
	s0 =	simm.s32 @p1 $0x1  }
0x15: {  	[smem:$0x3F96] =	sst s0;
	s0 =	simm.s32 @!p2 $0x0  }
0x16: {  	s3 =	sld [smem:$0x3FDB];
	s0 =	simm.s32 @p2 $0x1  }
0x17: {  	s4 =	simm.s32 $0x1BF5;
	[smem:$0x3F98] =	sst s0  }
0x18: {  	s0 =	sld [smem:$0x3F7B];
	_ =	swait.ge [sflag:s4], $0x0  }
0x19: {  	s7 =	sld [smem:$0x3F7C]  }
0x1a: {  	s8 =	sadd.s32 $0xFFFFE003, lr  }
0x1b: {  	s9 =	sadd.s32 $0xFFFFFEF7, lr;
	s5 =	simm.s32 $0xFFFFFFFF;
	p2 =	slt.u32 s8, $0xFFFFF086  }
0x1c: {  	p1 =	slt.u32 s9, $0xF7A;
	s5 =	simm.s32 @!p2 $0x0  }
0x1d: {  	s5 =	simm.s32 @p1 $0x1;
	p0 =	seq.s32 s7, s2  }
0x1e: {  	s7 =	smul.u32 @!p0 $0xF7A, s2;
	p2 =	seq.s32 @!p0 s5, $0x0  }
0x1f: {  	s9 =	smul.u32 $0xF7A, s1;
	s8 =	simm.s32 @!p0 $0x1BF5;
	p2 =	por !p2, p0  }
0x20: {  	[sflag:s8] =	ssyncset.s32 @!p0 $0xFFFFF086;
	s6 =	sadd.s32 @!p0 s3, s7;
	s7 =	simm.s32 @!p0 $0x108  }
0x21: {  	s3 =	sadd.s32 s3, s9;
	s6 =	sadd.s32 @!p0 $0x88, s6;
	s7 =	simm.s32 @p2 $0x1082  }
0x22: {  	[simem:s7], [sflag:s8] =	dma.local @!p0 [hbm:s6], $0xF7A  }
0x23: {  	s9 =	sor.u32 $0xD0000000, s2;
	s6 =	simm.s32 $0x108;
	_ =	swait.ge @!p0 [sflag:s8], $0x0  }
0x24: {  	s3 =	sadd.s32 $0x88, s3;
	s6 =	simm.s32 @!p1 $0x1082;
	[sflag:s4] =	ssyncset.s32 $0xFFFFF086  }
0x25: {  	[simem:s6], [sflag:s4] =	dma.local [hbm:s3], $0xF7A  }
0x26: {  	[smem:$0x3F7C] =	sst s1;
	(tag) =	ssettag s2;
	_ =	strace s9  }
0x27: {  	s1 =	sld [smem:$0x3F8C]  }
0x28: {  	s2 =	sld [smem:$0x3F8D]  }
0x29: {  	s4 =	sld [smem:$0x3F8F]  }
0x2a: {  	p0 =	seq.s32 s5, $0x0;
	s5 =	sld [smem:$0x3F90]  }
0x2b: {  	s6 =	sld [smem:$0x3F91]  }
0x2c: {  	s7 =	sld [smem:$0x3F92]  }
0x2d: {  	s3 =	simm.s32 $0x108;
	s8 =	sld [smem:$0x3F93]  }
0x2e: {  	s3 =	simm.s32 @!p0 $0x1082;
	s9 =	sld [smem:$0x3F94]  }
0x2f: {  	lr =	sadd.s32 s0, s3;
	s0 =	sld [smem:$0x3F8B]  }
0x30: {  	s3 =	sld [smem:$0x3F8E]  }
0x31: {  	[smem:$0x3F97] =	sst s10  }
0x32: {  	s10 =	sld [smem:$0x3F95];
	_ =	sdelay $0x3  }
0x33: {  	p0 =	seq.s32 s10, $0x1;
	s10 =	sld [smem:$0x3F97];
	_ =	sdelay $0x3  }
0x34: {  	[smem:$0x3F97] =	sst s10  }
0x35: {  	s10 =	sld [smem:$0x3F96];
	_ =	sdelay $0x3  }
0x36: {  	p1 =	seq.s32 s10, $0x1;
	s10 =	sld [smem:$0x3F97];
	_ =	sdelay $0x3  }
0x37: {  	[smem:$0x3F97] =	sst s10  }
0x38: {  	s10 =	sld [smem:$0x3F98]  }
0x39: {  	_ = 	snop;
	(pc) =	sbr.ind lr, $3  }
0x3a: {  	_ = 	snop  }
0x3b: {  	_ = 	snop  }
0x3c: {  	p2 =	seq.s32 s10, $0x1;
	s10 =	sld [smem:$0x3F97]  }
0x3d: {  	_ =	shalt  }
0x3e: {  	_ =	shalt  }
0x3f: {  	_ =	shalt  }
0x40: {  	_ =	shalt  }
0x41: {  	_ =	shalt  }
0x42: {  	_ =	shalt  }
0x43: {  	_ =	shalt  }
0x44: {  	_ =	shalt  }
0x45: {  	_ =	shalt  }
0x46: {  	_ =	shalt  }
0x47: {  	_ =	shalt  }
0x48: {  	_ =	shalt  }
0x49: {  	_ =	shalt  }
0x4a: {  	_ =	shalt  }
0x4b: {  	_ =	shalt  }
0x4c: {  	_ =	shalt  }
0x4d: {  	_ =	shalt  }
0x4e: {  	_ =	shalt  }
0x4f: {  	_ =	shalt  }
0x50: {  	_ =	shalt  }
0x51: {  	_ =	shalt  }
0x52: {  	_ =	shalt  }
0x53: {  	_ =	shalt  }
0x54: {  	_ =	shalt  }
0x55: {  	_ =	shalt  }
0x56: {  	_ =	shalt  }
0x57: {  	_ =	shalt  }
0x58: {  	_ =	shalt  }
0x59: {  	_ =	shalt  }
0x5a: {  	_ =	shalt  }
0x5b: {  	_ =	shalt  }
0x5c: {  	_ =	shalt  }
0x5d: {  	_ =	shalt  }
0x5e: {  	_ =	shalt  }
0x5f: {  	_ =	shalt  }
0x60: {  	_ =	shalt  }
0x61: {  	_ =	shalt  }
0x62: {  	_ =	shalt  }
0x63: {  	_ =	shalt  }
0x64: {  	_ =	shalt  }
0x65: {  	_ =	shalt  }
0x66: {  	_ =	shalt  }
0x67: {  	_ =	shalt  }
0x68: {  	_ =	shalt  }
0x69: {  	_ =	shalt  }
0x6a: {  	_ =	shalt  }
0x6b: {  	_ =	shalt  }
0x6c: {  	_ =	shalt  }
0x6d: {  	_ =	shalt  }
0x6e: {  	_ =	shalt  }
0x6f: {  	_ =	shalt  }
0x70: {  	_ =	shalt  }
0x71: {  	_ =	shalt  }
0x72: {  	_ =	shalt  }
0x73: {  	_ =	shalt  }
0x74: {  	_ =	shalt  }
0x75: {  	_ =	shalt  }
0x76: {  	_ =	shalt  }
0x77: {  	_ =	shalt  }
0x78: {  	_ =	shalt  }
0x79: {  	_ =	shalt  }
0x7a: {  	_ =	shalt  }
0x7b: {  	_ =	shalt  }
0x7c: {  	_ =	shalt  }
0x7d: {  	_ =	shalt  }
0x7e: {  	_ =	shalt  }
0x7f: {  	_ =	shalt  }
0x80: {  	_ =	shalt  }
0x81: {  	_ =	shalt  }
0x82: {  	_ =	shalt  }
0x83: {  	_ =	shalt  }
0x84: {  	_ =	shalt  }
0x85: {  	_ =	shalt  }
0x86: {  	_ =	shalt  }
0x87: {  	_ =	shalt  }
.Lfunc_end0:
.L_simem_size_0:
called_computation.2_lowered:
.L_overlay_start_0:
0x88: {  	s2 =	sld [smem:$0x3FD9]  }
0x89: {  	s3 =	sld [smem:$0x3FFE];
	_ =	sdelay $0x1  }
0x8a: {  	s1 =	srdreg.scid  }
0x8b: {  	s0 =	sand.u32 $0x1, s1  }
0x8c: {  	s16 =	sshll.u32 s0, $0xA;
	s2 =	sadd.s32 s3, s2  }
0x8d: {  	s2 =	sadd.s32 s2, s16  }
0x8e: {  	[smem:$0x3FA3] =	sst s2  }
0x8f: {  	_ = 	snop  }
0x90: {  	(tm) =	ssettm $0x1  }
0x91: {  	s17 =	sld [smem:$0x3FFB];
	_ =	sdelay $0x3  }
0x92: {  	_ =	strace s17  }
0x93: {  	s2 =	sld [smem:$0x3FFC];
	_ =	sdelay $0x3  }
0x94: {  	_ =	strace s2  }
0x95: {  	s2 =	sld [smem:$0x3FFD];
	_ =	sdelay $0x3  }
0x96: {  	_ =	strace s2  }
0x97: {  	_ =	strace $0x8FFFFFFF  }
0x98: {  	s18 =	sld [smem:$0x3FDB];
	_ =	sdelay $0x1  }
0x99: {  	s19 =	simm.s32 $_scs_section_size  }
0x9a: {  	s4 =	simm.s32 $_size__tile_overlayer_lowered;
	s5 =	simm.s32 $_tile_overlayer_lowered  }
0x9b: {  	s22 =	simm.s32 $0x1BFF;
	s21 =	sshll.u32 s5, $0x1;
	s2 =	sadd.s32 s19, s18  }
0x9c: {  	s6 =	simm.s32 $0x0;
	s20 =	sshll.u32 s4, $0x1;
	s4 =	sadd.s32 s21, s2  }
0x9d: {  	[timem:s6], [sflag:s22] =	dma.local [hbm:s4], s20  }
0x9e: {  	_ =	swait.ge [sflag:s22], s20  }
0x9f: {  	s3 =	ssub.s32 $0x0, s20;
	[sflag:s22] =	ssyncset.done $0x0  }
0xa0: {  	[sflag:s22] =	ssyncadd.s32 s3;
	_ =	sdelay $0x1  }
0xa1: {  	s23 =	simm.s32 $0x1B8B  }
0xa2: {  	_ =	swait.ge [sflag:s23], $0x1  }
0xa3: {  	[sflag:s23] =	ssyncset.done $0x0  }
0xa4: {  	s25 =	simm.s32 $0x1B8E;
	s24 =	sld [smem:$0x3FFE];
	[sflag:s23] =	ssyncadd.s32 $0xFFFFFFFF  }
0xa5: {  	s26 =	simm.s32 $execute0_lowered;
	[smem:$0x3FD2] =	sst s25  }
0xa6: {  	s4 =	sshll.u32 s26, $0x1;
	_ =	strace $0x8000004C;
	[dreg:$0x1] =	wrdreg $0xFFFFFFFF  }
0xa7: {  	s28 =	simm.s32 $_size_execute0_lowered;
	s2 =	sadd.s32 s2, s4;
	[dreg:$0x0] =	wrdreg $0x0  }
0xa8: {  	s4 =	sshll.u32 s28, $0x1;
	[dreg:$0x2] =	wrdreg s2  }
0xa9: {  	[dreg:$0x3] =	wrdreg s4  }
0xaa: {  	[dreg:$0x4] =	wrdreg $0xC0  }
0xab: {  	_ =	task [dreg:s6], $0x5FFFF  }
0xac: {  	[dreg:$0x1] =	wrdreg $0xFFFFFFFF  }
0xad: {  	[dreg:$0x0] =	wrdreg $0x60  }
0xae: {  	[dreg:$0x2] =	wrdreg s24  }
0xaf: {  	[dreg:$0x3] =	wrdreg $0x14C400  }
0xb0: {  	[dreg:$0x4] =	wrdreg $0xB0000  }
0xb1: {  	[dreg:$0x5] =	wrdreg $0x9  }
0xb2: {  	_ =	task.clear_ibuf [dreg:s6], $0x6FFFF;
	_ =	strace $0x9000004C  }
0xb3: {  	s29 =	simm.s32 $0x9;
	_ =	strace $0x8000004E  }
0xb4: {  	_ =	swait.ge [sflag:s29], $0x1  }
0xb5: {  	[sflag:s29] =	ssyncadd.s32 $0xFFFFFFFF  }
0xb6: {  	_ =	strace $0x9000004E  }
0xb7: {  	_ =	sfence  }
0xb8: {  	s30 =	sld [smem:$0x0];
	_ =	sdelay $0x2  }
0xb9: {  	s31 =	sshll.u32 s1, $0xD;
	s1 =	sshrl.u32 s1, $0x2  }
0xba: {  	s3 =	sand.u32 $0x4000, s31;
	s1 =	sadd.s32 s1, s30  }
0xbb: {  	s0 =	sor.u32 s3, s0;
	s1 =	sshll.u32 s1, $0x11  }
0xbc: {  	s0 =	sor.u32 s1, s0  }
0xbd: {  	s0 =	sadd.s32 $0x8F2B, s0  }
0xbe: {  	[sflag:s0] =	ssyncadd.remote.s32 $0x1  }
0xbf: {  	_ =	sfence.sel $0xFFFF  }
0xc0: {  	[dreg:$0x0] =	wrdreg $0xFFFFFFFF;
	(pc) =	sbr.abs _section_cstart, $3  }
0xc1: {  	[dreg:$0x1] =	wrdreg $0xFFFFFFFF  }
0xc2: {  	_ =	task.clear_ibuf [dreg:s6], $0x2FFFF;
	_ =	strace $0x9FFFFFFF  }
0xc3: {  	(tm) =	ssettm $0x7FFFFFFF  }
tec
execute0_lowered:
.L_overlay_start_1:
0x0: {  	(tag) =	ssettag $0x1  }
0x1: {  	s0 =	rddreg [dreg:$0x0]  }
0x2: {  	s2 =	rddreg [dreg:$0x1]  }
0x3: {  	s3 =	rddreg [dreg:$0x2]  }
0x4: {  	s11 =	stileid.u32;
	s1 =	srdreg.scid;
	s6 =	simm.s32 $0x0  }
0x5: {  	s28 =	simm.s32 $0x7000;
	s29 =	simm.s32 $0x1;
	s31 =	simm.s32 $0x9000  }
0x6: {  	s30 =	simm.s32 $0x4;
	s1 =	sand.u32 $0x1, s1;
	s5 =	smul.u32 $0xA000, s11  }
0x7: {  	s4 =	sshll.u32 s11, $0x1;
	[smem:$0x7FF] =	sst s6;
	s7 =	smul.u32 $0x28000, s11  }
0x8: {  	s9 =	sadd.s32 $0x2DC00, s0;
	s13 =	sadd.s32 $0x96000, s2;
	s14 =	sadd.s32 $0x98000, s2  }
0x9: {  	s15 =	sadd.s32 $0x9A000, s2;
	s16 =	sadd.s32 $0x9C000, s2;
	s17 =	sadd.s32 $0x2CE00, s0  }
0xa: {  	s4 =	sor.u32 s1, s4;
	s8 =	ssub.s32 $0x2, s1;
	s1 =	smul.u32 $0x9C400, s1  }
0xb: {  	p0 =	seq.s32 s11, $0xF;
	_ =	strace $0x8000004D;
	s4 =	smul.u32 $0x2800, s4  }
0xc: {  	s20 =	sshrl.u32 s5, $0x3;
	s10 =	sshrl.u32 s8, $0x1;
	s7 =	sshrl.u32 s7, $0x2  }
0xd: {  	s6 =	sadd.s32 s20, s0;
	s8 =	ssub.s32 s8, s10;
	s22 =	sadd.s32 s7, s2  }
0xe: {  	s7 =	sadd.s32 s5, s2;
	s4 =	sshrl.u32 s4, $0x3;
	s23 =	sadd.s32 $0x2000, s22  }
0xf: {  	s24 =	sadd.s32 $0x4000, s22;
	s25 =	sadd.s32 $0x6000, s22;
	[dreg:$0x6] =	wrdreg s23  }
0x10: {  	s26 =	sadd.s32 $0x8000, s22;
	s12 =	sadd.s32 $0x1A200, s6;
	[dreg:$0x7] =	wrdreg s24  }
0x11: {  	s6 =	sadd.s32 $0x96000, s3;
	s20 =	smax.u32 s8, $0x1;
	[dreg:$0x8] =	wrdreg s25  }
0x12: {  	s22 =	simm.s32 $0x2800;
	s4 =	sadd.s32 s4, s0;
	[dreg:$0x9] =	wrdreg s26  }
0x13: {  	s23 =	sshrl.u32 @p0 s6, $0x3;
	s25 =	simm.s32 $0x80;
	s21 =	sadd.s32 $0x6200, s4  }
0x14: {  	s26 =	simm.s32 $0x5000;
	s4 =	sadd.s32 $0x10200, s4;
	[dreg:$0x4] =	wrdreg s21  }
0x15: {  	s0 =	simm.s32 $0x2;
	s6 =	simm.s32 $0x0;
	[dreg:$0x5] =	wrdreg s4  }
0x16: {  	s4 =	sadd.s32 s5, s3;
	s5 =	sadd.s32 s5, s1;
	s1 =	sshrl.u32 s1, $0x3  }
0x17: {  	s21 =	simm.s32 $0x7;
	s5 =	sshrl.u32 s5, $0x3;
	s1 =	sadd.s32 s9, s1  }
0x18: {  	s24 =	sshrl.u32 @!p0 s4, $0x3;
	s4 =	simm.s32 $0x5;
	s18 =	sadd.s32 s9, s5  }
0x19: {  	v0 =	vimm.f32 $0.0e+00;
	s19 =	sadd.s32 $0x12C00, s1;
	s1 =	simm.s32 $0x3;
	s5 =	simm.s32 $0x6  }
.LBB2_1:
0x1a: {  	s9 =	simm.s32 $0x100;
	s8 =	simm.s32 $0x0  }
.LBB2_2:
0x1b: {  	p1 =	sne.s32 s9, $0x7F00;
	[tilespmem:s8+$0x5030] =	vst v0;
	s10 =	smov.u32 s9;
	s9 =	sadd.s32 $0x100, s9  }
.Ltmp0:
0x1c: {  	[tilespmem:s8+$0x5020] =	vst v0;
	(pc) =	sbr.rel @p1 .LBB2_2-.Ltmp0, $3  }
0x1d: {  	[tilespmem:s8+$0x5000] =	vst v0  }
0x1e: {  	[tilespmem:s8+$0x5010] =	vst v0;
	_ =	sdelay $0x1  }
0x1f: {  	s8 =	sshra.s32 s10, $0x2  }
0x20: {  	[tilespmem:s8+$0x5030] =	vst v0  }
0x21: {  	[tilespmem:s8+$0x5020] =	vst v0  }
0x22: {  	[tilespmem:s8+$0x5000] =	vst v0  }
0x23: {  	[tilespmem:s8+$0x5010] =	vst v0;
	s11 =	simm.s32 $0x0;
	s9 =	rddreg [dreg:$0x4]  }
0x24: {  	[tilespmem:s11], [sflag:$0x7] =	stream.linear.gather [hbm4b:s9+s11], $0x2800, $0x38;
	[tilespmem:$0x1E9C0] =	vst v63  }
0x25: {  	_ =	swait.ge [sflag:s21], $0x2800  }
0x26: {  	[sflag:s21] =	ssyncset.done $0x0  }
0x27: {  	s10 =	rddreg [dreg:$0x5];
	[sflag:s21] =	ssyncadd.s32 $0xFFFFD800  }
0x28: {  	[tilespmem:s22], [sflag:$0x7] =	stream.linear.gather [hbm4b:s10+s11], $0x2800, $0x38;
	[tilespmem:$0x1E9C0] =	vst v63  }
0x29: {  	_ =	swait.ge [sflag:s21], $0x2800  }
0x2a: {  	[sflag:s21] =	ssyncset.done $0x0  }
0x2b: {  	s8 =	simm.s32 @p0 $0x5000;
	s9 =	simm.s32 @p0 $0x7;
	[sflag:s21] =	ssyncadd.s32 $0xFFFFD800  }
0x2c: {  	[spmem:s13] =	stream.linear.scatter @p0 [tilespmem:s8], [sflag:$0x7], $0x2000, $0x38;
	[tilespmem:$0x1E9C0] =	vst v63  }
0x2d: {  	_ =	swait.ge @p0 [sflag:s9], $0x2000  }
0x2e: {  	[sflag:s9] =	ssyncset.done @p0 $0x0  }
0x2f: {  	[sflag:s9] =	ssyncadd.s32 @p0 $0xFFFFE000  }
0x30: {  	[spmem:s14] =	stream.linear.scatter @p0 [tilespmem:s8], [sflag:$0x7], $0x2000, $0x38;
	[tilespmem:$0x1E9C0] =	vst v63  }
0x31: {  	_ =	swait.ge @p0 [sflag:s9], $0x2000  }
0x32: {  	[sflag:s9] =	ssyncset.done @p0 $0x0  }
0x33: {  	[sflag:s9] =	ssyncadd.s32 @p0 $0xFFFFE000  }
0x34: {  	[spmem:s15] =	stream.linear.scatter @p0 [tilespmem:s8], [sflag:$0x7], $0x2000, $0x38;
	[tilespmem:$0x1E9C0] =	vst v63  }
0x35: {  	_ =	swait.ge @p0 [sflag:s9], $0x2000  }
0x36: {  	[sflag:s9] =	ssyncset.done @p0 $0x0  }
0x37: {  	[sflag:s9] =	ssyncadd.s32 @p0 $0xFFFFE000  }
0x38: {  	[spmem:s16] =	stream.linear.scatter @p0 [tilespmem:s8], [sflag:$0x7], $0x1800, $0x38;
	[tilespmem:$0x1E9C0] =	vst v63  }
0x39: {  	_ =	swait.ge @p0 [sflag:s9], $0x1800  }
0x3a: {  	[sflag:s9] =	ssyncset.done @p0 $0x0  }
0x3b: {  	s8 =	simm.s32 @p0 $0x1FC7;
	[sflag:s9] =	ssyncadd.s32 @p0 $0xFFFFE800  }
0x3c: {  	[spmem:s23], [sflag:s8] =	dma.local @p0 [hbm:s17], $0xC80  }
0x3d: {  	_ =	swait.ge @p0 [sflag:s9], $0xC80  }
0x3e: {  	[sflag:s9] =	ssyncset.done @p0 $0x0  }
0x3f: {  	s8 =	simm.s32 @!p0 $0x5000;
	[sflag:s9] =	ssyncadd.s32 @p0 $0xFFFFF380;
	s9 =	simm.s32 @!p0 $0x7  }
0x40: {  	[spmem:s7] =	stream.linear.scatter @!p0 [tilespmem:s8], [sflag:$0x7], $0x2000, $0x38;
	[tilespmem:$0x1E9C0] =	vst v63  }
0x41: {  	_ =	swait.ge @!p0 [sflag:s9], $0x2000  }
0x42: {  	[sflag:s9] =	ssyncset.done @!p0 $0x0  }
0x43: {  	s10 =	rddreg [dreg:$0x6];
	[sflag:s9] =	ssyncadd.s32 @!p0 $0xFFFFE000  }
0x44: {  	[spmem:s10] =	stream.linear.scatter @!p0 [tilespmem:s8], [sflag:$0x7], $0x2000, $0x38;
	[tilespmem:$0x1E9C0] =	vst v63  }
0x45: {  	_ =	swait.ge @!p0 [sflag:s9], $0x2000  }
0x46: {  	[sflag:s9] =	ssyncset.done @!p0 $0x0  }
0x47: {  	s10 =	rddreg [dreg:$0x7];
	[sflag:s9] =	ssyncadd.s32 @!p0 $0xFFFFE000  }
0x48: {  	[spmem:s10] =	stream.linear.scatter @!p0 [tilespmem:s8], [sflag:$0x7], $0x2000, $0x38;
	[tilespmem:$0x1E9C0] =	vst v63  }
0x49: {  	_ =	swait.ge @!p0 [sflag:s9], $0x2000  }
0x4a: {  	[sflag:s9] =	ssyncset.done @!p0 $0x0  }
0x4b: {  	s10 =	rddreg [dreg:$0x8];
	[sflag:s9] =	ssyncadd.s32 @!p0 $0xFFFFE000  }
0x4c: {  	[spmem:s10] =	stream.linear.scatter @!p0 [tilespmem:s8], [sflag:$0x7], $0x2000, $0x38;
	[tilespmem:$0x1E9C0] =	vst v63  }
0x4d: {  	_ =	swait.ge @!p0 [sflag:s9], $0x2000  }
0x4e: {  	[sflag:s9] =	ssyncset.done @!p0 $0x0  }
0x4f: {  	s10 =	rddreg [dreg:$0x9];
	[sflag:s9] =	ssyncadd.s32 @!p0 $0xFFFFE000  }
0x50: {  	[spmem:s10] =	stream.linear.scatter @!p0 [tilespmem:s8], [sflag:$0x7], $0x2000, $0x38;
	[tilespmem:$0x1E9C0] =	vst v63  }
0x51: {  	s8 =	stileid.u32;
	_ =	swait.ge @!p0 [sflag:s9], $0x2000  }
0x52: {  	s8 =	sshll.u32 @!p0 s8, $0x6;
	[sflag:s9] =	ssyncset.done @!p0 $0x0  }
0x53: {  	s8 =	sor.u32 @!p0 $0x1C07, s8;
	[sflag:s9] =	ssyncadd.s32 @!p0 $0xFFFFE000  }
0x54: {  	[spmem:s24], [sflag:s8] =	dma.local @!p0 [hbm:s12], $0x1400  }
0x55: {  	_ =	swait.ge @!p0 [sflag:s9], $0x1400  }
0x56: {  	[sflag:s9] =	ssyncset.done @!p0 $0x0  }
0x57: {  	[sflag:s9] =	ssyncadd.s32 @!p0 $0xFFFFEC00  }
0x58: {  	s11 =	simm.s32 $0x0;
	[bflag:$0x0] =	sbarrier.arrive $0xFFFF  }
0x59: {  	[tilespmem:s26], [sflag:$0x1] =	stream.indirect.gather [spmem:s3], $0x40, s11, s25, $0xb8;
	[tilespmem:$0x1E9C0] =	vst v63  }
0x5a: {  	_ = 	snop  }
0x5b: {  	[tilespmem:s28], [sflag:$0x2] =	stream.indirect.gather [spmem:s3], $0x40, s25, s25, $0xb8;
	[tilespmem:$0x1E9C0] =	vst v63  }
0x5c: {  	_ =	swait.ge [sflag:s29], $0x2000  }
0x5d: {  	[sflag:s29] =	ssyncset.done $0x0  }
0x5e: {  	[sflag:s29] =	ssyncadd.s32 $0xFFFFE000  }
0x5f: {  	[spmem:s2] =	stream.indirect.scatter.add.f32 [tilespmem:s26], [sflag:$0x4], $0x40, s22, s25, $0xb8;
	[tilespmem:$0x1E9C0] =	vst v63  }
0x60: {  	s10 =	simm.s32 $0x100  }
0x61: {  	[tilespmem:s31], [sflag:$0x3] =	stream.indirect.gather [spmem:s3], $0x40, s10, s25, $0xb8;
	[tilespmem:$0x1E9C0] =	vst v63  }
0x62: {  	_ =	swait.ge [sflag:s0], $0x2000  }
0x63: {  	[sflag:s0] =	ssyncset.done $0x0  }
0x64: {  	s11 =	simm.s32 $0x2880;
	[sflag:s0] =	ssyncadd.s32 $0xFFFFE000  }
0x65: {  	[spmem:s2] =	stream.indirect.scatter.add.f32 [tilespmem:s28], [sflag:$0x5], $0x40, s11, s25, $0xb8;
	[tilespmem:$0x1E9C0] =	vst v63  }
0x66: {  	_ =	swait.ge [sflag:s30], $0x2000  }
0x67: {  	[sflag:s30] =	ssyncset.done $0x0  }
0x68: {  	s10 =	simm.s32 $0x180;
	[sflag:s30] =	ssyncadd.s32 $0xFFFFE000  }
0x69: {  	[tilespmem:s26], [sflag:$0x1] =	stream.indirect.gather [spmem:s3], $0x40, s10, s25, $0xb8;
	[tilespmem:$0x1E9C0] =	vst v63  }
0x6a: {  	_ =	swait.ge [sflag:s1], $0x2000  }
0x6b: {  	[sflag:s1] =	ssyncset.done $0x0  }
0x6c: {  	s11 =	simm.s32 $0x2900;
	[sflag:s1] =	ssyncadd.s32 $0xFFFFE000  }
0x6d: {  	[spmem:s2] =	stream.indirect.scatter.add.f32 [tilespmem:s31], [sflag:$0x6], $0x40, s11, s25, $0xb8;
	[tilespmem:$0x1E9C0] =	vst v63  }
0x6e: {  	_ =	swait.ge [sflag:s4], $0x2000  }
0x6f: {  	[sflag:s4] =	ssyncset.done $0x0  }
0x70: {  	s10 =	simm.s32 $0x200;
	[sflag:s4] =	ssyncadd.s32 $0xFFFFE000  }
0x71: {  	[tilespmem:s28], [sflag:$0x2] =	stream.indirect.gather [spmem:s3], $0x40, s10, s25, $0xb8;
	[tilespmem:$0x1E9C0] =	vst v63  }
0x72: {  	_ =	swait.ge [sflag:s29], $0x2000  }
0x73: {  	[sflag:s29] =	ssyncset.done $0x0  }
0x74: {  	s11 =	simm.s32 $0x2980;
	[sflag:s29] =	ssyncadd.s32 $0xFFFFE000  }
0x75: {  	[spmem:s2] =	stream.indirect.scatter.add.f32 [tilespmem:s26], [sflag:$0x4], $0x40, s11, s25, $0xb8;
	[tilespmem:$0x1E9C0] =	vst v63  }
0x76: {  	_ =	swait.ge [sflag:s5], $0x2000  }
0x77: {  	[sflag:s5] =	ssyncset.done $0x0  }
0x78: {  	s10 =	simm.s32 $0x280;
	[sflag:s5] =	ssyncadd.s32 $0xFFFFE000  }
0x79: {  	[tilespmem:s31], [sflag:$0x3] =	stream.indirect.gather [spmem:s3], $0x40, s10, s25, $0xb8;
	[tilespmem:$0x1E9C0] =	vst v63  }
0x7a: {  	_ =	swait.ge [sflag:s0], $0x2000  }
0x7b: {  	[sflag:s0] =	ssyncset.done $0x0  }
0x7c: {  	s11 =	simm.s32 $0x2A00;
	[sflag:s0] =	ssyncadd.s32 $0xFFFFE000  }
0x7d: {  	[spmem:s2] =	stream.indirect.scatter.add.f32 [tilespmem:s28], [sflag:$0x5], $0x40, s11, s25, $0xb8;
	[tilespmem:$0x1E9C0] =	vst v63  }
0x7e: {  	_ =	swait.ge [sflag:s30], $0x2000  }
0x7f: {  	[sflag:s30] =	ssyncset.done $0x0  }
0x80: {  	s10 =	simm.s32 $0x300;
	[sflag:s30] =	ssyncadd.s32 $0xFFFFE000  }
0x81: {  	[tilespmem:s26], [sflag:$0x1] =	stream.indirect.gather [spmem:s3], $0x40, s10, s25, $0xb8;
	[tilespmem:$0x1E9C0] =	vst v63  }
0x82: {  	_ =	swait.ge [sflag:s1], $0x2000  }
0x83: {  	[sflag:s1] =	ssyncset.done $0x0  }
0x84: {  	s11 =	simm.s32 $0x2A80;
	[sflag:s1] =	ssyncadd.s32 $0xFFFFE000  }
0x85: {  	[spmem:s2] =	stream.indirect.scatter.add.f32 [tilespmem:s31], [sflag:$0x6], $0x40, s11, s25, $0xb8;
	[tilespmem:$0x1E9C0] =	vst v63  }
0x86: {  	_ =	swait.ge [sflag:s4], $0x2000  }
0x87: {  	[sflag:s4] =	ssyncset.done $0x0  }
0x88: {  	s9 =	simm.s32 $0x600;
	s10 =	simm.s32 $0x380;
	[sflag:s4] =	ssyncadd.s32 $0xFFFFE000  }
.LBB2_4:
0x89: {  	[tilespmem:s28], [sflag:$0x2] =	stream.indirect.gather [spmem:s3], $0x40, s10, s25, $0xb8;
	[tilespmem:$0x1E9C0] =	vst v63  }
0x8a: {  	s10 =	smov.u32 s9  }
0x8b: {  	p1 =	sne.s32 s9, $0x9000;
	s9 =	sadd.s32 $0x600, s9;
	_ =	swait.ge [sflag:s29], $0x2000  }
0x8c: {  	s10 =	sshra.s32 s10, $0x2;
	[sflag:s29] =	ssyncset.done $0x0  }
0x8d: {  	s11 =	sadd.s32 $0x2980, s10;
	[sflag:s29] =	ssyncadd.s32 $0xFFFFE000  }
0x8e: {  	[spmem:s2] =	stream.indirect.scatter.add.f32 [tilespmem:s26], [sflag:$0x4], $0x40, s11, s25, $0xb8;
	[tilespmem:$0x1E9C0] =	vst v63  }
0x8f: {  	_ =	swait.ge [sflag:s5], $0x2000  }
0x90: {  	[sflag:s5] =	ssyncset.done $0x0  }
0x91: {  	s11 =	sadd.s32 $0x280, s10;
	[sflag:s5] =	ssyncadd.s32 $0xFFFFE000  }
0x92: {  	[tilespmem:s31], [sflag:$0x3] =	stream.indirect.gather [spmem:s3], $0x40, s11, s25, $0xb8;
	[tilespmem:$0x1E9C0] =	vst v63  }
0x93: {  	_ =	swait.ge [sflag:s0], $0x2000  }
0x94: {  	[sflag:s0] =	ssyncset.done $0x0  }
0x95: {  	s11 =	sadd.s32 $0x2A00, s10;
	[sflag:s0] =	ssyncadd.s32 $0xFFFFE000  }
0x96: {  	[spmem:s2] =	stream.indirect.scatter.add.f32 [tilespmem:s28], [sflag:$0x5], $0x40, s11, s25, $0xb8;
	[tilespmem:$0x1E9C0] =	vst v63  }
0x97: {  	_ =	swait.ge [sflag:s30], $0x2000  }
0x98: {  	[sflag:s30] =	ssyncset.done $0x0  }
0x99: {  	s11 =	sadd.s32 $0x300, s10;
	[sflag:s30] =	ssyncadd.s32 $0xFFFFE000  }
0x9a: {  	[tilespmem:s26], [sflag:$0x1] =	stream.indirect.gather [spmem:s3], $0x40, s11, s25, $0xb8;
	[tilespmem:$0x1E9C0] =	vst v63  }
0x9b: {  	_ =	swait.ge [sflag:s1], $0x2000  }
0x9c: {  	[sflag:s1] =	ssyncset.done $0x0  }
.Ltmp1:
0x9d: {  	s11 =	sadd.s32 $0x2A80, s10;
	[sflag:s1] =	ssyncadd.s32 $0xFFFFE000;
	(pc) =	sbr.rel @p1 .LBB2_4-.Ltmp1, $4  }
0x9e: {  	[spmem:s2] =	stream.indirect.scatter.add.f32 [tilespmem:s31], [sflag:$0x6], $0x40, s11, s25, $0xb8;
	[tilespmem:$0x1E9C0] =	vst v63  }
0x9f: {  	_ =	swait.ge [sflag:s4], $0x2000  }
0xa0: {  	[sflag:s4] =	ssyncset.done $0x0  }
0xa1: {  	s10 =	sadd.s32 $0x380, s10;
	[sflag:s4] =	ssyncadd.s32 $0xFFFFE000  }
0xa2: {  	[tilespmem:s28], [sflag:$0x2] =	stream.indirect.gather [spmem:s3], $0x40, s10, s25, $0xb8;
	[tilespmem:$0x1E9C0] =	vst v63  }
0xa3: {  	_ =	swait.ge [sflag:s29], $0x2000  }
0xa4: {  	[sflag:s29] =	ssyncset.done $0x0  }
0xa5: {  	s9 =	simm.s32 $0x4F00;
	[sflag:s29] =	ssyncadd.s32 $0xFFFFE000  }
0xa6: {  	[spmem:s2] =	stream.indirect.scatter.add.f32 [tilespmem:s26], [sflag:$0x4], $0x40, s9, s25, $0xb8;
	[tilespmem:$0x1E9C0] =	vst v63  }
0xa7: {  	_ =	swait.ge [sflag:s5], $0x2000  }
0xa8: {  	[sflag:s5] =	ssyncset.done $0x0  }
0xa9: {  	[sflag:s5] =	ssyncadd.s32 $0xFFFFE000  }
0xaa: {  	_ =	swait.ge [sflag:s0], $0x2000  }
0xab: {  	[sflag:s0] =	ssyncset.done $0x0  }
0xac: {  	s11 =	simm.s32 $0x4F80;
	[sflag:s0] =	ssyncadd.s32 $0xFFFFE000  }
0xad: {  	[spmem:s2] =	stream.indirect.scatter.add.f32 [tilespmem:s28], [sflag:$0x5], $0x40, s11, s25, $0xb8;
	[tilespmem:$0x1E9C0] =	vst v63  }
0xae: {  	_ =	swait.ge [sflag:s30], $0x2000  }
0xaf: {  	[sflag:s30] =	ssyncset.done $0x0  }
0xb0: {  	[sflag:s30] =	ssyncadd.s32 $0xFFFFE000  }
0xb1: {  	_ =	swait.ge [sflag:s4], $0x2000  }
0xb2: {  	[sflag:s4] =	ssyncset.done $0x0  }
0xb3: {  	[sflag:s4] =	ssyncadd.s32 $0xFFFFE000  }
0xb4: {  	s10 =	simm.s32 @p0 $0x1FC7;
	s9 =	sshrl.u32 @p0 s13, $0x3;
	[bflag:$0x0] =	sbarrier.arrive $0xFFFF  }
0xb5: {  	[hbm:s19], [sflag:s10] =	dma.local @p0 [spmem:s9], $0xC80  }
0xb6: {  	s9 =	simm.s32 @p0 $0x7  }
0xb7: {  	_ =	swait.ge @p0 [sflag:s9], $0xC80  }
0xb8: {  	s6 =	sadd.s32 $0x1, s6;
	[sflag:s9] =	ssyncset.done @p0 $0x0  }
0xb9: {  	p1 =	sne.s32 s6, s20;
	[sflag:s9] =	ssyncadd.s32 @p0 $0xFFFFF380;
	s9 =	sshrl.u32 @!p0 s7, $0x3  }
0xba: {  	[hbm:s18], [sflag:s8] =	dma.local @!p0 [spmem:s9], $0x1400  }
.Ltmp2:
0xbb: {  	_ = 	snop;
	(pc) =	sbr.rel @p1 .LBB2_1-.Ltmp2, $4  }
0xbc: {  	s8 =	simm.s32 @!p0 $0x7  }
0xbd: {  	_ =	swait.ge @!p0 [sflag:s8], $0x1400  }
0xbe: {  	[sflag:s8] =	ssyncset.done @!p0 $0x0  }
0xbf: {  	[sflag:s8] =	ssyncadd.s32 @!p0 $0xFFFFEC00  }
0xc0: {  	_ =	sfence.sel $0x180000  }
0xc1: {  	[bflag:$0x0] =	sbarrier.arrive $0xFFFF  }
0xc2: {  	_ =	strace $0x9000004D  }
0xc3: {  	s0 =	stileid.u32;
	[bflag:$0x2] =	sbarrier.arrive $0xFFFF  }
0xc4: {  	p0 =	sne.s32 s0, $0x0;
	s0 =	rddreg [dreg:$0x3]  }
0xc5: {  	s0 =	sadd.s32 @!p0 $0x100000, s0  }
0xc6: {  	[sflag:s0] =	ssyncadd.tile.s32 @!p0 $0x1;
	_ =	shalt  }
.Lfunc_end2:
_tile_overlayer_lowered:
.L_overlay_start_2:
0xc7: {  	(tag) =	ssettag $0x2  }
0xc8: {  	s0 =	rddreg [dreg:$0x0];
	s2 =	stileid.u32  }
0xc9: {  	s1 =	rddreg [dreg:$0x1];
	p0 =	sne.s32 s2, $0x0  }
0xca: {  	s3 =	rddreg [dreg:$0x2];
	[bflag:$0x3] =	sbarrier.arrive $0xFFFF;
	s2 =	simm.s32 @!p0 $0x1C07  }
0xcb: {  	[timem:s3], [sflag:s2] =	dma.local @!p0 [hbm:s0], s1  }
0xcc: {  	s0 =	simm.s32 @!p0 $0x7  }
0xcd: {  	_ =	swait.ge @!p0 [sflag:s0], s1  }
0xce: {  	s1 =	ssub.s32 @!p0 $0x0, s1;
	[sflag:s0] =	ssyncset.done @!p0 $0x0  }
0xcf: {  	[sflag:s0] =	ssyncadd.s32 @!p0 s1  }
0xd0: {  	[bflag:$0x3] =	sbarrier.arrive $0xFFFF  }
0xd1: {  	_ =	shalt  }

// kernel: kernel.22.cloned.1.call-start
scs
__scs_entry_jumppad:
0x0: {  	(pc) =	sbr.rel $0x88, $3  }
0x1: {  	(tag) =	ssettag $0x0;
	lr =	simm.s32 $0x1  }
0x2: {  	[smem:$0x3F7C] =	sst lr;
	_ =	strace $0xD0000000  }
0x3: {  	_ = 	snop  }
0x4: {  	_ = 	snop  }
0x5: {  	_ = 	snop  }
0x6: {  	_ = 	snop  }
0x7: {  	_ = 	snop  }
__scs_overlays_trampoline_lowered:
0x8: {  	[smem:$0x3F8B] =	sst s0  }
0x9: {  	[smem:$0x3F8C] =	sst s1  }
0xa: {  	[smem:$0x3F8D] =	sst s2  }
0xb: {  	[smem:$0x3F8E] =	sst s3  }
0xc: {  	[smem:$0x3F8F] =	sst s4  }
0xd: {  	[smem:$0x3F90] =	sst s5  }
0xe: {  	[smem:$0x3F91] =	sst s6  }
0xf: {  	[smem:$0x3F92] =	sst s7  }
0x10: {  	[smem:$0x3F93] =	sst s8  }
0x11: {  	[smem:$0x3F94] =	sst s9;
	s0 =	simm.s32 @!p0 $0x0  }
0x12: {  	s1 =	sld [smem:$0x3F7A];
	s0 =	simm.s32 @p0 $0x1  }
0x13: {  	[smem:$0x3F95] =	sst s0;
	s0 =	simm.s32 @!p1 $0x0  }
0x14: {  	s2 =	sld [smem:$0x3F79];
	s0 =	simm.s32 @p1 $0x1  }
0x15: {  	[smem:$0x3F96] =	sst s0;
	s0 =	simm.s32 @!p2 $0x0  }
0x16: {  	s3 =	sld [smem:$0x3FDB];
	s0 =	simm.s32 @p2 $0x1  }
0x17: {  	s4 =	simm.s32 $0x1BF5;
	[smem:$0x3F98] =	sst s0  }
0x18: {  	s0 =	sld [smem:$0x3F7B];
	_ =	swait.ge [sflag:s4], $0x0  }
0x19: {  	s7 =	sld [smem:$0x3F7C]  }
0x1a: {  	s8 =	sadd.s32 $0xFFFFE003, lr  }
0x1b: {  	s9 =	sadd.s32 $0xFFFFFEF7, lr;
	s5 =	simm.s32 $0xFFFFFFFF;
	p2 =	slt.u32 s8, $0xFFFFF086  }
0x1c: {  	p1 =	slt.u32 s9, $0xF7A;
	s5 =	simm.s32 @!p2 $0x0  }
0x1d: {  	s5 =	simm.s32 @p1 $0x1;
	p0 =	seq.s32 s7, s2  }
0x1e: {  	s7 =	smul.u32 @!p0 $0xF7A, s2;
	p2 =	seq.s32 @!p0 s5, $0x0  }
0x1f: {  	s9 =	smul.u32 $0xF7A, s1;
	s8 =	simm.s32 @!p0 $0x1BF5;
	p2 =	por !p2, p0  }
0x20: {  	[sflag:s8] =	ssyncset.s32 @!p0 $0xFFFFF086;
	s6 =	sadd.s32 @!p0 s3, s7;
	s7 =	simm.s32 @!p0 $0x108  }
0x21: {  	s3 =	sadd.s32 s3, s9;
	s6 =	sadd.s32 @!p0 $0x88, s6;
	s7 =	simm.s32 @p2 $0x1082  }
0x22: {  	[simem:s7], [sflag:s8] =	dma.local @!p0 [hbm:s6], $0xF7A  }
0x23: {  	s9 =	sor.u32 $0xD0000000, s2;
	s6 =	simm.s32 $0x108;
	_ =	swait.ge @!p0 [sflag:s8], $0x0  }
0x24: {  	s3 =	sadd.s32 $0x88, s3;
	s6 =	simm.s32 @!p1 $0x1082;
	[sflag:s4] =	ssyncset.s32 $0xFFFFF086  }
0x25: {  	[simem:s6], [sflag:s4] =	dma.local [hbm:s3], $0xF7A  }
0x26: {  	[smem:$0x3F7C] =	sst s1;
	(tag) =	ssettag s2;
	_ =	strace s9  }
0x27: {  	s1 =	sld [smem:$0x3F8C]  }
0x28: {  	s2 =	sld [smem:$0x3F8D]  }
0x29: {  	s4 =	sld [smem:$0x3F8F]  }
0x2a: {  	p0 =	seq.s32 s5, $0x0;
	s5 =	sld [smem:$0x3F90]  }
0x2b: {  	s6 =	sld [smem:$0x3F91]  }
0x2c: {  	s7 =	sld [smem:$0x3F92]  }
0x2d: {  	s3 =	simm.s32 $0x108;
	s8 =	sld [smem:$0x3F93]  }
0x2e: {  	s3 =	simm.s32 @!p0 $0x1082;
	s9 =	sld [smem:$0x3F94]  }
0x2f: {  	lr =	sadd.s32 s0, s3;
	s0 =	sld [smem:$0x3F8B]  }
0x30: {  	s3 =	sld [smem:$0x3F8E]  }
0x31: {  	[smem:$0x3F97] =	sst s10  }
0x32: {  	s10 =	sld [smem:$0x3F95];
	_ =	sdelay $0x3  }
0x33: {  	p0 =	seq.s32 s10, $0x1;
	s10 =	sld [smem:$0x3F97];
	_ =	sdelay $0x3  }
0x34: {  	[smem:$0x3F97] =	sst s10  }
0x35: {  	s10 =	sld [smem:$0x3F96];
	_ =	sdelay $0x3  }
0x36: {  	p1 =	seq.s32 s10, $0x1;
	s10 =	sld [smem:$0x3F97];
	_ =	sdelay $0x3  }
0x37: {  	[smem:$0x3F97] =	sst s10  }
0x38: {  	s10 =	sld [smem:$0x3F98]  }
0x39: {  	_ = 	snop;
	(pc) =	sbr.ind lr, $3  }
0x3a: {  	_ = 	snop  }
0x3b: {  	_ = 	snop  }
0x3c: {  	p2 =	seq.s32 s10, $0x1;
	s10 =	sld [smem:$0x3F97]  }
0x3d: {  	_ =	shalt  }
0x3e: {  	_ =	shalt  }
0x3f: {  	_ =	shalt  }
0x40: {  	_ =	shalt  }
0x41: {  	_ =	shalt  }
0x42: {  	_ =	shalt  }
0x43: {  	_ =	shalt  }
0x44: {  	_ =	shalt  }
0x45: {  	_ =	shalt  }
0x46: {  	_ =	shalt  }
0x47: {  	_ =	shalt  }
0x48: {  	_ =	shalt  }
0x49: {  	_ =	shalt  }
0x4a: {  	_ =	shalt  }
0x4b: {  	_ =	shalt  }
0x4c: {  	_ =	shalt  }
0x4d: {  	_ =	shalt  }
0x4e: {  	_ =	shalt  }
0x4f: {  	_ =	shalt  }
0x50: {  	_ =	shalt  }
0x51: {  	_ =	shalt  }
0x52: {  	_ =	shalt  }
0x53: {  	_ =	shalt  }
0x54: {  	_ =	shalt  }
0x55: {  	_ =	shalt  }
0x56: {  	_ =	shalt  }
0x57: {  	_ =	shalt  }
0x58: {  	_ =	shalt  }
0x59: {  	_ =	shalt  }
0x5a: {  	_ =	shalt  }
0x5b: {  	_ =	shalt  }
0x5c: {  	_ =	shalt  }
0x5d: {  	_ =	shalt  }
0x5e: {  	_ =	shalt  }
0x5f: {  	_ =	shalt  }
0x60: {  	_ =	shalt  }
0x61: {  	_ =	shalt  }
0x62: {  	_ =	shalt  }
0x63: {  	_ =	shalt  }
0x64: {  	_ =	shalt  }
0x65: {  	_ =	shalt  }
0x66: {  	_ =	shalt  }
0x67: {  	_ =	shalt  }
0x68: {  	_ =	shalt  }
0x69: {  	_ =	shalt  }
0x6a: {  	_ =	shalt  }
0x6b: {  	_ =	shalt  }
0x6c: {  	_ =	shalt  }
0x6d: {  	_ =	shalt  }
0x6e: {  	_ =	shalt  }
0x6f: {  	_ =	shalt  }
0x70: {  	_ =	shalt  }
0x71: {  	_ =	shalt  }
0x72: {  	_ =	shalt  }
0x73: {  	_ =	shalt  }
0x74: {  	_ =	shalt  }
0x75: {  	_ =	shalt  }
0x76: {  	_ =	shalt  }
0x77: {  	_ =	shalt  }
0x78: {  	_ =	shalt  }
0x79: {  	_ =	shalt  }
0x7a: {  	_ =	shalt  }
0x7b: {  	_ =	shalt  }
0x7c: {  	_ =	shalt  }
0x7d: {  	_ =	shalt  }
0x7e: {  	_ =	shalt  }
0x7f: {  	_ =	shalt  }
0x80: {  	_ =	shalt  }
0x81: {  	_ =	shalt  }
0x82: {  	_ =	shalt  }
0x83: {  	_ =	shalt  }
0x84: {  	_ =	shalt  }
0x85: {  	_ =	shalt  }
0x86: {  	_ =	shalt  }
0x87: {  	_ =	shalt  }
.Lfunc_end0:
.L_simem_size_0:
called_computation.3_lowered:
.L_overlay_start_0:
0x88: {  	s2 =	sld [smem:$0x3FD9]  }
0x89: {  	s3 =	sld [smem:$0x3FFE];
	_ =	sdelay $0x1  }
0x8a: {  	s1 =	srdreg.scid  }
0x8b: {  	s0 =	sand.u32 $0x1, s1  }
0x8c: {  	s16 =	sshll.u32 s0, $0xA;
	s2 =	sadd.s32 s3, s2  }
0x8d: {  	s2 =	sadd.s32 s2, s16  }
0x8e: {  	[smem:$0x3FA3] =	sst s2  }
0x8f: {  	_ = 	snop  }
0x90: {  	(tm) =	ssettm $0x1  }
0x91: {  	s17 =	sld [smem:$0x3FFB];
	_ =	sdelay $0x3  }
0x92: {  	_ =	strace s17  }
0x93: {  	s2 =	sld [smem:$0x3FFC];
	_ =	sdelay $0x3  }
0x94: {  	_ =	strace s2  }
0x95: {  	s2 =	sld [smem:$0x3FFD];
	_ =	sdelay $0x3  }
0x96: {  	_ =	strace s2  }
0x97: {  	_ =	strace $0x8FFFFFFF  }
0x98: {  	s18 =	sld [smem:$0x3FDB];
	_ =	sdelay $0x1  }
0x99: {  	s19 =	simm.s32 $_scs_section_size  }
0x9a: {  	s4 =	simm.s32 $_size__tile_overlayer_lowered;
	s5 =	simm.s32 $_tile_overlayer_lowered  }
0x9b: {  	s22 =	simm.s32 $0x1BFF;
	s21 =	sshll.u32 s5, $0x1;
	s2 =	sadd.s32 s19, s18  }
0x9c: {  	s6 =	simm.s32 $0x0;
	s20 =	sshll.u32 s4, $0x1;
	s4 =	sadd.s32 s21, s2  }
0x9d: {  	[timem:s6], [sflag:s22] =	dma.local [hbm:s4], s20  }
0x9e: {  	_ =	swait.ge [sflag:s22], s20  }
0x9f: {  	s3 =	ssub.s32 $0x0, s20;
	[sflag:s22] =	ssyncset.done $0x0  }
0xa0: {  	[sflag:s22] =	ssyncadd.s32 s3;
	_ =	sdelay $0x1  }
0xa1: {  	s23 =	simm.s32 $0x1B8B  }
0xa2: {  	_ =	swait.ge [sflag:s23], $0x1  }
0xa3: {  	[sflag:s23] =	ssyncset.done $0x0  }
0xa4: {  	s25 =	simm.s32 $0x1B8E;
	s24 =	sld [smem:$0x3FFE];
	[sflag:s23] =	ssyncadd.s32 $0xFFFFFFFF  }
0xa5: {  	s26 =	simm.s32 $execute0_lowered;
	[smem:$0x3FD2] =	sst s25  }
0xa6: {  	s4 =	sshll.u32 s26, $0x1;
	_ =	strace $0x8000004F;
	[dreg:$0x1] =	wrdreg $0xFFFFFFFF  }
0xa7: {  	s28 =	simm.s32 $_size_execute0_lowered;
	s2 =	sadd.s32 s2, s4;
	[dreg:$0x0] =	wrdreg $0x0  }
0xa8: {  	s4 =	sshll.u32 s28, $0x1;
	[dreg:$0x2] =	wrdreg s2  }
0xa9: {  	[dreg:$0x3] =	wrdreg s4  }
0xaa: {  	[dreg:$0x4] =	wrdreg $0xC0  }
0xab: {  	_ =	task [dreg:s6], $0x5FFFF  }
0xac: {  	[dreg:$0x1] =	wrdreg $0xFFFFFFFF  }
0xad: {  	[dreg:$0x0] =	wrdreg $0x60  }
0xae: {  	[dreg:$0x2] =	wrdreg s24  }
0xaf: {  	[dreg:$0x3] =	wrdreg $0x14C400  }
0xb0: {  	[dreg:$0x4] =	wrdreg $0xB0000  }
0xb1: {  	[dreg:$0x5] =	wrdreg $0x9  }
0xb2: {  	_ =	task.clear_ibuf [dreg:s6], $0x6FFFF;
	_ =	strace $0x9000004F  }
0xb3: {  	s29 =	simm.s32 $0x9;
	_ =	strace $0x80000051  }
0xb4: {  	_ =	swait.ge [sflag:s29], $0x1  }
0xb5: {  	[sflag:s29] =	ssyncadd.s32 $0xFFFFFFFF  }
0xb6: {  	_ =	strace $0x90000051  }
0xb7: {  	_ =	sfence  }
0xb8: {  	s30 =	sld [smem:$0x0];
	_ =	sdelay $0x2  }
0xb9: {  	s31 =	sshll.u32 s1, $0xD;
	s1 =	sshrl.u32 s1, $0x2  }
0xba: {  	s3 =	sand.u32 $0x4000, s31;
	s1 =	sadd.s32 s1, s30  }
0xbb: {  	s0 =	sor.u32 s3, s0;
	s1 =	sshll.u32 s1, $0x11  }
0xbc: {  	s0 =	sor.u32 s1, s0  }
0xbd: {  	s0 =	sadd.s32 $0x8F2B, s0  }
0xbe: {  	[sflag:s0] =	ssyncadd.remote.s32 $0x1  }
0xbf: {  	_ =	sfence.sel $0xFFFF  }
0xc0: {  	[dreg:$0x0] =	wrdreg $0xFFFFFFFF;
	(pc) =	sbr.abs _section_cstart, $3  }
0xc1: {  	[dreg:$0x1] =	wrdreg $0xFFFFFFFF  }
0xc2: {  	_ =	task.clear_ibuf [dreg:s6], $0x2FFFF;
	_ =	strace $0x9FFFFFFF  }
0xc3: {  	(tm) =	ssettm $0x7FFFFFFF  }
tec
execute0_lowered:
.L_overlay_start_1:
0x0: {  	(tag) =	ssettag $0x1  }
0x1: {  	s0 =	rddreg [dreg:$0x0]  }
0x2: {  	s2 =	rddreg [dreg:$0x1]  }
0x3: {  	s3 =	rddreg [dreg:$0x2]  }
0x4: {  	s11 =	stileid.u32;
	s1 =	srdreg.scid;
	s6 =	simm.s32 $0x0  }
0x5: {  	s28 =	simm.s32 $0x7000;
	s29 =	simm.s32 $0x1;
	s31 =	simm.s32 $0x9000  }
0x6: {  	s30 =	simm.s32 $0x4;
	s1 =	sand.u32 $0x1, s1;
	s5 =	smul.u32 $0xA000, s11  }
0x7: {  	s4 =	sshll.u32 s11, $0x1;
	[smem:$0x7FF] =	sst s6;
	s7 =	smul.u32 $0x28000, s11  }
0x8: {  	s9 =	sadd.s32 $0x2DC00, s0;
	s13 =	sadd.s32 $0x96000, s2;
	s14 =	sadd.s32 $0x98000, s2  }
0x9: {  	s15 =	sadd.s32 $0x9A000, s2;
	s16 =	sadd.s32 $0x9C000, s2;
	s17 =	sadd.s32 $0x2CE00, s0  }
0xa: {  	s4 =	sor.u32 s1, s4;
	s8 =	ssub.s32 $0x2, s1;
	s1 =	smul.u32 $0x9C400, s1  }
0xb: {  	p0 =	seq.s32 s11, $0xF;
	_ =	strace $0x80000050;
	s4 =	smul.u32 $0x2800, s4  }
0xc: {  	s20 =	sshrl.u32 s5, $0x3;
	s10 =	sshrl.u32 s8, $0x1;
	s7 =	sshrl.u32 s7, $0x2  }
0xd: {  	s6 =	sadd.s32 s20, s0;
	s8 =	ssub.s32 s8, s10;
	s22 =	sadd.s32 s7, s2  }
0xe: {  	s7 =	sadd.s32 s5, s2;
	s4 =	sshrl.u32 s4, $0x3;
	s23 =	sadd.s32 $0x2000, s22  }
0xf: {  	s24 =	sadd.s32 $0x4000, s22;
	s25 =	sadd.s32 $0x6000, s22;
	[dreg:$0x6] =	wrdreg s23  }
0x10: {  	s26 =	sadd.s32 $0x8000, s22;
	s12 =	sadd.s32 $0x1A200, s6;
	[dreg:$0x7] =	wrdreg s24  }
0x11: {  	s6 =	sadd.s32 $0x96000, s3;
	s20 =	smax.u32 s8, $0x1;
	[dreg:$0x8] =	wrdreg s25  }
0x12: {  	s22 =	simm.s32 $0x2800;
	s4 =	sadd.s32 s4, s0;
	[dreg:$0x9] =	wrdreg s26  }
0x13: {  	s23 =	sshrl.u32 @p0 s6, $0x3;
	s25 =	simm.s32 $0x80;
	s21 =	sadd.s32 $0x6200, s4  }
0x14: {  	s26 =	simm.s32 $0x5000;
	s4 =	sadd.s32 $0x10200, s4;
	[dreg:$0x4] =	wrdreg s21  }
0x15: {  	s0 =	simm.s32 $0x2;
	s6 =	simm.s32 $0x0;
	[dreg:$0x5] =	wrdreg s4  }
0x16: {  	s4 =	sadd.s32 s5, s3;
	s5 =	sadd.s32 s5, s1;
	s1 =	sshrl.u32 s1, $0x3  }
0x17: {  	s21 =	simm.s32 $0x7;
	s5 =	sshrl.u32 s5, $0x3;
	s1 =	sadd.s32 s9, s1  }
0x18: {  	s24 =	sshrl.u32 @!p0 s4, $0x3;
	s4 =	simm.s32 $0x5;
	s18 =	sadd.s32 s9, s5  }
0x19: {  	v0 =	vimm.f32 $0.0e+00;
	s19 =	sadd.s32 $0x12C00, s1;
	s1 =	simm.s32 $0x3;
	s5 =	simm.s32 $0x6  }
.LBB2_1:
0x1a: {  	s9 =	simm.s32 $0x100;
	s8 =	simm.s32 $0x0  }
.LBB2_2:
0x1b: {  	p1 =	sne.s32 s9, $0x7F00;
	[tilespmem:s8+$0x5030] =	vst v0;
	s10 =	smov.u32 s9;
	s9 =	sadd.s32 $0x100, s9  }
.Ltmp0:
0x1c: {  	[tilespmem:s8+$0x5020] =	vst v0;
	(pc) =	sbr.rel @p1 .LBB2_2-.Ltmp0, $3  }
0x1d: {  	[tilespmem:s8+$0x5000] =	vst v0  }
0x1e: {  	[tilespmem:s8+$0x5010] =	vst v0;
	_ =	sdelay $0x1  }
0x1f: {  	s8 =	sshra.s32 s10, $0x2  }
0x20: {  	[tilespmem:s8+$0x5030] =	vst v0  }
0x21: {  	[tilespmem:s8+$0x5020] =	vst v0  }
0x22: {  	[tilespmem:s8+$0x5000] =	vst v0  }
0x23: {  	[tilespmem:s8+$0x5010] =	vst v0;
	s11 =	simm.s32 $0x0;
	s9 =	rddreg [dreg:$0x4]  }
0x24: {  	[tilespmem:s11], [sflag:$0x7] =	stream.linear.gather [hbm4b:s9+s11], $0x2800, $0x38;
	[tilespmem:$0x1E9C0] =	vst v63  }
0x25: {  	_ =	swait.ge [sflag:s21], $0x2800  }
0x26: {  	[sflag:s21] =	ssyncset.done $0x0  }
0x27: {  	s10 =	rddreg [dreg:$0x5];
	[sflag:s21] =	ssyncadd.s32 $0xFFFFD800  }
0x28: {  	[tilespmem:s22], [sflag:$0x7] =	stream.linear.gather [hbm4b:s10+s11], $0x2800, $0x38;
	[tilespmem:$0x1E9C0] =	vst v63  }
0x29: {  	_ =	swait.ge [sflag:s21], $0x2800  }
0x2a: {  	[sflag:s21] =	ssyncset.done $0x0  }
0x2b: {  	s8 =	simm.s32 @p0 $0x5000;
	s9 =	simm.s32 @p0 $0x7;
	[sflag:s21] =	ssyncadd.s32 $0xFFFFD800  }
0x2c: {  	[spmem:s13] =	stream.linear.scatter @p0 [tilespmem:s8], [sflag:$0x7], $0x2000, $0x38;
	[tilespmem:$0x1E9C0] =	vst v63  }
0x2d: {  	_ =	swait.ge @p0 [sflag:s9], $0x2000  }
0x2e: {  	[sflag:s9] =	ssyncset.done @p0 $0x0  }
0x2f: {  	[sflag:s9] =	ssyncadd.s32 @p0 $0xFFFFE000  }
0x30: {  	[spmem:s14] =	stream.linear.scatter @p0 [tilespmem:s8], [sflag:$0x7], $0x2000, $0x38;
	[tilespmem:$0x1E9C0] =	vst v63  }
0x31: {  	_ =	swait.ge @p0 [sflag:s9], $0x2000  }
0x32: {  	[sflag:s9] =	ssyncset.done @p0 $0x0  }
0x33: {  	[sflag:s9] =	ssyncadd.s32 @p0 $0xFFFFE000  }
0x34: {  	[spmem:s15] =	stream.linear.scatter @p0 [tilespmem:s8], [sflag:$0x7], $0x2000, $0x38;
	[tilespmem:$0x1E9C0] =	vst v63  }
0x35: {  	_ =	swait.ge @p0 [sflag:s9], $0x2000  }
0x36: {  	[sflag:s9] =	ssyncset.done @p0 $0x0  }
0x37: {  	[sflag:s9] =	ssyncadd.s32 @p0 $0xFFFFE000  }
0x38: {  	[spmem:s16] =	stream.linear.scatter @p0 [tilespmem:s8], [sflag:$0x7], $0x1800, $0x38;
	[tilespmem:$0x1E9C0] =	vst v63  }
0x39: {  	_ =	swait.ge @p0 [sflag:s9], $0x1800  }
0x3a: {  	[sflag:s9] =	ssyncset.done @p0 $0x0  }
0x3b: {  	s8 =	simm.s32 @p0 $0x1FC7;
	[sflag:s9] =	ssyncadd.s32 @p0 $0xFFFFE800  }
0x3c: {  	[spmem:s23], [sflag:s8] =	dma.local @p0 [hbm:s17], $0xC80  }
0x3d: {  	_ =	swait.ge @p0 [sflag:s9], $0xC80  }
0x3e: {  	[sflag:s9] =	ssyncset.done @p0 $0x0  }
0x3f: {  	s8 =	simm.s32 @!p0 $0x5000;
	[sflag:s9] =	ssyncadd.s32 @p0 $0xFFFFF380;
	s9 =	simm.s32 @!p0 $0x7  }
0x40: {  	[spmem:s7] =	stream.linear.scatter @!p0 [tilespmem:s8], [sflag:$0x7], $0x2000, $0x38;
	[tilespmem:$0x1E9C0] =	vst v63  }
0x41: {  	_ =	swait.ge @!p0 [sflag:s9], $0x2000  }
0x42: {  	[sflag:s9] =	ssyncset.done @!p0 $0x0  }
0x43: {  	s10 =	rddreg [dreg:$0x6];
	[sflag:s9] =	ssyncadd.s32 @!p0 $0xFFFFE000  }
0x44: {  	[spmem:s10] =	stream.linear.scatter @!p0 [tilespmem:s8], [sflag:$0x7], $0x2000, $0x38;
	[tilespmem:$0x1E9C0] =	vst v63  }
0x45: {  	_ =	swait.ge @!p0 [sflag:s9], $0x2000  }
0x46: {  	[sflag:s9] =	ssyncset.done @!p0 $0x0  }
0x47: {  	s10 =	rddreg [dreg:$0x7];
	[sflag:s9] =	ssyncadd.s32 @!p0 $0xFFFFE000  }
0x48: {  	[spmem:s10] =	stream.linear.scatter @!p0 [tilespmem:s8], [sflag:$0x7], $0x2000, $0x38;
	[tilespmem:$0x1E9C0] =	vst v63  }
0x49: {  	_ =	swait.ge @!p0 [sflag:s9], $0x2000  }
0x4a: {  	[sflag:s9] =	ssyncset.done @!p0 $0x0  }
0x4b: {  	s10 =	rddreg [dreg:$0x8];
	[sflag:s9] =	ssyncadd.s32 @!p0 $0xFFFFE000  }
0x4c: {  	[spmem:s10] =	stream.linear.scatter @!p0 [tilespmem:s8], [sflag:$0x7], $0x2000, $0x38;
	[tilespmem:$0x1E9C0] =	vst v63  }
0x4d: {  	_ =	swait.ge @!p0 [sflag:s9], $0x2000  }
0x4e: {  	[sflag:s9] =	ssyncset.done @!p0 $0x0  }
0x4f: {  	s10 =	rddreg [dreg:$0x9];
	[sflag:s9] =	ssyncadd.s32 @!p0 $0xFFFFE000  }
0x50: {  	[spmem:s10] =	stream.linear.scatter @!p0 [tilespmem:s8], [sflag:$0x7], $0x2000, $0x38;
	[tilespmem:$0x1E9C0] =	vst v63  }
0x51: {  	s8 =	stileid.u32;
	_ =	swait.ge @!p0 [sflag:s9], $0x2000  }
0x52: {  	s8 =	sshll.u32 @!p0 s8, $0x6;
	[sflag:s9] =	ssyncset.done @!p0 $0x0  }
0x53: {  	s8 =	sor.u32 @!p0 $0x1C07, s8;
	[sflag:s9] =	ssyncadd.s32 @!p0 $0xFFFFE000  }
0x54: {  	[spmem:s24], [sflag:s8] =	dma.local @!p0 [hbm:s12], $0x1400  }
0x55: {  	_ =	swait.ge @!p0 [sflag:s9], $0x1400  }
0x56: {  	[sflag:s9] =	ssyncset.done @!p0 $0x0  }
0x57: {  	[sflag:s9] =	ssyncadd.s32 @!p0 $0xFFFFEC00  }
0x58: {  	s11 =	simm.s32 $0x0;
	[bflag:$0x0] =	sbarrier.arrive $0xFFFF  }
0x59: {  	[tilespmem:s26], [sflag:$0x1] =	stream.indirect.gather [spmem:s3], $0x40, s11, s25, $0xb8;
	[tilespmem:$0x1E9C0] =	vst v63  }
0x5a: {  	_ = 	snop  }
0x5b: {  	[tilespmem:s28], [sflag:$0x2] =	stream.indirect.gather [spmem:s3], $0x40, s25, s25, $0xb8;
	[tilespmem:$0x1E9C0] =	vst v63  }
0x5c: {  	_ =	swait.ge [sflag:s29], $0x2000  }
0x5d: {  	[sflag:s29] =	ssyncset.done $0x0  }
0x5e: {  	[sflag:s29] =	ssyncadd.s32 $0xFFFFE000  }
0x5f: {  	[spmem:s2] =	stream.indirect.scatter.add.f32 [tilespmem:s26], [sflag:$0x4], $0x40, s22, s25, $0xb8;
	[tilespmem:$0x1E9C0] =	vst v63  }
0x60: {  	s10 =	simm.s32 $0x100  }
0x61: {  	[tilespmem:s31], [sflag:$0x3] =	stream.indirect.gather [spmem:s3], $0x40, s10, s25, $0xb8;
	[tilespmem:$0x1E9C0] =	vst v63  }
0x62: {  	_ =	swait.ge [sflag:s0], $0x2000  }
0x63: {  	[sflag:s0] =	ssyncset.done $0x0  }
0x64: {  	s11 =	simm.s32 $0x2880;
	[sflag:s0] =	ssyncadd.s32 $0xFFFFE000  }
0x65: {  	[spmem:s2] =	stream.indirect.scatter.add.f32 [tilespmem:s28], [sflag:$0x5], $0x40, s11, s25, $0xb8;
	[tilespmem:$0x1E9C0] =	vst v63  }
0x66: {  	_ =	swait.ge [sflag:s30], $0x2000  }
0x67: {  	[sflag:s30] =	ssyncset.done $0x0  }
0x68: {  	s10 =	simm.s32 $0x180;
	[sflag:s30] =	ssyncadd.s32 $0xFFFFE000  }
0x69: {  	[tilespmem:s26], [sflag:$0x1] =	stream.indirect.gather [spmem:s3], $0x40, s10, s25, $0xb8;
	[tilespmem:$0x1E9C0] =	vst v63  }
0x6a: {  	_ =	swait.ge [sflag:s1], $0x2000  }
0x6b: {  	[sflag:s1] =	ssyncset.done $0x0  }
0x6c: {  	s11 =	simm.s32 $0x2900;
	[sflag:s1] =	ssyncadd.s32 $0xFFFFE000  }
0x6d: {  	[spmem:s2] =	stream.indirect.scatter.add.f32 [tilespmem:s31], [sflag:$0x6], $0x40, s11, s25, $0xb8;
	[tilespmem:$0x1E9C0] =	vst v63  }
0x6e: {  	_ =	swait.ge [sflag:s4], $0x2000  }
0x6f: {  	[sflag:s4] =	ssyncset.done $0x0  }
0x70: {  	s10 =	simm.s32 $0x200;
	[sflag:s4] =	ssyncadd.s32 $0xFFFFE000  }
0x71: {  	[tilespmem:s28], [sflag:$0x2] =	stream.indirect.gather [spmem:s3], $0x40, s10, s25, $0xb8;
	[tilespmem:$0x1E9C0] =	vst v63  }
0x72: {  	_ =	swait.ge [sflag:s29], $0x2000  }
0x73: {  	[sflag:s29] =	ssyncset.done $0x0  }
0x74: {  	s11 =	simm.s32 $0x2980;
	[sflag:s29] =	ssyncadd.s32 $0xFFFFE000  }
0x75: {  	[spmem:s2] =	stream.indirect.scatter.add.f32 [tilespmem:s26], [sflag:$0x4], $0x40, s11, s25, $0xb8;
	[tilespmem:$0x1E9C0] =	vst v63  }
0x76: {  	_ =	swait.ge [sflag:s5], $0x2000  }
0x77: {  	[sflag:s5] =	ssyncset.done $0x0  }
0x78: {  	s10 =	simm.s32 $0x280;
	[sflag:s5] =	ssyncadd.s32 $0xFFFFE000  }
0x79: {  	[tilespmem:s31], [sflag:$0x3] =	stream.indirect.gather [spmem:s3], $0x40, s10, s25, $0xb8;
	[tilespmem:$0x1E9C0] =	vst v63  }
0x7a: {  	_ =	swait.ge [sflag:s0], $0x2000  }
0x7b: {  	[sflag:s0] =	ssyncset.done $0x0  }
0x7c: {  	s11 =	simm.s32 $0x2A00;
	[sflag:s0] =	ssyncadd.s32 $0xFFFFE000  }
0x7d: {  	[spmem:s2] =	stream.indirect.scatter.add.f32 [tilespmem:s28], [sflag:$0x5], $0x40, s11, s25, $0xb8;
	[tilespmem:$0x1E9C0] =	vst v63  }
0x7e: {  	_ =	swait.ge [sflag:s30], $0x2000  }
0x7f: {  	[sflag:s30] =	ssyncset.done $0x0  }
0x80: {  	s10 =	simm.s32 $0x300;
	[sflag:s30] =	ssyncadd.s32 $0xFFFFE000  }
0x81: {  	[tilespmem:s26], [sflag:$0x1] =	stream.indirect.gather [spmem:s3], $0x40, s10, s25, $0xb8;
	[tilespmem:$0x1E9C0] =	vst v63  }
0x82: {  	_ =	swait.ge [sflag:s1], $0x2000  }
0x83: {  	[sflag:s1] =	ssyncset.done $0x0  }
0x84: {  	s11 =	simm.s32 $0x2A80;
	[sflag:s1] =	ssyncadd.s32 $0xFFFFE000  }
0x85: {  	[spmem:s2] =	stream.indirect.scatter.add.f32 [tilespmem:s31], [sflag:$0x6], $0x40, s11, s25, $0xb8;
	[tilespmem:$0x1E9C0] =	vst v63  }
0x86: {  	_ =	swait.ge [sflag:s4], $0x2000  }
0x87: {  	[sflag:s4] =	ssyncset.done $0x0  }
0x88: {  	s9 =	simm.s32 $0x600;
	s10 =	simm.s32 $0x380;
	[sflag:s4] =	ssyncadd.s32 $0xFFFFE000  }
.LBB2_4:
0x89: {  	[tilespmem:s28], [sflag:$0x2] =	stream.indirect.gather [spmem:s3], $0x40, s10, s25, $0xb8;
	[tilespmem:$0x1E9C0] =	vst v63  }
0x8a: {  	s10 =	smov.u32 s9  }
0x8b: {  	p1 =	sne.s32 s9, $0x9000;
	s9 =	sadd.s32 $0x600, s9;
	_ =	swait.ge [sflag:s29], $0x2000  }
0x8c: {  	s10 =	sshra.s32 s10, $0x2;
	[sflag:s29] =	ssyncset.done $0x0  }
0x8d: {  	s11 =	sadd.s32 $0x2980, s10;
	[sflag:s29] =	ssyncadd.s32 $0xFFFFE000  }
0x8e: {  	[spmem:s2] =	stream.indirect.scatter.add.f32 [tilespmem:s26], [sflag:$0x4], $0x40, s11, s25, $0xb8;
	[tilespmem:$0x1E9C0] =	vst v63  }
0x8f: {  	_ =	swait.ge [sflag:s5], $0x2000  }
0x90: {  	[sflag:s5] =	ssyncset.done $0x0  }
0x91: {  	s11 =	sadd.s32 $0x280, s10;
	[sflag:s5] =	ssyncadd.s32 $0xFFFFE000  }
0x92: {  	[tilespmem:s31], [sflag:$0x3] =	stream.indirect.gather [spmem:s3], $0x40, s11, s25, $0xb8;
	[tilespmem:$0x1E9C0] =	vst v63  }
0x93: {  	_ =	swait.ge [sflag:s0], $0x2000  }
0x94: {  	[sflag:s0] =	ssyncset.done $0x0  }
0x95: {  	s11 =	sadd.s32 $0x2A00, s10;
	[sflag:s0] =	ssyncadd.s32 $0xFFFFE000  }
0x96: {  	[spmem:s2] =	stream.indirect.scatter.add.f32 [tilespmem:s28], [sflag:$0x5], $0x40, s11, s25, $0xb8;
	[tilespmem:$0x1E9C0] =	vst v63  }
0x97: {  	_ =	swait.ge [sflag:s30], $0x2000  }
0x98: {  	[sflag:s30] =	ssyncset.done $0x0  }
0x99: {  	s11 =	sadd.s32 $0x300, s10;
	[sflag:s30] =	ssyncadd.s32 $0xFFFFE000  }
0x9a: {  	[tilespmem:s26], [sflag:$0x1] =	stream.indirect.gather [spmem:s3], $0x40, s11, s25, $0xb8;
	[tilespmem:$0x1E9C0] =	vst v63  }
0x9b: {  	_ =	swait.ge [sflag:s1], $0x2000  }
0x9c: {  	[sflag:s1] =	ssyncset.done $0x0  }
.Ltmp1:
0x9d: {  	s11 =	sadd.s32 $0x2A80, s10;
	[sflag:s1] =	ssyncadd.s32 $0xFFFFE000;
	(pc) =	sbr.rel @p1 .LBB2_4-.Ltmp1, $4  }
0x9e: {  	[spmem:s2] =	stream.indirect.scatter.add.f32 [tilespmem:s31], [sflag:$0x6], $0x40, s11, s25, $0xb8;
	[tilespmem:$0x1E9C0] =	vst v63  }
0x9f: {  	_ =	swait.ge [sflag:s4], $0x2000  }
0xa0: {  	[sflag:s4] =	ssyncset.done $0x0  }
0xa1: {  	s10 =	sadd.s32 $0x380, s10;
	[sflag:s4] =	ssyncadd.s32 $0xFFFFE000  }
0xa2: {  	[tilespmem:s28], [sflag:$0x2] =	stream.indirect.gather [spmem:s3], $0x40, s10, s25, $0xb8;
	[tilespmem:$0x1E9C0] =	vst v63  }
0xa3: {  	_ =	swait.ge [sflag:s29], $0x2000  }
0xa4: {  	[sflag:s29] =	ssyncset.done $0x0  }
0xa5: {  	s9 =	simm.s32 $0x4F00;
	[sflag:s29] =	ssyncadd.s32 $0xFFFFE000  }
0xa6: {  	[spmem:s2] =	stream.indirect.scatter.add.f32 [tilespmem:s26], [sflag:$0x4], $0x40, s9, s25, $0xb8;
	[tilespmem:$0x1E9C0] =	vst v63  }
0xa7: {  	_ =	swait.ge [sflag:s5], $0x2000  }
0xa8: {  	[sflag:s5] =	ssyncset.done $0x0  }
0xa9: {  	[sflag:s5] =	ssyncadd.s32 $0xFFFFE000  }
0xaa: {  	_ =	swait.ge [sflag:s0], $0x2000  }
0xab: {  	[sflag:s0] =	ssyncset.done $0x0  }
0xac: {  	s11 =	simm.s32 $0x4F80;
	[sflag:s0] =	ssyncadd.s32 $0xFFFFE000  }
0xad: {  	[spmem:s2] =	stream.indirect.scatter.add.f32 [tilespmem:s28], [sflag:$0x5], $0x40, s11, s25, $0xb8;
	[tilespmem:$0x1E9C0] =	vst v63  }
0xae: {  	_ =	swait.ge [sflag:s30], $0x2000  }
0xaf: {  	[sflag:s30] =	ssyncset.done $0x0  }
0xb0: {  	[sflag:s30] =	ssyncadd.s32 $0xFFFFE000  }
0xb1: {  	_ =	swait.ge [sflag:s4], $0x2000  }
0xb2: {  	[sflag:s4] =	ssyncset.done $0x0  }
0xb3: {  	[sflag:s4] =	ssyncadd.s32 $0xFFFFE000  }
0xb4: {  	s10 =	simm.s32 @p0 $0x1FC7;
	s9 =	sshrl.u32 @p0 s13, $0x3;
	[bflag:$0x0] =	sbarrier.arrive $0xFFFF  }
0xb5: {  	[hbm:s19], [sflag:s10] =	dma.local @p0 [spmem:s9], $0xC80  }
0xb6: {  	s9 =	simm.s32 @p0 $0x7  }
0xb7: {  	_ =	swait.ge @p0 [sflag:s9], $0xC80  }
0xb8: {  	s6 =	sadd.s32 $0x1, s6;
	[sflag:s9] =	ssyncset.done @p0 $0x0  }
0xb9: {  	p1 =	sne.s32 s6, s20;
	[sflag:s9] =	ssyncadd.s32 @p0 $0xFFFFF380;
	s9 =	sshrl.u32 @!p0 s7, $0x3  }
0xba: {  	[hbm:s18], [sflag:s8] =	dma.local @!p0 [spmem:s9], $0x1400  }
.Ltmp2:
0xbb: {  	_ = 	snop;
	(pc) =	sbr.rel @p1 .LBB2_1-.Ltmp2, $4  }
0xbc: {  	s8 =	simm.s32 @!p0 $0x7  }
0xbd: {  	_ =	swait.ge @!p0 [sflag:s8], $0x1400  }
0xbe: {  	[sflag:s8] =	ssyncset.done @!p0 $0x0  }
0xbf: {  	[sflag:s8] =	ssyncadd.s32 @!p0 $0xFFFFEC00  }
0xc0: {  	_ =	sfence.sel $0x180000  }
0xc1: {  	[bflag:$0x0] =	sbarrier.arrive $0xFFFF  }
0xc2: {  	_ =	strace $0x90000050  }
0xc3: {  	s0 =	stileid.u32;
	[bflag:$0x2] =	sbarrier.arrive $0xFFFF  }
0xc4: {  	p0 =	sne.s32 s0, $0x0;
	s0 =	rddreg [dreg:$0x3]  }
0xc5: {  	s0 =	sadd.s32 @!p0 $0x100000, s0  }
0xc6: {  	[sflag:s0] =	ssyncadd.tile.s32 @!p0 $0x1;
	_ =	shalt  }
.Lfunc_end2:
_tile_overlayer_lowered:
.L_overlay_start_2:
0xc7: {  	(tag) =	ssettag $0x2  }
0xc8: {  	s0 =	rddreg [dreg:$0x0];
	s2 =	stileid.u32  }
0xc9: {  	s1 =	rddreg [dreg:$0x1];
	p0 =	sne.s32 s2, $0x0  }
0xca: {  	s3 =	rddreg [dreg:$0x2];
	[bflag:$0x3] =	sbarrier.arrive $0xFFFF;
	s2 =	simm.s32 @!p0 $0x1C07  }
0xcb: {  	[timem:s3], [sflag:s2] =	dma.local @!p0 [hbm:s0], s1  }
0xcc: {  	s0 =	simm.s32 @!p0 $0x7  }
0xcd: {  	_ =	swait.ge @!p0 [sflag:s0], s1  }
0xce: {  	s1 =	ssub.s32 @!p0 $0x0, s1;
	[sflag:s0] =	ssyncset.done @!p0 $0x0  }
0xcf: {  	[sflag:s0] =	ssyncadd.s32 @!p0 s1  }
0xd0: {  	[bflag:$0x3] =	sbarrier.arrive $0xFFFF  }
0xd1: {  	_ =	shalt  }

// kernel: kernel.25.cloned.1.call-start
scs
__scs_entry_jumppad:
0x0: {  	(pc) =	sbr.rel $0x88, $3  }
0x1: {  	(tag) =	ssettag $0x0;
	lr =	simm.s32 $0x1  }
0x2: {  	[smem:$0x3F7C] =	sst lr;
	_ =	strace $0xD0000000  }
0x3: {  	_ = 	snop  }
0x4: {  	_ = 	snop  }
0x5: {  	_ = 	snop  }
0x6: {  	_ = 	snop  }
0x7: {  	_ = 	snop  }
__scs_overlays_trampoline_lowered:
0x8: {  	[smem:$0x3F8B] =	sst s0  }
0x9: {  	[smem:$0x3F8C] =	sst s1  }
0xa: {  	[smem:$0x3F8D] =	sst s2  }
0xb: {  	[smem:$0x3F8E] =	sst s3  }
0xc: {  	[smem:$0x3F8F] =	sst s4  }
0xd: {  	[smem:$0x3F90] =	sst s5  }
0xe: {  	[smem:$0x3F91] =	sst s6  }
0xf: {  	[smem:$0x3F92] =	sst s7  }
0x10: {  	[smem:$0x3F93] =	sst s8  }
0x11: {  	[smem:$0x3F94] =	sst s9;
	s0 =	simm.s32 @!p0 $0x0  }
0x12: {  	s1 =	sld [smem:$0x3F7A];
	s0 =	simm.s32 @p0 $0x1  }
0x13: {  	[smem:$0x3F95] =	sst s0;
	s0 =	simm.s32 @!p1 $0x0  }
0x14: {  	s2 =	sld [smem:$0x3F79];
	s0 =	simm.s32 @p1 $0x1  }
0x15: {  	[smem:$0x3F96] =	sst s0;
	s0 =	simm.s32 @!p2 $0x0  }
0x16: {  	s3 =	sld [smem:$0x3FDB];
	s0 =	simm.s32 @p2 $0x1  }
0x17: {  	s4 =	simm.s32 $0x1BF5;
	[smem:$0x3F98] =	sst s0  }
0x18: {  	s0 =	sld [smem:$0x3F7B];
	_ =	swait.ge [sflag:s4], $0x0  }
0x19: {  	s7 =	sld [smem:$0x3F7C]  }
0x1a: {  	s8 =	sadd.s32 $0xFFFFE003, lr  }
0x1b: {  	s9 =	sadd.s32 $0xFFFFFEF7, lr;
	s5 =	simm.s32 $0xFFFFFFFF;
	p2 =	slt.u32 s8, $0xFFFFF086  }
0x1c: {  	p1 =	slt.u32 s9, $0xF7A;
	s5 =	simm.s32 @!p2 $0x0  }
0x1d: {  	s5 =	simm.s32 @p1 $0x1;
	p0 =	seq.s32 s7, s2  }
0x1e: {  	s7 =	smul.u32 @!p0 $0xF7A, s2;
	p2 =	seq.s32 @!p0 s5, $0x0  }
0x1f: {  	s9 =	smul.u32 $0xF7A, s1;
	s8 =	simm.s32 @!p0 $0x1BF5;
	p2 =	por !p2, p0  }
0x20: {  	[sflag:s8] =	ssyncset.s32 @!p0 $0xFFFFF086;
	s6 =	sadd.s32 @!p0 s3, s7;
	s7 =	simm.s32 @!p0 $0x108  }
0x21: {  	s3 =	sadd.s32 s3, s9;
	s6 =	sadd.s32 @!p0 $0x88, s6;
	s7 =	simm.s32 @p2 $0x1082  }
0x22: {  	[simem:s7], [sflag:s8] =	dma.local @!p0 [hbm:s6], $0xF7A  }
0x23: {  	s9 =	sor.u32 $0xD0000000, s2;
	s6 =	simm.s32 $0x108;
	_ =	swait.ge @!p0 [sflag:s8], $0x0  }
0x24: {  	s3 =	sadd.s32 $0x88, s3;
	s6 =	simm.s32 @!p1 $0x1082;
	[sflag:s4] =	ssyncset.s32 $0xFFFFF086  }
0x25: {  	[simem:s6], [sflag:s4] =	dma.local [hbm:s3], $0xF7A  }
0x26: {  	[smem:$0x3F7C] =	sst s1;
	(tag) =	ssettag s2;
	_ =	strace s9  }
0x27: {  	s1 =	sld [smem:$0x3F8C]  }
0x28: {  	s2 =	sld [smem:$0x3F8D]  }
0x29: {  	s4 =	sld [smem:$0x3F8F]  }
0x2a: {  	p0 =	seq.s32 s5, $0x0;
	s5 =	sld [smem:$0x3F90]  }
0x2b: {  	s6 =	sld [smem:$0x3F91]  }
0x2c: {  	s7 =	sld [smem:$0x3F92]  }
0x2d: {  	s3 =	simm.s32 $0x108;
	s8 =	sld [smem:$0x3F93]  }
0x2e: {  	s3 =	simm.s32 @!p0 $0x1082;
	s9 =	sld [smem:$0x3F94]  }
0x2f: {  	lr =	sadd.s32 s0, s3;
	s0 =	sld [smem:$0x3F8B]  }
0x30: {  	s3 =	sld [smem:$0x3F8E]  }
0x31: {  	[smem:$0x3F97] =	sst s10  }
0x32: {  	s10 =	sld [smem:$0x3F95];
	_ =	sdelay $0x3  }
0x33: {  	p0 =	seq.s32 s10, $0x1;
	s10 =	sld [smem:$0x3F97];
	_ =	sdelay $0x3  }
0x34: {  	[smem:$0x3F97] =	sst s10  }
0x35: {  	s10 =	sld [smem:$0x3F96];
	_ =	sdelay $0x3  }
0x36: {  	p1 =	seq.s32 s10, $0x1;
	s10 =	sld [smem:$0x3F97];
	_ =	sdelay $0x3  }
0x37: {  	[smem:$0x3F97] =	sst s10  }
0x38: {  	s10 =	sld [smem:$0x3F98]  }
0x39: {  	_ = 	snop;
	(pc) =	sbr.ind lr, $3  }
0x3a: {  	_ = 	snop  }
0x3b: {  	_ = 	snop  }
0x3c: {  	p2 =	seq.s32 s10, $0x1;
	s10 =	sld [smem:$0x3F97]  }
0x3d: {  	_ =	shalt  }
0x3e: {  	_ =	shalt  }
0x3f: {  	_ =	shalt  }
0x40: {  	_ =	shalt  }
0x41: {  	_ =	shalt  }
0x42: {  	_ =	shalt  }
0x43: {  	_ =	shalt  }
0x44: {  	_ =	shalt  }
0x45: {  	_ =	shalt  }
0x46: {  	_ =	shalt  }
0x47: {  	_ =	shalt  }
0x48: {  	_ =	shalt  }
0x49: {  	_ =	shalt  }
0x4a: {  	_ =	shalt  }
0x4b: {  	_ =	shalt  }
0x4c: {  	_ =	shalt  }
0x4d: {  	_ =	shalt  }
0x4e: {  	_ =	shalt  }
0x4f: {  	_ =	shalt  }
0x50: {  	_ =	shalt  }
0x51: {  	_ =	shalt  }
0x52: {  	_ =	shalt  }
0x53: {  	_ =	shalt  }
0x54: {  	_ =	shalt  }
0x55: {  	_ =	shalt  }
0x56: {  	_ =	shalt  }
0x57: {  	_ =	shalt  }
0x58: {  	_ =	shalt  }
0x59: {  	_ =	shalt  }
0x5a: {  	_ =	shalt  }
0x5b: {  	_ =	shalt  }
0x5c: {  	_ =	shalt  }
0x5d: {  	_ =	shalt  }
0x5e: {  	_ =	shalt  }
0x5f: {  	_ =	shalt  }
0x60: {  	_ =	shalt  }
0x61: {  	_ =	shalt  }
0x62: {  	_ =	shalt  }
0x63: {  	_ =	shalt  }
0x64: {  	_ =	shalt  }
0x65: {  	_ =	shalt  }
0x66: {  	_ =	shalt  }
0x67: {  	_ =	shalt  }
0x68: {  	_ =	shalt  }
0x69: {  	_ =	shalt  }
0x6a: {  	_ =	shalt  }
0x6b: {  	_ =	shalt  }
0x6c: {  	_ =	shalt  }
0x6d: {  	_ =	shalt  }
0x6e: {  	_ =	shalt  }
0x6f: {  	_ =	shalt  }
0x70: {  	_ =	shalt  }
0x71: {  	_ =	shalt  }
0x72: {  	_ =	shalt  }
0x73: {  	_ =	shalt  }
0x74: {  	_ =	shalt  }
0x75: {  	_ =	shalt  }
0x76: {  	_ =	shalt  }
0x77: {  	_ =	shalt  }
0x78: {  	_ =	shalt  }
0x79: {  	_ =	shalt  }
0x7a: {  	_ =	shalt  }
0x7b: {  	_ =	shalt  }
0x7c: {  	_ =	shalt  }
0x7d: {  	_ =	shalt  }
0x7e: {  	_ =	shalt  }
0x7f: {  	_ =	shalt  }
0x80: {  	_ =	shalt  }
0x81: {  	_ =	shalt  }
0x82: {  	_ =	shalt  }
0x83: {  	_ =	shalt  }
0x84: {  	_ =	shalt  }
0x85: {  	_ =	shalt  }
0x86: {  	_ =	shalt  }
0x87: {  	_ =	shalt  }
.Lfunc_end0:
.L_simem_size_0:
called_computation.4_lowered:
.L_overlay_start_0:
0x88: {  	s2 =	sld [smem:$0x3FD9]  }
0x89: {  	s3 =	sld [smem:$0x3FFE];
	_ =	sdelay $0x1  }
0x8a: {  	s1 =	srdreg.scid  }
0x8b: {  	s0 =	sand.u32 $0x1, s1  }
0x8c: {  	s17 =	sshll.u32 s0, $0xA;
	s2 =	sadd.s32 s3, s2  }
0x8d: {  	s2 =	sadd.s32 s2, s17  }
0x8e: {  	[smem:$0x3FA3] =	sst s2  }
0x8f: {  	_ = 	snop  }
0x90: {  	s2 =	sld [smem:$0x3FC7];
	(tm) =	ssettm $0x1  }
0x91: {  	s18 =	sld [smem:$0x3FFB];
	_ =	sdelay $0x3  }
0x92: {  	_ =	strace s18  }
0x93: {  	s3 =	sld [smem:$0x3FFC];
	_ =	sdelay $0x3  }
0x94: {  	_ =	strace s3  }
0x95: {  	s3 =	sld [smem:$0x3FFD];
	_ =	sdelay $0x3  }
0x96: {  	_ =	strace s3  }
0x97: {  	_ =	strace $0x8FFFFFFF  }
0x98: {  	s19 =	sld [smem:$0x3FDB];
	_ =	sdelay $0x1  }
0x99: {  	s4 =	simm.s32 $_scs_section_size  }
0x9a: {  	s5 =	simm.s32 $_size__tile_overlayer_lowered;
	s6 =	simm.s32 $_tile_overlayer_lowered  }
0x9b: {  	s22 =	simm.s32 $0x1BFF;
	s21 =	sshll.u32 s6, $0x1;
	s3 =	sadd.s32 s4, s19  }
0x9c: {  	s7 =	simm.s32 $0x0;
	s20 =	sshll.u32 s5, $0x1;
	s5 =	sadd.s32 s21, s3  }
0x9d: {  	[timem:s7], [sflag:s22] =	dma.local [hbm:s5], s20  }
0x9e: {  	_ =	swait.ge [sflag:s22], s20  }
0x9f: {  	s4 =	ssub.s32 $0x0, s20;
	[sflag:s22] =	ssyncset.done $0x0  }
0xa0: {  	[sflag:s22] =	ssyncadd.s32 s4;
	_ =	sdelay $0x1  }
0xa1: {  	s23 =	simm.s32 $0x1B8B  }
0xa2: {  	_ =	swait.ge [sflag:s23], $0x1  }
0xa3: {  	[sflag:s23] =	ssyncset.done $0x0  }
0xa4: {  	s25 =	simm.s32 $0x1B8E;
	s24 =	sld [smem:$0x3FFE];
	[sflag:s23] =	ssyncadd.s32 $0xFFFFFFFF  }
0xa5: {  	s26 =	simm.s32 $execute0_lowered;
	[smem:$0x3FD2] =	sst s25  }
0xa6: {  	s5 =	sshll.u32 s26, $0x1;
	_ =	strace $0x80000052;
	[dreg:$0x1] =	wrdreg $0xFFFFFFFF  }
0xa7: {  	s28 =	simm.s32 $_size_execute0_lowered;
	s3 =	sadd.s32 s3, s5;
	[dreg:$0x0] =	wrdreg $0x0  }
0xa8: {  	s5 =	sshll.u32 s28, $0x1;
	[dreg:$0x2] =	wrdreg s3  }
0xa9: {  	[dreg:$0x3] =	wrdreg s5  }
0xaa: {  	[dreg:$0x4] =	wrdreg $0xC0  }
0xab: {  	_ =	task [dreg:s7], $0x5FFFF  }
0xac: {  	[dreg:$0x1] =	wrdreg $0xFFFFFFFF  }
0xad: {  	[dreg:$0x0] =	wrdreg $0x60  }
0xae: {  	[dreg:$0x2] =	wrdreg s24  }
0xaf: {  	[dreg:$0x3] =	wrdreg s2  }
0xb0: {  	[dreg:$0x4] =	wrdreg $0x9  }
0xb1: {  	_ =	task.clear_ibuf [dreg:s7], $0x5FFFF;
	_ =	strace $0x90000052  }
0xb2: {  	s29 =	simm.s32 $0x9;
	_ =	strace $0x80000054  }
0xb3: {  	_ =	swait.ge [sflag:s29], $0x1  }
0xb4: {  	[sflag:s29] =	ssyncadd.s32 $0xFFFFFFFF  }
0xb5: {  	_ =	strace $0x90000054  }
0xb6: {  	_ =	sfence  }
0xb7: {  	s30 =	sld [smem:$0x0];
	_ =	sdelay $0x2  }
0xb8: {  	s31 =	sshll.u32 s1, $0xD;
	s1 =	sshrl.u32 s1, $0x2  }
0xb9: {  	s3 =	sand.u32 $0x4000, s31;
	s1 =	sadd.s32 s1, s30  }
0xba: {  	s0 =	sor.u32 s3, s0;
	s1 =	sshll.u32 s1, $0x11  }
0xbb: {  	s0 =	sor.u32 s1, s0  }
0xbc: {  	s0 =	sadd.s32 $0x8F2B, s0  }
0xbd: {  	[sflag:s0] =	ssyncadd.remote.s32 $0x1  }
0xbe: {  	_ =	sfence.sel $0xFFFF  }
0xbf: {  	[dreg:$0x0] =	wrdreg $0xFFFFFFFF;
	(pc) =	sbr.abs _section_cstart, $3  }
0xc0: {  	[dreg:$0x1] =	wrdreg $0xFFFFFFFF  }
0xc1: {  	_ =	task.clear_ibuf [dreg:s7], $0x2FFFF;
	_ =	strace $0x9FFFFFFF  }
0xc2: {  	(tm) =	ssettm $0x7FFFFFFF  }
0xc3: {  	_ =	shalt  }
tec
execute0_lowered:
.L_overlay_start_1:
0x0: {  	(tag) =	ssettag $0x1  }
0x1: {  	s1 =	srdreg.scid  }
0x2: {  	s0 =	stileid.u32;
	s3 =	rddreg [dreg:$0x0]  }
0x3: {  	s5 =	rddreg [dreg:$0x1];
	s2 =	simm.s32 $0x0;
	s11 =	simm.s32 $0x6590  }
0x4: {  	s12 =	simm.s32 $0xE590;
	s4 =	sand.u32 $0x1, s1;
	s31 =	sshll.u32 s0, $0x1  }
0x5: {  	s13 =	simm.s32 $0xA590;
	s1 =	rddreg [dreg:$0x2];
	s9 =	sor.u32 s4, s31  }
0x6: {  	s14 =	simm.s32 $0x0;
	[smem:$0x7FF] =	sst s2;
	s6 =	smul.u32 $0xC80, s9  }
0x7: {  	_ =	strace $0x80000053;
	s4 =	ssub.s32 $0x2, s4;
	s10 =	smul.u32 $0x32, s9  }
.Ltmp0:
0x8: {  	s7 =	sshll.u32 s9, $0xB;
	s8 =	sshrl.u32 s4, $0x1;
	(pc) =	sbr.rel .LBB2_1-.Ltmp0, $4  }
0x9: {  	p0 =	sgt.u32 s9, $0x18;
	s9 =	simm.s32 $0x1;
	s7 =	sadd.s32 s7, s3  }
0xa: {  	v0 =	vimm.f32 $0.0e+00;
	s8 =	ssub.s32 s4, s8;
	s6 =	sadd.s32 s6, s3;
	s4 =	sadd.s32 s5, s10  }
0xb: {  	v1 =	vimm.f32 $-3.000000010e+38;
	v2 =	vlaneseq.u32;
	v3 =	vimm.f32 $1.000000000e+00;
	s5 =	sadd.s32 $0x19C00, s7;
	s8 =	smax.u32 s8, $0x1;
	s10 =	simm.s32 $0x6400  }
0xc: {  	v4 =	vor.u32 $0x10, v2;
	v5 =	vor.u32 $0x20, v2;
	v6 =	vor.u32 $0x30, v2;
	s3 =	sadd.s32 $0x6200, s6;
	s6 =	sadd.s32 $0x29C00, s7;
	s7 =	sadd.s32 $0x39C00, s7  }
.LBB2_6:
0xd: {  	_ =	sdelay $0x3  }
0xe: {  	[tilespmem:v7+s13+$0x0] =	vst.idx.msk $0xffff, v9  }
0xf: {  	v7 =	vld.idx.msk [tilespmem:v8+s10+$0x0], $0xffff;
	_ =	sdelay $0x4  }
0x10: {  	s15 =	sadd.s32 $0x40, s15;
	v7 =	vshll.u32 v7, $0x6  }
0x11: {  	v8 =	vld [tilespmem:s15+$0xFFFFFFE0];
	v59 =	vor.u32 v2, v7;
	_ =	sdelay $0x4  }
0x12: {  	[tilespmem:v59+s11+$0x0] =	vst.idx.add.f32.msk $0xffff, v8  }
0x13: {  	[tilespmem:v59+s12+$0x0] =	vst.idx.add.f32.msk $0xffff, v3  }
0x14: {  	v10 =	vld.idx.msk [tilespmem:v59+s13+$0x0], $0xffff;
	_ =	sdelay $0x4  }
0x15: {  	v8 =	vmax.f32 v10, v8  }
0x16: {  	[tilespmem:v59+s13+$0x0] =	vst.idx.msk $0xffff, v8  }
0x17: {  	v60 =	vor.u32 v4, v7;
	v8 =	vld [tilespmem:s15+$0xFFFFFFF0];
	_ =	sdelay $0x4  }
0x18: {  	[tilespmem:v60+s11+$0x0] =	vst.idx.add.f32.msk $0xffff, v8  }
0x19: {  	[tilespmem:v60+s12+$0x0] =	vst.idx.add.f32.msk $0xffff, v3  }
0x1a: {  	v61 =	vld.idx.msk [tilespmem:v60+s13+$0x0], $0xffff;
	_ =	sdelay $0x4  }
0x1b: {  	v8 =	vmax.f32 v61, v8  }
0x1c: {  	[tilespmem:v60+s13+$0x0] =	vst.idx.msk $0xffff, v8  }
0x1d: {  	v62 =	vor.u32 v5, v7;
	v8 =	vld [tilespmem:s15+$0x0];
	_ =	sdelay $0x4  }
0x1e: {  	[tilespmem:v62+s11+$0x0] =	vst.idx.add.f32.msk $0xffff, v8  }
0x1f: {  	[tilespmem:v62+s12+$0x0] =	vst.idx.add.f32.msk $0xffff, v3  }
0x20: {  	v63 =	vld.idx.msk [tilespmem:v62+s13+$0x0], $0xffff;
	_ =	sdelay $0x4  }
0x21: {  	v8 =	vmax.f32 v63, v8  }
0x22: {  	[tilespmem:v62+s13+$0x0] =	vst.idx.msk $0xffff, v8  }
0x23: {  	v7 =	vor.u32 v6, v7;
	v8 =	vld [tilespmem:s15+$0x10];
	_ =	sdelay $0x4  }
0x24: {  	[tilespmem:v7+s11+$0x0] =	vst.idx.add.f32.msk $0xffff, v8  }
0x25: {  	[tilespmem:v7+s12+$0x0] =	vst.idx.add.f32.msk $0xffff, v3  }
0x26: {  	v9 =	vld.idx.msk [tilespmem:v7+s13+$0x0], $0xffff;
	_ =	sdelay $0x4  }
0x27: {  	v8 =	vmax.f32 v9, v8  }
0x28: {  	[tilespmem:v7+s13+$0x0] =	vst.idx.msk $0xffff, v8  }
.LBB2_7:
0x29: {  	[hbm4b:s5+s2] =	stream.linear.scatter [tilespmem:s11], [sflag:$0x1], $0x4000, $0x38;
	[tilespmem:$0x12590] =	vst v63  }
0x2a: {  	_ =	swait.ge [sflag:s9], $0x4000  }
0x2b: {  	[sflag:s9] =	ssyncset.done $0x0  }
0x2c: {  	[sflag:s9] =	ssyncadd.s32 $0xFFFFC000  }
0x2d: {  	[hbm4b:s6+s2] =	stream.linear.scatter [tilespmem:s13], [sflag:$0x1], $0x4000, $0x38;
	[tilespmem:$0x12590] =	vst v63  }
0x2e: {  	s14 =	sadd.s32 $0x1, s14;
	_ =	swait.ge [sflag:s9], $0x4000  }
0x2f: {  	p1 =	sne.s32 s14, s8;
	[sflag:s9] =	ssyncset.done $0x0  }
.Ltmp1:
0x30: {  	[sflag:s9] =	ssyncadd.s32 $0xFFFFC000;
	(pc) =	sbr.rel @!p1 .LBB2_8-.Ltmp1, $4  }
0x31: {  	[hbm4b:s7+s2] =	stream.linear.scatter [tilespmem:s12], [sflag:$0x1], $0x4000, $0x38;
	[tilespmem:$0x12590] =	vst v63  }
0x32: {  	_ =	swait.ge [sflag:s9], $0x4000  }
0x33: {  	[sflag:s9] =	ssyncset.done $0x0  }
0x34: {  	[sflag:s9] =	ssyncadd.s32 $0xFFFFC000  }
.LBB2_1:
0x35: {  	s15 =	simm.s32 $0x40;
	s16 =	simm.s32 $0x0  }
.LBB2_2:
0x36: {  	p1 =	sne.s32 s15, $0xFFC0;
	[tilespmem:s16+$0xE590] =	vst v0;
	s17 =	smov.u32 s15;
	s15 =	sadd.s32 $0x40, s15  }
.Ltmp2:
0x37: {  	[tilespmem:s16+$0x6590] =	vst v0;
	(pc) =	sbr.rel @p1 .LBB2_2-.Ltmp2, $2  }
0x38: {  	[tilespmem:s16+$0xA590] =	vst v1;
	_ =	sdelay $0x2  }
0x39: {  	s16 =	sshra.s32 s17, $0x2  }
.Ltmp3:
0x3a: {  	(pc) =	sbr.rel @p0 .LBB2_7-.Ltmp3, $4  }
0x3b: {  	_ = 	snop  }
0x3c: {  	[tilespmem:s16+$0xE590] =	vst v0  }
0x3d: {  	[tilespmem:s16+$0x6590] =	vst v0  }
0x3e: {  	[tilespmem:s16+$0xA590] =	vst v1  }
0x3f: {  	s15 =	simm.s32 $0x0  }
0x40: {  	[tilespmem:s15], [sflag:$0x1] =	stream.linear.gather [hbm4b:s3+s15], $0x6400, $0x38;
	[tilespmem:$0x12590] =	vst v63  }
0x41: {  	_ =	swait.ge [sflag:s9], $0x6400  }
0x42: {  	[sflag:s9] =	ssyncset.done $0x0  }
0x43: {  	v7 =	vmov s15;
	[sflag:s9] =	ssyncadd.s32 $0xFFFF9C00  }
0x44: {  	[tilespmem:s10], [sflag:$0x1] =	stream.linear.gather [hbm4b:s4+s15], $0x190, $0x38;
	[tilespmem:$0x12590] =	vst v63  }
0x45: {  	_ =	swait.ge [sflag:s9], $0x190  }
0x46: {  	[sflag:s9] =	ssyncset.done $0x0  }
0x47: {  	[sflag:s9] =	ssyncadd.s32 $0xFFFFFE70  }
0x48: {  	v7 =	vld.idx.msk [tilespmem:v7+s10+$0x0], $0xffff;
	_ =	sdelay $0x4  }
0x49: {  	s15 =	simm.s32 $0x20;
	v7 =	vshll.u32 v7, $0x6  }
0x4a: {  	v8 =	vld [tilespmem:s15+$0xFFFFFFE0];
	v9 =	vor.u32 v2, v7;
	_ =	sdelay $0x4  }
0x4b: {  	[tilespmem:v9+s11+$0x0] =	vst.idx.add.f32.msk $0xffff, v8  }
0x4c: {  	[tilespmem:v9+s12+$0x0] =	vst.idx.add.f32.msk $0xffff, v3  }
0x4d: {  	v10 =	vld.idx.msk [tilespmem:v9+s13+$0x0], $0xffff;
	_ =	sdelay $0x4  }
0x4e: {  	v8 =	vmax.f32 v10, v8  }
0x4f: {  	[tilespmem:v9+s13+$0x0] =	vst.idx.msk $0xffff, v8  }
0x50: {  	v9 =	vor.u32 v4, v7;
	v8 =	vld [tilespmem:s15+$0xFFFFFFF0];
	_ =	sdelay $0x4  }
0x51: {  	[tilespmem:v9+s11+$0x0] =	vst.idx.add.f32.msk $0xffff, v8  }
0x52: {  	[tilespmem:v9+s12+$0x0] =	vst.idx.add.f32.msk $0xffff, v3  }
0x53: {  	v10 =	vld.idx.msk [tilespmem:v9+s13+$0x0], $0xffff;
	_ =	sdelay $0x4  }
0x54: {  	v8 =	vmax.f32 v10, v8  }
0x55: {  	[tilespmem:v9+s13+$0x0] =	vst.idx.msk $0xffff, v8  }
0x56: {  	v9 =	vor.u32 v5, v7;
	v8 =	vld [tilespmem:s15+$0x0];
	_ =	sdelay $0x4  }
0x57: {  	[tilespmem:v9+s11+$0x0] =	vst.idx.add.f32.msk $0xffff, v8  }
0x58: {  	[tilespmem:v9+s12+$0x0] =	vst.idx.add.f32.msk $0xffff, v3  }
0x59: {  	v10 =	vld.idx.msk [tilespmem:v9+s13+$0x0], $0xffff;
	_ =	sdelay $0x4  }
0x5a: {  	v8 =	vmax.f32 v10, v8  }
0x5b: {  	[tilespmem:v9+s13+$0x0] =	vst.idx.msk $0xffff, v8  }
0x5c: {  	v7 =	vor.u32 v6, v7;
	v9 =	vld [tilespmem:s15+$0x10];
	_ =	sdelay $0x4  }
0x5d: {  	[tilespmem:v7+s11+$0x0] =	vst.idx.add.f32.msk $0xffff, v9  }
0x5e: {  	[tilespmem:v7+s12+$0x0] =	vst.idx.add.f32.msk $0xffff, v3  }
0x5f: {  	v10 =	vld.idx.msk [tilespmem:v7+s13+$0x0], $0xffff;
	_ =	sdelay $0x1  }
0x60: {  	s17 =	simm.s32 $0x1  }
0x61: {  	v8 =	vmov s17;
	_ =	sdelay $0x1  }
0x62: {  	s16 =	simm.s32 $0x2;
	v9 =	vmax.f32 v10, v9  }
.LBB2_5:
0x63: {  	p1 =	sne.s32 s16, $0x18F  }
0x64: {  	[tilespmem:v7+s13+$0x0] =	vst.idx.msk $0xffff, v9;
	s15 =	sadd.s32 $0x40, s15;
	s17 =	smov.u32 s16;
	s16 =	sadd.s32 $0x1, s16  }
0x65: {  	v7 =	vld.idx.msk [tilespmem:v8+s10+$0x0], $0xffff;
	_ =	sdelay $0x5  }
0x66: {  	v7 =	vshll.u32 v7, $0x6  }
0x67: {  	v9 =	vor.u32 v2, v7;
	v8 =	vld [tilespmem:s15+$0xFFFFFFE0];
	_ =	sdelay $0x4  }
0x68: {  	[tilespmem:v9+s11+$0x0] =	vst.idx.add.f32.msk $0xffff, v8  }
0x69: {  	[tilespmem:v9+s12+$0x0] =	vst.idx.add.f32.msk $0xffff, v3  }
0x6a: {  	v10 =	vld.idx.msk [tilespmem:v9+s13+$0x0], $0xffff;
	_ =	sdelay $0x5  }
0x6b: {  	v8 =	vmax.f32 v10, v8  }
0x6c: {  	[tilespmem:v9+s13+$0x0] =	vst.idx.msk $0xffff, v8  }
0x6d: {  	v9 =	vor.u32 v4, v7;
	v8 =	vld [tilespmem:s15+$0xFFFFFFF0];
	_ =	sdelay $0x4  }
0x6e: {  	[tilespmem:v9+s11+$0x0] =	vst.idx.add.f32.msk $0xffff, v8  }
0x6f: {  	[tilespmem:v9+s12+$0x0] =	vst.idx.add.f32.msk $0xffff, v3  }
0x70: {  	v10 =	vld.idx.msk [tilespmem:v9+s13+$0x0], $0xffff;
	_ =	sdelay $0x5  }
0x71: {  	v8 =	vmax.f32 v10, v8  }
0x72: {  	[tilespmem:v9+s13+$0x0] =	vst.idx.msk $0xffff, v8  }
0x73: {  	v9 =	vor.u32 v5, v7;
	v8 =	vld [tilespmem:s15+$0x0];
	_ =	sdelay $0x4  }
0x74: {  	[tilespmem:v9+s11+$0x0] =	vst.idx.add.f32.msk $0xffff, v8  }
0x75: {  	[tilespmem:v9+s12+$0x0] =	vst.idx.add.f32.msk $0xffff, v3  }
0x76: {  	v10 =	vld.idx.msk [tilespmem:v9+s13+$0x0], $0xffff;
	_ =	sdelay $0x5  }
0x77: {  	v8 =	vmax.f32 v10, v8  }
0x78: {  	[tilespmem:v9+s13+$0x0] =	vst.idx.msk $0xffff, v8  }
0x79: {  	v7 =	vor.u32 v6, v7;
	v9 =	vld [tilespmem:s15+$0x10];
	_ =	sdelay $0x4  }
0x7a: {  	[tilespmem:v7+s11+$0x0] =	vst.idx.add.f32.msk $0xffff, v9  }
0x7b: {  	[tilespmem:v7+s12+$0x0] =	vst.idx.add.f32.msk $0xffff, v3  }
0x7c: {  	v10 =	vld.idx.msk [tilespmem:v7+s13+$0x0], $0xffff;
	_ =	sdelay $0x1  }
.Ltmp4:
0x7d: {  	(pc) =	sbr.rel @p1 .LBB2_5-.Ltmp4, $2  }
0x7e: {  	v8 =	vmov s17;
	_ =	sdelay $0x2  }
0x7f: {  	v9 =	vmax.f32 v10, v9  }
.Ltmp5:
0x80: {  	_ = 	snop;
	(pc) =	sbr.rel .LBB2_6-.Ltmp5, $1  }
0x81: {  	_ =	sdelay $0x3  }
.LBB2_8:
0x82: {  	_ =	sfence.sel $0x180000  }
0x83: {  	[bflag:$0x0] =	sbarrier.arrive $0xFFFF  }
0x84: {  	p0 =	sne.s32 s0, $0x0;
	_ =	strace $0x90000053  }
0x85: {  	s0 =	sadd.s32 @!p0 $0x100000, s1;
	[bflag:$0x2] =	sbarrier.arrive $0xFFFF  }
0x86: {  	[sflag:s0] =	ssyncadd.tile.s32 @!p0 $0x1;
	_ =	shalt  }
.Lfunc_end2:
_tile_overlayer_lowered:
.L_overlay_start_2:
0x87: {  	(tag) =	ssettag $0x2  }
0x88: {  	s0 =	rddreg [dreg:$0x0];
	s2 =	stileid.u32  }
0x89: {  	s1 =	rddreg [dreg:$0x1];
	p0 =	sne.s32 s2, $0x0  }
0x8a: {  	s3 =	rddreg [dreg:$0x2];
	[bflag:$0x3] =	sbarrier.arrive $0xFFFF;
	s2 =	simm.s32 @!p0 $0x1C01  }
0x8b: {  	[timem:s3], [sflag:s2] =	dma.local @!p0 [hbm:s0], s1  }
0x8c: {  	s0 =	simm.s32 @!p0 $0x1  }
0x8d: {  	_ =	swait.ge @!p0 [sflag:s0], s1  }
0x8e: {  	s1 =	ssub.s32 @!p0 $0x0, s1;
	[sflag:s0] =	ssyncset.done @!p0 $0x0  }
0x8f: {  	[sflag:s0] =	ssyncadd.s32 @!p0 s1  }
0x90: {  	[bflag:$0x3] =	sbarrier.arrive $0xFFFF  }
0x91: {  	_ =	shalt  }

</sc_bundles>
